<compile_context>
chip_gen: v7x
topology: tpu7x:2x2x1
jax: 0.10.2.dev20260603
libtpu: 0.0.44.dev20260713+nightly
codegen_flags: <defaults>
</compile_context>

<pallas_src>
import functools

import jax
import jax.numpy as jnp
from jax import lax
from jax.experimental import pallas as pl
from jax.experimental.pallas import tpu as pltpu
from jax.experimental.pallas import tpu_sc as plsc

NUM_CORES = 2
NUM_SUBCORES = 16
NUM_WORKERS = NUM_CORES * NUM_SUBCORES
CHUNK = 128
GROUP = 4
UNROLL = 8
PAD = 129


@jax.jit
def _sc_embedding_gather(idx2d, table):
    rows, chunk = idx2d.shape
    vocab, dim = table.shape
    hist = rows // 32
    rows_per_w = rows // NUM_WORKERS
    n_groups = rows_per_w // GROUP
    assert n_groups % 2 == 0 and n_groups * GROUP == rows_per_w
    mesh = plsc.VectorSubcoreMesh(core_axis_name="c", subcore_axis_name="s")

    @functools.partial(
        pl.kernel,
        mesh=mesh,
        out_type=jax.ShapeDtypeStruct((hist, 4, 32, 8, CHUNK), jnp.float32),
        compiler_params=pltpu.CompilerParams(
            use_tc_tiling_on_sc=False, needs_layout_passes=False),
        scratch_types=[
            pltpu.VMEM((rows_per_w, chunk), jnp.int32),
            pltpu.VMEM((GROUP * CHUNK, dim), jnp.float32),
            pltpu.VMEM((GROUP * CHUNK, dim), jnp.float32),
            pltpu.VMEM((GROUP * 32, PAD), jnp.float32),
            pltpu.VMEM((GROUP * 32, PAD), jnp.float32),
            pltpu.VMEM((8, CHUNK), jnp.float32),
            pltpu.SemaphoreType.DMA,
            pltpu.SemaphoreType.DMA,
            pltpu.SemaphoreType.DMA,
            pltpu.SemaphoreType.DMA,
        ],
    )
    def k(idx_hbm, table_hbm, out_hbm, idx_v, rows0, rows1, t0, t1, dummy_v,
          gsem0, gsem1, ssem0, ssem1):
        wid = lax.axis_index("s") * NUM_CORES + lax.axis_index("c")
        u0 = wid * rows_per_w
        pltpu.sync_copy(idx_hbm.at[pl.ds(u0, rows_per_w)], idx_v)

        iota16 = lax.iota(jnp.int32, 16)
        row_lo_j = tuple(iota16 + (j * 32) for j in range(GROUP))
        row_hi_j = tuple(iota16 + (j * 32 + 16) for j in range(GROUP))
        kvec = tuple(iota16 * 0 + kk for kk in range(UNROLL))

        def fire(g, buf, sem):
            for j in range(GROUP):
                pltpu.async_copy(
                    table_hbm.at[idx_v.at[g * GROUP + j]],
                    buf.at[pl.ds(j * CHUNK, CHUNK)],
                    sem,
                )

        def drain(buf, sem):
            for j in range(GROUP):
                pltpu.make_async_copy(
                    table_hbm.at[pl.ds(0, CHUNK)],
                    buf.at[pl.ds(j * CHUNK, CHUNK)],
                    sem,
                ).wait()

        def transpose(rows, t):
            for j in range(GROUP):

                def tok_body(dci, carry):
                    dc0 = dci * UNROLL
                    b_v = jnp.full((16,), dc0, jnp.int32)
                    for kk in range(UNROLL):
                        row = j * CHUNK + dc0 + kk
                        col_v = b_v + kvec[kk]
                        x0 = rows[row, pl.ds(0, 16)]
                        x1 = rows[row, pl.ds(16, 16)]
                        plsc.store_scatter(t, [row_lo_j[j], col_v], x0)
                        plsc.store_scatter(t, [row_hi_j[j], col_v], x1)
                    return carry

                lax.fori_loop(0, CHUNK // UNROLL, tok_body, 0)

        def fire_stores(g, t, sem):
            for j in range(GROUP):
                u = u0 + g * GROUP + j
                h = lax.bitwise_or(
                    lax.shift_left(lax.shift_right_logical(u, 8), 3),
                    lax.bitwise_and(u, 7))
                tc = lax.bitwise_and(lax.shift_right_logical(u, 3), 31)
                for tr in range(4):
                    pltpu.async_copy(
                        t.at[pl.ds(j * 32 + tr * 8, 8), pl.ds(0, CHUNK)],
                        out_hbm.at[h, tr, tc],
                        sem,
                    )

        def drain_stores(t, sem):
            del t
            for _ in range(GROUP):
                for tr in range(4):
                    pltpu.make_async_copy(
                        dummy_v,
                        out_hbm.at[0, tr, 0],
                        sem,
                    ).wait()

        fire(0, rows0, gsem0)

        def body(t2, carry):
            g = 2 * t2
            fire(g + 1, rows1, gsem1)
            drain(rows0, gsem0)

            @pl.when(t2 > 0)
            def _():
                drain_stores(t0, ssem0)

            transpose(rows0, t0)
            fire_stores(g, t0, ssem0)

            @pl.when(t2 < n_groups // 2 - 1)
            def _():
                fire(g + 2, rows0, gsem0)

            drain(rows1, gsem1)

            @pl.when(t2 > 0)
            def _():
                drain_stores(t1, ssem1)

            transpose(rows1, t1)
            fire_stores(g + 1, t1, ssem1)
            return carry

        lax.fori_loop(0, n_groups // 2, body, 0)
        drain_stores(t0, ssem0)
        drain_stores(t1, ssem1)

    return k(idx2d, table)


def kernel(words_as_ids, embedding_weight):
    batch, hist = words_as_ids.shape
    dim = embedding_weight.shape[1]
    idx2d = (words_as_ids.reshape(batch // CHUNK, CHUNK, hist // 8, 8)
             .transpose(2, 0, 3, 1)
             .reshape(-1, CHUNK))
    out5d = _sc_embedding_gather(idx2d, embedding_weight)
    return out5d.transpose(2, 4, 0, 1, 3).reshape(batch, hist, dim)

# --- scband reference (transcript-rebuilt; emitter-appended) ---
"""Pipeline reference for scband-standard-embedding-83227876262050 (READ-ONLY COPY).

The authoritative reference and input builder live on the scoring server;
editing this copy changes nothing except your own understanding.
"""

import jax, jax.numpy as jnp
import numpy as np

NUM_WORDS = 1000000
EMBED_DIM = 32
BATCH = 4096
HIST = 200

def setup_inputs(seed: int = 0) -> dict:
    key = jax.random.key(seed)
    k_idx, k_tab = jax.random.split(key)
    words_as_ids = jax.random.randint(k_idx, (BATCH, HIST), 0, NUM_WORDS, dtype=jnp.int64) if jax.config.jax_enable_x64 else jax.random.randint(k_idx, (BATCH, HIST), 0, NUM_WORDS, dtype=jnp.int32)
    embedding_weight = jax.random.normal(k_tab, (NUM_WORDS, EMBED_DIM), dtype=jnp.float32) * 0.02
    return {"words_as_ids": words_as_ids, "embedding_weight": embedding_weight}

def reference(words_as_ids, embedding_weight):
    # nn.Embedding forward: gather rows of the table by index
    return jnp.take(embedding_weight, words_as_ids, axis=0)

if __name__ == "__main__":
    import jax
    _d = setup_inputs()
    print(jax.jit(kernel)(*tuple(_d.values())))

</pallas_src>

<mosaic_0001>
#map = affine_map<(d0, d1) -> (0, 0)>
#map1 = affine_map<(d0, d1) -> (0, 0, 0, 0, 0)>
module attributes {stable_mosaic.version = 14 : i64} {
  func.func @k(%arg0: i32, %arg1: i32, %arg2: memref<6400x128xi32, #tpu.memory_space<hbm>>, %arg3: memref<1000000x32xf32, #tpu.memory_space<hbm>>, %arg4: memref<200x4x32x8x128xf32, #tpu.memory_space<hbm>>, %arg5: memref<200x128xi32, #tpu.memory_space<vmem>>, %arg6: memref<512x32xf32, #tpu.memory_space<vmem>>, %arg7: memref<512x32xf32, #tpu.memory_space<vmem>>, %arg8: memref<128x129xf32, #tpu.memory_space<vmem>>, %arg9: memref<128x129xf32, #tpu.memory_space<vmem>>, %arg10: memref<8x128xf32, #tpu.memory_space<vmem>>, %arg11: memref<!tpu.dma_semaphore, #tpu.memory_space<semaphore_mem>>, %arg12: memref<!tpu.dma_semaphore, #tpu.memory_space<semaphore_mem>>, %arg13: memref<!tpu.dma_semaphore, #tpu.memory_space<semaphore_mem>>, %arg14: memref<!tpu.dma_semaphore, #tpu.memory_space<semaphore_mem>>) attributes {dimension_semantics = [#tpu.dimension_semantics<core_parallel>, #tpu.dimension_semantics<subcore_parallel>], iteration_bounds = array<i64: 2, 16>, scalar_prefetch = 0 : i64, scratch_operands = 10 : i64, tpu.core_type = #tpu.core_type<sc_vector_subcore>, window_params = [{transform_indices = #map}, {transform_indices = #map}, {transform_indices = #map1}]} {
    %mul3A = arith.constant 2 : i32
    %mul3A_0 = arith.muli %arg1, %mul3A : i32
    %add3A = arith.addi %mul3A_0, %arg0 : i32
    %mul3A_1 = arith.constant 200 : i32
    %mul3A_2 = arith.muli %add3A, %mul3A_1 : i32
    "tpu.region"() ({
      %run_scoped3A = tpu.sem_alloc : memref<!tpu.dma_semaphore, #tpu.memory_space<semaphore_mem>>
      %dma_start3A_470 = arith.constant 0 : i32
      %dma_start3A_471 = tpu.memref_slice %arg2[%mul3A_2, %dma_start3A_470] : memref<6400x128xi32, #tpu.memory_space<hbm>> -> memref<200x128xi32, #tpu.memory_space<hbm>>
      %dma_start3A_472 = arith.constant 0 : i32
      %dma_start3A_473 = tpu.memref_slice %arg2[%mul3A_2, %dma_start3A_472] : memref<6400x128xi32, #tpu.memory_space<hbm>> -> memref<200x128xi32, #tpu.memory_space<hbm>>
      tpu.enqueue_dma source(%dma_start3A_473 : memref<200x128xi32, #tpu.memory_space<hbm>>) target(%arg5 : memref<200x128xi32, #tpu.memory_space<vmem>>) target_semaphore(%run_scoped3A : memref<!tpu.dma_semaphore, #tpu.memory_space<semaphore_mem>>)
      %dma_wait3A_474 = arith.constant 0 : i32
      %dma_wait3A_475 = tpu.memref_slice %arg2[%mul3A_2, %dma_wait3A_474] : memref<6400x128xi32, #tpu.memory_space<hbm>> -> memref<200x128xi32, #tpu.memory_space<hbm>>
      %dma_wait3A_476 = arith.constant 0 : i32
      %dma_wait3A_477 = tpu.memref_slice %arg2[%mul3A_2, %dma_wait3A_476] : memref<6400x128xi32, #tpu.memory_space<hbm>> -> memref<200x128xi32, #tpu.memory_space<hbm>>
      tpu.wait_dma2 semaphore(%run_scoped3A : memref<!tpu.dma_semaphore, #tpu.memory_space<semaphore_mem>>) src(%dma_wait3A_477 : memref<200x128xi32, #tpu.memory_space<hbm>>) dst(%arg5 : memref<200x128xi32, #tpu.memory_space<vmem>>)
      tpu.yield
    }) : () -> ()
    %iota3A = tpu.iota {dimensions = array<i32: 0>} : vector<16xi32>
    %add3A_3 = arith.constant 0 : i32
    %add3A_4 = vector.broadcast %add3A_3 : i32 to vector<16xi32>
    %add3A_5 = arith.addi %iota3A, %add3A_4 : vector<16xi32>
    %add3A_6 = arith.constant 32 : i32
    %add3A_7 = vector.broadcast %add3A_6 : i32 to vector<16xi32>
    %add3A_8 = arith.addi %iota3A, %add3A_7 : vector<16xi32>
    %add3A_9 = arith.constant 64 : i32
    %add3A_10 = vector.broadcast %add3A_9 : i32 to vector<16xi32>
    %add3A_11 = arith.addi %iota3A, %add3A_10 : vector<16xi32>
    %add3A_12 = arith.constant 96 : i32
    %add3A_13 = vector.broadcast %add3A_12 : i32 to vector<16xi32>
    %add3A_14 = arith.addi %iota3A, %add3A_13 : vector<16xi32>
    %add3A_15 = arith.constant 16 : i32
    %add3A_16 = vector.broadcast %add3A_15 : i32 to vector<16xi32>
    %add3A_17 = arith.addi %iota3A, %add3A_16 : vector<16xi32>
    %add3A_18 = arith.constant 48 : i32
    %add3A_19 = vector.broadcast %add3A_18 : i32 to vector<16xi32>
    %add3A_20 = arith.addi %iota3A, %add3A_19 : vector<16xi32>
    %add3A_21 = arith.constant 80 : i32
    %add3A_22 = vector.broadcast %add3A_21 : i32 to vector<16xi32>
    %add3A_23 = arith.addi %iota3A, %add3A_22 : vector<16xi32>
    %add3A_24 = arith.constant 112 : i32
    %add3A_25 = vector.broadcast %add3A_24 : i32 to vector<16xi32>
    %add3A_26 = arith.addi %iota3A, %add3A_25 : vector<16xi32>
    %mul3A_27 = arith.constant 0 : i32
    %mul3A_28 = vector.broadcast %mul3A_27 : i32 to vector<16xi32>
    %mul3A_29 = arith.muli %iota3A, %mul3A_28 : vector<16xi32>
    %add3A_30 = arith.constant 0 : i32
    %add3A_31 = vector.broadcast %add3A_30 : i32 to vector<16xi32>
    %add3A_32 = arith.addi %mul3A_29, %add3A_31 : vector<16xi32>
    %mul3A_33 = arith.constant 0 : i32
    %mul3A_34 = vector.broadcast %mul3A_33 : i32 to vector<16xi32>
    %mul3A_35 = arith.muli %iota3A, %mul3A_34 : vector<16xi32>
    %add3A_36 = arith.constant 1 : i32
    %add3A_37 = vector.broadcast %add3A_36 : i32 to vector<16xi32>
    %add3A_38 = arith.addi %mul3A_35, %add3A_37 : vector<16xi32>
    %mul3A_39 = arith.constant 0 : i32
    %mul3A_40 = vector.broadcast %mul3A_39 : i32 to vector<16xi32>
    %mul3A_41 = arith.muli %iota3A, %mul3A_40 : vector<16xi32>
    %add3A_42 = arith.constant 2 : i32
    %add3A_43 = vector.broadcast %add3A_42 : i32 to vector<16xi32>
    %add3A_44 = arith.addi %mul3A_41, %add3A_43 : vector<16xi32>
    %mul3A_45 = arith.constant 0 : i32
    %mul3A_46 = vector.broadcast %mul3A_45 : i32 to vector<16xi32>
    %mul3A_47 = arith.muli %iota3A, %mul3A_46 : vector<16xi32>
    %add3A_48 = arith.constant 3 : i32
    %add3A_49 = vector.broadcast %add3A_48 : i32 to vector<16xi32>
    %add3A_50 = arith.addi %mul3A_47, %add3A_49 : vector<16xi32>
    %mul3A_51 = arith.constant 0 : i32
    %mul3A_52 = vector.broadcast %mul3A_51 : i32 to vector<16xi32>
    %mul3A_53 = arith.muli %iota3A, %mul3A_52 : vector<16xi32>
    %add3A_54 = arith.constant 4 : i32
    %add3A_55 = vector.broadcast %add3A_54 : i32 to vector<16xi32>
    %add3A_56 = arith.addi %mul3A_53, %add3A_55 : vector<16xi32>
    %mul3A_57 = arith.constant 0 : i32
    %mul3A_58 = vector.broadcast %mul3A_57 : i32 to vector<16xi32>
    %mul3A_59 = arith.muli %iota3A, %mul3A_58 : vector<16xi32>
    %add3A_60 = arith.constant 5 : i32
    %add3A_61 = vector.broadcast %add3A_60 : i32 to vector<16xi32>
    %add3A_62 = arith.addi %mul3A_59, %add3A_61 : vector<16xi32>
    %mul3A_63 = arith.constant 0 : i32
    %mul3A_64 = vector.broadcast %mul3A_63 : i32 to vector<16xi32>
    %mul3A_65 = arith.muli %iota3A, %mul3A_64 : vector<16xi32>
    %add3A_66 = arith.constant 6 : i32
    %add3A_67 = vector.broadcast %add3A_66 : i32 to vector<16xi32>
    %add3A_68 = arith.addi %mul3A_65, %add3A_67 : vector<16xi32>
    %mul3A_69 = arith.constant 0 : i32
    %mul3A_70 = vector.broadcast %mul3A_69 : i32 to vector<16xi32>
    %mul3A_71 = arith.muli %iota3A, %mul3A_70 : vector<16xi32>
    %add3A_72 = arith.constant 7 : i32
    %add3A_73 = vector.broadcast %add3A_72 : i32 to vector<16xi32>
    %add3A_74 = arith.addi %mul3A_71, %add3A_73 : vector<16xi32>
    %dma_start3A = arith.constant 0 : i32
    %dma_start3A_75 = arith.constant 0 : i32
    %dma_start3A_76 = arith.constant 0 : i32
    %dma_start3A_77 = tpu.memref_slice %arg6[%dma_start3A_75, %dma_start3A_76] : memref<512x32xf32, #tpu.memory_space<vmem>> -> memref<128x32xf32, #tpu.memory_space<vmem>>
    %dma_start3A_78 = arith.constant 0 : i32
    %dma_start3A_79 = tpu.memref_slice %arg5[%dma_start3A, %dma_start3A_78] : memref<200x128xi32, #tpu.memory_space<vmem>> -> memref<1x128xi32, #tpu.memory_space<vmem>>
    %dma_start3A_80 = tpu.memref_squeeze %dma_start3A_79 : memref<1x128xi32, #tpu.memory_space<vmem>> -> memref<128xi32, #tpu.memory_space<vmem>>
    %dma_start3A_81 = arith.constant 0 : i32
    %dma_start3A_82 = arith.constant 0 : i32
    %dma_start3A_83 = tpu.memref_slice %arg3[%dma_start3A_81, %dma_start3A_82] : memref<1000000x32xf32, #tpu.memory_space<hbm>> -> memref<1000000x32xf32, #tpu.memory_space<hbm>>
    tpu.enqueue_indirect_dma source(%dma_start3A_83 : memref<1000000x32xf32, #tpu.memory_space<hbm>>) target(%dma_start3A_77 : memref<128x32xf32, #tpu.memory_space<vmem>>) offsets(%dma_start3A_80 : memref<128xi32, #tpu.memory_space<vmem>>) semaphore(%arg11 : memref<!tpu.dma_semaphore, #tpu.memory_space<semaphore_mem>>)
    %dma_start3A_84 = arith.constant 1 : i32
    %dma_start3A_85 = arith.constant 128 : i32
    %dma_start3A_86 = arith.constant 0 : i32
    %dma_start3A_87 = tpu.memref_slice %arg6[%dma_start3A_85, %dma_start3A_86] : memref<512x32xf32, #tpu.memory_space<vmem>> -> memref<128x32xf32, #tpu.memory_space<vmem>>
    %dma_start3A_88 = arith.constant 0 : i32
    %dma_start3A_89 = tpu.memref_slice %arg5[%dma_start3A_84, %dma_start3A_88] : memref<200x128xi32, #tpu.memory_space<vmem>> -> memref<1x128xi32, #tpu.memory_space<vmem>>
    %dma_start3A_90 = tpu.memref_squeeze %dma_start3A_89 : memref<1x128xi32, #tpu.memory_space<vmem>> -> memref<128xi32, #tpu.memory_space<vmem>>
    %dma_start3A_91 = arith.constant 0 : i32
    %dma_start3A_92 = arith.constant 0 : i32
    %dma_start3A_93 = tpu.memref_slice %arg3[%dma_start3A_91, %dma_start3A_92] : memref<1000000x32xf32, #tpu.memory_space<hbm>> -> memref<1000000x32xf32, #tpu.memory_space<hbm>>
    tpu.enqueue_indirect_dma source(%dma_start3A_93 : memref<1000000x32xf32, #tpu.memory_space<hbm>>) target(%dma_start3A_87 : memref<128x32xf32, #tpu.memory_space<vmem>>) offsets(%dma_start3A_90 : memref<128xi32, #tpu.memory_space<vmem>>) semaphore(%arg11 : memref<!tpu.dma_semaphore, #tpu.memory_space<semaphore_mem>>)
    %dma_start3A_94 = arith.constant 2 : i32
    %dma_start3A_95 = arith.constant 256 : i32
    %dma_start3A_96 = arith.constant 0 : i32
    %dma_start3A_97 = tpu.memref_slice %arg6[%dma_start3A_95, %dma_start3A_96] : memref<512x32xf32, #tpu.memory_space<vmem>> -> memref<128x32xf32, #tpu.memory_space<vmem>>
    %dma_start3A_98 = arith.constant 0 : i32
    %dma_start3A_99 = tpu.memref_slice %arg5[%dma_start3A_94, %dma_start3A_98] : memref<200x128xi32, #tpu.memory_space<vmem>> -> memref<1x128xi32, #tpu.memory_space<vmem>>
    %dma_start3A_100 = tpu.memref_squeeze %dma_start3A_99 : memref<1x128xi32, #tpu.memory_space<vmem>> -> memref<128xi32, #tpu.memory_space<vmem>>
    %dma_start3A_101 = arith.constant 0 : i32
    %dma_start3A_102 = arith.constant 0 : i32
    %dma_start3A_103 = tpu.memref_slice %arg3[%dma_start3A_101, %dma_start3A_102] : memref<1000000x32xf32, #tpu.memory_space<hbm>> -> memref<1000000x32xf32, #tpu.memory_space<hbm>>
    tpu.enqueue_indirect_dma source(%dma_start3A_103 : memref<1000000x32xf32, #tpu.memory_space<hbm>>) target(%dma_start3A_97 : memref<128x32xf32, #tpu.memory_space<vmem>>) offsets(%dma_start3A_100 : memref<128xi32, #tpu.memory_space<vmem>>) semaphore(%arg11 : memref<!tpu.dma_semaphore, #tpu.memory_space<semaphore_mem>>)
    %dma_start3A_104 = arith.constant 3 : i32
    %dma_start3A_105 = arith.constant 384 : i32
    %dma_start3A_106 = arith.constant 0 : i32
    %dma_start3A_107 = tpu.memref_slice %arg6[%dma_start3A_105, %dma_start3A_106] : memref<512x32xf32, #tpu.memory_space<vmem>> -> memref<128x32xf32, #tpu.memory_space<vmem>>
    %dma_start3A_108 = arith.constant 0 : i32
    %dma_start3A_109 = tpu.memref_slice %arg5[%dma_start3A_104, %dma_start3A_108] : memref<200x128xi32, #tpu.memory_space<vmem>> -> memref<1x128xi32, #tpu.memory_space<vmem>>
    %dma_start3A_110 = tpu.memref_squeeze %dma_start3A_109 : memref<1x128xi32, #tpu.memory_space<vmem>> -> memref<128xi32, #tpu.memory_space<vmem>>
    %dma_start3A_111 = arith.constant 0 : i32
    %dma_start3A_112 = arith.constant 0 : i32
    %dma_start3A_113 = tpu.memref_slice %arg3[%dma_start3A_111, %dma_start3A_112] : memref<1000000x32xf32, #tpu.memory_space<hbm>> -> memref<1000000x32xf32, #tpu.memory_space<hbm>>
    tpu.enqueue_indirect_dma source(%dma_start3A_113 : memref<1000000x32xf32, #tpu.memory_space<hbm>>) target(%dma_start3A_107 : memref<128x32xf32, #tpu.memory_space<vmem>>) offsets(%dma_start3A_110 : memref<128xi32, #tpu.memory_space<vmem>>) semaphore(%arg11 : memref<!tpu.dma_semaphore, #tpu.memory_space<semaphore_mem>>)
    %scan3A = arith.constant 0 : i32
    %scan3A_114 = arith.constant 0 : i32
    %scan3A_115 = arith.constant 25 : i32
    %scan3A_116 = arith.addi %scan3A_114, %scan3A_115 : i32
    %scan3A_117 = arith.constant 1 : i32
    scf.for %scan3A_470 = %scan3A_114 to %scan3A_116 step %scan3A_117  : i32 {
      %mul3A_471 = arith.constant 2 : i32
      %mul3A_472 = arith.muli %mul3A_471, %scan3A_470 : i32
      %add3A_473 = arith.constant 1 : i32
      %add3A_474 = arith.addi %mul3A_472, %add3A_473 : i32
      %mul3A_475 = arith.constant 4 : i32
      %mul3A_476 = arith.muli %add3A_474, %mul3A_475 : i32
      %add3A_477 = arith.constant 0 : i32
      %add3A_478 = arith.addi %mul3A_476, %add3A_477 : i32
      %dma_start3A_479 = arith.constant 0 : i32
      %dma_start3A_480 = arith.constant 0 : i32
      %dma_start3A_481 = tpu.memref_slice %arg7[%dma_start3A_479, %dma_start3A_480] : memref<512x32xf32, #tpu.memory_space<vmem>> -> memref<128x32xf32, #tpu.memory_space<vmem>>
      %dma_start3A_482 = arith.constant 0 : i32
      %dma_start3A_483 = tpu.memref_slice %arg5[%add3A_478, %dma_start3A_482] : memref<200x128xi32, #tpu.memory_space<vmem>> -> memref<1x128xi32, #tpu.memory_space<vmem>>
      %dma_start3A_484 = tpu.memref_squeeze %dma_start3A_483 : memref<1x128xi32, #tpu.memory_space<vmem>> -> memref<128xi32, #tpu.memory_space<vmem>>
      %dma_start3A_485 = arith.constant 0 : i32
      %dma_start3A_486 = arith.constant 0 : i32
      %dma_start3A_487 = tpu.memref_slice %arg3[%dma_start3A_485, %dma_start3A_486] : memref<1000000x32xf32, #tpu.memory_space<hbm>> -> memref<1000000x32xf32, #tpu.memory_space<hbm>>
      tpu.enqueue_indirect_dma source(%dma_start3A_487 : memref<1000000x32xf32, #tpu.memory_space<hbm>>) target(%dma_start3A_481 : memref<128x32xf32, #tpu.memory_space<vmem>>) offsets(%dma_start3A_484 : memref<128xi32, #tpu.memory_space<vmem>>) semaphore(%arg12 : memref<!tpu.dma_semaphore, #tpu.memory_space<semaphore_mem>>)
      %mul3A_488 = arith.constant 4 : i32
      %mul3A_489 = arith.muli %add3A_474, %mul3A_488 : i32
      %add3A_490 = arith.constant 1 : i32
      %add3A_491 = arith.addi %mul3A_489, %add3A_490 : i32
      %dma_start3A_492 = arith.constant 128 : i32
      %dma_start3A_493 = arith.constant 0 : i32
      %dma_start3A_494 = tpu.memref_slice %arg7[%dma_start3A_492, %dma_start3A_493] : memref<512x32xf32, #tpu.memory_space<vmem>> -> memref<128x32xf32, #tpu.memory_space<vmem>>
      %dma_start3A_495 = arith.constant 0 : i32
      %dma_start3A_496 = tpu.memref_slice %arg5[%add3A_491, %dma_start3A_495] : memref<200x128xi32, #tpu.memory_space<vmem>> -> memref<1x128xi32, #tpu.memory_space<vmem>>
      %dma_start3A_497 = tpu.memref_squeeze %dma_start3A_496 : memref<1x128xi32, #tpu.memory_space<vmem>> -> memref<128xi32, #tpu.memory_space<vmem>>
      %dma_start3A_498 = arith.constant 0 : i32
      %dma_start3A_499 = arith.constant 0 : i32
      %dma_start3A_500 = tpu.memref_slice %arg3[%dma_start3A_498, %dma_start3A_499] : memref<1000000x32xf32, #tpu.memory_space<hbm>> -> memref<1000000x32xf32, #tpu.memory_space<hbm>>
      tpu.enqueue_indirect_dma source(%dma_start3A_500 : memref<1000000x32xf32, #tpu.memory_space<hbm>>) target(%dma_start3A_494 : memref<128x32xf32, #tpu.memory_space<vmem>>) offsets(%dma_start3A_497 : memref<128xi32, #tpu.memory_space<vmem>>) semaphore(%arg12 : memref<!tpu.dma_semaphore, #tpu.memory_space<semaphore_mem>>)
      %mul3A_501 = arith.constant 4 : i32
      %mul3A_502 = arith.muli %add3A_474, %mul3A_501 : i32
      %add3A_503 = arith.constant 2 : i32
      %add3A_504 = arith.addi %mul3A_502, %add3A_503 : i32
      %dma_start3A_505 = arith.constant 256 : i32
      %dma_start3A_506 = arith.constant 0 : i32
      %dma_start3A_507 = tpu.memref_slice %arg7[%dma_start3A_505, %dma_start3A_506] : memref<512x32xf32, #tpu.memory_space<vmem>> -> memref<128x32xf32, #tpu.memory_space<vmem>>
      %dma_start3A_508 = arith.constant 0 : i32
      %dma_start3A_509 = tpu.memref_slice %arg5[%add3A_504, %dma_start3A_508] : memref<200x128xi32, #tpu.memory_space<vmem>> -> memref<1x128xi32, #tpu.memory_space<vmem>>
      %dma_start3A_510 = tpu.memref_squeeze %dma_start3A_509 : memref<1x128xi32, #tpu.memory_space<vmem>> -> memref<128xi32, #tpu.memory_space<vmem>>
      %dma_start3A_511 = arith.constant 0 : i32
      %dma_start3A_512 = arith.constant 0 : i32
      %dma_start3A_513 = tpu.memref_slice %arg3[%dma_start3A_511, %dma_start3A_512] : memref<1000000x32xf32, #tpu.memory_space<hbm>> -> memref<1000000x32xf32, #tpu.memory_space<hbm>>
      tpu.enqueue_indirect_dma source(%dma_start3A_513 : memref<1000000x32xf32, #tpu.memory_space<hbm>>) target(%dma_start3A_507 : memref<128x32xf32, #tpu.memory_space<vmem>>) offsets(%dma_start3A_510 : memref<128xi32, #tpu.memory_space<vmem>>) semaphore(%arg12 : memref<!tpu.dma_semaphore, #tpu.memory_space<semaphore_mem>>)
      %mul3A_514 = arith.constant 4 : i32
      %mul3A_515 = arith.muli %add3A_474, %mul3A_514 : i32
      %add3A_516 = arith.constant 3 : i32
      %add3A_517 = arith.addi %mul3A_515, %add3A_516 : i32
      %dma_start3A_518 = arith.constant 384 : i32
      %dma_start3A_519 = arith.constant 0 : i32
      %dma_start3A_520 = tpu.memref_slice %arg7[%dma_start3A_518, %dma_start3A_519] : memref<512x32xf32, #tpu.memory_space<vmem>> -> memref<128x32xf32, #tpu.memory_space<vmem>>
      %dma_start3A_521 = arith.constant 0 : i32
      %dma_start3A_522 = tpu.memref_slice %arg5[%add3A_517, %dma_start3A_521] : memref<200x128xi32, #tpu.memory_space<vmem>> -> memref<1x128xi32, #tpu.memory_space<vmem>>
      %dma_start3A_523 = tpu.memref_squeeze %dma_start3A_522 : memref<1x128xi32, #tpu.memory_space<vmem>> -> memref<128xi32, #tpu.memory_space<vmem>>
      %dma_start3A_524 = arith.constant 0 : i32
      %dma_start3A_525 = arith.constant 0 : i32
      %dma_start3A_526 = tpu.memref_slice %arg3[%dma_start3A_524, %dma_start3A_525] : memref<1000000x32xf32, #tpu.memory_space<hbm>> -> memref<1000000x32xf32, #tpu.memory_space<hbm>>
      tpu.enqueue_indirect_dma source(%dma_start3A_526 : memref<1000000x32xf32, #tpu.memory_space<hbm>>) target(%dma_start3A_520 : memref<128x32xf32, #tpu.memory_space<vmem>>) offsets(%dma_start3A_523 : memref<128xi32, #tpu.memory_space<vmem>>) semaphore(%arg12 : memref<!tpu.dma_semaphore, #tpu.memory_space<semaphore_mem>>)
      %dma_wait3A_527 = arith.constant 0 : i32
      %dma_wait3A_528 = arith.constant 0 : i32
      %dma_wait3A_529 = tpu.memref_slice %arg6[%dma_wait3A_527, %dma_wait3A_528] : memref<512x32xf32, #tpu.memory_space<vmem>> -> memref<128x32xf32, #tpu.memory_space<vmem>>
      %dma_wait3A_530 = arith.constant 0 : i32
      %dma_wait3A_531 = arith.constant 0 : i32
      %dma_wait3A_532 = tpu.memref_slice %arg3[%dma_wait3A_530, %dma_wait3A_531] : memref<1000000x32xf32, #tpu.memory_space<hbm>> -> memref<128x32xf32, #tpu.memory_space<hbm>>
      %dma_wait3A_533 = arith.constant 0 : i32
      %dma_wait3A_534 = arith.constant 0 : i32
      %dma_wait3A_535 = tpu.memref_slice %arg6[%dma_wait3A_533, %dma_wait3A_534] : memref<512x32xf32, #tpu.memory_space<vmem>> -> memref<128x32xf32, #tpu.memory_space<vmem>>
      %dma_wait3A_536 = arith.constant 0 : i32
      %dma_wait3A_537 = arith.constant 0 : i32
      %dma_wait3A_538 = tpu.memref_slice %arg3[%dma_wait3A_536, %dma_wait3A_537] : memref<1000000x32xf32, #tpu.memory_space<hbm>> -> memref<128x32xf32, #tpu.memory_space<hbm>>
      tpu.wait_dma2 semaphore(%arg11 : memref<!tpu.dma_semaphore, #tpu.memory_space<semaphore_mem>>) src(%dma_wait3A_538 : memref<128x32xf32, #tpu.memory_space<hbm>>) dst(%dma_wait3A_535 : memref<128x32xf32, #tpu.memory_space<vmem>>)
      %dma_wait3A_539 = arith.constant 128 : i32
      %dma_wait3A_540 = arith.constant 0 : i32
      %dma_wait3A_541 = tpu.memref_slice %arg6[%dma_wait3A_539, %dma_wait3A_540] : memref<512x32xf32, #tpu.memory_space<vmem>> -> memref<128x32xf32, #tpu.memory_space<vmem>>
      %dma_wait3A_542 = arith.constant 0 : i32
      %dma_wait3A_543 = arith.constant 0 : i32
      %dma_wait3A_544 = tpu.memref_slice %arg3[%dma_wait3A_542, %dma_wait3A_543] : memref<1000000x32xf32, #tpu.memory_space<hbm>> -> memref<128x32xf32, #tpu.memory_space<hbm>>
      %dma_wait3A_545 = arith.constant 128 : i32
      %dma_wait3A_546 = arith.constant 0 : i32
      %dma_wait3A_547 = tpu.memref_slice %arg6[%dma_wait3A_545, %dma_wait3A_546] : memref<512x32xf32, #tpu.memory_space<vmem>> -> memref<128x32xf32, #tpu.memory_space<vmem>>
      %dma_wait3A_548 = arith.constant 0 : i32
      %dma_wait3A_549 = arith.constant 0 : i32
      %dma_wait3A_550 = tpu.memref_slice %arg3[%dma_wait3A_548, %dma_wait3A_549] : memref<1000000x32xf32, #tpu.memory_space<hbm>> -> memref<128x32xf32, #tpu.memory_space<hbm>>
      tpu.wait_dma2 semaphore(%arg11 : memref<!tpu.dma_semaphore, #tpu.memory_space<semaphore_mem>>) src(%dma_wait3A_550 : memref<128x32xf32, #tpu.memory_space<hbm>>) dst(%dma_wait3A_547 : memref<128x32xf32, #tpu.memory_space<vmem>>)
      %dma_wait3A_551 = arith.constant 256 : i32
      %dma_wait3A_552 = arith.constant 0 : i32
      %dma_wait3A_553 = tpu.memref_slice %arg6[%dma_wait3A_551, %dma_wait3A_552] : memref<512x32xf32, #tpu.memory_space<vmem>> -> memref<128x32xf32, #tpu.memory_space<vmem>>
      %dma_wait3A_554 = arith.constant 0 : i32
      %dma_wait3A_555 = arith.constant 0 : i32
      %dma_wait3A_556 = tpu.memref_slice %arg3[%dma_wait3A_554, %dma_wait3A_555] : memref<1000000x32xf32, #tpu.memory_space<hbm>> -> memref<128x32xf32, #tpu.memory_space<hbm>>
      %dma_wait3A_557 = arith.constant 256 : i32
      %dma_wait3A_558 = arith.constant 0 : i32
      %dma_wait3A_559 = tpu.memref_slice %arg6[%dma_wait3A_557, %dma_wait3A_558] : memref<512x32xf32, #tpu.memory_space<vmem>> -> memref<128x32xf32, #tpu.memory_space<vmem>>
      %dma_wait3A_560 = arith.constant 0 : i32
      %dma_wait3A_561 = arith.constant 0 : i32
      %dma_wait3A_562 = tpu.memref_slice %arg3[%dma_wait3A_560, %dma_wait3A_561] : memref<1000000x32xf32, #tpu.memory_space<hbm>> -> memref<128x32xf32, #tpu.memory_space<hbm>>
      tpu.wait_dma2 semaphore(%arg11 : memref<!tpu.dma_semaphore, #tpu.memory_space<semaphore_mem>>) src(%dma_wait3A_562 : memref<128x32xf32, #tpu.memory_space<hbm>>) dst(%dma_wait3A_559 : memref<128x32xf32, #tpu.memory_space<vmem>>)
      %dma_wait3A_563 = arith.constant 384 : i32
      %dma_wait3A_564 = arith.constant 0 : i32
      %dma_wait3A_565 = tpu.memref_slice %arg6[%dma_wait3A_563, %dma_wait3A_564] : memref<512x32xf32, #tpu.memory_space<vmem>> -> memref<128x32xf32, #tpu.memory_space<vmem>>
      %dma_wait3A_566 = arith.constant 0 : i32
      %dma_wait3A_567 = arith.constant 0 : i32
      %dma_wait3A_568 = tpu.memref_slice %arg3[%dma_wait3A_566, %dma_wait3A_567] : memref<1000000x32xf32, #tpu.memory_space<hbm>> -> memref<128x32xf32, #tpu.memory_space<hbm>>
      %dma_wait3A_569 = arith.constant 384 : i32
      %dma_wait3A_570 = arith.constant 0 : i32
      %dma_wait3A_571 = tpu.memref_slice %arg6[%dma_wait3A_569, %dma_wait3A_570] : memref<512x32xf32, #tpu.memory_space<vmem>> -> memref<128x32xf32, #tpu.memory_space<vmem>>
      %dma_wait3A_572 = arith.constant 0 : i32
      %dma_wait3A_573 = arith.constant 0 : i32
      %dma_wait3A_574 = tpu.memref_slice %arg3[%dma_wait3A_572, %dma_wait3A_573] : memref<1000000x32xf32, #tpu.memory_space<hbm>> -> memref<128x32xf32, #tpu.memory_space<hbm>>
      tpu.wait_dma2 semaphore(%arg11 : memref<!tpu.dma_semaphore, #tpu.memory_space<semaphore_mem>>) src(%dma_wait3A_574 : memref<128x32xf32, #tpu.memory_space<hbm>>) dst(%dma_wait3A_571 : memref<128x32xf32, #tpu.memory_space<vmem>>)
      %gt3A = arith.constant 0 : i32
      %gt3A_575 = arith.cmpi sgt, %scan3A_470, %gt3A : i32
      %convert_element_type3A = arith.extui %gt3A_575 : i1 to i32
      %cond3A = arith.constant 0 : i32
      %cond3A_576 = arith.cmpi ne, %convert_element_type3A, %cond3A : i32
      scf.if %cond3A_576 {
        %dma_wait3A_1288 = arith.constant 0 : i32
        %dma_wait3A_1289 = arith.constant 0 : i32
        %dma_wait3A_1290 = arith.constant 0 : i32
        %dma_wait3A_1291 = arith.constant 0 : i32
        %dma_wait3A_1292 = arith.constant 0 : i32
        %dma_wait3A_1293 = tpu.memref_slice %arg4[%dma_wait3A_1288, %dma_wait3A_1289, %dma_wait3A_1290, %dma_wait3A_1291, %dma_wait3A_1292] : memref<200x4x32x8x128xf32, #tpu.memory_space<hbm>> -> memref<1x1x1x8x128xf32, #tpu.memory_space<hbm>>
        %dma_wait3A_1294 = tpu.memref_squeeze %dma_wait3A_1293 : memref<1x1x1x8x128xf32, #tpu.memory_space<hbm>> -> memref<8x128xf32, #tpu.memory_space<hbm>>
        %dma_wait3A_1295 = arith.constant 0 : i32
        %dma_wait3A_1296 = arith.constant 0 : i32
        %dma_wait3A_1297 = tpu.memref_slice %arg4[%dma_wait3A_1288, %dma_wait3A_1289, %dma_wait3A_1290, %dma_wait3A_1295, %dma_wait3A_1296] : memref<200x4x32x8x128xf32, #tpu.memory_space<hbm>> -> memref<1x1x1x8x128xf32, #tpu.memory_space<hbm>>
        %dma_wait3A_1298 = tpu.memref_squeeze %dma_wait3A_1297 : memref<1x1x1x8x128xf32, #tpu.memory_space<hbm>> -> memref<8x128xf32, #tpu.memory_space<hbm>>
        tpu.wait_dma2 semaphore(%arg13 : memref<!tpu.dma_semaphore, #tpu.memory_space<semaphore_mem>>) src(%arg10 : memref<8x128xf32, #tpu.memory_space<vmem>>) dst(%dma_wait3A_1298 : memref<8x128xf32, #tpu.memory_space<hbm>>)
        %dma_wait3A_1299 = arith.constant 0 : i32
        %dma_wait3A_1300 = arith.constant 1 : i32
        %dma_wait3A_1301 = arith.constant 0 : i32
        %dma_wait3A_1302 = arith.constant 0 : i32
        %dma_wait3A_1303 = arith.constant 0 : i32
        %dma_wait3A_1304 = tpu.memref_slice %arg4[%dma_wait3A_1299, %dma_wait3A_1300, %dma_wait3A_1301, %dma_wait3A_1302, %dma_wait3A_1303] : memref<200x4x32x8x128xf32, #tpu.memory_space<hbm>> -> memref<1x1x1x8x128xf32, #tpu.memory_space<hbm>>
        %dma_wait3A_1305 = tpu.memref_squeeze %dma_wait3A_1304 : memref<1x1x1x8x128xf32, #tpu.memory_space<hbm>> -> memref<8x128xf32, #tpu.memory_space<hbm>>
        %dma_wait3A_1306 = arith.constant 0 : i32
        %dma_wait3A_1307 = arith.constant 0 : i32
        %dma_wait3A_1308 = tpu.memref_slice %arg4[%dma_wait3A_1299, %dma_wait3A_1300, %dma_wait3A_1301, %dma_wait3A_1306, %dma_wait3A_1307] : memref<200x4x32x8x128xf32, #tpu.memory_space<hbm>> -> memref<1x1x1x8x128xf32, #tpu.memory_space<hbm>>
        %dma_wait3A_1309 = tpu.memref_squeeze %dma_wait3A_1308 : memref<1x1x1x8x128xf32, #tpu.memory_space<hbm>> -> memref<8x128xf32, #tpu.memory_space<hbm>>
        tpu.wait_dma2 semaphore(%arg13 : memref<!tpu.dma_semaphore, #tpu.memory_space<semaphore_mem>>) src(%arg10 : memref<8x128xf32, #tpu.memory_space<vmem>>) dst(%dma_wait3A_1309 : memref<8x128xf32, #tpu.memory_space<hbm>>)
        %dma_wait3A_1310 = arith.constant 0 : i32
        %dma_wait3A_1311 = arith.constant 2 : i32
        %dma_wait3A_1312 = arith.constant 0 : i32
        %dma_wait3A_1313 = arith.constant 0 : i32
        %dma_wait3A_1314 = arith.constant 0 : i32
        %dma_wait3A_1315 = tpu.memref_slice %arg4[%dma_wait3A_1310, %dma_wait3A_1311, %dma_wait3A_1312, %dma_wait3A_1313, %dma_wait3A_1314] : memref<200x4x32x8x128xf32, #tpu.memory_space<hbm>> -> memref<1x1x1x8x128xf32, #tpu.memory_space<hbm>>
        %dma_wait3A_1316 = tpu.memref_squeeze %dma_wait3A_1315 : memref<1x1x1x8x128xf32, #tpu.memory_space<hbm>> -> memref<8x128xf32, #tpu.memory_space<hbm>>
        %dma_wait3A_1317 = arith.constant 0 : i32
        %dma_wait3A_1318 = arith.constant 0 : i32
        %dma_wait3A_1319 = tpu.memref_slice %arg4[%dma_wait3A_1310, %dma_wait3A_1311, %dma_wait3A_1312, %dma_wait3A_1317, %dma_wait3A_1318] : memref<200x4x32x8x128xf32, #tpu.memory_space<hbm>> -> memref<1x1x1x8x128xf32, #tpu.memory_space<hbm>>
        %dma_wait3A_1320 = tpu.memref_squeeze %dma_wait3A_1319 : memref<1x1x1x8x128xf32, #tpu.memory_space<hbm>> -> memref<8x128xf32, #tpu.memory_space<hbm>>
        tpu.wait_dma2 semaphore(%arg13 : memref<!tpu.dma_semaphore, #tpu.memory_space<semaphore_mem>>) src(%arg10 : memref<8x128xf32, #tpu.memory_space<vmem>>) dst(%dma_wait3A_1320 : memref<8x128xf32, #tpu.memory_space<hbm>>)
        %dma_wait3A_1321 = arith.constant 0 : i32
        %dma_wait3A_1322 = arith.constant 3 : i32
        %dma_wait3A_1323 = arith.constant 0 : i32
        %dma_wait3A_1324 = arith.constant 0 : i32
        %dma_wait3A_1325 = arith.constant 0 : i32
        %dma_wait3A_1326 = tpu.memref_slice %arg4[%dma_wait3A_1321, %dma_wait3A_1322, %dma_wait3A_1323, %dma_wait3A_1324, %dma_wait3A_1325] : memref<200x4x32x8x128xf32, #tpu.memory_space<hbm>> -> memref<1x1x1x8x128xf32, #tpu.memory_space<hbm>>
        %dma_wait3A_1327 = tpu.memref_squeeze %dma_wait3A_1326 : memref<1x1x1x8x128xf32, #tpu.memory_space<hbm>> -> memref<8x128xf32, #tpu.memory_space<hbm>>
        %dma_wait3A_1328 = arith.constant 0 : i32
        %dma_wait3A_1329 = arith.constant 0 : i32
        %dma_wait3A_1330 = tpu.memref_slice %arg4[%dma_wait3A_1321, %dma_wait3A_1322, %dma_wait3A_1323, %dma_wait3A_1328, %dma_wait3A_1329] : memref<200x4x32x8x128xf32, #tpu.memory_space<hbm>> -> memref<1x1x1x8x128xf32, #tpu.memory_space<hbm>>
        %dma_wait3A_1331 = tpu.memref_squeeze %dma_wait3A_1330 : memref<1x1x1x8x128xf32, #tpu.memory_space<hbm>> -> memref<8x128xf32, #tpu.memory_space<hbm>>
        tpu.wait_dma2 semaphore(%arg13 : memref<!tpu.dma_semaphore, #tpu.memory_space<semaphore_mem>>) src(%arg10 : memref<8x128xf32, #tpu.memory_space<vmem>>) dst(%dma_wait3A_1331 : memref<8x128xf32, #tpu.memory_space<hbm>>)
        %dma_wait3A_1332 = arith.constant 0 : i32
        %dma_wait3A_1333 = arith.constant 0 : i32
        %dma_wait3A_1334 = arith.constant 0 : i32
        %dma_wait3A_1335 = arith.constant 0 : i32
        %dma_wait3A_1336 = arith.constant 0 : i32
        %dma_wait3A_1337 = tpu.memref_slice %arg4[%dma_wait3A_1332, %dma_wait3A_1333, %dma_wait3A_1334, %dma_wait3A_1335, %dma_wait3A_1336] : memref<200x4x32x8x128xf32, #tpu.memory_space<hbm>> -> memref<1x1x1x8x128xf32, #tpu.memory_space<hbm>>
        %dma_wait3A_1338 = tpu.memref_squeeze %dma_wait3A_1337 : memref<1x1x1x8x128xf32, #tpu.memory_space<hbm>> -> memref<8x128xf32, #tpu.memory_space<hbm>>
        %dma_wait3A_1339 = arith.constant 0 : i32
        %dma_wait3A_1340 = arith.constant 0 : i32
        %dma_wait3A_1341 = tpu.memref_slice %arg4[%dma_wait3A_1332, %dma_wait3A_1333, %dma_wait3A_1334, %dma_wait3A_1339, %dma_wait3A_1340] : memref<200x4x32x8x128xf32, #tpu.memory_space<hbm>> -> memref<1x1x1x8x128xf32, #tpu.memory_space<hbm>>
        %dma_wait3A_1342 = tpu.memref_squeeze %dma_wait3A_1341 : memref<1x1x1x8x128xf32, #tpu.memory_space<hbm>> -> memref<8x128xf32, #tpu.memory_space<hbm>>
        tpu.wait_dma2 semaphore(%arg13 : memref<!tpu.dma_semaphore, #tpu.memory_space<semaphore_mem>>) src(%arg10 : memref<8x128xf32, #tpu.memory_space<vmem>>) dst(%dma_wait3A_1342 : memref<8x128xf32, #tpu.memory_space<hbm>>)
        %dma_wait3A_1343 = arith.constant 0 : i32
        %dma_wait3A_1344 = arith.constant 1 : i32
        %dma_wait3A_1345 = arith.constant 0 : i32
        %dma_wait3A_1346 = arith.constant 0 : i32
        %dma_wait3A_1347 = arith.constant 0 : i32
        %dma_wait3A_1348 = tpu.memref_slice %arg4[%dma_wait3A_1343, %dma_wait3A_1344, %dma_wait3A_1345, %dma_wait3A_1346, %dma_wait3A_1347] : memref<200x4x32x8x128xf32, #tpu.memory_space<hbm>> -> memref<1x1x1x8x128xf32, #tpu.memory_space<hbm>>
        %dma_wait3A_1349 = tpu.memref_squeeze %dma_wait3A_1348 : memref<1x1x1x8x128xf32, #tpu.memory_space<hbm>> -> memref<8x128xf32, #tpu.memory_space<hbm>>
        %dma_wait3A_1350 = arith.constant 0 : i32
        %dma_wait3A_1351 = arith.constant 0 : i32
        %dma_wait3A_1352 = tpu.memref_slice %arg4[%dma_wait3A_1343, %dma_wait3A_1344, %dma_wait3A_1345, %dma_wait3A_1350, %dma_wait3A_1351] : memref<200x4x32x8x128xf32, #tpu.memory_space<hbm>> -> memref<1x1x1x8x128xf32, #tpu.memory_space<hbm>>
        %dma_wait3A_1353 = tpu.memref_squeeze %dma_wait3A_1352 : memref<1x1x1x8x128xf32, #tpu.memory_space<hbm>> -> memref<8x128xf32, #tpu.memory_space<hbm>>
        tpu.wait_dma2 semaphore(%arg13 : memref<!tpu.dma_semaphore, #tpu.memory_space<semaphore_mem>>) src(%arg10 : memref<8x128xf32, #tpu.memory_space<vmem>>) dst(%dma_wait3A_1353 : memref<8x128xf32, #tpu.memory_space<hbm>>)
        %dma_wait3A_1354 = arith.constant 0 : i32
        %dma_wait3A_1355 = arith.constant 2 : i32
        %dma_wait3A_1356 = arith.constant 0 : i32
        %dma_wait3A_1357 = arith.constant 0 : i32
        %dma_wait3A_1358 = arith.constant 0 : i32
        %dma_wait3A_1359 = tpu.memref_slice %arg4[%dma_wait3A_1354, %dma_wait3A_1355, %dma_wait3A_1356, %dma_wait3A_1357, %dma_wait3A_1358] : memref<200x4x32x8x128xf32, #tpu.memory_space<hbm>> -> memref<1x1x1x8x128xf32, #tpu.memory_space<hbm>>
        %dma_wait3A_1360 = tpu.memref_squeeze %dma_wait3A_1359 : memref<1x1x1x8x128xf32, #tpu.memory_space<hbm>> -> memref<8x128xf32, #tpu.memory_space<hbm>>
        %dma_wait3A_1361 = arith.constant 0 : i32
        %dma_wait3A_1362 = arith.constant 0 : i32
        %dma_wait3A_1363 = tpu.memref_slice %arg4[%dma_wait3A_1354, %dma_wait3A_1355, %dma_wait3A_1356, %dma_wait3A_1361, %dma_wait3A_1362] : memref<200x4x32x8x128xf32, #tpu.memory_space<hbm>> -> memref<1x1x1x8x128xf32, #tpu.memory_space<hbm>>
        %dma_wait3A_1364 = tpu.memref_squeeze %dma_wait3A_1363 : memref<1x1x1x8x128xf32, #tpu.memory_space<hbm>> -> memref<8x128xf32, #tpu.memory_space<hbm>>
        tpu.wait_dma2 semaphore(%arg13 : memref<!tpu.dma_semaphore, #tpu.memory_space<semaphore_mem>>) src(%arg10 : memref<8x128xf32, #tpu.memory_space<vmem>>) dst(%dma_wait3A_1364 : memref<8x128xf32, #tpu.memory_space<hbm>>)
        %dma_wait3A_1365 = arith.constant 0 : i32
        %dma_wait3A_1366 = arith.constant 3 : i32
        %dma_wait3A_1367 = arith.constant 0 : i32
        %dma_wait3A_1368 = arith.constant 0 : i32
        %dma_wait3A_1369 = arith.constant 0 : i32
        %dma_wait3A_1370 = tpu.memref_slice %arg4[%dma_wait3A_1365, %dma_wait3A_1366, %dma_wait3A_1367, %dma_wait3A_1368, %dma_wait3A_1369] : memref<200x4x32x8x128xf32, #tpu.memory_space<hbm>> -> memref<1x1x1x8x128xf32, #tpu.memory_space<hbm>>
        %dma_wait3A_1371 = tpu.memref_squeeze %dma_wait3A_1370 : memref<1x1x1x8x128xf32, #tpu.memory_space<hbm>> -> memref<8x128xf32, #tpu.memory_space<hbm>>
        %dma_wait3A_1372 = arith.constant 0 : i32
        %dma_wait3A_1373 = arith.constant 0 : i32
        %dma_wait3A_1374 = tpu.memref_slice %arg4[%dma_wait3A_1365, %dma_wait3A_1366, %dma_wait3A_1367, %dma_wait3A_1372, %dma_wait3A_1373] : memref<200x4x32x8x128xf32, #tpu.memory_space<hbm>> -> memref<1x1x1x8x128xf32, #tpu.memory_space<hbm>>
        %dma_wait3A_1375 = tpu.memref_squeeze %dma_wait3A_1374 : memref<1x1x1x8x128xf32, #tpu.memory_space<hbm>> -> memref<8x128xf32, #tpu.memory_space<hbm>>
        tpu.wait_dma2 semaphore(%arg13 : memref<!tpu.dma_semaphore, #tpu.memory_space<semaphore_mem>>) src(%arg10 : memref<8x128xf32, #tpu.memory_space<vmem>>) dst(%dma_wait3A_1375 : memref<8x128xf32, #tpu.memory_space<hbm>>)
        %dma_wait3A_1376 = arith.constant 0 : i32
        %dma_wait3A_1377 = arith.constant 0 : i32
        %dma_wait3A_1378 = arith.constant 0 : i32
        %dma_wait3A_1379 = arith.constant 0 : i32
        %dma_wait3A_1380 = arith.constant 0 : i32
        %dma_wait3A_1381 = tpu.memref_slice %arg4[%dma_wait3A_1376, %dma_wait3A_1377, %dma_wait3A_1378, %dma_wait3A_1379, %dma_wait3A_1380] : memref<200x4x32x8x128xf32, #tpu.memory_space<hbm>> -> memref<1x1x1x8x128xf32, #tpu.memory_space<hbm>>
        %dma_wait3A_1382 = tpu.memref_squeeze %dma_wait3A_1381 : memref<1x1x1x8x128xf32, #tpu.memory_space<hbm>> -> memref<8x128xf32, #tpu.memory_space<hbm>>
        %dma_wait3A_1383 = arith.constant 0 : i32
        %dma_wait3A_1384 = arith.constant 0 : i32
        %dma_wait3A_1385 = tpu.memref_slice %arg4[%dma_wait3A_1376, %dma_wait3A_1377, %dma_wait3A_1378, %dma_wait3A_1383, %dma_wait3A_1384] : memref<200x4x32x8x128xf32, #tpu.memory_space<hbm>> -> memref<1x1x1x8x128xf32, #tpu.memory_space<hbm>>
        %dma_wait3A_1386 = tpu.memref_squeeze %dma_wait3A_1385 : memref<1x1x1x8x128xf32, #tpu.memory_space<hbm>> -> memref<8x128xf32, #tpu.memory_space<hbm>>
        tpu.wait_dma2 semaphore(%arg13 : memref<!tpu.dma_semaphore, #tpu.memory_space<semaphore_mem>>) src(%arg10 : memref<8x128xf32, #tpu.memory_space<vmem>>) dst(%dma_wait3A_1386 : memref<8x128xf32, #tpu.memory_space<hbm>>)
        %dma_wait3A_1387 = arith.constant 0 : i32
        %dma_wait3A_1388 = arith.constant 1 : i32
        %dma_wait3A_1389 = arith.constant 0 : i32
        %dma_wait3A_1390 = arith.constant 0 : i32
        %dma_wait3A_1391 = arith.constant 0 : i32
        %dma_wait3A_1392 = tpu.memref_slice %arg4[%dma_wait3A_1387, %dma_wait3A_1388, %dma_wait3A_1389, %dma_wait3A_1390, %dma_wait3A_1391] : memref<200x4x32x8x128xf32, #tpu.memory_space<hbm>> -> memref<1x1x1x8x128xf32, #tpu.memory_space<hbm>>
        %dma_wait3A_1393 = tpu.memref_squeeze %dma_wait3A_1392 : memref<1x1x1x8x128xf32, #tpu.memory_space<hbm>> -> memref<8x128xf32, #tpu.memory_space<hbm>>
        %dma_wait3A_1394 = arith.constant 0 : i32
        %dma_wait3A_1395 = arith.constant 0 : i32
        %dma_wait3A_1396 = tpu.memref_slice %arg4[%dma_wait3A_1387, %dma_wait3A_1388, %dma_wait3A_1389, %dma_wait3A_1394, %dma_wait3A_1395] : memref<200x4x32x8x128xf32, #tpu.memory_space<hbm>> -> memref<1x1x1x8x128xf32, #tpu.memory_space<hbm>>
        %dma_wait3A_1397 = tpu.memref_squeeze %dma_wait3A_1396 : memref<1x1x1x8x128xf32, #tpu.memory_space<hbm>> -> memref<8x128xf32, #tpu.memory_space<hbm>>
        tpu.wait_dma2 semaphore(%arg13 : memref<!tpu.dma_semaphore, #tpu.memory_space<semaphore_mem>>) src(%arg10 : memref<8x128xf32, #tpu.memory_space<vmem>>) dst(%dma_wait3A_1397 : memref<8x128xf32, #tpu.memory_space<hbm>>)
        %dma_wait3A_1398 = arith.constant 0 : i32
        %dma_wait3A_1399 = arith.constant 2 : i32
        %dma_wait3A_1400 = arith.constant 0 : i32
        %dma_wait3A_1401 = arith.constant 0 : i32
        %dma_wait3A_1402 = arith.constant 0 : i32
        %dma_wait3A_1403 = tpu.memref_slice %arg4[%dma_wait3A_1398, %dma_wait3A_1399, %dma_wait3A_1400, %dma_wait3A_1401, %dma_wait3A_1402] : memref<200x4x32x8x128xf32, #tpu.memory_space<hbm>> -> memref<1x1x1x8x128xf32, #tpu.memory_space<hbm>>
        %dma_wait3A_1404 = tpu.memref_squeeze %dma_wait3A_1403 : memref<1x1x1x8x128xf32, #tpu.memory_space<hbm>> -> memref<8x128xf32, #tpu.memory_space<hbm>>
        %dma_wait3A_1405 = arith.constant 0 : i32
        %dma_wait3A_1406 = arith.constant 0 : i32
        %dma_wait3A_1407 = tpu.memref_slice %arg4[%dma_wait3A_1398, %dma_wait3A_1399, %dma_wait3A_1400, %dma_wait3A_1405, %dma_wait3A_1406] : memref<200x4x32x8x128xf32, #tpu.memory_space<hbm>> -> memref<1x1x1x8x128xf32, #tpu.memory_space<hbm>>
        %dma_wait3A_1408 = tpu.memref_squeeze %dma_wait3A_1407 : memref<1x1x1x8x128xf32, #tpu.memory_space<hbm>> -> memref<8x128xf32, #tpu.memory_space<hbm>>
        tpu.wait_dma2 semaphore(%arg13 : memref<!tpu.dma_semaphore, #tpu.memory_space<semaphore_mem>>) src(%arg10 : memref<8x128xf32, #tpu.memory_space<vmem>>) dst(%dma_wait3A_1408 : memref<8x128xf32, #tpu.memory_space<hbm>>)
        %dma_wait3A_1409 = arith.constant 0 : i32
        %dma_wait3A_1410 = arith.constant 3 : i32
        %dma_wait3A_1411 = arith.constant 0 : i32
        %dma_wait3A_1412 = arith.constant 0 : i32
        %dma_wait3A_1413 = arith.constant 0 : i32
        %dma_wait3A_1414 = tpu.memref_slice %arg4[%dma_wait3A_1409, %dma_wait3A_1410, %dma_wait3A_1411, %dma_wait3A_1412, %dma_wait3A_1413] : memref<200x4x32x8x128xf32, #tpu.memory_space<hbm>> -> memref<1x1x1x8x128xf32, #tpu.memory_space<hbm>>
        %dma_wait3A_1415 = tpu.memref_squeeze %dma_wait3A_1414 : memref<1x1x1x8x128xf32, #tpu.memory_space<hbm>> -> memref<8x128xf32, #tpu.memory_space<hbm>>
        %dma_wait3A_1416 = arith.constant 0 : i32
        %dma_wait3A_1417 = arith.constant 0 : i32
        %dma_wait3A_1418 = tpu.memref_slice %arg4[%dma_wait3A_1409, %dma_wait3A_1410, %dma_wait3A_1411, %dma_wait3A_1416, %dma_wait3A_1417] : memref<200x4x32x8x128xf32, #tpu.memory_space<hbm>> -> memref<1x1x1x8x128xf32, #tpu.memory_space<hbm>>
        %dma_wait3A_1419 = tpu.memref_squeeze %dma_wait3A_1418 : memref<1x1x1x8x128xf32, #tpu.memory_space<hbm>> -> memref<8x128xf32, #tpu.memory_space<hbm>>
        tpu.wait_dma2 semaphore(%arg13 : memref<!tpu.dma_semaphore, #tpu.memory_space<semaphore_mem>>) src(%arg10 : memref<8x128xf32, #tpu.memory_space<vmem>>) dst(%dma_wait3A_1419 : memref<8x128xf32, #tpu.memory_space<hbm>>)
        %dma_wait3A_1420 = arith.constant 0 : i32
        %dma_wait3A_1421 = arith.constant 0 : i32
        %dma_wait3A_1422 = arith.constant 0 : i32
        %dma_wait3A_1423 = arith.constant 0 : i32
        %dma_wait3A_1424 = arith.constant 0 : i32
        %dma_wait3A_1425 = tpu.memref_slice %arg4[%dma_wait3A_1420, %dma_wait3A_1421, %dma_wait3A_1422, %dma_wait3A_1423, %dma_wait3A_1424] : memref<200x4x32x8x128xf32, #tpu.memory_space<hbm>> -> memref<1x1x1x8x128xf32, #tpu.memory_space<hbm>>
        %dma_wait3A_1426 = tpu.memref_squeeze %dma_wait3A_1425 : memref<1x1x1x8x128xf32, #tpu.memory_space<hbm>> -> memref<8x128xf32, #tpu.memory_space<hbm>>
        %dma_wait3A_1427 = arith.constant 0 : i32
        %dma_wait3A_1428 = arith.constant 0 : i32
        %dma_wait3A_1429 = tpu.memref_slice %arg4[%dma_wait3A_1420, %dma_wait3A_1421, %dma_wait3A_1422, %dma_wait3A_1427, %dma_wait3A_1428] : memref<200x4x32x8x128xf32, #tpu.memory_space<hbm>> -> memref<1x1x1x8x128xf32, #tpu.memory_space<hbm>>
        %dma_wait3A_1430 = tpu.memref_squeeze %dma_wait3A_1429 : memref<1x1x1x8x128xf32, #tpu.memory_space<hbm>> -> memref<8x128xf32, #tpu.memory_space<hbm>>
        tpu.wait_dma2 semaphore(%arg13 : memref<!tpu.dma_semaphore, #tpu.memory_space<semaphore_mem>>) src(%arg10 : memref<8x128xf32, #tpu.memory_space<vmem>>) dst(%dma_wait3A_1430 : memref<8x128xf32, #tpu.memory_space<hbm>>)
        %dma_wait3A_1431 = arith.constant 0 : i32
        %dma_wait3A_1432 = arith.constant 1 : i32
        %dma_wait3A_1433 = arith.constant 0 : i32
        %dma_wait3A_1434 = arith.constant 0 : i32
        %dma_wait3A_1435 = arith.constant 0 : i32
        %dma_wait3A_1436 = tpu.memref_slice %arg4[%dma_wait3A_1431, %dma_wait3A_1432, %dma_wait3A_1433, %dma_wait3A_1434, %dma_wait3A_1435] : memref<200x4x32x8x128xf32, #tpu.memory_space<hbm>> -> memref<1x1x1x8x128xf32, #tpu.memory_space<hbm>>
        %dma_wait3A_1437 = tpu.memref_squeeze %dma_wait3A_1436 : memref<1x1x1x8x128xf32, #tpu.memory_space<hbm>> -> memref<8x128xf32, #tpu.memory_space<hbm>>
        %dma_wait3A_1438 = arith.constant 0 : i32
        %dma_wait3A_1439 = arith.constant 0 : i32
        %dma_wait3A_1440 = tpu.memref_slice %arg4[%dma_wait3A_1431, %dma_wait3A_1432, %dma_wait3A_1433, %dma_wait3A_1438, %dma_wait3A_1439] : memref<200x4x32x8x128xf32, #tpu.memory_space<hbm>> -> memref<1x1x1x8x128xf32, #tpu.memory_space<hbm>>
        %dma_wait3A_1441 = tpu.memref_squeeze %dma_wait3A_1440 : memref<1x1x1x8x128xf32, #tpu.memory_space<hbm>> -> memref<8x128xf32, #tpu.memory_space<hbm>>
        tpu.wait_dma2 semaphore(%arg13 : memref<!tpu.dma_semaphore, #tpu.memory_space<semaphore_mem>>) src(%arg10 : memref<8x128xf32, #tpu.memory_space<vmem>>) dst(%dma_wait3A_1441 : memref<8x128xf32, #tpu.memory_space<hbm>>)
        %dma_wait3A_1442 = arith.constant 0 : i32
        %dma_wait3A_1443 = arith.constant 2 : i32
        %dma_wait3A_1444 = arith.constant 0 : i32
        %dma_wait3A_1445 = arith.constant 0 : i32
        %dma_wait3A_1446 = arith.constant 0 : i32
        %dma_wait3A_1447 = tpu.memref_slice %arg4[%dma_wait3A_1442, %dma_wait3A_1443, %dma_wait3A_1444, %dma_wait3A_1445, %dma_wait3A_1446] : memref<200x4x32x8x128xf32, #tpu.memory_space<hbm>> -> memref<1x1x1x8x128xf32, #tpu.memory_space<hbm>>
        %dma_wait3A_1448 = tpu.memref_squeeze %dma_wait3A_1447 : memref<1x1x1x8x128xf32, #tpu.memory_space<hbm>> -> memref<8x128xf32, #tpu.memory_space<hbm>>
        %dma_wait3A_1449 = arith.constant 0 : i32
        %dma_wait3A_1450 = arith.constant 0 : i32
        %dma_wait3A_1451 = tpu.memref_slice %arg4[%dma_wait3A_1442, %dma_wait3A_1443, %dma_wait3A_1444, %dma_wait3A_1449, %dma_wait3A_1450] : memref<200x4x32x8x128xf32, #tpu.memory_space<hbm>> -> memref<1x1x1x8x128xf32, #tpu.memory_space<hbm>>
        %dma_wait3A_1452 = tpu.memref_squeeze %dma_wait3A_1451 : memref<1x1x1x8x128xf32, #tpu.memory_space<hbm>> -> memref<8x128xf32, #tpu.memory_space<hbm>>
        tpu.wait_dma2 semaphore(%arg13 : memref<!tpu.dma_semaphore, #tpu.memory_space<semaphore_mem>>) src(%arg10 : memref<8x128xf32, #tpu.memory_space<vmem>>) dst(%dma_wait3A_1452 : memref<8x128xf32, #tpu.memory_space<hbm>>)
        %dma_wait3A_1453 = arith.constant 0 : i32
        %dma_wait3A_1454 = arith.constant 3 : i32
        %dma_wait3A_1455 = arith.constant 0 : i32
        %dma_wait3A_1456 = arith.constant 0 : i32
        %dma_wait3A_1457 = arith.constant 0 : i32
        %dma_wait3A_1458 = tpu.memref_slice %arg4[%dma_wait3A_1453, %dma_wait3A_1454, %dma_wait3A_1455, %dma_wait3A_1456, %dma_wait3A_1457] : memref<200x4x32x8x128xf32, #tpu.memory_space<hbm>> -> memref<1x1x1x8x128xf32, #tpu.memory_space<hbm>>
        %dma_wait3A_1459 = tpu.memref_squeeze %dma_wait3A_1458 : memref<1x1x1x8x128xf32, #tpu.memory_space<hbm>> -> memref<8x128xf32, #tpu.memory_space<hbm>>
        %dma_wait3A_1460 = arith.constant 0 : i32
        %dma_wait3A_1461 = arith.constant 0 : i32
        %dma_wait3A_1462 = tpu.memref_slice %arg4[%dma_wait3A_1453, %dma_wait3A_1454, %dma_wait3A_1455, %dma_wait3A_1460, %dma_wait3A_1461] : memref<200x4x32x8x128xf32, #tpu.memory_space<hbm>> -> memref<1x1x1x8x128xf32, #tpu.memory_space<hbm>>
        %dma_wait3A_1463 = tpu.memref_squeeze %dma_wait3A_1462 : memref<1x1x1x8x128xf32, #tpu.memory_space<hbm>> -> memref<8x128xf32, #tpu.memory_space<hbm>>
        tpu.wait_dma2 semaphore(%arg13 : memref<!tpu.dma_semaphore, #tpu.memory_space<semaphore_mem>>) src(%arg10 : memref<8x128xf32, #tpu.memory_space<vmem>>) dst(%dma_wait3A_1463 : memref<8x128xf32, #tpu.memory_space<hbm>>)
      } else {
      }
      %scan3A_577 = arith.constant 0 : i32
      %scan3A_578 = arith.constant 0 : i32
      %scan3A_579 = arith.constant 16 : i32
      %scan3A_580 = arith.addi %scan3A_578, %scan3A_579 : i32
      %scan3A_581 = arith.constant 1 : i32
      scf.for %scan3A_1288 = %scan3A_578 to %scan3A_580 step %scan3A_581  : i32 {
        %mul3A_1289 = arith.constant 8 : i32
        %mul3A_1290 = arith.muli %scan3A_1288, %mul3A_1289 : i32
        %broadcast_in_dim3A = vector.broadcast %mul3A_1290 : i32 to vector<16xi32>
        %add3A_1291 = arith.constant 0 : i32
        %add3A_1292 = arith.addi %add3A_1291, %mul3A_1290 : i32
        %add3A_1293 = arith.constant 0 : i32
        %add3A_1294 = arith.addi %add3A_1292, %add3A_1293 : i32
        %add3A_1295 = arith.addi %broadcast_in_dim3A, %add3A_32 : vector<16xi32>
        %get3A = arith.index_cast %add3A_1294 : i32 to index
        %get3A_1296 = arith.constant 0 : index
        %get3A_1297 = tpu.vector_load %arg6[%get3A, %get3A_1296] {strides = array<i32>} : memref<512x32xf32, #tpu.memory_space<vmem>>, vector<16xf32>,
        %get3A_1298 = arith.index_cast %add3A_1294 : i32 to index
        %get3A_1299 = arith.constant 16 : index
        %get3A_1300 = tpu.vector_load %arg6[%get3A_1298, %get3A_1299] {strides = array<i32>} : memref<512x32xf32, #tpu.memory_space<vmem>>, vector<16xf32>,
        tpu.vector_store_idx %arg8[%add3A_5, %add3A_1295], %get3A_1297 : memref<128x129xf32, #tpu.memory_space<vmem>>[vector<16xi32>, vector<16xi32>], vector<16xf32>,
        tpu.vector_store_idx %arg8[%add3A_17, %add3A_1295], %get3A_1300 : memref<128x129xf32, #tpu.memory_space<vmem>>[vector<16xi32>, vector<16xi32>], vector<16xf32>,
        %add3A_1301 = arith.constant 0 : i32
        %add3A_1302 = arith.addi %add3A_1301, %mul3A_1290 : i32
        %add3A_1303 = arith.constant 1 : i32
        %add3A_1304 = arith.addi %add3A_1302, %add3A_1303 : i32
        %add3A_1305 = arith.addi %broadcast_in_dim3A, %add3A_38 : vector<16xi32>
        %get3A_1306 = arith.index_cast %add3A_1304 : i32 to index
        %get3A_1307 = arith.constant 0 : index
        %get3A_1308 = tpu.vector_load %arg6[%get3A_1306, %get3A_1307] {strides = array<i32>} : memref<512x32xf32, #tpu.memory_space<vmem>>, vector<16xf32>,
        %get3A_1309 = arith.index_cast %add3A_1304 : i32 to index
        %get3A_1310 = arith.constant 16 : index
        %get3A_1311 = tpu.vector_load %arg6[%get3A_1309, %get3A_1310] {strides = array<i32>} : memref<512x32xf32, #tpu.memory_space<vmem>>, vector<16xf32>,
        tpu.vector_store_idx %arg8[%add3A_5, %add3A_1305], %get3A_1308 : memref<128x129xf32, #tpu.memory_space<vmem>>[vector<16xi32>, vector<16xi32>], vector<16xf32>,
        tpu.vector_store_idx %arg8[%add3A_17, %add3A_1305], %get3A_1311 : memref<128x129xf32, #tpu.memory_space<vmem>>[vector<16xi32>, vector<16xi32>], vector<16xf32>,
        %add3A_1312 = arith.constant 0 : i32
        %add3A_1313 = arith.addi %add3A_1312, %mul3A_1290 : i32
        %add3A_1314 = arith.constant 2 : i32
        %add3A_1315 = arith.addi %add3A_1313, %add3A_1314 : i32
        %add3A_1316 = arith.addi %broadcast_in_dim3A, %add3A_44 : vector<16xi32>
        %get3A_1317 = arith.index_cast %add3A_1315 : i32 to index
        %get3A_1318 = arith.constant 0 : index
        %get3A_1319 = tpu.vector_load %arg6[%get3A_1317, %get3A_1318] {strides = array<i32>} : memref<512x32xf32, #tpu.memory_space<vmem>>, vector<16xf32>,
        %get3A_1320 = arith.index_cast %add3A_1315 : i32 to index
        %get3A_1321 = arith.constant 16 : index
        %get3A_1322 = tpu.vector_load %arg6[%get3A_1320, %get3A_1321] {strides = array<i32>} : memref<512x32xf32, #tpu.memory_space<vmem>>, vector<16xf32>,
        tpu.vector_store_idx %arg8[%add3A_5, %add3A_1316], %get3A_1319 : memref<128x129xf32, #tpu.memory_space<vmem>>[vector<16xi32>, vector<16xi32>], vector<16xf32>,
        tpu.vector_store_idx %arg8[%add3A_17, %add3A_1316], %get3A_1322 : memref<128x129xf32, #tpu.memory_space<vmem>>[vector<16xi32>, vector<16xi32>], vector<16xf32>,
        %add3A_1323 = arith.constant 0 : i32
        %add3A_1324 = arith.addi %add3A_1323, %mul3A_1290 : i32
        %add3A_1325 = arith.constant 3 : i32
        %add3A_1326 = arith.addi %add3A_1324, %add3A_1325 : i32
        %add3A_1327 = arith.addi %broadcast_in_dim3A, %add3A_50 : vector<16xi32>
        %get3A_1328 = arith.index_cast %add3A_1326 : i32 to index
        %get3A_1329 = arith.constant 0 : index
        %get3A_1330 = tpu.vector_load %arg6[%get3A_1328, %get3A_1329] {strides = array<i32>} : memref<512x32xf32, #tpu.memory_space<vmem>>, vector<16xf32>,
        %get3A_1331 = arith.index_cast %add3A_1326 : i32 to index
        %get3A_1332 = arith.constant 16 : index
        %get3A_1333 = tpu.vector_load %arg6[%get3A_1331, %get3A_1332] {strides = array<i32>} : memref<512x32xf32, #tpu.memory_space<vmem>>, vector<16xf32>,
        tpu.vector_store_idx %arg8[%add3A_5, %add3A_1327], %get3A_1330 : memref<128x129xf32, #tpu.memory_space<vmem>>[vector<16xi32>, vector<16xi32>], vector<16xf32>,
        tpu.vector_store_idx %arg8[%add3A_17, %add3A_1327], %get3A_1333 : memref<128x129xf32, #tpu.memory_space<vmem>>[vector<16xi32>, vector<16xi32>], vector<16xf32>,
        %add3A_1334 = arith.constant 0 : i32
        %add3A_1335 = arith.addi %add3A_1334, %mul3A_1290 : i32
        %add3A_1336 = arith.constant 4 : i32
        %add3A_1337 = arith.addi %add3A_1335, %add3A_1336 : i32
        %add3A_1338 = arith.addi %broadcast_in_dim3A, %add3A_56 : vector<16xi32>
        %get3A_1339 = arith.index_cast %add3A_1337 : i32 to index
        %get3A_1340 = arith.constant 0 : index
        %get3A_1341 = tpu.vector_load %arg6[%get3A_1339, %get3A_1340] {strides = array<i32>} : memref<512x32xf32, #tpu.memory_space<vmem>>, vector<16xf32>,
        %get3A_1342 = arith.index_cast %add3A_1337 : i32 to index
        %get3A_1343 = arith.constant 16 : index
        %get3A_1344 = tpu.vector_load %arg6[%get3A_1342, %get3A_1343] {strides = array<i32>} : memref<512x32xf32, #tpu.memory_space<vmem>>, vector<16xf32>,
        tpu.vector_store_idx %arg8[%add3A_5, %add3A_1338], %get3A_1341 : memref<128x129xf32, #tpu.memory_space<vmem>>[vector<16xi32>, vector<16xi32>], vector<16xf32>,
        tpu.vector_store_idx %arg8[%add3A_17, %add3A_1338], %get3A_1344 : memref<128x129xf32, #tpu.memory_space<vmem>>[vector<16xi32>, vector<16xi32>], vector<16xf32>,
        %add3A_1345 = arith.constant 0 : i32
        %add3A_1346 = arith.addi %add3A_1345, %mul3A_1290 : i32
        %add3A_1347 = arith.constant 5 : i32
        %add3A_1348 = arith.addi %add3A_1346, %add3A_1347 : i32
        %add3A_1349 = arith.addi %broadcast_in_dim3A, %add3A_62 : vector<16xi32>
        %get3A_1350 = arith.index_cast %add3A_1348 : i32 to index
        %get3A_1351 = arith.constant 0 : index
        %get3A_1352 = tpu.vector_load %arg6[%get3A_1350, %get3A_1351] {strides = array<i32>} : memref<512x32xf32, #tpu.memory_space<vmem>>, vector<16xf32>,
        %get3A_1353 = arith.index_cast %add3A_1348 : i32 to index
        %get3A_1354 = arith.constant 16 : index
        %get3A_1355 = tpu.vector_load %arg6[%get3A_1353, %get3A_1354] {strides = array<i32>} : memref<512x32xf32, #tpu.memory_space<vmem>>, vector<16xf32>,
        tpu.vector_store_idx %arg8[%add3A_5, %add3A_1349], %get3A_1352 : memref<128x129xf32, #tpu.memory_space<vmem>>[vector<16xi32>, vector<16xi32>], vector<16xf32>,
        tpu.vector_store_idx %arg8[%add3A_17, %add3A_1349], %get3A_1355 : memref<128x129xf32, #tpu.memory_space<vmem>>[vector<16xi32>, vector<16xi32>], vector<16xf32>,
        %add3A_1356 = arith.constant 0 : i32
        %add3A_1357 = arith.addi %add3A_1356, %mul3A_1290 : i32
        %add3A_1358 = arith.constant 6 : i32
        %add3A_1359 = arith.addi %add3A_1357, %add3A_1358 : i32
        %add3A_1360 = arith.addi %broadcast_in_dim3A, %add3A_68 : vector<16xi32>
        %get3A_1361 = arith.index_cast %add3A_1359 : i32 to index
        %get3A_1362 = arith.constant 0 : index
        %get3A_1363 = tpu.vector_load %arg6[%get3A_1361, %get3A_1362] {strides = array<i32>} : memref<512x32xf32, #tpu.memory_space<vmem>>, vector<16xf32>,
        %get3A_1364 = arith.index_cast %add3A_1359 : i32 to index
        %get3A_1365 = arith.constant 16 : index
        %get3A_1366 = tpu.vector_load %arg6[%get3A_1364, %get3A_1365] {strides = array<i32>} : memref<512x32xf32, #tpu.memory_space<vmem>>, vector<16xf32>,
        tpu.vector_store_idx %arg8[%add3A_5, %add3A_1360], %get3A_1363 : memref<128x129xf32, #tpu.memory_space<vmem>>[vector<16xi32>, vector<16xi32>], vector<16xf32>,
        tpu.vector_store_idx %arg8[%add3A_17, %add3A_1360], %get3A_1366 : memref<128x129xf32, #tpu.memory_space<vmem>>[vector<16xi32>, vector<16xi32>], vector<16xf32>,
        %add3A_1367 = arith.constant 0 : i32
        %add3A_1368 = arith.addi %add3A_1367, %mul3A_1290 : i32
        %add3A_1369 = arith.constant 7 : i32
        %add3A_1370 = arith.addi %add3A_1368, %add3A_1369 : i32
        %add3A_1371 = arith.addi %broadcast_in_dim3A, %add3A_74 : vector<16xi32>
        %get3A_1372 = arith.index_cast %add3A_1370 : i32 to index
        %get3A_1373 = arith.constant 0 : index
        %get3A_1374 = tpu.vector_load %arg6[%get3A_1372, %get3A_1373] {strides = array<i32>} : memref<512x32xf32, #tpu.memory_space<vmem>>, vector<16xf32>,
        %get3A_1375 = arith.index_cast %add3A_1370 : i32 to index
        %get3A_1376 = arith.constant 16 : index
        %get3A_1377 = tpu.vector_load %arg6[%get3A_1375, %get3A_1376] {strides = array<i32>} : memref<512x32xf32, #tpu.memory_space<vmem>>, vector<16xf32>,
        tpu.vector_store_idx %arg8[%add3A_5, %add3A_1371], %get3A_1374 : memref<128x129xf32, #tpu.memory_space<vmem>>[vector<16xi32>, vector<16xi32>], vector<16xf32>,
        tpu.vector_store_idx %arg8[%add3A_17, %add3A_1371], %get3A_1377 : memref<128x129xf32, #tpu.memory_space<vmem>>[vector<16xi32>, vector<16xi32>], vector<16xf32>,
      }
      %scan3A_582 = arith.constant 16 : i32
      %scan3A_583 = arith.constant 0 : i32
      %scan3A_584 = arith.constant 0 : i32
      %scan3A_585 = arith.constant 16 : i32
      %scan3A_586 = arith.addi %scan3A_584, %scan3A_585 : i32
      %scan3A_587 = arith.constant 1 : i32
      scf.for %scan3A_1288 = %scan3A_584 to %scan3A_586 step %scan3A_587  : i32 {
        %mul3A_1289 = arith.constant 8 : i32
        %mul3A_1290 = arith.muli %scan3A_1288, %mul3A_1289 : i32
        %broadcast_in_dim3A = vector.broadcast %mul3A_1290 : i32 to vector<16xi32>
        %add3A_1291 = arith.constant 128 : i32
        %add3A_1292 = arith.addi %add3A_1291, %mul3A_1290 : i32
        %add3A_1293 = arith.constant 0 : i32
        %add3A_1294 = arith.addi %add3A_1292, %add3A_1293 : i32
        %add3A_1295 = arith.addi %broadcast_in_dim3A, %add3A_32 : vector<16xi32>
        %get3A = arith.index_cast %add3A_1294 : i32 to index
        %get3A_1296 = arith.constant 0 : index
        %get3A_1297 = tpu.vector_load %arg6[%get3A, %get3A_1296] {strides = array<i32>} : memref<512x32xf32, #tpu.memory_space<vmem>>, vector<16xf32>,
        %get3A_1298 = arith.index_cast %add3A_1294 : i32 to index
        %get3A_1299 = arith.constant 16 : index
        %get3A_1300 = tpu.vector_load %arg6[%get3A_1298, %get3A_1299] {strides = array<i32>} : memref<512x32xf32, #tpu.memory_space<vmem>>, vector<16xf32>,
        tpu.vector_store_idx %arg8[%add3A_8, %add3A_1295], %get3A_1297 : memref<128x129xf32, #tpu.memory_space<vmem>>[vector<16xi32>, vector<16xi32>], vector<16xf32>,
        tpu.vector_store_idx %arg8[%add3A_20, %add3A_1295], %get3A_1300 : memref<128x129xf32, #tpu.memory_space<vmem>>[vector<16xi32>, vector<16xi32>], vector<16xf32>,
        %add3A_1301 = arith.constant 128 : i32
        %add3A_1302 = arith.addi %add3A_1301, %mul3A_1290 : i32
        %add3A_1303 = arith.constant 1 : i32
        %add3A_1304 = arith.addi %add3A_1302, %add3A_1303 : i32
        %add3A_1305 = arith.addi %broadcast_in_dim3A, %add3A_38 : vector<16xi32>
        %get3A_1306 = arith.index_cast %add3A_1304 : i32 to index
        %get3A_1307 = arith.constant 0 : index
        %get3A_1308 = tpu.vector_load %arg6[%get3A_1306, %get3A_1307] {strides = array<i32>} : memref<512x32xf32, #tpu.memory_space<vmem>>, vector<16xf32>,
        %get3A_1309 = arith.index_cast %add3A_1304 : i32 to index
        %get3A_1310 = arith.constant 16 : index
        %get3A_1311 = tpu.vector_load %arg6[%get3A_1309, %get3A_1310] {strides = array<i32>} : memref<512x32xf32, #tpu.memory_space<vmem>>, vector<16xf32>,
        tpu.vector_store_idx %arg8[%add3A_8, %add3A_1305], %get3A_1308 : memref<128x129xf32, #tpu.memory_space<vmem>>[vector<16xi32>, vector<16xi32>], vector<16xf32>,
        tpu.vector_store_idx %arg8[%add3A_20, %add3A_1305], %get3A_1311 : memref<128x129xf32, #tpu.memory_space<vmem>>[vector<16xi32>, vector<16xi32>], vector<16xf32>,
        %add3A_1312 = arith.constant 128 : i32
        %add3A_1313 = arith.addi %add3A_1312, %mul3A_1290 : i32
        %add3A_1314 = arith.constant 2 : i32
        %add3A_1315 = arith.addi %add3A_1313, %add3A_1314 : i32
        %add3A_1316 = arith.addi %broadcast_in_dim3A, %add3A_44 : vector<16xi32>
        %get3A_1317 = arith.index_cast %add3A_1315 : i32 to index
        %get3A_1318 = arith.constant 0 : index
        %get3A_1319 = tpu.vector_load %arg6[%get3A_1317, %get3A_1318] {strides = array<i32>} : memref<512x32xf32, #tpu.memory_space<vmem>>, vector<16xf32>,
        %get3A_1320 = arith.index_cast %add3A_1315 : i32 to index
        %get3A_1321 = arith.constant 16 : index
        %get3A_1322 = tpu.vector_load %arg6[%get3A_1320, %get3A_1321] {strides = array<i32>} : memref<512x32xf32, #tpu.memory_space<vmem>>, vector<16xf32>,
        tpu.vector_store_idx %arg8[%add3A_8, %add3A_1316], %get3A_1319 : memref<128x129xf32, #tpu.memory_space<vmem>>[vector<16xi32>, vector<16xi32>], vector<16xf32>,
        tpu.vector_store_idx %arg8[%add3A_20, %add3A_1316], %get3A_1322 : memref<128x129xf32, #tpu.memory_space<vmem>>[vector<16xi32>, vector<16xi32>], vector<16xf32>,
        %add3A_1323 = arith.constant 128 : i32
        %add3A_1324 = arith.addi %add3A_1323, %mul3A_1290 : i32
        %add3A_1325 = arith.constant 3 : i32
        %add3A_1326 = arith.addi %add3A_1324, %add3A_1325 : i32
        %add3A_1327 = arith.addi %broadcast_in_dim3A, %add3A_50 : vector<16xi32>
        %get3A_1328 = arith.index_cast %add3A_1326 : i32 to index
        %get3A_1329 = arith.constant 0 : index
        %get3A_1330 = tpu.vector_load %arg6[%get3A_1328, %get3A_1329] {strides = array<i32>} : memref<512x32xf32, #tpu.memory_space<vmem>>, vector<16xf32>,
        %get3A_1331 = arith.index_cast %add3A_1326 : i32 to index
        %get3A_1332 = arith.constant 16 : index
        %get3A_1333 = tpu.vector_load %arg6[%get3A_1331, %get3A_1332] {strides = array<i32>} : memref<512x32xf32, #tpu.memory_space<vmem>>, vector<16xf32>,
        tpu.vector_store_idx %arg8[%add3A_8, %add3A_1327], %get3A_1330 : memref<128x129xf32, #tpu.memory_space<vmem>>[vector<16xi32>, vector<16xi32>], vector<16xf32>,
        tpu.vector_store_idx %arg8[%add3A_20, %add3A_1327], %get3A_1333 : memref<128x129xf32, #tpu.memory_space<vmem>>[vector<16xi32>, vector<16xi32>], vector<16xf32>,
        %add3A_1334 = arith.constant 128 : i32
        %add3A_1335 = arith.addi %add3A_1334, %mul3A_1290 : i32
        %add3A_1336 = arith.constant 4 : i32
        %add3A_1337 = arith.addi %add3A_1335, %add3A_1336 : i32
        %add3A_1338 = arith.addi %broadcast_in_dim3A, %add3A_56 : vector<16xi32>
        %get3A_1339 = arith.index_cast %add3A_1337 : i32 to index
        %get3A_1340 = arith.constant 0 : index
        %get3A_1341 = tpu.vector_load %arg6[%get3A_1339, %get3A_1340] {strides = array<i32>} : memref<512x32xf32, #tpu.memory_space<vmem>>, vector<16xf32>,
        %get3A_1342 = arith.index_cast %add3A_1337 : i32 to index
        %get3A_1343 = arith.constant 16 : index
        %get3A_1344 = tpu.vector_load %arg6[%get3A_1342, %get3A_1343] {strides = array<i32>} : memref<512x32xf32, #tpu.memory_space<vmem>>, vector<16xf32>,
        tpu.vector_store_idx %arg8[%add3A_8, %add3A_1338], %get3A_1341 : memref<128x129xf32, #tpu.memory_space<vmem>>[vector<16xi32>, vector<16xi32>], vector<16xf32>,
        tpu.vector_store_idx %arg8[%add3A_20, %add3A_1338], %get3A_1344 : memref<128x129xf32, #tpu.memory_space<vmem>>[vector<16xi32>, vector<16xi32>], vector<16xf32>,
        %add3A_1345 = arith.constant 128 : i32
        %add3A_1346 = arith.addi %add3A_1345, %mul3A_1290 : i32
        %add3A_1347 = arith.constant 5 : i32
        %add3A_1348 = arith.addi %add3A_1346, %add3A_1347 : i32
        %add3A_1349 = arith.addi %broadcast_in_dim3A, %add3A_62 : vector<16xi32>
        %get3A_1350 = arith.index_cast %add3A_1348 : i32 to index
        %get3A_1351 = arith.constant 0 : index
        %get3A_1352 = tpu.vector_load %arg6[%get3A_1350, %get3A_1351] {strides = array<i32>} : memref<512x32xf32, #tpu.memory_space<vmem>>, vector<16xf32>,
        %get3A_1353 = arith.index_cast %add3A_1348 : i32 to index
        %get3A_1354 = arith.constant 16 : index
        %get3A_1355 = tpu.vector_load %arg6[%get3A_1353, %get3A_1354] {strides = array<i32>} : memref<512x32xf32, #tpu.memory_space<vmem>>, vector<16xf32>,
        tpu.vector_store_idx %arg8[%add3A_8, %add3A_1349], %get3A_1352 : memref<128x129xf32, #tpu.memory_space<vmem>>[vector<16xi32>, vector<16xi32>], vector<16xf32>,
        tpu.vector_store_idx %arg8[%add3A_20, %add3A_1349], %get3A_1355 : memref<128x129xf32, #tpu.memory_space<vmem>>[vector<16xi32>, vector<16xi32>], vector<16xf32>,
        %add3A_1356 = arith.constant 128 : i32
        %add3A_1357 = arith.addi %add3A_1356, %mul3A_1290 : i32
        %add3A_1358 = arith.constant 6 : i32
        %add3A_1359 = arith.addi %add3A_1357, %add3A_1358 : i32
        %add3A_1360 = arith.addi %broadcast_in_dim3A, %add3A_68 : vector<16xi32>
        %get3A_1361 = arith.index_cast %add3A_1359 : i32 to index
        %get3A_1362 = arith.constant 0 : index
        %get3A_1363 = tpu.vector_load %arg6[%get3A_1361, %get3A_1362] {strides = array<i32>} : memref<512x32xf32, #tpu.memory_space<vmem>>, vector<16xf32>,
        %get3A_1364 = arith.index_cast %add3A_1359 : i32 to index
        %get3A_1365 = arith.constant 16 : index
        %get3A_1366 = tpu.vector_load %arg6[%get3A_1364, %get3A_1365] {strides = array<i32>} : memref<512x32xf32, #tpu.memory_space<vmem>>, vector<16xf32>,
        tpu.vector_store_idx %arg8[%add3A_8, %add3A_1360], %get3A_1363 : memref<128x129xf32, #tpu.memory_space<vmem>>[vector<16xi32>, vector<16xi32>], vector<16xf32>,
        tpu.vector_store_idx %arg8[%add3A_20, %add3A_1360], %get3A_1366 : memref<128x129xf32, #tpu.memory_space<vmem>>[vector<16xi32>, vector<16xi32>], vector<16xf32>,
        %add3A_1367 = arith.constant 128 : i32
        %add3A_1368 = arith.addi %add3A_1367, %mul3A_1290 : i32
        %add3A_1369 = arith.constant 7 : i32
        %add3A_1370 = arith.addi %add3A_1368, %add3A_1369 : i32
        %add3A_1371 = arith.addi %broadcast_in_dim3A, %add3A_74 : vector<16xi32>
        %get3A_1372 = arith.index_cast %add3A_1370 : i32 to index
        %get3A_1373 = arith.constant 0 : index
        %get3A_1374 = tpu.vector_load %arg6[%get3A_1372, %get3A_1373] {strides = array<i32>} : memref<512x32xf32, #tpu.memory_space<vmem>>, vector<16xf32>,
        %get3A_1375 = arith.index_cast %add3A_1370 : i32 to index
        %get3A_1376 = arith.constant 16 : index
        %get3A_1377 = tpu.vector_load %arg6[%get3A_1375, %get3A_1376] {strides = array<i32>} : memref<512x32xf32, #tpu.memory_space<vmem>>, vector<16xf32>,
        tpu.vector_store_idx %arg8[%add3A_8, %add3A_1371], %get3A_1374 : memref<128x129xf32, #tpu.memory_space<vmem>>[vector<16xi32>, vector<16xi32>], vector<16xf32>,
        tpu.vector_store_idx %arg8[%add3A_20, %add3A_1371], %get3A_1377 : memref<128x129xf32, #tpu.memory_space<vmem>>[vector<16xi32>, vector<16xi32>], vector<16xf32>,
      }
      %scan3A_588 = arith.constant 16 : i32
      %scan3A_589 = arith.constant 0 : i32
      %scan3A_590 = arith.constant 0 : i32
      %scan3A_591 = arith.constant 16 : i32
      %scan3A_592 = arith.addi %scan3A_590, %scan3A_591 : i32
      %scan3A_593 = arith.constant 1 : i32
      scf.for %scan3A_1288 = %scan3A_590 to %scan3A_592 step %scan3A_593  : i32 {
        %mul3A_1289 = arith.constant 8 : i32
        %mul3A_1290 = arith.muli %scan3A_1288, %mul3A_1289 : i32
        %broadcast_in_dim3A = vector.broadcast %mul3A_1290 : i32 to vector<16xi32>
        %add3A_1291 = arith.constant 256 : i32
        %add3A_1292 = arith.addi %add3A_1291, %mul3A_1290 : i32
        %add3A_1293 = arith.constant 0 : i32
        %add3A_1294 = arith.addi %add3A_1292, %add3A_1293 : i32
        %add3A_1295 = arith.addi %broadcast_in_dim3A, %add3A_32 : vector<16xi32>
        %get3A = arith.index_cast %add3A_1294 : i32 to index
        %get3A_1296 = arith.constant 0 : index
        %get3A_1297 = tpu.vector_load %arg6[%get3A, %get3A_1296] {strides = array<i32>} : memref<512x32xf32, #tpu.memory_space<vmem>>, vector<16xf32>,
        %get3A_1298 = arith.index_cast %add3A_1294 : i32 to index
        %get3A_1299 = arith.constant 16 : index
        %get3A_1300 = tpu.vector_load %arg6[%get3A_1298, %get3A_1299] {strides = array<i32>} : memref<512x32xf32, #tpu.memory_space<vmem>>, vector<16xf32>,
        tpu.vector_store_idx %arg8[%add3A_11, %add3A_1295], %get3A_1297 : memref<128x129xf32, #tpu.memory_space<vmem>>[vector<16xi32>, vector<16xi32>], vector<16xf32>,
        tpu.vector_store_idx %arg8[%add3A_23, %add3A_1295], %get3A_1300 : memref<128x129xf32, #tpu.memory_space<vmem>>[vector<16xi32>, vector<16xi32>], vector<16xf32>,
        %add3A_1301 = arith.constant 256 : i32
        %add3A_1302 = arith.addi %add3A_1301, %mul3A_1290 : i32
        %add3A_1303 = arith.constant 1 : i32
        %add3A_1304 = arith.addi %add3A_1302, %add3A_1303 : i32
        %add3A_1305 = arith.addi %broadcast_in_dim3A, %add3A_38 : vector<16xi32>
        %get3A_1306 = arith.index_cast %add3A_1304 : i32 to index
        %get3A_1307 = arith.constant 0 : index
        %get3A_1308 = tpu.vector_load %arg6[%get3A_1306, %get3A_1307] {strides = array<i32>} : memref<512x32xf32, #tpu.memory_space<vmem>>, vector<16xf32>,
        %get3A_1309 = arith.index_cast %add3A_1304 : i32 to index
        %get3A_1310 = arith.constant 16 : index
        %get3A_1311 = tpu.vector_load %arg6[%get3A_1309, %get3A_1310] {strides = array<i32>} : memref<512x32xf32, #tpu.memory_space<vmem>>, vector<16xf32>,
        tpu.vector_store_idx %arg8[%add3A_11, %add3A_1305], %get3A_1308 : memref<128x129xf32, #tpu.memory_space<vmem>>[vector<16xi32>, vector<16xi32>], vector<16xf32>,
        tpu.vector_store_idx %arg8[%add3A_23, %add3A_1305], %get3A_1311 : memref<128x129xf32, #tpu.memory_space<vmem>>[vector<16xi32>, vector<16xi32>], vector<16xf32>,
        %add3A_1312 = arith.constant 256 : i32
        %add3A_1313 = arith.addi %add3A_1312, %mul3A_1290 : i32
        %add3A_1314 = arith.constant 2 : i32
        %add3A_1315 = arith.addi %add3A_1313, %add3A_1314 : i32
        %add3A_1316 = arith.addi %broadcast_in_dim3A, %add3A_44 : vector<16xi32>
        %get3A_1317 = arith.index_cast %add3A_1315 : i32 to index
        %get3A_1318 = arith.constant 0 : index
        %get3A_1319 = tpu.vector_load %arg6[%get3A_1317, %get3A_1318] {strides = array<i32>} : memref<512x32xf32, #tpu.memory_space<vmem>>, vector<16xf32>,
        %get3A_1320 = arith.index_cast %add3A_1315 : i32 to index
        %get3A_1321 = arith.constant 16 : index
        %get3A_1322 = tpu.vector_load %arg6[%get3A_1320, %get3A_1321] {strides = array<i32>} : memref<512x32xf32, #tpu.memory_space<vmem>>, vector<16xf32>,
        tpu.vector_store_idx %arg8[%add3A_11, %add3A_1316], %get3A_1319 : memref<128x129xf32, #tpu.memory_space<vmem>>[vector<16xi32>, vector<16xi32>], vector<16xf32>,
        tpu.vector_store_idx %arg8[%add3A_23, %add3A_1316], %get3A_1322 : memref<128x129xf32, #tpu.memory_space<vmem>>[vector<16xi32>, vector<16xi32>], vector<16xf32>,
        %add3A_1323 = arith.constant 256 : i32
        %add3A_1324 = arith.addi %add3A_1323, %mul3A_1290 : i32
        %add3A_1325 = arith.constant 3 : i32
        %add3A_1326 = arith.addi %add3A_1324, %add3A_1325 : i32
        %add3A_1327 = arith.addi %broadcast_in_dim3A, %add3A_50 : vector<16xi32>
        %get3A_1328 = arith.index_cast %add3A_1326 : i32 to index
        %get3A_1329 = arith.constant 0 : index
        %get3A_1330 = tpu.vector_load %arg6[%get3A_1328, %get3A_1329] {strides = array<i32>} : memref<512x32xf32, #tpu.memory_space<vmem>>, vector<16xf32>,
        %get3A_1331 = arith.index_cast %add3A_1326 : i32 to index
        %get3A_1332 = arith.constant 16 : index
        %get3A_1333 = tpu.vector_load %arg6[%get3A_1331, %get3A_1332] {strides = array<i32>} : memref<512x32xf32, #tpu.memory_space<vmem>>, vector<16xf32>,
        tpu.vector_store_idx %arg8[%add3A_11, %add3A_1327], %get3A_1330 : memref<128x129xf32, #tpu.memory_space<vmem>>[vector<16xi32>, vector<16xi32>], vector<16xf32>,
        tpu.vector_store_idx %arg8[%add3A_23, %add3A_1327], %get3A_1333 : memref<128x129xf32, #tpu.memory_space<vmem>>[vector<16xi32>, vector<16xi32>], vector<16xf32>,
        %add3A_1334 = arith.constant 256 : i32
        %add3A_1335 = arith.addi %add3A_1334, %mul3A_1290 : i32
        %add3A_1336 = arith.constant 4 : i32
        %add3A_1337 = arith.addi %add3A_1335, %add3A_1336 : i32
        %add3A_1338 = arith.addi %broadcast_in_dim3A, %add3A_56 : vector<16xi32>
        %get3A_1339 = arith.index_cast %add3A_1337 : i32 to index
        %get3A_1340 = arith.constant 0 : index
        %get3A_1341 = tpu.vector_load %arg6[%get3A_1339, %get3A_1340] {strides = array<i32>} : memref<512x32xf32, #tpu.memory_space<vmem>>, vector<16xf32>,
        %get3A_1342 = arith.index_cast %add3A_1337 : i32 to index
        %get3A_1343 = arith.constant 16 : index
        %get3A_1344 = tpu.vector_load %arg6[%get3A_1342, %get3A_1343] {strides = array<i32>} : memref<512x32xf32, #tpu.memory_space<vmem>>, vector<16xf32>,
        tpu.vector_store_idx %arg8[%add3A_11, %add3A_1338], %get3A_1341 : memref<128x129xf32, #tpu.memory_space<vmem>>[vector<16xi32>, vector<16xi32>], vector<16xf32>,
        tpu.vector_store_idx %arg8[%add3A_23, %add3A_1338], %get3A_1344 : memref<128x129xf32, #tpu.memory_space<vmem>>[vector<16xi32>, vector<16xi32>], vector<16xf32>,
        %add3A_1345 = arith.constant 256 : i32
        %add3A_1346 = arith.addi %add3A_1345, %mul3A_1290 : i32
        %add3A_1347 = arith.constant 5 : i32
        %add3A_1348 = arith.addi %add3A_1346, %add3A_1347 : i32
        %add3A_1349 = arith.addi %broadcast_in_dim3A, %add3A_62 : vector<16xi32>
        %get3A_1350 = arith.index_cast %add3A_1348 : i32 to index
        %get3A_1351 = arith.constant 0 : index
        %get3A_1352 = tpu.vector_load %arg6[%get3A_1350, %get3A_1351] {strides = array<i32>} : memref<512x32xf32, #tpu.memory_space<vmem>>, vector<16xf32>,
        %get3A_1353 = arith.index_cast %add3A_1348 : i32 to index
        %get3A_1354 = arith.constant 16 : index
        %get3A_1355 = tpu.vector_load %arg6[%get3A_1353, %get3A_1354] {strides = array<i32>} : memref<512x32xf32, #tpu.memory_space<vmem>>, vector<16xf32>,
        tpu.vector_store_idx %arg8[%add3A_11, %add3A_1349], %get3A_1352 : memref<128x129xf32, #tpu.memory_space<vmem>>[vector<16xi32>, vector<16xi32>], vector<16xf32>,
        tpu.vector_store_idx %arg8[%add3A_23, %add3A_1349], %get3A_1355 : memref<128x129xf32, #tpu.memory_space<vmem>>[vector<16xi32>, vector<16xi32>], vector<16xf32>,
        %add3A_1356 = arith.constant 256 : i32
        %add3A_1357 = arith.addi %add3A_1356, %mul3A_1290 : i32
        %add3A_1358 = arith.constant 6 : i32
        %add3A_1359 = arith.addi %add3A_1357, %add3A_1358 : i32
        %add3A_1360 = arith.addi %broadcast_in_dim3A, %add3A_68 : vector<16xi32>
        %get3A_1361 = arith.index_cast %add3A_1359 : i32 to index
        %get3A_1362 = arith.constant 0 : index
        %get3A_1363 = tpu.vector_load %arg6[%get3A_1361, %get3A_1362] {strides = array<i32>} : memref<512x32xf32, #tpu.memory_space<vmem>>, vector<16xf32>,
        %get3A_1364 = arith.index_cast %add3A_1359 : i32 to index
        %get3A_1365 = arith.constant 16 : index
        %get3A_1366 = tpu.vector_load %arg6[%get3A_1364, %get3A_1365] {strides = array<i32>} : memref<512x32xf32, #tpu.memory_space<vmem>>, vector<16xf32>,
        tpu.vector_store_idx %arg8[%add3A_11, %add3A_1360], %get3A_1363 : memref<128x129xf32, #tpu.memory_space<vmem>>[vector<16xi32>, vector<16xi32>], vector<16xf32>,
        tpu.vector_store_idx %arg8[%add3A_23, %add3A_1360], %get3A_1366 : memref<128x129xf32, #tpu.memory_space<vmem>>[vector<16xi32>, vector<16xi32>], vector<16xf32>,
        %add3A_1367 = arith.constant 256 : i32
        %add3A_1368 = arith.addi %add3A_1367, %mul3A_1290 : i32
        %add3A_1369 = arith.constant 7 : i32
        %add3A_1370 = arith.addi %add3A_1368, %add3A_1369 : i32
        %add3A_1371 = arith.addi %broadcast_in_dim3A, %add3A_74 : vector<16xi32>
        %get3A_1372 = arith.index_cast %add3A_1370 : i32 to index
        %get3A_1373 = arith.constant 0 : index
        %get3A_1374 = tpu.vector_load %arg6[%get3A_1372, %get3A_1373] {strides = array<i32>} : memref<512x32xf32, #tpu.memory_space<vmem>>, vector<16xf32>,
        %get3A_1375 = arith.index_cast %add3A_1370 : i32 to index
        %get3A_1376 = arith.constant 16 : index
        %get3A_1377 = tpu.vector_load %arg6[%get3A_1375, %get3A_1376] {strides = array<i32>} : memref<512x32xf32, #tpu.memory_space<vmem>>, vector<16xf32>,
        tpu.vector_store_idx %arg8[%add3A_11, %add3A_1371], %get3A_1374 : memref<128x129xf32, #tpu.memory_space<vmem>>[vector<16xi32>, vector<16xi32>], vector<16xf32>,
        tpu.vector_store_idx %arg8[%add3A_23, %add3A_1371], %get3A_1377 : memref<128x129xf32, #tpu.memory_space<vmem>>[vector<16xi32>, vector<16xi32>], vector<16xf32>,
      }
      %scan3A_594 = arith.constant 16 : i32
      %scan3A_595 = arith.constant 0 : i32
      %scan3A_596 = arith.constant 0 : i32
      %scan3A_597 = arith.constant 16 : i32
      %scan3A_598 = arith.addi %scan3A_596, %scan3A_597 : i32
      %scan3A_599 = arith.constant 1 : i32
      scf.for %scan3A_1288 = %scan3A_596 to %scan3A_598 step %scan3A_599  : i32 {
        %mul3A_1289 = arith.constant 8 : i32
        %mul3A_1290 = arith.muli %scan3A_1288, %mul3A_1289 : i32
        %broadcast_in_dim3A = vector.broadcast %mul3A_1290 : i32 to vector<16xi32>
        %add3A_1291 = arith.constant 384 : i32
        %add3A_1292 = arith.addi %add3A_1291, %mul3A_1290 : i32
        %add3A_1293 = arith.constant 0 : i32
        %add3A_1294 = arith.addi %add3A_1292, %add3A_1293 : i32
        %add3A_1295 = arith.addi %broadcast_in_dim3A, %add3A_32 : vector<16xi32>
        %get3A = arith.index_cast %add3A_1294 : i32 to index
        %get3A_1296 = arith.constant 0 : index
        %get3A_1297 = tpu.vector_load %arg6[%get3A, %get3A_1296] {strides = array<i32>} : memref<512x32xf32, #tpu.memory_space<vmem>>, vector<16xf32>,
        %get3A_1298 = arith.index_cast %add3A_1294 : i32 to index
        %get3A_1299 = arith.constant 16 : index
        %get3A_1300 = tpu.vector_load %arg6[%get3A_1298, %get3A_1299] {strides = array<i32>} : memref<512x32xf32, #tpu.memory_space<vmem>>, vector<16xf32>,
        tpu.vector_store_idx %arg8[%add3A_14, %add3A_1295], %get3A_1297 : memref<128x129xf32, #tpu.memory_space<vmem>>[vector<16xi32>, vector<16xi32>], vector<16xf32>,
        tpu.vector_store_idx %arg8[%add3A_26, %add3A_1295], %get3A_1300 : memref<128x129xf32, #tpu.memory_space<vmem>>[vector<16xi32>, vector<16xi32>], vector<16xf32>,
        %add3A_1301 = arith.constant 384 : i32
        %add3A_1302 = arith.addi %add3A_1301, %mul3A_1290 : i32
        %add3A_1303 = arith.constant 1 : i32
        %add3A_1304 = arith.addi %add3A_1302, %add3A_1303 : i32
        %add3A_1305 = arith.addi %broadcast_in_dim3A, %add3A_38 : vector<16xi32>
        %get3A_1306 = arith.index_cast %add3A_1304 : i32 to index
        %get3A_1307 = arith.constant 0 : index
        %get3A_1308 = tpu.vector_load %arg6[%get3A_1306, %get3A_1307] {strides = array<i32>} : memref<512x32xf32, #tpu.memory_space<vmem>>, vector<16xf32>,
        %get3A_1309 = arith.index_cast %add3A_1304 : i32 to index
        %get3A_1310 = arith.constant 16 : index
        %get3A_1311 = tpu.vector_load %arg6[%get3A_1309, %get3A_1310] {strides = array<i32>} : memref<512x32xf32, #tpu.memory_space<vmem>>, vector<16xf32>,
        tpu.vector_store_idx %arg8[%add3A_14, %add3A_1305], %get3A_1308 : memref<128x129xf32, #tpu.memory_space<vmem>>[vector<16xi32>, vector<16xi32>], vector<16xf32>,
        tpu.vector_store_idx %arg8[%add3A_26, %add3A_1305], %get3A_1311 : memref<128x129xf32, #tpu.memory_space<vmem>>[vector<16xi32>, vector<16xi32>], vector<16xf32>,
        %add3A_1312 = arith.constant 384 : i32
        %add3A_1313 = arith.addi %add3A_1312, %mul3A_1290 : i32
        %add3A_1314 = arith.constant 2 : i32
        %add3A_1315 = arith.addi %add3A_1313, %add3A_1314 : i32
        %add3A_1316 = arith.addi %broadcast_in_dim3A, %add3A_44 : vector<16xi32>
        %get3A_1317 = arith.index_cast %add3A_1315 : i32 to index
        %get3A_1318 = arith.constant 0 : index
        %get3A_1319 = tpu.vector_load %arg6[%get3A_1317, %get3A_1318] {strides = array<i32>} : memref<512x32xf32, #tpu.memory_space<vmem>>, vector<16xf32>,
        %get3A_1320 = arith.index_cast %add3A_1315 : i32 to index
        %get3A_1321 = arith.constant 16 : index
        %get3A_1322 = tpu.vector_load %arg6[%get3A_1320, %get3A_1321] {strides = array<i32>} : memref<512x32xf32, #tpu.memory_space<vmem>>, vector<16xf32>,
        tpu.vector_store_idx %arg8[%add3A_14, %add3A_1316], %get3A_1319 : memref<128x129xf32, #tpu.memory_space<vmem>>[vector<16xi32>, vector<16xi32>], vector<16xf32>,
        tpu.vector_store_idx %arg8[%add3A_26, %add3A_1316], %get3A_1322 : memref<128x129xf32, #tpu.memory_space<vmem>>[vector<16xi32>, vector<16xi32>], vector<16xf32>,
        %add3A_1323 = arith.constant 384 : i32
        %add3A_1324 = arith.addi %add3A_1323, %mul3A_1290 : i32
        %add3A_1325 = arith.constant 3 : i32
        %add3A_1326 = arith.addi %add3A_1324, %add3A_1325 : i32
        %add3A_1327 = arith.addi %broadcast_in_dim3A, %add3A_50 : vector<16xi32>
        %get3A_1328 = arith.index_cast %add3A_1326 : i32 to index
        %get3A_1329 = arith.constant 0 : index
        %get3A_1330 = tpu.vector_load %arg6[%get3A_1328, %get3A_1329] {strides = array<i32>} : memref<512x32xf32, #tpu.memory_space<vmem>>, vector<16xf32>,
        %get3A_1331 = arith.index_cast %add3A_1326 : i32 to index
        %get3A_1332 = arith.constant 16 : index
        %get3A_1333 = tpu.vector_load %arg6[%get3A_1331, %get3A_1332] {strides = array<i32>} : memref<512x32xf32, #tpu.memory_space<vmem>>, vector<16xf32>,
        tpu.vector_store_idx %arg8[%add3A_14, %add3A_1327], %get3A_1330 : memref<128x129xf32, #tpu.memory_space<vmem>>[vector<16xi32>, vector<16xi32>], vector<16xf32>,
        tpu.vector_store_idx %arg8[%add3A_26, %add3A_1327], %get3A_1333 : memref<128x129xf32, #tpu.memory_space<vmem>>[vector<16xi32>, vector<16xi32>], vector<16xf32>,
        %add3A_1334 = arith.constant 384 : i32
        %add3A_1335 = arith.addi %add3A_1334, %mul3A_1290 : i32
        %add3A_1336 = arith.constant 4 : i32
        %add3A_1337 = arith.addi %add3A_1335, %add3A_1336 : i32
        %add3A_1338 = arith.addi %broadcast_in_dim3A, %add3A_56 : vector<16xi32>
        %get3A_1339 = arith.index_cast %add3A_1337 : i32 to index
        %get3A_1340 = arith.constant 0 : index
        %get3A_1341 = tpu.vector_load %arg6[%get3A_1339, %get3A_1340] {strides = array<i32>} : memref<512x32xf32, #tpu.memory_space<vmem>>, vector<16xf32>,
        %get3A_1342 = arith.index_cast %add3A_1337 : i32 to index
        %get3A_1343 = arith.constant 16 : index
        %get3A_1344 = tpu.vector_load %arg6[%get3A_1342, %get3A_1343] {strides = array<i32>} : memref<512x32xf32, #tpu.memory_space<vmem>>, vector<16xf32>,
        tpu.vector_store_idx %arg8[%add3A_14, %add3A_1338], %get3A_1341 : memref<128x129xf32, #tpu.memory_space<vmem>>[vector<16xi32>, vector<16xi32>], vector<16xf32>,
        tpu.vector_store_idx %arg8[%add3A_26, %add3A_1338], %get3A_1344 : memref<128x129xf32, #tpu.memory_space<vmem>>[vector<16xi32>, vector<16xi32>], vector<16xf32>,
        %add3A_1345 = arith.constant 384 : i32
        %add3A_1346 = arith.addi %add3A_1345, %mul3A_1290 : i32
        %add3A_1347 = arith.constant 5 : i32
        %add3A_1348 = arith.addi %add3A_1346, %add3A_1347 : i32
        %add3A_1349 = arith.addi %broadcast_in_dim3A, %add3A_62 : vector<16xi32>
        %get3A_1350 = arith.index_cast %add3A_1348 : i32 to index
        %get3A_1351 = arith.constant 0 : index
        %get3A_1352 = tpu.vector_load %arg6[%get3A_1350, %get3A_1351] {strides = array<i32>} : memref<512x32xf32, #tpu.memory_space<vmem>>, vector<16xf32>,
        %get3A_1353 = arith.index_cast %add3A_1348 : i32 to index
        %get3A_1354 = arith.constant 16 : index
        %get3A_1355 = tpu.vector_load %arg6[%get3A_1353, %get3A_1354] {strides = array<i32>} : memref<512x32xf32, #tpu.memory_space<vmem>>, vector<16xf32>,
        tpu.vector_store_idx %arg8[%add3A_14, %add3A_1349], %get3A_1352 : memref<128x129xf32, #tpu.memory_space<vmem>>[vector<16xi32>, vector<16xi32>], vector<16xf32>,
        tpu.vector_store_idx %arg8[%add3A_26, %add3A_1349], %get3A_1355 : memref<128x129xf32, #tpu.memory_space<vmem>>[vector<16xi32>, vector<16xi32>], vector<16xf32>,
        %add3A_1356 = arith.constant 384 : i32
        %add3A_1357 = arith.addi %add3A_1356, %mul3A_1290 : i32
        %add3A_1358 = arith.constant 6 : i32
        %add3A_1359 = arith.addi %add3A_1357, %add3A_1358 : i32
        %add3A_1360 = arith.addi %broadcast_in_dim3A, %add3A_68 : vector<16xi32>
        %get3A_1361 = arith.index_cast %add3A_1359 : i32 to index
        %get3A_1362 = arith.constant 0 : index
        %get3A_1363 = tpu.vector_load %arg6[%get3A_1361, %get3A_1362] {strides = array<i32>} : memref<512x32xf32, #tpu.memory_space<vmem>>, vector<16xf32>,
        %get3A_1364 = arith.index_cast %add3A_1359 : i32 to index
        %get3A_1365 = arith.constant 16 : index
        %get3A_1366 = tpu.vector_load %arg6[%get3A_1364, %get3A_1365] {strides = array<i32>} : memref<512x32xf32, #tpu.memory_space<vmem>>, vector<16xf32>,
        tpu.vector_store_idx %arg8[%add3A_14, %add3A_1360], %get3A_1363 : memref<128x129xf32, #tpu.memory_space<vmem>>[vector<16xi32>, vector<16xi32>], vector<16xf32>,
        tpu.vector_store_idx %arg8[%add3A_26, %add3A_1360], %get3A_1366 : memref<128x129xf32, #tpu.memory_space<vmem>>[vector<16xi32>, vector<16xi32>], vector<16xf32>,
        %add3A_1367 = arith.constant 384 : i32
        %add3A_1368 = arith.addi %add3A_1367, %mul3A_1290 : i32
        %add3A_1369 = arith.constant 7 : i32
        %add3A_1370 = arith.addi %add3A_1368, %add3A_1369 : i32
        %add3A_1371 = arith.addi %broadcast_in_dim3A, %add3A_74 : vector<16xi32>
        %get3A_1372 = arith.index_cast %add3A_1370 : i32 to index
        %get3A_1373 = arith.constant 0 : index
        %get3A_1374 = tpu.vector_load %arg6[%get3A_1372, %get3A_1373] {strides = array<i32>} : memref<512x32xf32, #tpu.memory_space<vmem>>, vector<16xf32>,
        %get3A_1375 = arith.index_cast %add3A_1370 : i32 to index
        %get3A_1376 = arith.constant 16 : index
        %get3A_1377 = tpu.vector_load %arg6[%get3A_1375, %get3A_1376] {strides = array<i32>} : memref<512x32xf32, #tpu.memory_space<vmem>>, vector<16xf32>,
        tpu.vector_store_idx %arg8[%add3A_14, %add3A_1371], %get3A_1374 : memref<128x129xf32, #tpu.memory_space<vmem>>[vector<16xi32>, vector<16xi32>], vector<16xf32>,
        tpu.vector_store_idx %arg8[%add3A_26, %add3A_1371], %get3A_1377 : memref<128x129xf32, #tpu.memory_space<vmem>>[vector<16xi32>, vector<16xi32>], vector<16xf32>,
      }
      %scan3A_600 = arith.constant 16 : i32
      %mul3A_601 = arith.constant 4 : i32
      %mul3A_602 = arith.muli %mul3A_472, %mul3A_601 : i32
      %add3A_603 = arith.addi %mul3A_2, %mul3A_602 : i32
      %add3A_604 = arith.constant 0 : i32
      %add3A_605 = arith.addi %add3A_603, %add3A_604 : i32
      %shift_right_logical3A = arith.constant 8 : i32
      %shift_right_logical3A_606 = arith.shrui %add3A_605, %shift_right_logical3A : i32
      %shift_left3A = arith.constant 3 : i32
      %shift_left3A_607 = arith.shli %shift_right_logical3A_606, %shift_left3A : i32
      %and3A = arith.constant 7 : i32
      %and3A_608 = arith.andi %add3A_605, %and3A : i32
      %or3A = arith.ori %shift_left3A_607, %and3A_608 : i32
      %shift_right_logical3A_609 = arith.constant 3 : i32
      %shift_right_logical3A_610 = arith.shrui %add3A_605, %shift_right_logical3A_609 : i32
      %and3A_611 = arith.constant 31 : i32
      %and3A_612 = arith.andi %shift_right_logical3A_610, %and3A_611 : i32
      %dma_start3A_613 = arith.constant 0 : i32
      %dma_start3A_614 = arith.constant 0 : i32
      %dma_start3A_615 = arith.constant 0 : i32
      %dma_start3A_616 = tpu.memref_slice %arg8[%dma_start3A_614, %dma_start3A_615] : memref<128x129xf32, #tpu.memory_space<vmem>> -> memref<8x128xf32, #tpu.memory_space<vmem>>
      %dma_start3A_617 = arith.constant 0 : i32
      %dma_start3A_618 = arith.constant 0 : i32
      %dma_start3A_619 = tpu.memref_slice %arg4[%or3A, %dma_start3A_613, %and3A_612, %dma_start3A_617, %dma_start3A_618] : memref<200x4x32x8x128xf32, #tpu.memory_space<hbm>> -> memref<1x1x1x8x128xf32, #tpu.memory_space<hbm>>
      %dma_start3A_620 = tpu.memref_squeeze %dma_start3A_619 : memref<1x1x1x8x128xf32, #tpu.memory_space<hbm>> -> memref<8x128xf32, #tpu.memory_space<hbm>>
      %dma_start3A_621 = arith.constant 0 : i32
      %dma_start3A_622 = arith.constant 0 : i32
      %dma_start3A_623 = tpu.memref_slice %arg4[%or3A, %dma_start3A_613, %and3A_612, %dma_start3A_621, %dma_start3A_622] : memref<200x4x32x8x128xf32, #tpu.memory_space<hbm>> -> memref<1x1x1x8x128xf32, #tpu.memory_space<hbm>>
      %dma_start3A_624 = tpu.memref_squeeze %dma_start3A_623 : memref<1x1x1x8x128xf32, #tpu.memory_space<hbm>> -> memref<8x128xf32, #tpu.memory_space<hbm>>
      %dma_start3A_625 = arith.constant 0 : i32
      %dma_start3A_626 = arith.constant 0 : i32
      %dma_start3A_627 = tpu.memref_slice %arg8[%dma_start3A_625, %dma_start3A_626] : memref<128x129xf32, #tpu.memory_space<vmem>> -> memref<8x128xf32, #tpu.memory_space<vmem>>
      tpu.enqueue_dma source(%dma_start3A_627 : memref<8x128xf32, #tpu.memory_space<vmem>>) target(%dma_start3A_624 : memref<8x128xf32, #tpu.memory_space<hbm>>) target_semaphore(%arg13 : memref<!tpu.dma_semaphore, #tpu.memory_space<semaphore_mem>>)
      %dma_start3A_628 = arith.constant 1 : i32
      %dma_start3A_629 = arith.constant 8 : i32
      %dma_start3A_630 = arith.constant 0 : i32
      %dma_start3A_631 = tpu.memref_slice %arg8[%dma_start3A_629, %dma_start3A_630] : memref<128x129xf32, #tpu.memory_space<vmem>> -> memref<8x128xf32, #tpu.memory_space<vmem>>
      %dma_start3A_632 = arith.constant 0 : i32
      %dma_start3A_633 = arith.constant 0 : i32
      %dma_start3A_634 = tpu.memref_slice %arg4[%or3A, %dma_start3A_628, %and3A_612, %dma_start3A_632, %dma_start3A_633] : memref<200x4x32x8x128xf32, #tpu.memory_space<hbm>> -> memref<1x1x1x8x128xf32, #tpu.memory_space<hbm>>
      %dma_start3A_635 = tpu.memref_squeeze %dma_start3A_634 : memref<1x1x1x8x128xf32, #tpu.memory_space<hbm>> -> memref<8x128xf32, #tpu.memory_space<hbm>>
      %dma_start3A_636 = arith.constant 0 : i32
      %dma_start3A_637 = arith.constant 0 : i32
      %dma_start3A_638 = tpu.memref_slice %arg4[%or3A, %dma_start3A_628, %and3A_612, %dma_start3A_636, %dma_start3A_637] : memref<200x4x32x8x128xf32, #tpu.memory_space<hbm>> -> memref<1x1x1x8x128xf32, #tpu.memory_space<hbm>>
      %dma_start3A_639 = tpu.memref_squeeze %dma_start3A_638 : memref<1x1x1x8x128xf32, #tpu.memory_space<hbm>> -> memref<8x128xf32, #tpu.memory_space<hbm>>
      %dma_start3A_640 = arith.constant 8 : i32
      %dma_start3A_641 = arith.constant 0 : i32
      %dma_start3A_642 = tpu.memref_slice %arg8[%dma_start3A_640, %dma_start3A_641] : memref<128x129xf32, #tpu.memory_space<vmem>> -> memref<8x128xf32, #tpu.memory_space<vmem>>
      tpu.enqueue_dma source(%dma_start3A_642 : memref<8x128xf32, #tpu.memory_space<vmem>>) target(%dma_start3A_639 : memref<8x128xf32, #tpu.memory_space<hbm>>) target_semaphore(%arg13 : memref<!tpu.dma_semaphore, #tpu.memory_space<semaphore_mem>>)
      %dma_start3A_643 = arith.constant 2 : i32
      %dma_start3A_644 = arith.constant 16 : i32
      %dma_start3A_645 = arith.constant 0 : i32
      %dma_start3A_646 = tpu.memref_slice %arg8[%dma_start3A_644, %dma_start3A_645] : memref<128x129xf32, #tpu.memory_space<vmem>> -> memref<8x128xf32, #tpu.memory_space<vmem>>
      %dma_start3A_647 = arith.constant 0 : i32
      %dma_start3A_648 = arith.constant 0 : i32
      %dma_start3A_649 = tpu.memref_slice %arg4[%or3A, %dma_start3A_643, %and3A_612, %dma_start3A_647, %dma_start3A_648] : memref<200x4x32x8x128xf32, #tpu.memory_space<hbm>> -> memref<1x1x1x8x128xf32, #tpu.memory_space<hbm>>
      %dma_start3A_650 = tpu.memref_squeeze %dma_start3A_649 : memref<1x1x1x8x128xf32, #tpu.memory_space<hbm>> -> memref<8x128xf32, #tpu.memory_space<hbm>>
      %dma_start3A_651 = arith.constant 0 : i32
      %dma_start3A_652 = arith.constant 0 : i32
      %dma_start3A_653 = tpu.memref_slice %arg4[%or3A, %dma_start3A_643, %and3A_612, %dma_start3A_651, %dma_start3A_652] : memref<200x4x32x8x128xf32, #tpu.memory_space<hbm>> -> memref<1x1x1x8x128xf32, #tpu.memory_space<hbm>>
      %dma_start3A_654 = tpu.memref_squeeze %dma_start3A_653 : memref<1x1x1x8x128xf32, #tpu.memory_space<hbm>> -> memref<8x128xf32, #tpu.memory_space<hbm>>
      %dma_start3A_655 = arith.constant 16 : i32
      %dma_start3A_656 = arith.constant 0 : i32
      %dma_start3A_657 = tpu.memref_slice %arg8[%dma_start3A_655, %dma_start3A_656] : memref<128x129xf32, #tpu.memory_space<vmem>> -> memref<8x128xf32, #tpu.memory_space<vmem>>
      tpu.enqueue_dma source(%dma_start3A_657 : memref<8x128xf32, #tpu.memory_space<vmem>>) target(%dma_start3A_654 : memref<8x128xf32, #tpu.memory_space<hbm>>) target_semaphore(%arg13 : memref<!tpu.dma_semaphore, #tpu.memory_space<semaphore_mem>>)
      %dma_start3A_658 = arith.constant 3 : i32
      %dma_start3A_659 = arith.constant 24 : i32
      %dma_start3A_660 = arith.constant 0 : i32
      %dma_start3A_661 = tpu.memref_slice %arg8[%dma_start3A_659, %dma_start3A_660] : memref<128x129xf32, #tpu.memory_space<vmem>> -> memref<8x128xf32, #tpu.memory_space<vmem>>
      %dma_start3A_662 = arith.constant 0 : i32
      %dma_start3A_663 = arith.constant 0 : i32
      %dma_start3A_664 = tpu.memref_slice %arg4[%or3A, %dma_start3A_658, %and3A_612, %dma_start3A_662, %dma_start3A_663] : memref<200x4x32x8x128xf32, #tpu.memory_space<hbm>> -> memref<1x1x1x8x128xf32, #tpu.memory_space<hbm>>
      %dma_start3A_665 = tpu.memref_squeeze %dma_start3A_664 : memref<1x1x1x8x128xf32, #tpu.memory_space<hbm>> -> memref<8x128xf32, #tpu.memory_space<hbm>>
      %dma_start3A_666 = arith.constant 0 : i32
      %dma_start3A_667 = arith.constant 0 : i32
      %dma_start3A_668 = tpu.memref_slice %arg4[%or3A, %dma_start3A_658, %and3A_612, %dma_start3A_666, %dma_start3A_667] : memref<200x4x32x8x128xf32, #tpu.memory_space<hbm>> -> memref<1x1x1x8x128xf32, #tpu.memory_space<hbm>>
      %dma_start3A_669 = tpu.memref_squeeze %dma_start3A_668 : memref<1x1x1x8x128xf32, #tpu.memory_space<hbm>> -> memref<8x128xf32, #tpu.memory_space<hbm>>
      %dma_start3A_670 = arith.constant 24 : i32
      %dma_start3A_671 = arith.constant 0 : i32
      %dma_start3A_672 = tpu.memref_slice %arg8[%dma_start3A_670, %dma_start3A_671] : memref<128x129xf32, #tpu.memory_space<vmem>> -> memref<8x128xf32, #tpu.memory_space<vmem>>
      tpu.enqueue_dma source(%dma_start3A_672 : memref<8x128xf32, #tpu.memory_space<vmem>>) target(%dma_start3A_669 : memref<8x128xf32, #tpu.memory_space<hbm>>) target_semaphore(%arg13 : memref<!tpu.dma_semaphore, #tpu.memory_space<semaphore_mem>>)
      %mul3A_673 = arith.constant 4 : i32
      %mul3A_674 = arith.muli %mul3A_472, %mul3A_673 : i32
      %add3A_675 = arith.addi %mul3A_2, %mul3A_674 : i32
      %add3A_676 = arith.constant 1 : i32
      %add3A_677 = arith.addi %add3A_675, %add3A_676 : i32
      %shift_right_logical3A_678 = arith.constant 8 : i32
      %shift_right_logical3A_679 = arith.shrui %add3A_677, %shift_right_logical3A_678 : i32
      %shift_left3A_680 = arith.constant 3 : i32
      %shift_left3A_681 = arith.shli %shift_right_logical3A_679, %shift_left3A_680 : i32
      %and3A_682 = arith.constant 7 : i32
      %and3A_683 = arith.andi %add3A_677, %and3A_682 : i32
      %or3A_684 = arith.ori %shift_left3A_681, %and3A_683 : i32
      %shift_right_logical3A_685 = arith.constant 3 : i32
      %shift_right_logical3A_686 = arith.shrui %add3A_677, %shift_right_logical3A_685 : i32
      %and3A_687 = arith.constant 31 : i32
      %and3A_688 = arith.andi %shift_right_logical3A_686, %and3A_687 : i32
      %dma_start3A_689 = arith.constant 0 : i32
      %dma_start3A_690 = arith.constant 32 : i32
      %dma_start3A_691 = arith.constant 0 : i32
      %dma_start3A_692 = tpu.memref_slice %arg8[%dma_start3A_690, %dma_start3A_691] : memref<128x129xf32, #tpu.memory_space<vmem>> -> memref<8x128xf32, #tpu.memory_space<vmem>>
      %dma_start3A_693 = arith.constant 0 : i32
      %dma_start3A_694 = arith.constant 0 : i32
      %dma_start3A_695 = tpu.memref_slice %arg4[%or3A_684, %dma_start3A_689, %and3A_688, %dma_start3A_693, %dma_start3A_694] : memref<200x4x32x8x128xf32, #tpu.memory_space<hbm>> -> memref<1x1x1x8x128xf32, #tpu.memory_space<hbm>>
      %dma_start3A_696 = tpu.memref_squeeze %dma_start3A_695 : memref<1x1x1x8x128xf32, #tpu.memory_space<hbm>> -> memref<8x128xf32, #tpu.memory_space<hbm>>
      %dma_start3A_697 = arith.constant 0 : i32
      %dma_start3A_698 = arith.constant 0 : i32
      %dma_start3A_699 = tpu.memref_slice %arg4[%or3A_684, %dma_start3A_689, %and3A_688, %dma_start3A_697, %dma_start3A_698] : memref<200x4x32x8x128xf32, #tpu.memory_space<hbm>> -> memref<1x1x1x8x128xf32, #tpu.memory_space<hbm>>
      %dma_start3A_700 = tpu.memref_squeeze %dma_start3A_699 : memref<1x1x1x8x128xf32, #tpu.memory_space<hbm>> -> memref<8x128xf32, #tpu.memory_space<hbm>>
      %dma_start3A_701 = arith.constant 32 : i32
      %dma_start3A_702 = arith.constant 0 : i32
      %dma_start3A_703 = tpu.memref_slice %arg8[%dma_start3A_701, %dma_start3A_702] : memref<128x129xf32, #tpu.memory_space<vmem>> -> memref<8x128xf32, #tpu.memory_space<vmem>>
      tpu.enqueue_dma source(%dma_start3A_703 : memref<8x128xf32, #tpu.memory_space<vmem>>) target(%dma_start3A_700 : memref<8x128xf32, #tpu.memory_space<hbm>>) target_semaphore(%arg13 : memref<!tpu.dma_semaphore, #tpu.memory_space<semaphore_mem>>)
      %dma_start3A_704 = arith.constant 1 : i32
      %dma_start3A_705 = arith.constant 40 : i32
      %dma_start3A_706 = arith.constant 0 : i32
      %dma_start3A_707 = tpu.memref_slice %arg8[%dma_start3A_705, %dma_start3A_706] : memref<128x129xf32, #tpu.memory_space<vmem>> -> memref<8x128xf32, #tpu.memory_space<vmem>>
      %dma_start3A_708 = arith.constant 0 : i32
      %dma_start3A_709 = arith.constant 0 : i32
      %dma_start3A_710 = tpu.memref_slice %arg4[%or3A_684, %dma_start3A_704, %and3A_688, %dma_start3A_708, %dma_start3A_709] : memref<200x4x32x8x128xf32, #tpu.memory_space<hbm>> -> memref<1x1x1x8x128xf32, #tpu.memory_space<hbm>>
      %dma_start3A_711 = tpu.memref_squeeze %dma_start3A_710 : memref<1x1x1x8x128xf32, #tpu.memory_space<hbm>> -> memref<8x128xf32, #tpu.memory_space<hbm>>
      %dma_start3A_712 = arith.constant 0 : i32
      %dma_start3A_713 = arith.constant 0 : i32
      %dma_start3A_714 = tpu.memref_slice %arg4[%or3A_684, %dma_start3A_704, %and3A_688, %dma_start3A_712, %dma_start3A_713] : memref<200x4x32x8x128xf32, #tpu.memory_space<hbm>> -> memref<1x1x1x8x128xf32, #tpu.memory_space<hbm>>
      %dma_start3A_715 = tpu.memref_squeeze %dma_start3A_714 : memref<1x1x1x8x128xf32, #tpu.memory_space<hbm>> -> memref<8x128xf32, #tpu.memory_space<hbm>>
      %dma_start3A_716 = arith.constant 40 : i32
      %dma_start3A_717 = arith.constant 0 : i32
      %dma_start3A_718 = tpu.memref_slice %arg8[%dma_start3A_716, %dma_start3A_717] : memref<128x129xf32, #tpu.memory_space<vmem>> -> memref<8x128xf32, #tpu.memory_space<vmem>>
      tpu.enqueue_dma source(%dma_start3A_718 : memref<8x128xf32, #tpu.memory_space<vmem>>) target(%dma_start3A_715 : memref<8x128xf32, #tpu.memory_space<hbm>>) target_semaphore(%arg13 : memref<!tpu.dma_semaphore, #tpu.memory_space<semaphore_mem>>)
      %dma_start3A_719 = arith.constant 2 : i32
      %dma_start3A_720 = arith.constant 48 : i32
      %dma_start3A_721 = arith.constant 0 : i32
      %dma_start3A_722 = tpu.memref_slice %arg8[%dma_start3A_720, %dma_start3A_721] : memref<128x129xf32, #tpu.memory_space<vmem>> -> memref<8x128xf32, #tpu.memory_space<vmem>>
      %dma_start3A_723 = arith.constant 0 : i32
      %dma_start3A_724 = arith.constant 0 : i32
      %dma_start3A_725 = tpu.memref_slice %arg4[%or3A_684, %dma_start3A_719, %and3A_688, %dma_start3A_723, %dma_start3A_724] : memref<200x4x32x8x128xf32, #tpu.memory_space<hbm>> -> memref<1x1x1x8x128xf32, #tpu.memory_space<hbm>>
      %dma_start3A_726 = tpu.memref_squeeze %dma_start3A_725 : memref<1x1x1x8x128xf32, #tpu.memory_space<hbm>> -> memref<8x128xf32, #tpu.memory_space<hbm>>
      %dma_start3A_727 = arith.constant 0 : i32
      %dma_start3A_728 = arith.constant 0 : i32
      %dma_start3A_729 = tpu.memref_slice %arg4[%or3A_684, %dma_start3A_719, %and3A_688, %dma_start3A_727, %dma_start3A_728] : memref<200x4x32x8x128xf32, #tpu.memory_space<hbm>> -> memref<1x1x1x8x128xf32, #tpu.memory_space<hbm>>
      %dma_start3A_730 = tpu.memref_squeeze %dma_start3A_729 : memref<1x1x1x8x128xf32, #tpu.memory_space<hbm>> -> memref<8x128xf32, #tpu.memory_space<hbm>>
      %dma_start3A_731 = arith.constant 48 : i32
      %dma_start3A_732 = arith.constant 0 : i32
      %dma_start3A_733 = tpu.memref_slice %arg8[%dma_start3A_731, %dma_start3A_732] : memref<128x129xf32, #tpu.memory_space<vmem>> -> memref<8x128xf32, #tpu.memory_space<vmem>>
      tpu.enqueue_dma source(%dma_start3A_733 : memref<8x128xf32, #tpu.memory_space<vmem>>) target(%dma_start3A_730 : memref<8x128xf32, #tpu.memory_space<hbm>>) target_semaphore(%arg13 : memref<!tpu.dma_semaphore, #tpu.memory_space<semaphore_mem>>)
      %dma_start3A_734 = arith.constant 3 : i32
      %dma_start3A_735 = arith.constant 56 : i32
      %dma_start3A_736 = arith.constant 0 : i32
      %dma_start3A_737 = tpu.memref_slice %arg8[%dma_start3A_735, %dma_start3A_736] : memref<128x129xf32, #tpu.memory_space<vmem>> -> memref<8x128xf32, #tpu.memory_space<vmem>>
      %dma_start3A_738 = arith.constant 0 : i32
      %dma_start3A_739 = arith.constant 0 : i32
      %dma_start3A_740 = tpu.memref_slice %arg4[%or3A_684, %dma_start3A_734, %and3A_688, %dma_start3A_738, %dma_start3A_739] : memref<200x4x32x8x128xf32, #tpu.memory_space<hbm>> -> memref<1x1x1x8x128xf32, #tpu.memory_space<hbm>>
      %dma_start3A_741 = tpu.memref_squeeze %dma_start3A_740 : memref<1x1x1x8x128xf32, #tpu.memory_space<hbm>> -> memref<8x128xf32, #tpu.memory_space<hbm>>
      %dma_start3A_742 = arith.constant 0 : i32
      %dma_start3A_743 = arith.constant 0 : i32
      %dma_start3A_744 = tpu.memref_slice %arg4[%or3A_684, %dma_start3A_734, %and3A_688, %dma_start3A_742, %dma_start3A_743] : memref<200x4x32x8x128xf32, #tpu.memory_space<hbm>> -> memref<1x1x1x8x128xf32, #tpu.memory_space<hbm>>
      %dma_start3A_745 = tpu.memref_squeeze %dma_start3A_744 : memref<1x1x1x8x128xf32, #tpu.memory_space<hbm>> -> memref<8x128xf32, #tpu.memory_space<hbm>>
      %dma_start3A_746 = arith.constant 56 : i32
      %dma_start3A_747 = arith.constant 0 : i32
      %dma_start3A_748 = tpu.memref_slice %arg8[%dma_start3A_746, %dma_start3A_747] : memref<128x129xf32, #tpu.memory_space<vmem>> -> memref<8x128xf32, #tpu.memory_space<vmem>>
      tpu.enqueue_dma source(%dma_start3A_748 : memref<8x128xf32, #tpu.memory_space<vmem>>) target(%dma_start3A_745 : memref<8x128xf32, #tpu.memory_space<hbm>>) target_semaphore(%arg13 : memref<!tpu.dma_semaphore, #tpu.memory_space<semaphore_mem>>)
      %mul3A_749 = arith.constant 4 : i32
      %mul3A_750 = arith.muli %mul3A_472, %mul3A_749 : i32
      %add3A_751 = arith.addi %mul3A_2, %mul3A_750 : i32
      %add3A_752 = arith.constant 2 : i32
      %add3A_753 = arith.addi %add3A_751, %add3A_752 : i32
      %shift_right_logical3A_754 = arith.constant 8 : i32
      %shift_right_logical3A_755 = arith.shrui %add3A_753, %shift_right_logical3A_754 : i32
      %shift_left3A_756 = arith.constant 3 : i32
      %shift_left3A_757 = arith.shli %shift_right_logical3A_755, %shift_left3A_756 : i32
      %and3A_758 = arith.constant 7 : i32
      %and3A_759 = arith.andi %add3A_753, %and3A_758 : i32
      %or3A_760 = arith.ori %shift_left3A_757, %and3A_759 : i32
      %shift_right_logical3A_761 = arith.constant 3 : i32
      %shift_right_logical3A_762 = arith.shrui %add3A_753, %shift_right_logical3A_761 : i32
      %and3A_763 = arith.constant 31 : i32
      %and3A_764 = arith.andi %shift_right_logical3A_762, %and3A_763 : i32
      %dma_start3A_765 = arith.constant 0 : i32
      %dma_start3A_766 = arith.constant 64 : i32
      %dma_start3A_767 = arith.constant 0 : i32
      %dma_start3A_768 = tpu.memref_slice %arg8[%dma_start3A_766, %dma_start3A_767] : memref<128x129xf32, #tpu.memory_space<vmem>> -> memref<8x128xf32, #tpu.memory_space<vmem>>
      %dma_start3A_769 = arith.constant 0 : i32
      %dma_start3A_770 = arith.constant 0 : i32
      %dma_start3A_771 = tpu.memref_slice %arg4[%or3A_760, %dma_start3A_765, %and3A_764, %dma_start3A_769, %dma_start3A_770] : memref<200x4x32x8x128xf32, #tpu.memory_space<hbm>> -> memref<1x1x1x8x128xf32, #tpu.memory_space<hbm>>
      %dma_start3A_772 = tpu.memref_squeeze %dma_start3A_771 : memref<1x1x1x8x128xf32, #tpu.memory_space<hbm>> -> memref<8x128xf32, #tpu.memory_space<hbm>>
      %dma_start3A_773 = arith.constant 0 : i32
      %dma_start3A_774 = arith.constant 0 : i32
      %dma_start3A_775 = tpu.memref_slice %arg4[%or3A_760, %dma_start3A_765, %and3A_764, %dma_start3A_773, %dma_start3A_774] : memref<200x4x32x8x128xf32, #tpu.memory_space<hbm>> -> memref<1x1x1x8x128xf32, #tpu.memory_space<hbm>>
      %dma_start3A_776 = tpu.memref_squeeze %dma_start3A_775 : memref<1x1x1x8x128xf32, #tpu.memory_space<hbm>> -> memref<8x128xf32, #tpu.memory_space<hbm>>
      %dma_start3A_777 = arith.constant 64 : i32
      %dma_start3A_778 = arith.constant 0 : i32
      %dma_start3A_779 = tpu.memref_slice %arg8[%dma_start3A_777, %dma_start3A_778] : memref<128x129xf32, #tpu.memory_space<vmem>> -> memref<8x128xf32, #tpu.memory_space<vmem>>
      tpu.enqueue_dma source(%dma_start3A_779 : memref<8x128xf32, #tpu.memory_space<vmem>>) target(%dma_start3A_776 : memref<8x128xf32, #tpu.memory_space<hbm>>) target_semaphore(%arg13 : memref<!tpu.dma_semaphore, #tpu.memory_space<semaphore_mem>>)
      %dma_start3A_780 = arith.constant 1 : i32
      %dma_start3A_781 = arith.constant 72 : i32
      %dma_start3A_782 = arith.constant 0 : i32
      %dma_start3A_783 = tpu.memref_slice %arg8[%dma_start3A_781, %dma_start3A_782] : memref<128x129xf32, #tpu.memory_space<vmem>> -> memref<8x128xf32, #tpu.memory_space<vmem>>
      %dma_start3A_784 = arith.constant 0 : i32
      %dma_start3A_785 = arith.constant 0 : i32
      %dma_start3A_786 = tpu.memref_slice %arg4[%or3A_760, %dma_start3A_780, %and3A_764, %dma_start3A_784, %dma_start3A_785] : memref<200x4x32x8x128xf32, #tpu.memory_space<hbm>> -> memref<1x1x1x8x128xf32, #tpu.memory_space<hbm>>
      %dma_start3A_787 = tpu.memref_squeeze %dma_start3A_786 : memref<1x1x1x8x128xf32, #tpu.memory_space<hbm>> -> memref<8x128xf32, #tpu.memory_space<hbm>>
      %dma_start3A_788 = arith.constant 0 : i32
      %dma_start3A_789 = arith.constant 0 : i32
      %dma_start3A_790 = tpu.memref_slice %arg4[%or3A_760, %dma_start3A_780, %and3A_764, %dma_start3A_788, %dma_start3A_789] : memref<200x4x32x8x128xf32, #tpu.memory_space<hbm>> -> memref<1x1x1x8x128xf32, #tpu.memory_space<hbm>>
      %dma_start3A_791 = tpu.memref_squeeze %dma_start3A_790 : memref<1x1x1x8x128xf32, #tpu.memory_space<hbm>> -> memref<8x128xf32, #tpu.memory_space<hbm>>
      %dma_start3A_792 = arith.constant 72 : i32
      %dma_start3A_793 = arith.constant 0 : i32
      %dma_start3A_794 = tpu.memref_slice %arg8[%dma_start3A_792, %dma_start3A_793] : memref<128x129xf32, #tpu.memory_space<vmem>> -> memref<8x128xf32, #tpu.memory_space<vmem>>
      tpu.enqueue_dma source(%dma_start3A_794 : memref<8x128xf32, #tpu.memory_space<vmem>>) target(%dma_start3A_791 : memref<8x128xf32, #tpu.memory_space<hbm>>) target_semaphore(%arg13 : memref<!tpu.dma_semaphore, #tpu.memory_space<semaphore_mem>>)
      %dma_start3A_795 = arith.constant 2 : i32
      %dma_start3A_796 = arith.constant 80 : i32
      %dma_start3A_797 = arith.constant 0 : i32
      %dma_start3A_798 = tpu.memref_slice %arg8[%dma_start3A_796, %dma_start3A_797] : memref<128x129xf32, #tpu.memory_space<vmem>> -> memref<8x128xf32, #tpu.memory_space<vmem>>
      %dma_start3A_799 = arith.constant 0 : i32
      %dma_start3A_800 = arith.constant 0 : i32
      %dma_start3A_801 = tpu.memref_slice %arg4[%or3A_760, %dma_start3A_795, %and3A_764, %dma_start3A_799, %dma_start3A_800] : memref<200x4x32x8x128xf32, #tpu.memory_space<hbm>> -> memref<1x1x1x8x128xf32, #tpu.memory_space<hbm>>
      %dma_start3A_802 = tpu.memref_squeeze %dma_start3A_801 : memref<1x1x1x8x128xf32, #tpu.memory_space<hbm>> -> memref<8x128xf32, #tpu.memory_space<hbm>>
      %dma_start3A_803 = arith.constant 0 : i32
      %dma_start3A_804 = arith.constant 0 : i32
      %dma_start3A_805 = tpu.memref_slice %arg4[%or3A_760, %dma_start3A_795, %and3A_764, %dma_start3A_803, %dma_start3A_804] : memref<200x4x32x8x128xf32, #tpu.memory_space<hbm>> -> memref<1x1x1x8x128xf32, #tpu.memory_space<hbm>>
      %dma_start3A_806 = tpu.memref_squeeze %dma_start3A_805 : memref<1x1x1x8x128xf32, #tpu.memory_space<hbm>> -> memref<8x128xf32, #tpu.memory_space<hbm>>
      %dma_start3A_807 = arith.constant 80 : i32
      %dma_start3A_808 = arith.constant 0 : i32
      %dma_start3A_809 = tpu.memref_slice %arg8[%dma_start3A_807, %dma_start3A_808] : memref<128x129xf32, #tpu.memory_space<vmem>> -> memref<8x128xf32, #tpu.memory_space<vmem>>
      tpu.enqueue_dma source(%dma_start3A_809 : memref<8x128xf32, #tpu.memory_space<vmem>>) target(%dma_start3A_806 : memref<8x128xf32, #tpu.memory_space<hbm>>) target_semaphore(%arg13 : memref<!tpu.dma_semaphore, #tpu.memory_space<semaphore_mem>>)
      %dma_start3A_810 = arith.constant 3 : i32
      %dma_start3A_811 = arith.constant 88 : i32
      %dma_start3A_812 = arith.constant 0 : i32
      %dma_start3A_813 = tpu.memref_slice %arg8[%dma_start3A_811, %dma_start3A_812] : memref<128x129xf32, #tpu.memory_space<vmem>> -> memref<8x128xf32, #tpu.memory_space<vmem>>
      %dma_start3A_814 = arith.constant 0 : i32
      %dma_start3A_815 = arith.constant 0 : i32
      %dma_start3A_816 = tpu.memref_slice %arg4[%or3A_760, %dma_start3A_810, %and3A_764, %dma_start3A_814, %dma_start3A_815] : memref<200x4x32x8x128xf32, #tpu.memory_space<hbm>> -> memref<1x1x1x8x128xf32, #tpu.memory_space<hbm>>
      %dma_start3A_817 = tpu.memref_squeeze %dma_start3A_816 : memref<1x1x1x8x128xf32, #tpu.memory_space<hbm>> -> memref<8x128xf32, #tpu.memory_space<hbm>>
      %dma_start3A_818 = arith.constant 0 : i32
      %dma_start3A_819 = arith.constant 0 : i32
      %dma_start3A_820 = tpu.memref_slice %arg4[%or3A_760, %dma_start3A_810, %and3A_764, %dma_start3A_818, %dma_start3A_819] : memref<200x4x32x8x128xf32, #tpu.memory_space<hbm>> -> memref<1x1x1x8x128xf32, #tpu.memory_space<hbm>>
      %dma_start3A_821 = tpu.memref_squeeze %dma_start3A_820 : memref<1x1x1x8x128xf32, #tpu.memory_space<hbm>> -> memref<8x128xf32, #tpu.memory_space<hbm>>
      %dma_start3A_822 = arith.constant 88 : i32
      %dma_start3A_823 = arith.constant 0 : i32
      %dma_start3A_824 = tpu.memref_slice %arg8[%dma_start3A_822, %dma_start3A_823] : memref<128x129xf32, #tpu.memory_space<vmem>> -> memref<8x128xf32, #tpu.memory_space<vmem>>
      tpu.enqueue_dma source(%dma_start3A_824 : memref<8x128xf32, #tpu.memory_space<vmem>>) target(%dma_start3A_821 : memref<8x128xf32, #tpu.memory_space<hbm>>) target_semaphore(%arg13 : memref<!tpu.dma_semaphore, #tpu.memory_space<semaphore_mem>>)
      %mul3A_825 = arith.constant 4 : i32
      %mul3A_826 = arith.muli %mul3A_472, %mul3A_825 : i32
      %add3A_827 = arith.addi %mul3A_2, %mul3A_826 : i32
      %add3A_828 = arith.constant 3 : i32
      %add3A_829 = arith.addi %add3A_827, %add3A_828 : i32
      %shift_right_logical3A_830 = arith.constant 8 : i32
      %shift_right_logical3A_831 = arith.shrui %add3A_829, %shift_right_logical3A_830 : i32
      %shift_left3A_832 = arith.constant 3 : i32
      %shift_left3A_833 = arith.shli %shift_right_logical3A_831, %shift_left3A_832 : i32
      %and3A_834 = arith.constant 7 : i32
      %and3A_835 = arith.andi %add3A_829, %and3A_834 : i32
      %or3A_836 = arith.ori %shift_left3A_833, %and3A_835 : i32
      %shift_right_logical3A_837 = arith.constant 3 : i32
      %shift_right_logical3A_838 = arith.shrui %add3A_829, %shift_right_logical3A_837 : i32
      %and3A_839 = arith.constant 31 : i32
      %and3A_840 = arith.andi %shift_right_logical3A_838, %and3A_839 : i32
      %dma_start3A_841 = arith.constant 0 : i32
      %dma_start3A_842 = arith.constant 96 : i32
      %dma_start3A_843 = arith.constant 0 : i32
      %dma_start3A_844 = tpu.memref_slice %arg8[%dma_start3A_842, %dma_start3A_843] : memref<128x129xf32, #tpu.memory_space<vmem>> -> memref<8x128xf32, #tpu.memory_space<vmem>>
      %dma_start3A_845 = arith.constant 0 : i32
      %dma_start3A_846 = arith.constant 0 : i32
      %dma_start3A_847 = tpu.memref_slice %arg4[%or3A_836, %dma_start3A_841, %and3A_840, %dma_start3A_845, %dma_start3A_846] : memref<200x4x32x8x128xf32, #tpu.memory_space<hbm>> -> memref<1x1x1x8x128xf32, #tpu.memory_space<hbm>>
      %dma_start3A_848 = tpu.memref_squeeze %dma_start3A_847 : memref<1x1x1x8x128xf32, #tpu.memory_space<hbm>> -> memref<8x128xf32, #tpu.memory_space<hbm>>
      %dma_start3A_849 = arith.constant 0 : i32
      %dma_start3A_850 = arith.constant 0 : i32
      %dma_start3A_851 = tpu.memref_slice %arg4[%or3A_836, %dma_start3A_841, %and3A_840, %dma_start3A_849, %dma_start3A_850] : memref<200x4x32x8x128xf32, #tpu.memory_space<hbm>> -> memref<1x1x1x8x128xf32, #tpu.memory_space<hbm>>
      %dma_start3A_852 = tpu.memref_squeeze %dma_start3A_851 : memref<1x1x1x8x128xf32, #tpu.memory_space<hbm>> -> memref<8x128xf32, #tpu.memory_space<hbm>>
      %dma_start3A_853 = arith.constant 96 : i32
      %dma_start3A_854 = arith.constant 0 : i32
      %dma_start3A_855 = tpu.memref_slice %arg8[%dma_start3A_853, %dma_start3A_854] : memref<128x129xf32, #tpu.memory_space<vmem>> -> memref<8x128xf32, #tpu.memory_space<vmem>>
      tpu.enqueue_dma source(%dma_start3A_855 : memref<8x128xf32, #tpu.memory_space<vmem>>) target(%dma_start3A_852 : memref<8x128xf32, #tpu.memory_space<hbm>>) target_semaphore(%arg13 : memref<!tpu.dma_semaphore, #tpu.memory_space<semaphore_mem>>)
      %dma_start3A_856 = arith.constant 1 : i32
      %dma_start3A_857 = arith.constant 104 : i32
      %dma_start3A_858 = arith.constant 0 : i32
      %dma_start3A_859 = tpu.memref_slice %arg8[%dma_start3A_857, %dma_start3A_858] : memref<128x129xf32, #tpu.memory_space<vmem>> -> memref<8x128xf32, #tpu.memory_space<vmem>>
      %dma_start3A_860 = arith.constant 0 : i32
      %dma_start3A_861 = arith.constant 0 : i32
      %dma_start3A_862 = tpu.memref_slice %arg4[%or3A_836, %dma_start3A_856, %and3A_840, %dma_start3A_860, %dma_start3A_861] : memref<200x4x32x8x128xf32, #tpu.memory_space<hbm>> -> memref<1x1x1x8x128xf32, #tpu.memory_space<hbm>>
      %dma_start3A_863 = tpu.memref_squeeze %dma_start3A_862 : memref<1x1x1x8x128xf32, #tpu.memory_space<hbm>> -> memref<8x128xf32, #tpu.memory_space<hbm>>
      %dma_start3A_864 = arith.constant 0 : i32
      %dma_start3A_865 = arith.constant 0 : i32
      %dma_start3A_866 = tpu.memref_slice %arg4[%or3A_836, %dma_start3A_856, %and3A_840, %dma_start3A_864, %dma_start3A_865] : memref<200x4x32x8x128xf32, #tpu.memory_space<hbm>> -> memref<1x1x1x8x128xf32, #tpu.memory_space<hbm>>
      %dma_start3A_867 = tpu.memref_squeeze %dma_start3A_866 : memref<1x1x1x8x128xf32, #tpu.memory_space<hbm>> -> memref<8x128xf32, #tpu.memory_space<hbm>>
      %dma_start3A_868 = arith.constant 104 : i32
      %dma_start3A_869 = arith.constant 0 : i32
      %dma_start3A_870 = tpu.memref_slice %arg8[%dma_start3A_868, %dma_start3A_869] : memref<128x129xf32, #tpu.memory_space<vmem>> -> memref<8x128xf32, #tpu.memory_space<vmem>>
      tpu.enqueue_dma source(%dma_start3A_870 : memref<8x128xf32, #tpu.memory_space<vmem>>) target(%dma_start3A_867 : memref<8x128xf32, #tpu.memory_space<hbm>>) target_semaphore(%arg13 : memref<!tpu.dma_semaphore, #tpu.memory_space<semaphore_mem>>)
      %dma_start3A_871 = arith.constant 2 : i32
      %dma_start3A_872 = arith.constant 112 : i32
      %dma_start3A_873 = arith.constant 0 : i32
      %dma_start3A_874 = tpu.memref_slice %arg8[%dma_start3A_872, %dma_start3A_873] : memref<128x129xf32, #tpu.memory_space<vmem>> -> memref<8x128xf32, #tpu.memory_space<vmem>>
      %dma_start3A_875 = arith.constant 0 : i32
      %dma_start3A_876 = arith.constant 0 : i32
      %dma_start3A_877 = tpu.memref_slice %arg4[%or3A_836, %dma_start3A_871, %and3A_840, %dma_start3A_875, %dma_start3A_876] : memref<200x4x32x8x128xf32, #tpu.memory_space<hbm>> -> memref<1x1x1x8x128xf32, #tpu.memory_space<hbm>>
      %dma_start3A_878 = tpu.memref_squeeze %dma_start3A_877 : memref<1x1x1x8x128xf32, #tpu.memory_space<hbm>> -> memref<8x128xf32, #tpu.memory_space<hbm>>
      %dma_start3A_879 = arith.constant 0 : i32
      %dma_start3A_880 = arith.constant 0 : i32
      %dma_start3A_881 = tpu.memref_slice %arg4[%or3A_836, %dma_start3A_871, %and3A_840, %dma_start3A_879, %dma_start3A_880] : memref<200x4x32x8x128xf32, #tpu.memory_space<hbm>> -> memref<1x1x1x8x128xf32, #tpu.memory_space<hbm>>
      %dma_start3A_882 = tpu.memref_squeeze %dma_start3A_881 : memref<1x1x1x8x128xf32, #tpu.memory_space<hbm>> -> memref<8x128xf32, #tpu.memory_space<hbm>>
      %dma_start3A_883 = arith.constant 112 : i32
      %dma_start3A_884 = arith.constant 0 : i32
      %dma_start3A_885 = tpu.memref_slice %arg8[%dma_start3A_883, %dma_start3A_884] : memref<128x129xf32, #tpu.memory_space<vmem>> -> memref<8x128xf32, #tpu.memory_space<vmem>>
      tpu.enqueue_dma source(%dma_start3A_885 : memref<8x128xf32, #tpu.memory_space<vmem>>) target(%dma_start3A_882 : memref<8x128xf32, #tpu.memory_space<hbm>>) target_semaphore(%arg13 : memref<!tpu.dma_semaphore, #tpu.memory_space<semaphore_mem>>)
      %dma_start3A_886 = arith.constant 3 : i32
      %dma_start3A_887 = arith.constant 120 : i32
      %dma_start3A_888 = arith.constant 0 : i32
      %dma_start3A_889 = tpu.memref_slice %arg8[%dma_start3A_887, %dma_start3A_888] : memref<128x129xf32, #tpu.memory_space<vmem>> -> memref<8x128xf32, #tpu.memory_space<vmem>>
      %dma_start3A_890 = arith.constant 0 : i32
      %dma_start3A_891 = arith.constant 0 : i32
      %dma_start3A_892 = tpu.memref_slice %arg4[%or3A_836, %dma_start3A_886, %and3A_840, %dma_start3A_890, %dma_start3A_891] : memref<200x4x32x8x128xf32, #tpu.memory_space<hbm>> -> memref<1x1x1x8x128xf32, #tpu.memory_space<hbm>>
      %dma_start3A_893 = tpu.memref_squeeze %dma_start3A_892 : memref<1x1x1x8x128xf32, #tpu.memory_space<hbm>> -> memref<8x128xf32, #tpu.memory_space<hbm>>
      %dma_start3A_894 = arith.constant 0 : i32
      %dma_start3A_895 = arith.constant 0 : i32
      %dma_start3A_896 = tpu.memref_slice %arg4[%or3A_836, %dma_start3A_886, %and3A_840, %dma_start3A_894, %dma_start3A_895] : memref<200x4x32x8x128xf32, #tpu.memory_space<hbm>> -> memref<1x1x1x8x128xf32, #tpu.memory_space<hbm>>
      %dma_start3A_897 = tpu.memref_squeeze %dma_start3A_896 : memref<1x1x1x8x128xf32, #tpu.memory_space<hbm>> -> memref<8x128xf32, #tpu.memory_space<hbm>>
      %dma_start3A_898 = arith.constant 120 : i32
      %dma_start3A_899 = arith.constant 0 : i32
      %dma_start3A_900 = tpu.memref_slice %arg8[%dma_start3A_898, %dma_start3A_899] : memref<128x129xf32, #tpu.memory_space<vmem>> -> memref<8x128xf32, #tpu.memory_space<vmem>>
      tpu.enqueue_dma source(%dma_start3A_900 : memref<8x128xf32, #tpu.memory_space<vmem>>) target(%dma_start3A_897 : memref<8x128xf32, #tpu.memory_space<hbm>>) target_semaphore(%arg13 : memref<!tpu.dma_semaphore, #tpu.memory_space<semaphore_mem>>)
      %lt3A = arith.constant 24 : i32
      %lt3A_901 = arith.cmpi slt, %scan3A_470, %lt3A : i32
      %convert_element_type3A_902 = arith.extui %lt3A_901 : i1 to i32
      %cond3A_903 = arith.constant 0 : i32
      %cond3A_904 = arith.cmpi ne, %convert_element_type3A_902, %cond3A_903 : i32
      scf.if %cond3A_904 {
        %add3A_1288 = arith.constant 2 : i32
        %add3A_1289 = arith.addi %mul3A_472, %add3A_1288 : i32
        %mul3A_1290 = arith.constant 4 : i32
        %mul3A_1291 = arith.muli %add3A_1289, %mul3A_1290 : i32
        %add3A_1292 = arith.constant 0 : i32
        %add3A_1293 = arith.addi %mul3A_1291, %add3A_1292 : i32
        %dma_start3A_1294 = arith.constant 0 : i32
        %dma_start3A_1295 = arith.constant 0 : i32
        %dma_start3A_1296 = tpu.memref_slice %arg6[%dma_start3A_1294, %dma_start3A_1295] : memref<512x32xf32, #tpu.memory_space<vmem>> -> memref<128x32xf32, #tpu.memory_space<vmem>>
        %dma_start3A_1297 = arith.constant 0 : i32
        %dma_start3A_1298 = tpu.memref_slice %arg5[%add3A_1293, %dma_start3A_1297] : memref<200x128xi32, #tpu.memory_space<vmem>> -> memref<1x128xi32, #tpu.memory_space<vmem>>
        %dma_start3A_1299 = tpu.memref_squeeze %dma_start3A_1298 : memref<1x128xi32, #tpu.memory_space<vmem>> -> memref<128xi32, #tpu.memory_space<vmem>>
        %dma_start3A_1300 = arith.constant 0 : i32
        %dma_start3A_1301 = arith.constant 0 : i32
        %dma_start3A_1302 = tpu.memref_slice %arg3[%dma_start3A_1300, %dma_start3A_1301] : memref<1000000x32xf32, #tpu.memory_space<hbm>> -> memref<1000000x32xf32, #tpu.memory_space<hbm>>
        tpu.enqueue_indirect_dma source(%dma_start3A_1302 : memref<1000000x32xf32, #tpu.memory_space<hbm>>) target(%dma_start3A_1296 : memref<128x32xf32, #tpu.memory_space<vmem>>) offsets(%dma_start3A_1299 : memref<128xi32, #tpu.memory_space<vmem>>) semaphore(%arg11 : memref<!tpu.dma_semaphore, #tpu.memory_space<semaphore_mem>>)
        %mul3A_1303 = arith.constant 4 : i32
        %mul3A_1304 = arith.muli %add3A_1289, %mul3A_1303 : i32
        %add3A_1305 = arith.constant 1 : i32
        %add3A_1306 = arith.addi %mul3A_1304, %add3A_1305 : i32
        %dma_start3A_1307 = arith.constant 128 : i32
        %dma_start3A_1308 = arith.constant 0 : i32
        %dma_start3A_1309 = tpu.memref_slice %arg6[%dma_start3A_1307, %dma_start3A_1308] : memref<512x32xf32, #tpu.memory_space<vmem>> -> memref<128x32xf32, #tpu.memory_space<vmem>>
        %dma_start3A_1310 = arith.constant 0 : i32
        %dma_start3A_1311 = tpu.memref_slice %arg5[%add3A_1306, %dma_start3A_1310] : memref<200x128xi32, #tpu.memory_space<vmem>> -> memref<1x128xi32, #tpu.memory_space<vmem>>
        %dma_start3A_1312 = tpu.memref_squeeze %dma_start3A_1311 : memref<1x128xi32, #tpu.memory_space<vmem>> -> memref<128xi32, #tpu.memory_space<vmem>>
        %dma_start3A_1313 = arith.constant 0 : i32
        %dma_start3A_1314 = arith.constant 0 : i32
        %dma_start3A_1315 = tpu.memref_slice %arg3[%dma_start3A_1313, %dma_start3A_1314] : memref<1000000x32xf32, #tpu.memory_space<hbm>> -> memref<1000000x32xf32, #tpu.memory_space<hbm>>
        tpu.enqueue_indirect_dma source(%dma_start3A_1315 : memref<1000000x32xf32, #tpu.memory_space<hbm>>) target(%dma_start3A_1309 : memref<128x32xf32, #tpu.memory_space<vmem>>) offsets(%dma_start3A_1312 : memref<128xi32, #tpu.memory_space<vmem>>) semaphore(%arg11 : memref<!tpu.dma_semaphore, #tpu.memory_space<semaphore_mem>>)
        %mul3A_1316 = arith.constant 4 : i32
        %mul3A_1317 = arith.muli %add3A_1289, %mul3A_1316 : i32
        %add3A_1318 = arith.constant 2 : i32
        %add3A_1319 = arith.addi %mul3A_1317, %add3A_1318 : i32
        %dma_start3A_1320 = arith.constant 256 : i32
        %dma_start3A_1321 = arith.constant 0 : i32
        %dma_start3A_1322 = tpu.memref_slice %arg6[%dma_start3A_1320, %dma_start3A_1321] : memref<512x32xf32, #tpu.memory_space<vmem>> -> memref<128x32xf32, #tpu.memory_space<vmem>>
        %dma_start3A_1323 = arith.constant 0 : i32
        %dma_start3A_1324 = tpu.memref_slice %arg5[%add3A_1319, %dma_start3A_1323] : memref<200x128xi32, #tpu.memory_space<vmem>> -> memref<1x128xi32, #tpu.memory_space<vmem>>
        %dma_start3A_1325 = tpu.memref_squeeze %dma_start3A_1324 : memref<1x128xi32, #tpu.memory_space<vmem>> -> memref<128xi32, #tpu.memory_space<vmem>>
        %dma_start3A_1326 = arith.constant 0 : i32
        %dma_start3A_1327 = arith.constant 0 : i32
        %dma_start3A_1328 = tpu.memref_slice %arg3[%dma_start3A_1326, %dma_start3A_1327] : memref<1000000x32xf32, #tpu.memory_space<hbm>> -> memref<1000000x32xf32, #tpu.memory_space<hbm>>
        tpu.enqueue_indirect_dma source(%dma_start3A_1328 : memref<1000000x32xf32, #tpu.memory_space<hbm>>) target(%dma_start3A_1322 : memref<128x32xf32, #tpu.memory_space<vmem>>) offsets(%dma_start3A_1325 : memref<128xi32, #tpu.memory_space<vmem>>) semaphore(%arg11 : memref<!tpu.dma_semaphore, #tpu.memory_space<semaphore_mem>>)
        %mul3A_1329 = arith.constant 4 : i32
        %mul3A_1330 = arith.muli %add3A_1289, %mul3A_1329 : i32
        %add3A_1331 = arith.constant 3 : i32
        %add3A_1332 = arith.addi %mul3A_1330, %add3A_1331 : i32
        %dma_start3A_1333 = arith.constant 384 : i32
        %dma_start3A_1334 = arith.constant 0 : i32
        %dma_start3A_1335 = tpu.memref_slice %arg6[%dma_start3A_1333, %dma_start3A_1334] : memref<512x32xf32, #tpu.memory_space<vmem>> -> memref<128x32xf32, #tpu.memory_space<vmem>>
        %dma_start3A_1336 = arith.constant 0 : i32
        %dma_start3A_1337 = tpu.memref_slice %arg5[%add3A_1332, %dma_start3A_1336] : memref<200x128xi32, #tpu.memory_space<vmem>> -> memref<1x128xi32, #tpu.memory_space<vmem>>
        %dma_start3A_1338 = tpu.memref_squeeze %dma_start3A_1337 : memref<1x128xi32, #tpu.memory_space<vmem>> -> memref<128xi32, #tpu.memory_space<vmem>>
        %dma_start3A_1339 = arith.constant 0 : i32
        %dma_start3A_1340 = arith.constant 0 : i32
        %dma_start3A_1341 = tpu.memref_slice %arg3[%dma_start3A_1339, %dma_start3A_1340] : memref<1000000x32xf32, #tpu.memory_space<hbm>> -> memref<1000000x32xf32, #tpu.memory_space<hbm>>
        tpu.enqueue_indirect_dma source(%dma_start3A_1341 : memref<1000000x32xf32, #tpu.memory_space<hbm>>) target(%dma_start3A_1335 : memref<128x32xf32, #tpu.memory_space<vmem>>) offsets(%dma_start3A_1338 : memref<128xi32, #tpu.memory_space<vmem>>) semaphore(%arg11 : memref<!tpu.dma_semaphore, #tpu.memory_space<semaphore_mem>>)
      } else {
      }
      %dma_wait3A_905 = arith.constant 0 : i32
      %dma_wait3A_906 = arith.constant 0 : i32
      %dma_wait3A_907 = tpu.memref_slice %arg7[%dma_wait3A_905, %dma_wait3A_906] : memref<512x32xf32, #tpu.memory_space<vmem>> -> memref<128x32xf32, #tpu.memory_space<vmem>>
      %dma_wait3A_908 = arith.constant 0 : i32
      %dma_wait3A_909 = arith.constant 0 : i32
      %dma_wait3A_910 = tpu.memref_slice %arg3[%dma_wait3A_908, %dma_wait3A_909] : memref<1000000x32xf32, #tpu.memory_space<hbm>> -> memref<128x32xf32, #tpu.memory_space<hbm>>
      %dma_wait3A_911 = arith.constant 0 : i32
      %dma_wait3A_912 = arith.constant 0 : i32
      %dma_wait3A_913 = tpu.memref_slice %arg7[%dma_wait3A_911, %dma_wait3A_912] : memref<512x32xf32, #tpu.memory_space<vmem>> -> memref<128x32xf32, #tpu.memory_space<vmem>>
      %dma_wait3A_914 = arith.constant 0 : i32
      %dma_wait3A_915 = arith.constant 0 : i32
      %dma_wait3A_916 = tpu.memref_slice %arg3[%dma_wait3A_914, %dma_wait3A_915] : memref<1000000x32xf32, #tpu.memory_space<hbm>> -> memref<128x32xf32, #tpu.memory_space<hbm>>
      tpu.wait_dma2 semaphore(%arg12 : memref<!tpu.dma_semaphore, #tpu.memory_space<semaphore_mem>>) src(%dma_wait3A_916 : memref<128x32xf32, #tpu.memory_space<hbm>>) dst(%dma_wait3A_913 : memref<128x32xf32, #tpu.memory_space<vmem>>)
      %dma_wait3A_917 = arith.constant 128 : i32
      %dma_wait3A_918 = arith.constant 0 : i32
      %dma_wait3A_919 = tpu.memref_slice %arg7[%dma_wait3A_917, %dma_wait3A_918] : memref<512x32xf32, #tpu.memory_space<vmem>> -> memref<128x32xf32, #tpu.memory_space<vmem>>
      %dma_wait3A_920 = arith.constant 0 : i32
      %dma_wait3A_921 = arith.constant 0 : i32
      %dma_wait3A_922 = tpu.memref_slice %arg3[%dma_wait3A_920, %dma_wait3A_921] : memref<1000000x32xf32, #tpu.memory_space<hbm>> -> memref<128x32xf32, #tpu.memory_space<hbm>>
      %dma_wait3A_923 = arith.constant 128 : i32
      %dma_wait3A_924 = arith.constant 0 : i32
      %dma_wait3A_925 = tpu.memref_slice %arg7[%dma_wait3A_923, %dma_wait3A_924] : memref<512x32xf32, #tpu.memory_space<vmem>> -> memref<128x32xf32, #tpu.memory_space<vmem>>
      %dma_wait3A_926 = arith.constant 0 : i32
      %dma_wait3A_927 = arith.constant 0 : i32
      %dma_wait3A_928 = tpu.memref_slice %arg3[%dma_wait3A_926, %dma_wait3A_927] : memref<1000000x32xf32, #tpu.memory_space<hbm>> -> memref<128x32xf32, #tpu.memory_space<hbm>>
      tpu.wait_dma2 semaphore(%arg12 : memref<!tpu.dma_semaphore, #tpu.memory_space<semaphore_mem>>) src(%dma_wait3A_928 : memref<128x32xf32, #tpu.memory_space<hbm>>) dst(%dma_wait3A_925 : memref<128x32xf32, #tpu.memory_space<vmem>>)
      %dma_wait3A_929 = arith.constant 256 : i32
      %dma_wait3A_930 = arith.constant 0 : i32
      %dma_wait3A_931 = tpu.memref_slice %arg7[%dma_wait3A_929, %dma_wait3A_930] : memref<512x32xf32, #tpu.memory_space<vmem>> -> memref<128x32xf32, #tpu.memory_space<vmem>>
      %dma_wait3A_932 = arith.constant 0 : i32
      %dma_wait3A_933 = arith.constant 0 : i32
      %dma_wait3A_934 = tpu.memref_slice %arg3[%dma_wait3A_932, %dma_wait3A_933] : memref<1000000x32xf32, #tpu.memory_space<hbm>> -> memref<128x32xf32, #tpu.memory_space<hbm>>
      %dma_wait3A_935 = arith.constant 256 : i32
      %dma_wait3A_936 = arith.constant 0 : i32
      %dma_wait3A_937 = tpu.memref_slice %arg7[%dma_wait3A_935, %dma_wait3A_936] : memref<512x32xf32, #tpu.memory_space<vmem>> -> memref<128x32xf32, #tpu.memory_space<vmem>>
      %dma_wait3A_938 = arith.constant 0 : i32
      %dma_wait3A_939 = arith.constant 0 : i32
      %dma_wait3A_940 = tpu.memref_slice %arg3[%dma_wait3A_938, %dma_wait3A_939] : memref<1000000x32xf32, #tpu.memory_space<hbm>> -> memref<128x32xf32, #tpu.memory_space<hbm>>
      tpu.wait_dma2 semaphore(%arg12 : memref<!tpu.dma_semaphore, #tpu.memory_space<semaphore_mem>>) src(%dma_wait3A_940 : memref<128x32xf32, #tpu.memory_space<hbm>>) dst(%dma_wait3A_937 : memref<128x32xf32, #tpu.memory_space<vmem>>)
      %dma_wait3A_941 = arith.constant 384 : i32
      %dma_wait3A_942 = arith.constant 0 : i32
      %dma_wait3A_943 = tpu.memref_slice %arg7[%dma_wait3A_941, %dma_wait3A_942] : memref<512x32xf32, #tpu.memory_space<vmem>> -> memref<128x32xf32, #tpu.memory_space<vmem>>
      %dma_wait3A_944 = arith.constant 0 : i32
      %dma_wait3A_945 = arith.constant 0 : i32
      %dma_wait3A_946 = tpu.memref_slice %arg3[%dma_wait3A_944, %dma_wait3A_945] : memref<1000000x32xf32, #tpu.memory_space<hbm>> -> memref<128x32xf32, #tpu.memory_space<hbm>>
      %dma_wait3A_947 = arith.constant 384 : i32
      %dma_wait3A_948 = arith.constant 0 : i32
      %dma_wait3A_949 = tpu.memref_slice %arg7[%dma_wait3A_947, %dma_wait3A_948] : memref<512x32xf32, #tpu.memory_space<vmem>> -> memref<128x32xf32, #tpu.memory_space<vmem>>
      %dma_wait3A_950 = arith.constant 0 : i32
      %dma_wait3A_951 = arith.constant 0 : i32
      %dma_wait3A_952 = tpu.memref_slice %arg3[%dma_wait3A_950, %dma_wait3A_951] : memref<1000000x32xf32, #tpu.memory_space<hbm>> -> memref<128x32xf32, #tpu.memory_space<hbm>>
      tpu.wait_dma2 semaphore(%arg12 : memref<!tpu.dma_semaphore, #tpu.memory_space<semaphore_mem>>) src(%dma_wait3A_952 : memref<128x32xf32, #tpu.memory_space<hbm>>) dst(%dma_wait3A_949 : memref<128x32xf32, #tpu.memory_space<vmem>>)
      %gt3A_953 = arith.constant 0 : i32
      %gt3A_954 = arith.cmpi sgt, %scan3A_470, %gt3A_953 : i32
      %convert_element_type3A_955 = arith.extui %gt3A_954 : i1 to i32
      %cond3A_956 = arith.constant 0 : i32
      %cond3A_957 = arith.cmpi ne, %convert_element_type3A_955, %cond3A_956 : i32
      scf.if %cond3A_957 {
        %dma_wait3A_1288 = arith.constant 0 : i32
        %dma_wait3A_1289 = arith.constant 0 : i32
        %dma_wait3A_1290 = arith.constant 0 : i32
        %dma_wait3A_1291 = arith.constant 0 : i32
        %dma_wait3A_1292 = arith.constant 0 : i32
        %dma_wait3A_1293 = tpu.memref_slice %arg4[%dma_wait3A_1288, %dma_wait3A_1289, %dma_wait3A_1290, %dma_wait3A_1291, %dma_wait3A_1292] : memref<200x4x32x8x128xf32, #tpu.memory_space<hbm>> -> memref<1x1x1x8x128xf32, #tpu.memory_space<hbm>>
        %dma_wait3A_1294 = tpu.memref_squeeze %dma_wait3A_1293 : memref<1x1x1x8x128xf32, #tpu.memory_space<hbm>> -> memref<8x128xf32, #tpu.memory_space<hbm>>
        %dma_wait3A_1295 = arith.constant 0 : i32
        %dma_wait3A_1296 = arith.constant 0 : i32
        %dma_wait3A_1297 = tpu.memref_slice %arg4[%dma_wait3A_1288, %dma_wait3A_1289, %dma_wait3A_1290, %dma_wait3A_1295, %dma_wait3A_1296] : memref<200x4x32x8x128xf32, #tpu.memory_space<hbm>> -> memref<1x1x1x8x128xf32, #tpu.memory_space<hbm>>
        %dma_wait3A_1298 = tpu.memref_squeeze %dma_wait3A_1297 : memref<1x1x1x8x128xf32, #tpu.memory_space<hbm>> -> memref<8x128xf32, #tpu.memory_space<hbm>>
        tpu.wait_dma2 semaphore(%arg14 : memref<!tpu.dma_semaphore, #tpu.memory_space<semaphore_mem>>) src(%arg10 : memref<8x128xf32, #tpu.memory_space<vmem>>) dst(%dma_wait3A_1298 : memref<8x128xf32, #tpu.memory_space<hbm>>)
        %dma_wait3A_1299 = arith.constant 0 : i32
        %dma_wait3A_1300 = arith.constant 1 : i32
        %dma_wait3A_1301 = arith.constant 0 : i32
        %dma_wait3A_1302 = arith.constant 0 : i32
        %dma_wait3A_1303 = arith.constant 0 : i32
        %dma_wait3A_1304 = tpu.memref_slice %arg4[%dma_wait3A_1299, %dma_wait3A_1300, %dma_wait3A_1301, %dma_wait3A_1302, %dma_wait3A_1303] : memref<200x4x32x8x128xf32, #tpu.memory_space<hbm>> -> memref<1x1x1x8x128xf32, #tpu.memory_space<hbm>>
        %dma_wait3A_1305 = tpu.memref_squeeze %dma_wait3A_1304 : memref<1x1x1x8x128xf32, #tpu.memory_space<hbm>> -> memref<8x128xf32, #tpu.memory_space<hbm>>
        %dma_wait3A_1306 = arith.constant 0 : i32
        %dma_wait3A_1307 = arith.constant 0 : i32
        %dma_wait3A_1308 = tpu.memref_slice %arg4[%dma_wait3A_1299, %dma_wait3A_1300, %dma_wait3A_1301, %dma_wait3A_1306, %dma_wait3A_1307] : memref<200x4x32x8x128xf32, #tpu.memory_space<hbm>> -> memref<1x1x1x8x128xf32, #tpu.memory_space<hbm>>
        %dma_wait3A_1309 = tpu.memref_squeeze %dma_wait3A_1308 : memref<1x1x1x8x128xf32, #tpu.memory_space<hbm>> -> memref<8x128xf32, #tpu.memory_space<hbm>>
        tpu.wait_dma2 semaphore(%arg14 : memref<!tpu.dma_semaphore, #tpu.memory_space<semaphore_mem>>) src(%arg10 : memref<8x128xf32, #tpu.memory_space<vmem>>) dst(%dma_wait3A_1309 : memref<8x128xf32, #tpu.memory_space<hbm>>)
        %dma_wait3A_1310 = arith.constant 0 : i32
        %dma_wait3A_1311 = arith.constant 2 : i32
        %dma_wait3A_1312 = arith.constant 0 : i32
        %dma_wait3A_1313 = arith.constant 0 : i32
        %dma_wait3A_1314 = arith.constant 0 : i32
        %dma_wait3A_1315 = tpu.memref_slice %arg4[%dma_wait3A_1310, %dma_wait3A_1311, %dma_wait3A_1312, %dma_wait3A_1313, %dma_wait3A_1314] : memref<200x4x32x8x128xf32, #tpu.memory_space<hbm>> -> memref<1x1x1x8x128xf32, #tpu.memory_space<hbm>>
        %dma_wait3A_1316 = tpu.memref_squeeze %dma_wait3A_1315 : memref<1x1x1x8x128xf32, #tpu.memory_space<hbm>> -> memref<8x128xf32, #tpu.memory_space<hbm>>
        %dma_wait3A_1317 = arith.constant 0 : i32
        %dma_wait3A_1318 = arith.constant 0 : i32
        %dma_wait3A_1319 = tpu.memref_slice %arg4[%dma_wait3A_1310, %dma_wait3A_1311, %dma_wait3A_1312, %dma_wait3A_1317, %dma_wait3A_1318] : memref<200x4x32x8x128xf32, #tpu.memory_space<hbm>> -> memref<1x1x1x8x128xf32, #tpu.memory_space<hbm>>
        %dma_wait3A_1320 = tpu.memref_squeeze %dma_wait3A_1319 : memref<1x1x1x8x128xf32, #tpu.memory_space<hbm>> -> memref<8x128xf32, #tpu.memory_space<hbm>>
        tpu.wait_dma2 semaphore(%arg14 : memref<!tpu.dma_semaphore, #tpu.memory_space<semaphore_mem>>) src(%arg10 : memref<8x128xf32, #tpu.memory_space<vmem>>) dst(%dma_wait3A_1320 : memref<8x128xf32, #tpu.memory_space<hbm>>)
        %dma_wait3A_1321 = arith.constant 0 : i32
        %dma_wait3A_1322 = arith.constant 3 : i32
        %dma_wait3A_1323 = arith.constant 0 : i32
        %dma_wait3A_1324 = arith.constant 0 : i32
        %dma_wait3A_1325 = arith.constant 0 : i32
        %dma_wait3A_1326 = tpu.memref_slice %arg4[%dma_wait3A_1321, %dma_wait3A_1322, %dma_wait3A_1323, %dma_wait3A_1324, %dma_wait3A_1325] : memref<200x4x32x8x128xf32, #tpu.memory_space<hbm>> -> memref<1x1x1x8x128xf32, #tpu.memory_space<hbm>>
        %dma_wait3A_1327 = tpu.memref_squeeze %dma_wait3A_1326 : memref<1x1x1x8x128xf32, #tpu.memory_space<hbm>> -> memref<8x128xf32, #tpu.memory_space<hbm>>
        %dma_wait3A_1328 = arith.constant 0 : i32
        %dma_wait3A_1329 = arith.constant 0 : i32
        %dma_wait3A_1330 = tpu.memref_slice %arg4[%dma_wait3A_1321, %dma_wait3A_1322, %dma_wait3A_1323, %dma_wait3A_1328, %dma_wait3A_1329] : memref<200x4x32x8x128xf32, #tpu.memory_space<hbm>> -> memref<1x1x1x8x128xf32, #tpu.memory_space<hbm>>
        %dma_wait3A_1331 = tpu.memref_squeeze %dma_wait3A_1330 : memref<1x1x1x8x128xf32, #tpu.memory_space<hbm>> -> memref<8x128xf32, #tpu.memory_space<hbm>>
        tpu.wait_dma2 semaphore(%arg14 : memref<!tpu.dma_semaphore, #tpu.memory_space<semaphore_mem>>) src(%arg10 : memref<8x128xf32, #tpu.memory_space<vmem>>) dst(%dma_wait3A_1331 : memref<8x128xf32, #tpu.memory_space<hbm>>)
        %dma_wait3A_1332 = arith.constant 0 : i32
        %dma_wait3A_1333 = arith.constant 0 : i32
        %dma_wait3A_1334 = arith.constant 0 : i32
        %dma_wait3A_1335 = arith.constant 0 : i32
        %dma_wait3A_1336 = arith.constant 0 : i32
        %dma_wait3A_1337 = tpu.memref_slice %arg4[%dma_wait3A_1332, %dma_wait3A_1333, %dma_wait3A_1334, %dma_wait3A_1335, %dma_wait3A_1336] : memref<200x4x32x8x128xf32, #tpu.memory_space<hbm>> -> memref<1x1x1x8x128xf32, #tpu.memory_space<hbm>>
        %dma_wait3A_1338 = tpu.memref_squeeze %dma_wait3A_1337 : memref<1x1x1x8x128xf32, #tpu.memory_space<hbm>> -> memref<8x128xf32, #tpu.memory_space<hbm>>
        %dma_wait3A_1339 = arith.constant 0 : i32
        %dma_wait3A_1340 = arith.constant 0 : i32
        %dma_wait3A_1341 = tpu.memref_slice %arg4[%dma_wait3A_1332, %dma_wait3A_1333, %dma_wait3A_1334, %dma_wait3A_1339, %dma_wait3A_1340] : memref<200x4x32x8x128xf32, #tpu.memory_space<hbm>> -> memref<1x1x1x8x128xf32, #tpu.memory_space<hbm>>
        %dma_wait3A_1342 = tpu.memref_squeeze %dma_wait3A_1341 : memref<1x1x1x8x128xf32, #tpu.memory_space<hbm>> -> memref<8x128xf32, #tpu.memory_space<hbm>>
        tpu.wait_dma2 semaphore(%arg14 : memref<!tpu.dma_semaphore, #tpu.memory_space<semaphore_mem>>) src(%arg10 : memref<8x128xf32, #tpu.memory_space<vmem>>) dst(%dma_wait3A_1342 : memref<8x128xf32, #tpu.memory_space<hbm>>)
        %dma_wait3A_1343 = arith.constant 0 : i32
        %dma_wait3A_1344 = arith.constant 1 : i32
        %dma_wait3A_1345 = arith.constant 0 : i32
        %dma_wait3A_1346 = arith.constant 0 : i32
        %dma_wait3A_1347 = arith.constant 0 : i32
        %dma_wait3A_1348 = tpu.memref_slice %arg4[%dma_wait3A_1343, %dma_wait3A_1344, %dma_wait3A_1345, %dma_wait3A_1346, %dma_wait3A_1347] : memref<200x4x32x8x128xf32, #tpu.memory_space<hbm>> -> memref<1x1x1x8x128xf32, #tpu.memory_space<hbm>>
        %dma_wait3A_1349 = tpu.memref_squeeze %dma_wait3A_1348 : memref<1x1x1x8x128xf32, #tpu.memory_space<hbm>> -> memref<8x128xf32, #tpu.memory_space<hbm>>
        %dma_wait3A_1350 = arith.constant 0 : i32
        %dma_wait3A_1351 = arith.constant 0 : i32
        %dma_wait3A_1352 = tpu.memref_slice %arg4[%dma_wait3A_1343, %dma_wait3A_1344, %dma_wait3A_1345, %dma_wait3A_1350, %dma_wait3A_1351] : memref<200x4x32x8x128xf32, #tpu.memory_space<hbm>> -> memref<1x1x1x8x128xf32, #tpu.memory_space<hbm>>
        %dma_wait3A_1353 = tpu.memref_squeeze %dma_wait3A_1352 : memref<1x1x1x8x128xf32, #tpu.memory_space<hbm>> -> memref<8x128xf32, #tpu.memory_space<hbm>>
        tpu.wait_dma2 semaphore(%arg14 : memref<!tpu.dma_semaphore, #tpu.memory_space<semaphore_mem>>) src(%arg10 : memref<8x128xf32, #tpu.memory_space<vmem>>) dst(%dma_wait3A_1353 : memref<8x128xf32, #tpu.memory_space<hbm>>)
        %dma_wait3A_1354 = arith.constant 0 : i32
        %dma_wait3A_1355 = arith.constant 2 : i32
        %dma_wait3A_1356 = arith.constant 0 : i32
        %dma_wait3A_1357 = arith.constant 0 : i32
        %dma_wait3A_1358 = arith.constant 0 : i32
        %dma_wait3A_1359 = tpu.memref_slice %arg4[%dma_wait3A_1354, %dma_wait3A_1355, %dma_wait3A_1356, %dma_wait3A_1357, %dma_wait3A_1358] : memref<200x4x32x8x128xf32, #tpu.memory_space<hbm>> -> memref<1x1x1x8x128xf32, #tpu.memory_space<hbm>>
        %dma_wait3A_1360 = tpu.memref_squeeze %dma_wait3A_1359 : memref<1x1x1x8x128xf32, #tpu.memory_space<hbm>> -> memref<8x128xf32, #tpu.memory_space<hbm>>
        %dma_wait3A_1361 = arith.constant 0 : i32
        %dma_wait3A_1362 = arith.constant 0 : i32
        %dma_wait3A_1363 = tpu.memref_slice %arg4[%dma_wait3A_1354, %dma_wait3A_1355, %dma_wait3A_1356, %dma_wait3A_1361, %dma_wait3A_1362] : memref<200x4x32x8x128xf32, #tpu.memory_space<hbm>> -> memref<1x1x1x8x128xf32, #tpu.memory_space<hbm>>
        %dma_wait3A_1364 = tpu.memref_squeeze %dma_wait3A_1363 : memref<1x1x1x8x128xf32, #tpu.memory_space<hbm>> -> memref<8x128xf32, #tpu.memory_space<hbm>>
        tpu.wait_dma2 semaphore(%arg14 : memref<!tpu.dma_semaphore, #tpu.memory_space<semaphore_mem>>) src(%arg10 : memref<8x128xf32, #tpu.memory_space<vmem>>) dst(%dma_wait3A_1364 : memref<8x128xf32, #tpu.memory_space<hbm>>)
        %dma_wait3A_1365 = arith.constant 0 : i32
        %dma_wait3A_1366 = arith.constant 3 : i32
        %dma_wait3A_1367 = arith.constant 0 : i32
        %dma_wait3A_1368 = arith.constant 0 : i32
        %dma_wait3A_1369 = arith.constant 0 : i32
        %dma_wait3A_1370 = tpu.memref_slice %arg4[%dma_wait3A_1365, %dma_wait3A_1366, %dma_wait3A_1367, %dma_wait3A_1368, %dma_wait3A_1369] : memref<200x4x32x8x128xf32, #tpu.memory_space<hbm>> -> memref<1x1x1x8x128xf32, #tpu.memory_space<hbm>>
        %dma_wait3A_1371 = tpu.memref_squeeze %dma_wait3A_1370 : memref<1x1x1x8x128xf32, #tpu.memory_space<hbm>> -> memref<8x128xf32, #tpu.memory_space<hbm>>
        %dma_wait3A_1372 = arith.constant 0 : i32
        %dma_wait3A_1373 = arith.constant 0 : i32
        %dma_wait3A_1374 = tpu.memref_slice %arg4[%dma_wait3A_1365, %dma_wait3A_1366, %dma_wait3A_1367, %dma_wait3A_1372, %dma_wait3A_1373] : memref<200x4x32x8x128xf32, #tpu.memory_space<hbm>> -> memref<1x1x1x8x128xf32, #tpu.memory_space<hbm>>
        %dma_wait3A_1375 = tpu.memref_squeeze %dma_wait3A_1374 : memref<1x1x1x8x128xf32, #tpu.memory_space<hbm>> -> memref<8x128xf32, #tpu.memory_space<hbm>>
        tpu.wait_dma2 semaphore(%arg14 : memref<!tpu.dma_semaphore, #tpu.memory_space<semaphore_mem>>) src(%arg10 : memref<8x128xf32, #tpu.memory_space<vmem>>) dst(%dma_wait3A_1375 : memref<8x128xf32, #tpu.memory_space<hbm>>)
        %dma_wait3A_1376 = arith.constant 0 : i32
        %dma_wait3A_1377 = arith.constant 0 : i32
        %dma_wait3A_1378 = arith.constant 0 : i32
        %dma_wait3A_1379 = arith.constant 0 : i32
        %dma_wait3A_1380 = arith.constant 0 : i32
        %dma_wait3A_1381 = tpu.memref_slice %arg4[%dma_wait3A_1376, %dma_wait3A_1377, %dma_wait3A_1378, %dma_wait3A_1379, %dma_wait3A_1380] : memref<200x4x32x8x128xf32, #tpu.memory_space<hbm>> -> memref<1x1x1x8x128xf32, #tpu.memory_space<hbm>>
        %dma_wait3A_1382 = tpu.memref_squeeze %dma_wait3A_1381 : memref<1x1x1x8x128xf32, #tpu.memory_space<hbm>> -> memref<8x128xf32, #tpu.memory_space<hbm>>
        %dma_wait3A_1383 = arith.constant 0 : i32
        %dma_wait3A_1384 = arith.constant 0 : i32
        %dma_wait3A_1385 = tpu.memref_slice %arg4[%dma_wait3A_1376, %dma_wait3A_1377, %dma_wait3A_1378, %dma_wait3A_1383, %dma_wait3A_1384] : memref<200x4x32x8x128xf32, #tpu.memory_space<hbm>> -> memref<1x1x1x8x128xf32, #tpu.memory_space<hbm>>
        %dma_wait3A_1386 = tpu.memref_squeeze %dma_wait3A_1385 : memref<1x1x1x8x128xf32, #tpu.memory_space<hbm>> -> memref<8x128xf32, #tpu.memory_space<hbm>>
        tpu.wait_dma2 semaphore(%arg14 : memref<!tpu.dma_semaphore, #tpu.memory_space<semaphore_mem>>) src(%arg10 : memref<8x128xf32, #tpu.memory_space<vmem>>) dst(%dma_wait3A_1386 : memref<8x128xf32, #tpu.memory_space<hbm>>)
        %dma_wait3A_1387 = arith.constant 0 : i32
        %dma_wait3A_1388 = arith.constant 1 : i32
        %dma_wait3A_1389 = arith.constant 0 : i32
        %dma_wait3A_1390 = arith.constant 0 : i32
        %dma_wait3A_1391 = arith.constant 0 : i32
        %dma_wait3A_1392 = tpu.memref_slice %arg4[%dma_wait3A_1387, %dma_wait3A_1388, %dma_wait3A_1389, %dma_wait3A_1390, %dma_wait3A_1391] : memref<200x4x32x8x128xf32, #tpu.memory_space<hbm>> -> memref<1x1x1x8x128xf32, #tpu.memory_space<hbm>>
        %dma_wait3A_1393 = tpu.memref_squeeze %dma_wait3A_1392 : memref<1x1x1x8x128xf32, #tpu.memory_space<hbm>> -> memref<8x128xf32, #tpu.memory_space<hbm>>
        %dma_wait3A_1394 = arith.constant 0 : i32
        %dma_wait3A_1395 = arith.constant 0 : i32
        %dma_wait3A_1396 = tpu.memref_slice %arg4[%dma_wait3A_1387, %dma_wait3A_1388, %dma_wait3A_1389, %dma_wait3A_1394, %dma_wait3A_1395] : memref<200x4x32x8x128xf32, #tpu.memory_space<hbm>> -> memref<1x1x1x8x128xf32, #tpu.memory_space<hbm>>
        %dma_wait3A_1397 = tpu.memref_squeeze %dma_wait3A_1396 : memref<1x1x1x8x128xf32, #tpu.memory_space<hbm>> -> memref<8x128xf32, #tpu.memory_space<hbm>>
        tpu.wait_dma2 semaphore(%arg14 : memref<!tpu.dma_semaphore, #tpu.memory_space<semaphore_mem>>) src(%arg10 : memref<8x128xf32, #tpu.memory_space<vmem>>) dst(%dma_wait3A_1397 : memref<8x128xf32, #tpu.memory_space<hbm>>)
        %dma_wait3A_1398 = arith.constant 0 : i32
        %dma_wait3A_1399 = arith.constant 2 : i32
        %dma_wait3A_1400 = arith.constant 0 : i32
        %dma_wait3A_1401 = arith.constant 0 : i32
        %dma_wait3A_1402 = arith.constant 0 : i32
        %dma_wait3A_1403 = tpu.memref_slice %arg4[%dma_wait3A_1398, %dma_wait3A_1399, %dma_wait3A_1400, %dma_wait3A_1401, %dma_wait3A_1402] : memref<200x4x32x8x128xf32, #tpu.memory_space<hbm>> -> memref<1x1x1x8x128xf32, #tpu.memory_space<hbm>>
        %dma_wait3A_1404 = tpu.memref_squeeze %dma_wait3A_1403 : memref<1x1x1x8x128xf32, #tpu.memory_space<hbm>> -> memref<8x128xf32, #tpu.memory_space<hbm>>
        %dma_wait3A_1405 = arith.constant 0 : i32
        %dma_wait3A_1406 = arith.constant 0 : i32
        %dma_wait3A_1407 = tpu.memref_slice %arg4[%dma_wait3A_1398, %dma_wait3A_1399, %dma_wait3A_1400, %dma_wait3A_1405, %dma_wait3A_1406] : memref<200x4x32x8x128xf32, #tpu.memory_space<hbm>> -> memref<1x1x1x8x128xf32, #tpu.memory_space<hbm>>
        %dma_wait3A_1408 = tpu.memref_squeeze %dma_wait3A_1407 : memref<1x1x1x8x128xf32, #tpu.memory_space<hbm>> -> memref<8x128xf32, #tpu.memory_space<hbm>>
        tpu.wait_dma2 semaphore(%arg14 : memref<!tpu.dma_semaphore, #tpu.memory_space<semaphore_mem>>) src(%arg10 : memref<8x128xf32, #tpu.memory_space<vmem>>) dst(%dma_wait3A_1408 : memref<8x128xf32, #tpu.memory_space<hbm>>)
        %dma_wait3A_1409 = arith.constant 0 : i32
        %dma_wait3A_1410 = arith.constant 3 : i32
        %dma_wait3A_1411 = arith.constant 0 : i32
        %dma_wait3A_1412 = arith.constant 0 : i32
        %dma_wait3A_1413 = arith.constant 0 : i32
        %dma_wait3A_1414 = tpu.memref_slice %arg4[%dma_wait3A_1409, %dma_wait3A_1410, %dma_wait3A_1411, %dma_wait3A_1412, %dma_wait3A_1413] : memref<200x4x32x8x128xf32, #tpu.memory_space<hbm>> -> memref<1x1x1x8x128xf32, #tpu.memory_space<hbm>>
        %dma_wait3A_1415 = tpu.memref_squeeze %dma_wait3A_1414 : memref<1x1x1x8x128xf32, #tpu.memory_space<hbm>> -> memref<8x128xf32, #tpu.memory_space<hbm>>
        %dma_wait3A_1416 = arith.constant 0 : i32
        %dma_wait3A_1417 = arith.constant 0 : i32
        %dma_wait3A_1418 = tpu.memref_slice %arg4[%dma_wait3A_1409, %dma_wait3A_1410, %dma_wait3A_1411, %dma_wait3A_1416, %dma_wait3A_1417] : memref<200x4x32x8x128xf32, #tpu.memory_space<hbm>> -> memref<1x1x1x8x128xf32, #tpu.memory_space<hbm>>
        %dma_wait3A_1419 = tpu.memref_squeeze %dma_wait3A_1418 : memref<1x1x1x8x128xf32, #tpu.memory_space<hbm>> -> memref<8x128xf32, #tpu.memory_space<hbm>>
        tpu.wait_dma2 semaphore(%arg14 : memref<!tpu.dma_semaphore, #tpu.memory_space<semaphore_mem>>) src(%arg10 : memref<8x128xf32, #tpu.memory_space<vmem>>) dst(%dma_wait3A_1419 : memref<8x128xf32, #tpu.memory_space<hbm>>)
        %dma_wait3A_1420 = arith.constant 0 : i32
        %dma_wait3A_1421 = arith.constant 0 : i32
        %dma_wait3A_1422 = arith.constant 0 : i32
        %dma_wait3A_1423 = arith.constant 0 : i32
        %dma_wait3A_1424 = arith.constant 0 : i32
        %dma_wait3A_1425 = tpu.memref_slice %arg4[%dma_wait3A_1420, %dma_wait3A_1421, %dma_wait3A_1422, %dma_wait3A_1423, %dma_wait3A_1424] : memref<200x4x32x8x128xf32, #tpu.memory_space<hbm>> -> memref<1x1x1x8x128xf32, #tpu.memory_space<hbm>>
        %dma_wait3A_1426 = tpu.memref_squeeze %dma_wait3A_1425 : memref<1x1x1x8x128xf32, #tpu.memory_space<hbm>> -> memref<8x128xf32, #tpu.memory_space<hbm>>
        %dma_wait3A_1427 = arith.constant 0 : i32
        %dma_wait3A_1428 = arith.constant 0 : i32
        %dma_wait3A_1429 = tpu.memref_slice %arg4[%dma_wait3A_1420, %dma_wait3A_1421, %dma_wait3A_1422, %dma_wait3A_1427, %dma_wait3A_1428] : memref<200x4x32x8x128xf32, #tpu.memory_space<hbm>> -> memref<1x1x1x8x128xf32, #tpu.memory_space<hbm>>
        %dma_wait3A_1430 = tpu.memref_squeeze %dma_wait3A_1429 : memref<1x1x1x8x128xf32, #tpu.memory_space<hbm>> -> memref<8x128xf32, #tpu.memory_space<hbm>>
        tpu.wait_dma2 semaphore(%arg14 : memref<!tpu.dma_semaphore, #tpu.memory_space<semaphore_mem>>) src(%arg10 : memref<8x128xf32, #tpu.memory_space<vmem>>) dst(%dma_wait3A_1430 : memref<8x128xf32, #tpu.memory_space<hbm>>)
        %dma_wait3A_1431 = arith.constant 0 : i32
        %dma_wait3A_1432 = arith.constant 1 : i32
        %dma_wait3A_1433 = arith.constant 0 : i32
        %dma_wait3A_1434 = arith.constant 0 : i32
        %dma_wait3A_1435 = arith.constant 0 : i32
        %dma_wait3A_1436 = tpu.memref_slice %arg4[%dma_wait3A_1431, %dma_wait3A_1432, %dma_wait3A_1433, %dma_wait3A_1434, %dma_wait3A_1435] : memref<200x4x32x8x128xf32, #tpu.memory_space<hbm>> -> memref<1x1x1x8x128xf32, #tpu.memory_space<hbm>>
        %dma_wait3A_1437 = tpu.memref_squeeze %dma_wait3A_1436 : memref<1x1x1x8x128xf32, #tpu.memory_space<hbm>> -> memref<8x128xf32, #tpu.memory_space<hbm>>
        %dma_wait3A_1438 = arith.constant 0 : i32
        %dma_wait3A_1439 = arith.constant 0 : i32
        %dma_wait3A_1440 = tpu.memref_slice %arg4[%dma_wait3A_1431, %dma_wait3A_1432, %dma_wait3A_1433, %dma_wait3A_1438, %dma_wait3A_1439] : memref<200x4x32x8x128xf32, #tpu.memory_space<hbm>> -> memref<1x1x1x8x128xf32, #tpu.memory_space<hbm>>
        %dma_wait3A_1441 = tpu.memref_squeeze %dma_wait3A_1440 : memref<1x1x1x8x128xf32, #tpu.memory_space<hbm>> -> memref<8x128xf32, #tpu.memory_space<hbm>>
        tpu.wait_dma2 semaphore(%arg14 : memref<!tpu.dma_semaphore, #tpu.memory_space<semaphore_mem>>) src(%arg10 : memref<8x128xf32, #tpu.memory_space<vmem>>) dst(%dma_wait3A_1441 : memref<8x128xf32, #tpu.memory_space<hbm>>)
        %dma_wait3A_1442 = arith.constant 0 : i32
        %dma_wait3A_1443 = arith.constant 2 : i32
        %dma_wait3A_1444 = arith.constant 0 : i32
        %dma_wait3A_1445 = arith.constant 0 : i32
        %dma_wait3A_1446 = arith.constant 0 : i32
        %dma_wait3A_1447 = tpu.memref_slice %arg4[%dma_wait3A_1442, %dma_wait3A_1443, %dma_wait3A_1444, %dma_wait3A_1445, %dma_wait3A_1446] : memref<200x4x32x8x128xf32, #tpu.memory_space<hbm>> -> memref<1x1x1x8x128xf32, #tpu.memory_space<hbm>>
        %dma_wait3A_1448 = tpu.memref_squeeze %dma_wait3A_1447 : memref<1x1x1x8x128xf32, #tpu.memory_space<hbm>> -> memref<8x128xf32, #tpu.memory_space<hbm>>
        %dma_wait3A_1449 = arith.constant 0 : i32
        %dma_wait3A_1450 = arith.constant 0 : i32
        %dma_wait3A_1451 = tpu.memref_slice %arg4[%dma_wait3A_1442, %dma_wait3A_1443, %dma_wait3A_1444, %dma_wait3A_1449, %dma_wait3A_1450] : memref<200x4x32x8x128xf32, #tpu.memory_space<hbm>> -> memref<1x1x1x8x128xf32, #tpu.memory_space<hbm>>
        %dma_wait3A_1452 = tpu.memref_squeeze %dma_wait3A_1451 : memref<1x1x1x8x128xf32, #tpu.memory_space<hbm>> -> memref<8x128xf32, #tpu.memory_space<hbm>>
        tpu.wait_dma2 semaphore(%arg14 : memref<!tpu.dma_semaphore, #tpu.memory_space<semaphore_mem>>) src(%arg10 : memref<8x128xf32, #tpu.memory_space<vmem>>) dst(%dma_wait3A_1452 : memref<8x128xf32, #tpu.memory_space<hbm>>)
        %dma_wait3A_1453 = arith.constant 0 : i32
        %dma_wait3A_1454 = arith.constant 3 : i32
        %dma_wait3A_1455 = arith.constant 0 : i32
        %dma_wait3A_1456 = arith.constant 0 : i32
        %dma_wait3A_1457 = arith.constant 0 : i32
        %dma_wait3A_1458 = tpu.memref_slice %arg4[%dma_wait3A_1453, %dma_wait3A_1454, %dma_wait3A_1455, %dma_wait3A_1456, %dma_wait3A_1457] : memref<200x4x32x8x128xf32, #tpu.memory_space<hbm>> -> memref<1x1x1x8x128xf32, #tpu.memory_space<hbm>>
        %dma_wait3A_1459 = tpu.memref_squeeze %dma_wait3A_1458 : memref<1x1x1x8x128xf32, #tpu.memory_space<hbm>> -> memref<8x128xf32, #tpu.memory_space<hbm>>
        %dma_wait3A_1460 = arith.constant 0 : i32
        %dma_wait3A_1461 = arith.constant 0 : i32
        %dma_wait3A_1462 = tpu.memref_slice %arg4[%dma_wait3A_1453, %dma_wait3A_1454, %dma_wait3A_1455, %dma_wait3A_1460, %dma_wait3A_1461] : memref<200x4x32x8x128xf32, #tpu.memory_space<hbm>> -> memref<1x1x1x8x128xf32, #tpu.memory_space<hbm>>
        %dma_wait3A_1463 = tpu.memref_squeeze %dma_wait3A_1462 : memref<1x1x1x8x128xf32, #tpu.memory_space<hbm>> -> memref<8x128xf32, #tpu.memory_space<hbm>>
        tpu.wait_dma2 semaphore(%arg14 : memref<!tpu.dma_semaphore, #tpu.memory_space<semaphore_mem>>) src(%arg10 : memref<8x128xf32, #tpu.memory_space<vmem>>) dst(%dma_wait3A_1463 : memref<8x128xf32, #tpu.memory_space<hbm>>)
      } else {
      }
      %scan3A_958 = arith.constant 0 : i32
      %scan3A_959 = arith.constant 0 : i32
      %scan3A_960 = arith.constant 16 : i32
      %scan3A_961 = arith.addi %scan3A_959, %scan3A_960 : i32
      %scan3A_962 = arith.constant 1 : i32
      scf.for %scan3A_1288 = %scan3A_959 to %scan3A_961 step %scan3A_962  : i32 {
        %mul3A_1289 = arith.constant 8 : i32
        %mul3A_1290 = arith.muli %scan3A_1288, %mul3A_1289 : i32
        %broadcast_in_dim3A = vector.broadcast %mul3A_1290 : i32 to vector<16xi32>
        %add3A_1291 = arith.constant 0 : i32
        %add3A_1292 = arith.addi %add3A_1291, %mul3A_1290 : i32
        %add3A_1293 = arith.constant 0 : i32
        %add3A_1294 = arith.addi %add3A_1292, %add3A_1293 : i32
        %add3A_1295 = arith.addi %broadcast_in_dim3A, %add3A_32 : vector<16xi32>
        %get3A = arith.index_cast %add3A_1294 : i32 to index
        %get3A_1296 = arith.constant 0 : index
        %get3A_1297 = tpu.vector_load %arg7[%get3A, %get3A_1296] {strides = array<i32>} : memref<512x32xf32, #tpu.memory_space<vmem>>, vector<16xf32>,
        %get3A_1298 = arith.index_cast %add3A_1294 : i32 to index
        %get3A_1299 = arith.constant 16 : index
        %get3A_1300 = tpu.vector_load %arg7[%get3A_1298, %get3A_1299] {strides = array<i32>} : memref<512x32xf32, #tpu.memory_space<vmem>>, vector<16xf32>,
        tpu.vector_store_idx %arg9[%add3A_5, %add3A_1295], %get3A_1297 : memref<128x129xf32, #tpu.memory_space<vmem>>[vector<16xi32>, vector<16xi32>], vector<16xf32>,
        tpu.vector_store_idx %arg9[%add3A_17, %add3A_1295], %get3A_1300 : memref<128x129xf32, #tpu.memory_space<vmem>>[vector<16xi32>, vector<16xi32>], vector<16xf32>,
        %add3A_1301 = arith.constant 0 : i32
        %add3A_1302 = arith.addi %add3A_1301, %mul3A_1290 : i32
        %add3A_1303 = arith.constant 1 : i32
        %add3A_1304 = arith.addi %add3A_1302, %add3A_1303 : i32
        %add3A_1305 = arith.addi %broadcast_in_dim3A, %add3A_38 : vector<16xi32>
        %get3A_1306 = arith.index_cast %add3A_1304 : i32 to index
        %get3A_1307 = arith.constant 0 : index
        %get3A_1308 = tpu.vector_load %arg7[%get3A_1306, %get3A_1307] {strides = array<i32>} : memref<512x32xf32, #tpu.memory_space<vmem>>, vector<16xf32>,
        %get3A_1309 = arith.index_cast %add3A_1304 : i32 to index
        %get3A_1310 = arith.constant 16 : index
        %get3A_1311 = tpu.vector_load %arg7[%get3A_1309, %get3A_1310] {strides = array<i32>} : memref<512x32xf32, #tpu.memory_space<vmem>>, vector<16xf32>,
        tpu.vector_store_idx %arg9[%add3A_5, %add3A_1305], %get3A_1308 : memref<128x129xf32, #tpu.memory_space<vmem>>[vector<16xi32>, vector<16xi32>], vector<16xf32>,
        tpu.vector_store_idx %arg9[%add3A_17, %add3A_1305], %get3A_1311 : memref<128x129xf32, #tpu.memory_space<vmem>>[vector<16xi32>, vector<16xi32>], vector<16xf32>,
        %add3A_1312 = arith.constant 0 : i32
        %add3A_1313 = arith.addi %add3A_1312, %mul3A_1290 : i32
        %add3A_1314 = arith.constant 2 : i32
        %add3A_1315 = arith.addi %add3A_1313, %add3A_1314 : i32
        %add3A_1316 = arith.addi %broadcast_in_dim3A, %add3A_44 : vector<16xi32>
        %get3A_1317 = arith.index_cast %add3A_1315 : i32 to index
        %get3A_1318 = arith.constant 0 : index
        %get3A_1319 = tpu.vector_load %arg7[%get3A_1317, %get3A_1318] {strides = array<i32>} : memref<512x32xf32, #tpu.memory_space<vmem>>, vector<16xf32>,
        %get3A_1320 = arith.index_cast %add3A_1315 : i32 to index
        %get3A_1321 = arith.constant 16 : index
        %get3A_1322 = tpu.vector_load %arg7[%get3A_1320, %get3A_1321] {strides = array<i32>} : memref<512x32xf32, #tpu.memory_space<vmem>>, vector<16xf32>,
        tpu.vector_store_idx %arg9[%add3A_5, %add3A_1316], %get3A_1319 : memref<128x129xf32, #tpu.memory_space<vmem>>[vector<16xi32>, vector<16xi32>], vector<16xf32>,
        tpu.vector_store_idx %arg9[%add3A_17, %add3A_1316], %get3A_1322 : memref<128x129xf32, #tpu.memory_space<vmem>>[vector<16xi32>, vector<16xi32>], vector<16xf32>,
        %add3A_1323 = arith.constant 0 : i32
        %add3A_1324 = arith.addi %add3A_1323, %mul3A_1290 : i32
        %add3A_1325 = arith.constant 3 : i32
        %add3A_1326 = arith.addi %add3A_1324, %add3A_1325 : i32
        %add3A_1327 = arith.addi %broadcast_in_dim3A, %add3A_50 : vector<16xi32>
        %get3A_1328 = arith.index_cast %add3A_1326 : i32 to index
        %get3A_1329 = arith.constant 0 : index
        %get3A_1330 = tpu.vector_load %arg7[%get3A_1328, %get3A_1329] {strides = array<i32>} : memref<512x32xf32, #tpu.memory_space<vmem>>, vector<16xf32>,
        %get3A_1331 = arith.index_cast %add3A_1326 : i32 to index
        %get3A_1332 = arith.constant 16 : index
        %get3A_1333 = tpu.vector_load %arg7[%get3A_1331, %get3A_1332] {strides = array<i32>} : memref<512x32xf32, #tpu.memory_space<vmem>>, vector<16xf32>,
        tpu.vector_store_idx %arg9[%add3A_5, %add3A_1327], %get3A_1330 : memref<128x129xf32, #tpu.memory_space<vmem>>[vector<16xi32>, vector<16xi32>], vector<16xf32>,
        tpu.vector_store_idx %arg9[%add3A_17, %add3A_1327], %get3A_1333 : memref<128x129xf32, #tpu.memory_space<vmem>>[vector<16xi32>, vector<16xi32>], vector<16xf32>,
        %add3A_1334 = arith.constant 0 : i32
        %add3A_1335 = arith.addi %add3A_1334, %mul3A_1290 : i32
        %add3A_1336 = arith.constant 4 : i32
        %add3A_1337 = arith.addi %add3A_1335, %add3A_1336 : i32
        %add3A_1338 = arith.addi %broadcast_in_dim3A, %add3A_56 : vector<16xi32>
        %get3A_1339 = arith.index_cast %add3A_1337 : i32 to index
        %get3A_1340 = arith.constant 0 : index
        %get3A_1341 = tpu.vector_load %arg7[%get3A_1339, %get3A_1340] {strides = array<i32>} : memref<512x32xf32, #tpu.memory_space<vmem>>, vector<16xf32>,
        %get3A_1342 = arith.index_cast %add3A_1337 : i32 to index
        %get3A_1343 = arith.constant 16 : index
        %get3A_1344 = tpu.vector_load %arg7[%get3A_1342, %get3A_1343] {strides = array<i32>} : memref<512x32xf32, #tpu.memory_space<vmem>>, vector<16xf32>,
        tpu.vector_store_idx %arg9[%add3A_5, %add3A_1338], %get3A_1341 : memref<128x129xf32, #tpu.memory_space<vmem>>[vector<16xi32>, vector<16xi32>], vector<16xf32>,
        tpu.vector_store_idx %arg9[%add3A_17, %add3A_1338], %get3A_1344 : memref<128x129xf32, #tpu.memory_space<vmem>>[vector<16xi32>, vector<16xi32>], vector<16xf32>,
        %add3A_1345 = arith.constant 0 : i32
        %add3A_1346 = arith.addi %add3A_1345, %mul3A_1290 : i32
        %add3A_1347 = arith.constant 5 : i32
        %add3A_1348 = arith.addi %add3A_1346, %add3A_1347 : i32
        %add3A_1349 = arith.addi %broadcast_in_dim3A, %add3A_62 : vector<16xi32>
        %get3A_1350 = arith.index_cast %add3A_1348 : i32 to index
        %get3A_1351 = arith.constant 0 : index
        %get3A_1352 = tpu.vector_load %arg7[%get3A_1350, %get3A_1351] {strides = array<i32>} : memref<512x32xf32, #tpu.memory_space<vmem>>, vector<16xf32>,
        %get3A_1353 = arith.index_cast %add3A_1348 : i32 to index
        %get3A_1354 = arith.constant 16 : index
        %get3A_1355 = tpu.vector_load %arg7[%get3A_1353, %get3A_1354] {strides = array<i32>} : memref<512x32xf32, #tpu.memory_space<vmem>>, vector<16xf32>,
        tpu.vector_store_idx %arg9[%add3A_5, %add3A_1349], %get3A_1352 : memref<128x129xf32, #tpu.memory_space<vmem>>[vector<16xi32>, vector<16xi32>], vector<16xf32>,
        tpu.vector_store_idx %arg9[%add3A_17, %add3A_1349], %get3A_1355 : memref<128x129xf32, #tpu.memory_space<vmem>>[vector<16xi32>, vector<16xi32>], vector<16xf32>,
        %add3A_1356 = arith.constant 0 : i32
        %add3A_1357 = arith.addi %add3A_1356, %mul3A_1290 : i32
        %add3A_1358 = arith.constant 6 : i32
        %add3A_1359 = arith.addi %add3A_1357, %add3A_1358 : i32
        %add3A_1360 = arith.addi %broadcast_in_dim3A, %add3A_68 : vector<16xi32>
        %get3A_1361 = arith.index_cast %add3A_1359 : i32 to index
        %get3A_1362 = arith.constant 0 : index
        %get3A_1363 = tpu.vector_load %arg7[%get3A_1361, %get3A_1362] {strides = array<i32>} : memref<512x32xf32, #tpu.memory_space<vmem>>, vector<16xf32>,
        %get3A_1364 = arith.index_cast %add3A_1359 : i32 to index
        %get3A_1365 = arith.constant 16 : index
        %get3A_1366 = tpu.vector_load %arg7[%get3A_1364, %get3A_1365] {strides = array<i32>} : memref<512x32xf32, #tpu.memory_space<vmem>>, vector<16xf32>,
        tpu.vector_store_idx %arg9[%add3A_5, %add3A_1360], %get3A_1363 : memref<128x129xf32, #tpu.memory_space<vmem>>[vector<16xi32>, vector<16xi32>], vector<16xf32>,
        tpu.vector_store_idx %arg9[%add3A_17, %add3A_1360], %get3A_1366 : memref<128x129xf32, #tpu.memory_space<vmem>>[vector<16xi32>, vector<16xi32>], vector<16xf32>,
        %add3A_1367 = arith.constant 0 : i32
        %add3A_1368 = arith.addi %add3A_1367, %mul3A_1290 : i32
        %add3A_1369 = arith.constant 7 : i32
        %add3A_1370 = arith.addi %add3A_1368, %add3A_1369 : i32
        %add3A_1371 = arith.addi %broadcast_in_dim3A, %add3A_74 : vector<16xi32>
        %get3A_1372 = arith.index_cast %add3A_1370 : i32 to index
        %get3A_1373 = arith.constant 0 : index
        %get3A_1374 = tpu.vector_load %arg7[%get3A_1372, %get3A_1373] {strides = array<i32>} : memref<512x32xf32, #tpu.memory_space<vmem>>, vector<16xf32>,
        %get3A_1375 = arith.index_cast %add3A_1370 : i32 to index
        %get3A_1376 = arith.constant 16 : index
        %get3A_1377 = tpu.vector_load %arg7[%get3A_1375, %get3A_1376] {strides = array<i32>} : memref<512x32xf32, #tpu.memory_space<vmem>>, vector<16xf32>,
        tpu.vector_store_idx %arg9[%add3A_5, %add3A_1371], %get3A_1374 : memref<128x129xf32, #tpu.memory_space<vmem>>[vector<16xi32>, vector<16xi32>], vector<16xf32>,
        tpu.vector_store_idx %arg9[%add3A_17, %add3A_1371], %get3A_1377 : memref<128x129xf32, #tpu.memory_space<vmem>>[vector<16xi32>, vector<16xi32>], vector<16xf32>,
      }
      %scan3A_963 = arith.constant 16 : i32
      %scan3A_964 = arith.constant 0 : i32
      %scan3A_965 = arith.constant 0 : i32
      %scan3A_966 = arith.constant 16 : i32
      %scan3A_967 = arith.addi %scan3A_965, %scan3A_966 : i32
      %scan3A_968 = arith.constant 1 : i32
      scf.for %scan3A_1288 = %scan3A_965 to %scan3A_967 step %scan3A_968  : i32 {
        %mul3A_1289 = arith.constant 8 : i32
        %mul3A_1290 = arith.muli %scan3A_1288, %mul3A_1289 : i32
        %broadcast_in_dim3A = vector.broadcast %mul3A_1290 : i32 to vector<16xi32>
        %add3A_1291 = arith.constant 128 : i32
        %add3A_1292 = arith.addi %add3A_1291, %mul3A_1290 : i32
        %add3A_1293 = arith.constant 0 : i32
        %add3A_1294 = arith.addi %add3A_1292, %add3A_1293 : i32
        %add3A_1295 = arith.addi %broadcast_in_dim3A, %add3A_32 : vector<16xi32>
        %get3A = arith.index_cast %add3A_1294 : i32 to index
        %get3A_1296 = arith.constant 0 : index
        %get3A_1297 = tpu.vector_load %arg7[%get3A, %get3A_1296] {strides = array<i32>} : memref<512x32xf32, #tpu.memory_space<vmem>>, vector<16xf32>,
        %get3A_1298 = arith.index_cast %add3A_1294 : i32 to index
        %get3A_1299 = arith.constant 16 : index
        %get3A_1300 = tpu.vector_load %arg7[%get3A_1298, %get3A_1299] {strides = array<i32>} : memref<512x32xf32, #tpu.memory_space<vmem>>, vector<16xf32>,
        tpu.vector_store_idx %arg9[%add3A_8, %add3A_1295], %get3A_1297 : memref<128x129xf32, #tpu.memory_space<vmem>>[vector<16xi32>, vector<16xi32>], vector<16xf32>,
        tpu.vector_store_idx %arg9[%add3A_20, %add3A_1295], %get3A_1300 : memref<128x129xf32, #tpu.memory_space<vmem>>[vector<16xi32>, vector<16xi32>], vector<16xf32>,
        %add3A_1301 = arith.constant 128 : i32
        %add3A_1302 = arith.addi %add3A_1301, %mul3A_1290 : i32
        %add3A_1303 = arith.constant 1 : i32
        %add3A_1304 = arith.addi %add3A_1302, %add3A_1303 : i32
        %add3A_1305 = arith.addi %broadcast_in_dim3A, %add3A_38 : vector<16xi32>
        %get3A_1306 = arith.index_cast %add3A_1304 : i32 to index
        %get3A_1307 = arith.constant 0 : index
        %get3A_1308 = tpu.vector_load %arg7[%get3A_1306, %get3A_1307] {strides = array<i32>} : memref<512x32xf32, #tpu.memory_space<vmem>>, vector<16xf32>,
        %get3A_1309 = arith.index_cast %add3A_1304 : i32 to index
        %get3A_1310 = arith.constant 16 : index
        %get3A_1311 = tpu.vector_load %arg7[%get3A_1309, %get3A_1310] {strides = array<i32>} : memref<512x32xf32, #tpu.memory_space<vmem>>, vector<16xf32>,
        tpu.vector_store_idx %arg9[%add3A_8, %add3A_1305], %get3A_1308 : memref<128x129xf32, #tpu.memory_space<vmem>>[vector<16xi32>, vector<16xi32>], vector<16xf32>,
        tpu.vector_store_idx %arg9[%add3A_20, %add3A_1305], %get3A_1311 : memref<128x129xf32, #tpu.memory_space<vmem>>[vector<16xi32>, vector<16xi32>], vector<16xf32>,
        %add3A_1312 = arith.constant 128 : i32
        %add3A_1313 = arith.addi %add3A_1312, %mul3A_1290 : i32
        %add3A_1314 = arith.constant 2 : i32
        %add3A_1315 = arith.addi %add3A_1313, %add3A_1314 : i32
        %add3A_1316 = arith.addi %broadcast_in_dim3A, %add3A_44 : vector<16xi32>
        %get3A_1317 = arith.index_cast %add3A_1315 : i32 to index
        %get3A_1318 = arith.constant 0 : index
        %get3A_1319 = tpu.vector_load %arg7[%get3A_1317, %get3A_1318] {strides = array<i32>} : memref<512x32xf32, #tpu.memory_space<vmem>>, vector<16xf32>,
        %get3A_1320 = arith.index_cast %add3A_1315 : i32 to index
        %get3A_1321 = arith.constant 16 : index
        %get3A_1322 = tpu.vector_load %arg7[%get3A_1320, %get3A_1321] {strides = array<i32>} : memref<512x32xf32, #tpu.memory_space<vmem>>, vector<16xf32>,
        tpu.vector_store_idx %arg9[%add3A_8, %add3A_1316], %get3A_1319 : memref<128x129xf32, #tpu.memory_space<vmem>>[vector<16xi32>, vector<16xi32>], vector<16xf32>,
        tpu.vector_store_idx %arg9[%add3A_20, %add3A_1316], %get3A_1322 : memref<128x129xf32, #tpu.memory_space<vmem>>[vector<16xi32>, vector<16xi32>], vector<16xf32>,
        %add3A_1323 = arith.constant 128 : i32
        %add3A_1324 = arith.addi %add3A_1323, %mul3A_1290 : i32
        %add3A_1325 = arith.constant 3 : i32
        %add3A_1326 = arith.addi %add3A_1324, %add3A_1325 : i32
        %add3A_1327 = arith.addi %broadcast_in_dim3A, %add3A_50 : vector<16xi32>
        %get3A_1328 = arith.index_cast %add3A_1326 : i32 to index
        %get3A_1329 = arith.constant 0 : index
        %get3A_1330 = tpu.vector_load %arg7[%get3A_1328, %get3A_1329] {strides = array<i32>} : memref<512x32xf32, #tpu.memory_space<vmem>>, vector<16xf32>,
        %get3A_1331 = arith.index_cast %add3A_1326 : i32 to index
        %get3A_1332 = arith.constant 16 : index
        %get3A_1333 = tpu.vector_load %arg7[%get3A_1331, %get3A_1332] {strides = array<i32>} : memref<512x32xf32, #tpu.memory_space<vmem>>, vector<16xf32>,
        tpu.vector_store_idx %arg9[%add3A_8, %add3A_1327], %get3A_1330 : memref<128x129xf32, #tpu.memory_space<vmem>>[vector<16xi32>, vector<16xi32>], vector<16xf32>,
        tpu.vector_store_idx %arg9[%add3A_20, %add3A_1327], %get3A_1333 : memref<128x129xf32, #tpu.memory_space<vmem>>[vector<16xi32>, vector<16xi32>], vector<16xf32>,
        %add3A_1334 = arith.constant 128 : i32
        %add3A_1335 = arith.addi %add3A_1334, %mul3A_1290 : i32
        %add3A_1336 = arith.constant 4 : i32
        %add3A_1337 = arith.addi %add3A_1335, %add3A_1336 : i32
        %add3A_1338 = arith.addi %broadcast_in_dim3A, %add3A_56 : vector<16xi32>
        %get3A_1339 = arith.index_cast %add3A_1337 : i32 to index
        %get3A_1340 = arith.constant 0 : index
        %get3A_1341 = tpu.vector_load %arg7[%get3A_1339, %get3A_1340] {strides = array<i32>} : memref<512x32xf32, #tpu.memory_space<vmem>>, vector<16xf32>,
        %get3A_1342 = arith.index_cast %add3A_1337 : i32 to index
        %get3A_1343 = arith.constant 16 : index
        %get3A_1344 = tpu.vector_load %arg7[%get3A_1342, %get3A_1343] {strides = array<i32>} : memref<512x32xf32, #tpu.memory_space<vmem>>, vector<16xf32>,
        tpu.vector_store_idx %arg9[%add3A_8, %add3A_1338], %get3A_1341 : memref<128x129xf32, #tpu.memory_space<vmem>>[vector<16xi32>, vector<16xi32>], vector<16xf32>,
        tpu.vector_store_idx %arg9[%add3A_20, %add3A_1338], %get3A_1344 : memref<128x129xf32, #tpu.memory_space<vmem>>[vector<16xi32>, vector<16xi32>], vector<16xf32>,
        %add3A_1345 = arith.constant 128 : i32
        %add3A_1346 = arith.addi %add3A_1345, %mul3A_1290 : i32
        %add3A_1347 = arith.constant 5 : i32
        %add3A_1348 = arith.addi %add3A_1346, %add3A_1347 : i32
        %add3A_1349 = arith.addi %broadcast_in_dim3A, %add3A_62 : vector<16xi32>
        %get3A_1350 = arith.index_cast %add3A_1348 : i32 to index
        %get3A_1351 = arith.constant 0 : index
        %get3A_1352 = tpu.vector_load %arg7[%get3A_1350, %get3A_1351] {strides = array<i32>} : memref<512x32xf32, #tpu.memory_space<vmem>>, vector<16xf32>,
        %get3A_1353 = arith.index_cast %add3A_1348 : i32 to index
        %get3A_1354 = arith.constant 16 : index
        %get3A_1355 = tpu.vector_load %arg7[%get3A_1353, %get3A_1354] {strides = array<i32>} : memref<512x32xf32, #tpu.memory_space<vmem>>, vector<16xf32>,
        tpu.vector_store_idx %arg9[%add3A_8, %add3A_1349], %get3A_1352 : memref<128x129xf32, #tpu.memory_space<vmem>>[vector<16xi32>, vector<16xi32>], vector<16xf32>,
        tpu.vector_store_idx %arg9[%add3A_20, %add3A_1349], %get3A_1355 : memref<128x129xf32, #tpu.memory_space<vmem>>[vector<16xi32>, vector<16xi32>], vector<16xf32>,
        %add3A_1356 = arith.constant 128 : i32
        %add3A_1357 = arith.addi %add3A_1356, %mul3A_1290 : i32
        %add3A_1358 = arith.constant 6 : i32
        %add3A_1359 = arith.addi %add3A_1357, %add3A_1358 : i32
        %add3A_1360 = arith.addi %broadcast_in_dim3A, %add3A_68 : vector<16xi32>
        %get3A_1361 = arith.index_cast %add3A_1359 : i32 to index
        %get3A_1362 = arith.constant 0 : index
        %get3A_1363 = tpu.vector_load %arg7[%get3A_1361, %get3A_1362] {strides = array<i32>} : memref<512x32xf32, #tpu.memory_space<vmem>>, vector<16xf32>,
        %get3A_1364 = arith.index_cast %add3A_1359 : i32 to index
        %get3A_1365 = arith.constant 16 : index
        %get3A_1366 = tpu.vector_load %arg7[%get3A_1364, %get3A_1365] {strides = array<i32>} : memref<512x32xf32, #tpu.memory_space<vmem>>, vector<16xf32>,
        tpu.vector_store_idx %arg9[%add3A_8, %add3A_1360], %get3A_1363 : memref<128x129xf32, #tpu.memory_space<vmem>>[vector<16xi32>, vector<16xi32>], vector<16xf32>,
        tpu.vector_store_idx %arg9[%add3A_20, %add3A_1360], %get3A_1366 : memref<128x129xf32, #tpu.memory_space<vmem>>[vector<16xi32>, vector<16xi32>], vector<16xf32>,
        %add3A_1367 = arith.constant 128 : i32
        %add3A_1368 = arith.addi %add3A_1367, %mul3A_1290 : i32
        %add3A_1369 = arith.constant 7 : i32
        %add3A_1370 = arith.addi %add3A_1368, %add3A_1369 : i32
        %add3A_1371 = arith.addi %broadcast_in_dim3A, %add3A_74 : vector<16xi32>
        %get3A_1372 = arith.index_cast %add3A_1370 : i32 to index
        %get3A_1373 = arith.constant 0 : index
        %get3A_1374 = tpu.vector_load %arg7[%get3A_1372, %get3A_1373] {strides = array<i32>} : memref<512x32xf32, #tpu.memory_space<vmem>>, vector<16xf32>,
        %get3A_1375 = arith.index_cast %add3A_1370 : i32 to index
        %get3A_1376 = arith.constant 16 : index
        %get3A_1377 = tpu.vector_load %arg7[%get3A_1375, %get3A_1376] {strides = array<i32>} : memref<512x32xf32, #tpu.memory_space<vmem>>, vector<16xf32>,
        tpu.vector_store_idx %arg9[%add3A_8, %add3A_1371], %get3A_1374 : memref<128x129xf32, #tpu.memory_space<vmem>>[vector<16xi32>, vector<16xi32>], vector<16xf32>,
        tpu.vector_store_idx %arg9[%add3A_20, %add3A_1371], %get3A_1377 : memref<128x129xf32, #tpu.memory_space<vmem>>[vector<16xi32>, vector<16xi32>], vector<16xf32>,
      }
      %scan3A_969 = arith.constant 16 : i32
      %scan3A_970 = arith.constant 0 : i32
      %scan3A_971 = arith.constant 0 : i32
      %scan3A_972 = arith.constant 16 : i32
      %scan3A_973 = arith.addi %scan3A_971, %scan3A_972 : i32
      %scan3A_974 = arith.constant 1 : i32
      scf.for %scan3A_1288 = %scan3A_971 to %scan3A_973 step %scan3A_974  : i32 {
        %mul3A_1289 = arith.constant 8 : i32
        %mul3A_1290 = arith.muli %scan3A_1288, %mul3A_1289 : i32
        %broadcast_in_dim3A = vector.broadcast %mul3A_1290 : i32 to vector<16xi32>
        %add3A_1291 = arith.constant 256 : i32
        %add3A_1292 = arith.addi %add3A_1291, %mul3A_1290 : i32
        %add3A_1293 = arith.constant 0 : i32
        %add3A_1294 = arith.addi %add3A_1292, %add3A_1293 : i32
        %add3A_1295 = arith.addi %broadcast_in_dim3A, %add3A_32 : vector<16xi32>
        %get3A = arith.index_cast %add3A_1294 : i32 to index
        %get3A_1296 = arith.constant 0 : index
        %get3A_1297 = tpu.vector_load %arg7[%get3A, %get3A_1296] {strides = array<i32>} : memref<512x32xf32, #tpu.memory_space<vmem>>, vector<16xf32>,
        %get3A_1298 = arith.index_cast %add3A_1294 : i32 to index
        %get3A_1299 = arith.constant 16 : index
        %get3A_1300 = tpu.vector_load %arg7[%get3A_1298, %get3A_1299] {strides = array<i32>} : memref<512x32xf32, #tpu.memory_space<vmem>>, vector<16xf32>,
        tpu.vector_store_idx %arg9[%add3A_11, %add3A_1295], %get3A_1297 : memref<128x129xf32, #tpu.memory_space<vmem>>[vector<16xi32>, vector<16xi32>], vector<16xf32>,
        tpu.vector_store_idx %arg9[%add3A_23, %add3A_1295], %get3A_1300 : memref<128x129xf32, #tpu.memory_space<vmem>>[vector<16xi32>, vector<16xi32>], vector<16xf32>,
        %add3A_1301 = arith.constant 256 : i32
        %add3A_1302 = arith.addi %add3A_1301, %mul3A_1290 : i32
        %add3A_1303 = arith.constant 1 : i32
        %add3A_1304 = arith.addi %add3A_1302, %add3A_1303 : i32
        %add3A_1305 = arith.addi %broadcast_in_dim3A, %add3A_38 : vector<16xi32>
        %get3A_1306 = arith.index_cast %add3A_1304 : i32 to index
        %get3A_1307 = arith.constant 0 : index
        %get3A_1308 = tpu.vector_load %arg7[%get3A_1306, %get3A_1307] {strides = array<i32>} : memref<512x32xf32, #tpu.memory_space<vmem>>, vector<16xf32>,
        %get3A_1309 = arith.index_cast %add3A_1304 : i32 to index
        %get3A_1310 = arith.constant 16 : index
        %get3A_1311 = tpu.vector_load %arg7[%get3A_1309, %get3A_1310] {strides = array<i32>} : memref<512x32xf32, #tpu.memory_space<vmem>>, vector<16xf32>,
        tpu.vector_store_idx %arg9[%add3A_11, %add3A_1305], %get3A_1308 : memref<128x129xf32, #tpu.memory_space<vmem>>[vector<16xi32>, vector<16xi32>], vector<16xf32>,
        tpu.vector_store_idx %arg9[%add3A_23, %add3A_1305], %get3A_1311 : memref<128x129xf32, #tpu.memory_space<vmem>>[vector<16xi32>, vector<16xi32>], vector<16xf32>,
        %add3A_1312 = arith.constant 256 : i32
        %add3A_1313 = arith.addi %add3A_1312, %mul3A_1290 : i32
        %add3A_1314 = arith.constant 2 : i32
        %add3A_1315 = arith.addi %add3A_1313, %add3A_1314 : i32
        %add3A_1316 = arith.addi %broadcast_in_dim3A, %add3A_44 : vector<16xi32>
        %get3A_1317 = arith.index_cast %add3A_1315 : i32 to index
        %get3A_1318 = arith.constant 0 : index
        %get3A_1319 = tpu.vector_load %arg7[%get3A_1317, %get3A_1318] {strides = array<i32>} : memref<512x32xf32, #tpu.memory_space<vmem>>, vector<16xf32>,
        %get3A_1320 = arith.index_cast %add3A_1315 : i32 to index
        %get3A_1321 = arith.constant 16 : index
        %get3A_1322 = tpu.vector_load %arg7[%get3A_1320, %get3A_1321] {strides = array<i32>} : memref<512x32xf32, #tpu.memory_space<vmem>>, vector<16xf32>,
        tpu.vector_store_idx %arg9[%add3A_11, %add3A_1316], %get3A_1319 : memref<128x129xf32, #tpu.memory_space<vmem>>[vector<16xi32>, vector<16xi32>], vector<16xf32>,
        tpu.vector_store_idx %arg9[%add3A_23, %add3A_1316], %get3A_1322 : memref<128x129xf32, #tpu.memory_space<vmem>>[vector<16xi32>, vector<16xi32>], vector<16xf32>,
        %add3A_1323 = arith.constant 256 : i32
        %add3A_1324 = arith.addi %add3A_1323, %mul3A_1290 : i32
        %add3A_1325 = arith.constant 3 : i32
        %add3A_1326 = arith.addi %add3A_1324, %add3A_1325 : i32
        %add3A_1327 = arith.addi %broadcast_in_dim3A, %add3A_50 : vector<16xi32>
        %get3A_1328 = arith.index_cast %add3A_1326 : i32 to index
        %get3A_1329 = arith.constant 0 : index
        %get3A_1330 = tpu.vector_load %arg7[%get3A_1328, %get3A_1329] {strides = array<i32>} : memref<512x32xf32, #tpu.memory_space<vmem>>, vector<16xf32>,
        %get3A_1331 = arith.index_cast %add3A_1326 : i32 to index
        %get3A_1332 = arith.constant 16 : index
        %get3A_1333 = tpu.vector_load %arg7[%get3A_1331, %get3A_1332] {strides = array<i32>} : memref<512x32xf32, #tpu.memory_space<vmem>>, vector<16xf32>,
        tpu.vector_store_idx %arg9[%add3A_11, %add3A_1327], %get3A_1330 : memref<128x129xf32, #tpu.memory_space<vmem>>[vector<16xi32>, vector<16xi32>], vector<16xf32>,
        tpu.vector_store_idx %arg9[%add3A_23, %add3A_1327], %get3A_1333 : memref<128x129xf32, #tpu.memory_space<vmem>>[vector<16xi32>, vector<16xi32>], vector<16xf32>,
        %add3A_1334 = arith.constant 256 : i32
        %add3A_1335 = arith.addi %add3A_1334, %mul3A_1290 : i32
        %add3A_1336 = arith.constant 4 : i32
        %add3A_1337 = arith.addi %add3A_1335, %add3A_1336 : i32
        %add3A_1338 = arith.addi %broadcast_in_dim3A, %add3A_56 : vector<16xi32>
        %get3A_1339 = arith.index_cast %add3A_1337 : i32 to index
        %get3A_1340 = arith.constant 0 : index
        %get3A_1341 = tpu.vector_load %arg7[%get3A_1339, %get3A_1340] {strides = array<i32>} : memref<512x32xf32, #tpu.memory_space<vmem>>, vector<16xf32>,
        %get3A_1342 = arith.index_cast %add3A_1337 : i32 to index
        %get3A_1343 = arith.constant 16 : index
        %get3A_1344 = tpu.vector_load %arg7[%get3A_1342, %get3A_1343] {strides = array<i32>} : memref<512x32xf32, #tpu.memory_space<vmem>>, vector<16xf32>,
        tpu.vector_store_idx %arg9[%add3A_11, %add3A_1338], %get3A_1341 : memref<128x129xf32, #tpu.memory_space<vmem>>[vector<16xi32>, vector<16xi32>], vector<16xf32>,
        tpu.vector_store_idx %arg9[%add3A_23, %add3A_1338], %get3A_1344 : memref<128x129xf32, #tpu.memory_space<vmem>>[vector<16xi32>, vector<16xi32>], vector<16xf32>,
        %add3A_1345 = arith.constant 256 : i32
        %add3A_1346 = arith.addi %add3A_1345, %mul3A_1290 : i32
        %add3A_1347 = arith.constant 5 : i32
        %add3A_1348 = arith.addi %add3A_1346, %add3A_1347 : i32
        %add3A_1349 = arith.addi %broadcast_in_dim3A, %add3A_62 : vector<16xi32>
        %get3A_1350 = arith.index_cast %add3A_1348 : i32 to index
        %get3A_1351 = arith.constant 0 : index
        %get3A_1352 = tpu.vector_load %arg7[%get3A_1350, %get3A_1351] {strides = array<i32>} : memref<512x32xf32, #tpu.memory_space<vmem>>, vector<16xf32>,
        %get3A_1353 = arith.index_cast %add3A_1348 : i32 to index
        %get3A_1354 = arith.constant 16 : index
        %get3A_1355 = tpu.vector_load %arg7[%get3A_1353, %get3A_1354] {strides = array<i32>} : memref<512x32xf32, #tpu.memory_space<vmem>>, vector<16xf32>,
        tpu.vector_store_idx %arg9[%add3A_11, %add3A_1349], %get3A_1352 : memref<128x129xf32, #tpu.memory_space<vmem>>[vector<16xi32>, vector<16xi32>], vector<16xf32>,
        tpu.vector_store_idx %arg9[%add3A_23, %add3A_1349], %get3A_1355 : memref<128x129xf32, #tpu.memory_space<vmem>>[vector<16xi32>, vector<16xi32>], vector<16xf32>,
        %add3A_1356 = arith.constant 256 : i32
        %add3A_1357 = arith.addi %add3A_1356, %mul3A_1290 : i32
        %add3A_1358 = arith.constant 6 : i32
        %add3A_1359 = arith.addi %add3A_1357, %add3A_1358 : i32
        %add3A_1360 = arith.addi %broadcast_in_dim3A, %add3A_68 : vector<16xi32>
        %get3A_1361 = arith.index_cast %add3A_1359 : i32 to index
        %get3A_1362 = arith.constant 0 : index
        %get3A_1363 = tpu.vector_load %arg7[%get3A_1361, %get3A_1362] {strides = array<i32>} : memref<512x32xf32, #tpu.memory_space<vmem>>, vector<16xf32>,
        %get3A_1364 = arith.index_cast %add3A_1359 : i32 to index
        %get3A_1365 = arith.constant 16 : index
        %get3A_1366 = tpu.vector_load %arg7[%get3A_1364, %get3A_1365] {strides = array<i32>} : memref<512x32xf32, #tpu.memory_space<vmem>>, vector<16xf32>,
        tpu.vector_store_idx %arg9[%add3A_11, %add3A_1360], %get3A_1363 : memref<128x129xf32, #tpu.memory_space<vmem>>[vector<16xi32>, vector<16xi32>], vector<16xf32>,
        tpu.vector_store_idx %arg9[%add3A_23, %add3A_1360], %get3A_1366 : memref<128x129xf32, #tpu.memory_space<vmem>>[vector<16xi32>, vector<16xi32>], vector<16xf32>,
        %add3A_1367 = arith.constant 256 : i32
        %add3A_1368 = arith.addi %add3A_1367, %mul3A_1290 : i32
        %add3A_1369 = arith.constant 7 : i32
        %add3A_1370 = arith.addi %add3A_1368, %add3A_1369 : i32
        %add3A_1371 = arith.addi %broadcast_in_dim3A, %add3A_74 : vector<16xi32>
        %get3A_1372 = arith.index_cast %add3A_1370 : i32 to index
        %get3A_1373 = arith.constant 0 : index
        %get3A_1374 = tpu.vector_load %arg7[%get3A_1372, %get3A_1373] {strides = array<i32>} : memref<512x32xf32, #tpu.memory_space<vmem>>, vector<16xf32>,
        %get3A_1375 = arith.index_cast %add3A_1370 : i32 to index
        %get3A_1376 = arith.constant 16 : index
        %get3A_1377 = tpu.vector_load %arg7[%get3A_1375, %get3A_1376] {strides = array<i32>} : memref<512x32xf32, #tpu.memory_space<vmem>>, vector<16xf32>,
        tpu.vector_store_idx %arg9[%add3A_11, %add3A_1371], %get3A_1374 : memref<128x129xf32, #tpu.memory_space<vmem>>[vector<16xi32>, vector<16xi32>], vector<16xf32>,
        tpu.vector_store_idx %arg9[%add3A_23, %add3A_1371], %get3A_1377 : memref<128x129xf32, #tpu.memory_space<vmem>>[vector<16xi32>, vector<16xi32>], vector<16xf32>,
      }
      %scan3A_975 = arith.constant 16 : i32
      %scan3A_976 = arith.constant 0 : i32
      %scan3A_977 = arith.constant 0 : i32
      %scan3A_978 = arith.constant 16 : i32
      %scan3A_979 = arith.addi %scan3A_977, %scan3A_978 : i32
      %scan3A_980 = arith.constant 1 : i32
      scf.for %scan3A_1288 = %scan3A_977 to %scan3A_979 step %scan3A_980  : i32 {
        %mul3A_1289 = arith.constant 8 : i32
        %mul3A_1290 = arith.muli %scan3A_1288, %mul3A_1289 : i32
        %broadcast_in_dim3A = vector.broadcast %mul3A_1290 : i32 to vector<16xi32>
        %add3A_1291 = arith.constant 384 : i32
        %add3A_1292 = arith.addi %add3A_1291, %mul3A_1290 : i32
        %add3A_1293 = arith.constant 0 : i32
        %add3A_1294 = arith.addi %add3A_1292, %add3A_1293 : i32
        %add3A_1295 = arith.addi %broadcast_in_dim3A, %add3A_32 : vector<16xi32>
        %get3A = arith.index_cast %add3A_1294 : i32 to index
        %get3A_1296 = arith.constant 0 : index
        %get3A_1297 = tpu.vector_load %arg7[%get3A, %get3A_1296] {strides = array<i32>} : memref<512x32xf32, #tpu.memory_space<vmem>>, vector<16xf32>,
        %get3A_1298 = arith.index_cast %add3A_1294 : i32 to index
        %get3A_1299 = arith.constant 16 : index
        %get3A_1300 = tpu.vector_load %arg7[%get3A_1298, %get3A_1299] {strides = array<i32>} : memref<512x32xf32, #tpu.memory_space<vmem>>, vector<16xf32>,
        tpu.vector_store_idx %arg9[%add3A_14, %add3A_1295], %get3A_1297 : memref<128x129xf32, #tpu.memory_space<vmem>>[vector<16xi32>, vector<16xi32>], vector<16xf32>,
        tpu.vector_store_idx %arg9[%add3A_26, %add3A_1295], %get3A_1300 : memref<128x129xf32, #tpu.memory_space<vmem>>[vector<16xi32>, vector<16xi32>], vector<16xf32>,
        %add3A_1301 = arith.constant 384 : i32
        %add3A_1302 = arith.addi %add3A_1301, %mul3A_1290 : i32
        %add3A_1303 = arith.constant 1 : i32
        %add3A_1304 = arith.addi %add3A_1302, %add3A_1303 : i32
        %add3A_1305 = arith.addi %broadcast_in_dim3A, %add3A_38 : vector<16xi32>
        %get3A_1306 = arith.index_cast %add3A_1304 : i32 to index
        %get3A_1307 = arith.constant 0 : index
        %get3A_1308 = tpu.vector_load %arg7[%get3A_1306, %get3A_1307] {strides = array<i32>} : memref<512x32xf32, #tpu.memory_space<vmem>>, vector<16xf32>,
        %get3A_1309 = arith.index_cast %add3A_1304 : i32 to index
        %get3A_1310 = arith.constant 16 : index
        %get3A_1311 = tpu.vector_load %arg7[%get3A_1309, %get3A_1310] {strides = array<i32>} : memref<512x32xf32, #tpu.memory_space<vmem>>, vector<16xf32>,
        tpu.vector_store_idx %arg9[%add3A_14, %add3A_1305], %get3A_1308 : memref<128x129xf32, #tpu.memory_space<vmem>>[vector<16xi32>, vector<16xi32>], vector<16xf32>,
        tpu.vector_store_idx %arg9[%add3A_26, %add3A_1305], %get3A_1311 : memref<128x129xf32, #tpu.memory_space<vmem>>[vector<16xi32>, vector<16xi32>], vector<16xf32>,
        %add3A_1312 = arith.constant 384 : i32
        %add3A_1313 = arith.addi %add3A_1312, %mul3A_1290 : i32
        %add3A_1314 = arith.constant 2 : i32
        %add3A_1315 = arith.addi %add3A_1313, %add3A_1314 : i32
        %add3A_1316 = arith.addi %broadcast_in_dim3A, %add3A_44 : vector<16xi32>
        %get3A_1317 = arith.index_cast %add3A_1315 : i32 to index
        %get3A_1318 = arith.constant 0 : index
        %get3A_1319 = tpu.vector_load %arg7[%get3A_1317, %get3A_1318] {strides = array<i32>} : memref<512x32xf32, #tpu.memory_space<vmem>>, vector<16xf32>,
        %get3A_1320 = arith.index_cast %add3A_1315 : i32 to index
        %get3A_1321 = arith.constant 16 : index
        %get3A_1322 = tpu.vector_load %arg7[%get3A_1320, %get3A_1321] {strides = array<i32>} : memref<512x32xf32, #tpu.memory_space<vmem>>, vector<16xf32>,
        tpu.vector_store_idx %arg9[%add3A_14, %add3A_1316], %get3A_1319 : memref<128x129xf32, #tpu.memory_space<vmem>>[vector<16xi32>, vector<16xi32>], vector<16xf32>,
        tpu.vector_store_idx %arg9[%add3A_26, %add3A_1316], %get3A_1322 : memref<128x129xf32, #tpu.memory_space<vmem>>[vector<16xi32>, vector<16xi32>], vector<16xf32>,
        %add3A_1323 = arith.constant 384 : i32
        %add3A_1324 = arith.addi %add3A_1323, %mul3A_1290 : i32
        %add3A_1325 = arith.constant 3 : i32
        %add3A_1326 = arith.addi %add3A_1324, %add3A_1325 : i32
        %add3A_1327 = arith.addi %broadcast_in_dim3A, %add3A_50 : vector<16xi32>
        %get3A_1328 = arith.index_cast %add3A_1326 : i32 to index
        %get3A_1329 = arith.constant 0 : index
        %get3A_1330 = tpu.vector_load %arg7[%get3A_1328, %get3A_1329] {strides = array<i32>} : memref<512x32xf32, #tpu.memory_space<vmem>>, vector<16xf32>,
        %get3A_1331 = arith.index_cast %add3A_1326 : i32 to index
        %get3A_1332 = arith.constant 16 : index
        %get3A_1333 = tpu.vector_load %arg7[%get3A_1331, %get3A_1332] {strides = array<i32>} : memref<512x32xf32, #tpu.memory_space<vmem>>, vector<16xf32>,
        tpu.vector_store_idx %arg9[%add3A_14, %add3A_1327], %get3A_1330 : memref<128x129xf32, #tpu.memory_space<vmem>>[vector<16xi32>, vector<16xi32>], vector<16xf32>,
        tpu.vector_store_idx %arg9[%add3A_26, %add3A_1327], %get3A_1333 : memref<128x129xf32, #tpu.memory_space<vmem>>[vector<16xi32>, vector<16xi32>], vector<16xf32>,
        %add3A_1334 = arith.constant 384 : i32
        %add3A_1335 = arith.addi %add3A_1334, %mul3A_1290 : i32
        %add3A_1336 = arith.constant 4 : i32
        %add3A_1337 = arith.addi %add3A_1335, %add3A_1336 : i32
        %add3A_1338 = arith.addi %broadcast_in_dim3A, %add3A_56 : vector<16xi32>
        %get3A_1339 = arith.index_cast %add3A_1337 : i32 to index
        %get3A_1340 = arith.constant 0 : index
        %get3A_1341 = tpu.vector_load %arg7[%get3A_1339, %get3A_1340] {strides = array<i32>} : memref<512x32xf32, #tpu.memory_space<vmem>>, vector<16xf32>,
        %get3A_1342 = arith.index_cast %add3A_1337 : i32 to index
        %get3A_1343 = arith.constant 16 : index
        %get3A_1344 = tpu.vector_load %arg7[%get3A_1342, %get3A_1343] {strides = array<i32>} : memref<512x32xf32, #tpu.memory_space<vmem>>, vector<16xf32>,
        tpu.vector_store_idx %arg9[%add3A_14, %add3A_1338], %get3A_1341 : memref<128x129xf32, #tpu.memory_space<vmem>>[vector<16xi32>, vector<16xi32>], vector<16xf32>,
        tpu.vector_store_idx %arg9[%add3A_26, %add3A_1338], %get3A_1344 : memref<128x129xf32, #tpu.memory_space<vmem>>[vector<16xi32>, vector<16xi32>], vector<16xf32>,
        %add3A_1345 = arith.constant 384 : i32
        %add3A_1346 = arith.addi %add3A_1345, %mul3A_1290 : i32
        %add3A_1347 = arith.constant 5 : i32
        %add3A_1348 = arith.addi %add3A_1346, %add3A_1347 : i32
        %add3A_1349 = arith.addi %broadcast_in_dim3A, %add3A_62 : vector<16xi32>
        %get3A_1350 = arith.index_cast %add3A_1348 : i32 to index
        %get3A_1351 = arith.constant 0 : index
        %get3A_1352 = tpu.vector_load %arg7[%get3A_1350, %get3A_1351] {strides = array<i32>} : memref<512x32xf32, #tpu.memory_space<vmem>>, vector<16xf32>,
        %get3A_1353 = arith.index_cast %add3A_1348 : i32 to index
        %get3A_1354 = arith.constant 16 : index
        %get3A_1355 = tpu.vector_load %arg7[%get3A_1353, %get3A_1354] {strides = array<i32>} : memref<512x32xf32, #tpu.memory_space<vmem>>, vector<16xf32>,
        tpu.vector_store_idx %arg9[%add3A_14, %add3A_1349], %get3A_1352 : memref<128x129xf32, #tpu.memory_space<vmem>>[vector<16xi32>, vector<16xi32>], vector<16xf32>,
        tpu.vector_store_idx %arg9[%add3A_26, %add3A_1349], %get3A_1355 : memref<128x129xf32, #tpu.memory_space<vmem>>[vector<16xi32>, vector<16xi32>], vector<16xf32>,
        %add3A_1356 = arith.constant 384 : i32
        %add3A_1357 = arith.addi %add3A_1356, %mul3A_1290 : i32
        %add3A_1358 = arith.constant 6 : i32
        %add3A_1359 = arith.addi %add3A_1357, %add3A_1358 : i32
        %add3A_1360 = arith.addi %broadcast_in_dim3A, %add3A_68 : vector<16xi32>
        %get3A_1361 = arith.index_cast %add3A_1359 : i32 to index
        %get3A_1362 = arith.constant 0 : index
        %get3A_1363 = tpu.vector_load %arg7[%get3A_1361, %get3A_1362] {strides = array<i32>} : memref<512x32xf32, #tpu.memory_space<vmem>>, vector<16xf32>,
        %get3A_1364 = arith.index_cast %add3A_1359 : i32 to index
        %get3A_1365 = arith.constant 16 : index
        %get3A_1366 = tpu.vector_load %arg7[%get3A_1364, %get3A_1365] {strides = array<i32>} : memref<512x32xf32, #tpu.memory_space<vmem>>, vector<16xf32>,
        tpu.vector_store_idx %arg9[%add3A_14, %add3A_1360], %get3A_1363 : memref<128x129xf32, #tpu.memory_space<vmem>>[vector<16xi32>, vector<16xi32>], vector<16xf32>,
        tpu.vector_store_idx %arg9[%add3A_26, %add3A_1360], %get3A_1366 : memref<128x129xf32, #tpu.memory_space<vmem>>[vector<16xi32>, vector<16xi32>], vector<16xf32>,
        %add3A_1367 = arith.constant 384 : i32
        %add3A_1368 = arith.addi %add3A_1367, %mul3A_1290 : i32
        %add3A_1369 = arith.constant 7 : i32
        %add3A_1370 = arith.addi %add3A_1368, %add3A_1369 : i32
        %add3A_1371 = arith.addi %broadcast_in_dim3A, %add3A_74 : vector<16xi32>
        %get3A_1372 = arith.index_cast %add3A_1370 : i32 to index
        %get3A_1373 = arith.constant 0 : index
        %get3A_1374 = tpu.vector_load %arg7[%get3A_1372, %get3A_1373] {strides = array<i32>} : memref<512x32xf32, #tpu.memory_space<vmem>>, vector<16xf32>,
        %get3A_1375 = arith.index_cast %add3A_1370 : i32 to index
        %get3A_1376 = arith.constant 16 : index
        %get3A_1377 = tpu.vector_load %arg7[%get3A_1375, %get3A_1376] {strides = array<i32>} : memref<512x32xf32, #tpu.memory_space<vmem>>, vector<16xf32>,
        tpu.vector_store_idx %arg9[%add3A_14, %add3A_1371], %get3A_1374 : memref<128x129xf32, #tpu.memory_space<vmem>>[vector<16xi32>, vector<16xi32>], vector<16xf32>,
        tpu.vector_store_idx %arg9[%add3A_26, %add3A_1371], %get3A_1377 : memref<128x129xf32, #tpu.memory_space<vmem>>[vector<16xi32>, vector<16xi32>], vector<16xf32>,
      }
      %scan3A_981 = arith.constant 16 : i32
      %add3A_982 = arith.constant 1 : i32
      %add3A_983 = arith.addi %mul3A_472, %add3A_982 : i32
      %mul3A_984 = arith.constant 4 : i32
      %mul3A_985 = arith.muli %add3A_983, %mul3A_984 : i32
      %add3A_986 = arith.addi %mul3A_2, %mul3A_985 : i32
      %add3A_987 = arith.constant 0 : i32
      %add3A_988 = arith.addi %add3A_986, %add3A_987 : i32
      %shift_right_logical3A_989 = arith.constant 8 : i32
      %shift_right_logical3A_990 = arith.shrui %add3A_988, %shift_right_logical3A_989 : i32
      %shift_left3A_991 = arith.constant 3 : i32
      %shift_left3A_992 = arith.shli %shift_right_logical3A_990, %shift_left3A_991 : i32
      %and3A_993 = arith.constant 7 : i32
      %and3A_994 = arith.andi %add3A_988, %and3A_993 : i32
      %or3A_995 = arith.ori %shift_left3A_992, %and3A_994 : i32
      %shift_right_logical3A_996 = arith.constant 3 : i32
      %shift_right_logical3A_997 = arith.shrui %add3A_988, %shift_right_logical3A_996 : i32
      %and3A_998 = arith.constant 31 : i32
      %and3A_999 = arith.andi %shift_right_logical3A_997, %and3A_998 : i32
      %dma_start3A_1000 = arith.constant 0 : i32
      %dma_start3A_1001 = arith.constant 0 : i32
      %dma_start3A_1002 = arith.constant 0 : i32
      %dma_start3A_1003 = tpu.memref_slice %arg9[%dma_start3A_1001, %dma_start3A_1002] : memref<128x129xf32, #tpu.memory_space<vmem>> -> memref<8x128xf32, #tpu.memory_space<vmem>>
      %dma_start3A_1004 = arith.constant 0 : i32
      %dma_start3A_1005 = arith.constant 0 : i32
      %dma_start3A_1006 = tpu.memref_slice %arg4[%or3A_995, %dma_start3A_1000, %and3A_999, %dma_start3A_1004, %dma_start3A_1005] : memref<200x4x32x8x128xf32, #tpu.memory_space<hbm>> -> memref<1x1x1x8x128xf32, #tpu.memory_space<hbm>>
      %dma_start3A_1007 = tpu.memref_squeeze %dma_start3A_1006 : memref<1x1x1x8x128xf32, #tpu.memory_space<hbm>> -> memref<8x128xf32, #tpu.memory_space<hbm>>
      %dma_start3A_1008 = arith.constant 0 : i32
      %dma_start3A_1009 = arith.constant 0 : i32
      %dma_start3A_1010 = tpu.memref_slice %arg4[%or3A_995, %dma_start3A_1000, %and3A_999, %dma_start3A_1008, %dma_start3A_1009] : memref<200x4x32x8x128xf32, #tpu.memory_space<hbm>> -> memref<1x1x1x8x128xf32, #tpu.memory_space<hbm>>
      %dma_start3A_1011 = tpu.memref_squeeze %dma_start3A_1010 : memref<1x1x1x8x128xf32, #tpu.memory_space<hbm>> -> memref<8x128xf32, #tpu.memory_space<hbm>>
      %dma_start3A_1012 = arith.constant 0 : i32
      %dma_start3A_1013 = arith.constant 0 : i32
      %dma_start3A_1014 = tpu.memref_slice %arg9[%dma_start3A_1012, %dma_start3A_1013] : memref<128x129xf32, #tpu.memory_space<vmem>> -> memref<8x128xf32, #tpu.memory_space<vmem>>
      tpu.enqueue_dma source(%dma_start3A_1014 : memref<8x128xf32, #tpu.memory_space<vmem>>) target(%dma_start3A_1011 : memref<8x128xf32, #tpu.memory_space<hbm>>) target_semaphore(%arg14 : memref<!tpu.dma_semaphore, #tpu.memory_space<semaphore_mem>>)
      %dma_start3A_1015 = arith.constant 1 : i32
      %dma_start3A_1016 = arith.constant 8 : i32
      %dma_start3A_1017 = arith.constant 0 : i32
      %dma_start3A_1018 = tpu.memref_slice %arg9[%dma_start3A_1016, %dma_start3A_1017] : memref<128x129xf32, #tpu.memory_space<vmem>> -> memref<8x128xf32, #tpu.memory_space<vmem>>
      %dma_start3A_1019 = arith.constant 0 : i32
      %dma_start3A_1020 = arith.constant 0 : i32
      %dma_start3A_1021 = tpu.memref_slice %arg4[%or3A_995, %dma_start3A_1015, %and3A_999, %dma_start3A_1019, %dma_start3A_1020] : memref<200x4x32x8x128xf32, #tpu.memory_space<hbm>> -> memref<1x1x1x8x128xf32, #tpu.memory_space<hbm>>
      %dma_start3A_1022 = tpu.memref_squeeze %dma_start3A_1021 : memref<1x1x1x8x128xf32, #tpu.memory_space<hbm>> -> memref<8x128xf32, #tpu.memory_space<hbm>>
      %dma_start3A_1023 = arith.constant 0 : i32
      %dma_start3A_1024 = arith.constant 0 : i32
      %dma_start3A_1025 = tpu.memref_slice %arg4[%or3A_995, %dma_start3A_1015, %and3A_999, %dma_start3A_1023, %dma_start3A_1024] : memref<200x4x32x8x128xf32, #tpu.memory_space<hbm>> -> memref<1x1x1x8x128xf32, #tpu.memory_space<hbm>>
      %dma_start3A_1026 = tpu.memref_squeeze %dma_start3A_1025 : memref<1x1x1x8x128xf32, #tpu.memory_space<hbm>> -> memref<8x128xf32, #tpu.memory_space<hbm>>
      %dma_start3A_1027 = arith.constant 8 : i32
      %dma_start3A_1028 = arith.constant 0 : i32
      %dma_start3A_1029 = tpu.memref_slice %arg9[%dma_start3A_1027, %dma_start3A_1028] : memref<128x129xf32, #tpu.memory_space<vmem>> -> memref<8x128xf32, #tpu.memory_space<vmem>>
      tpu.enqueue_dma source(%dma_start3A_1029 : memref<8x128xf32, #tpu.memory_space<vmem>>) target(%dma_start3A_1026 : memref<8x128xf32, #tpu.memory_space<hbm>>) target_semaphore(%arg14 : memref<!tpu.dma_semaphore, #tpu.memory_space<semaphore_mem>>)
      %dma_start3A_1030 = arith.constant 2 : i32
      %dma_start3A_1031 = arith.constant 16 : i32
      %dma_start3A_1032 = arith.constant 0 : i32
      %dma_start3A_1033 = tpu.memref_slice %arg9[%dma_start3A_1031, %dma_start3A_1032] : memref<128x129xf32, #tpu.memory_space<vmem>> -> memref<8x128xf32, #tpu.memory_space<vmem>>
      %dma_start3A_1034 = arith.constant 0 : i32
      %dma_start3A_1035 = arith.constant 0 : i32
      %dma_start3A_1036 = tpu.memref_slice %arg4[%or3A_995, %dma_start3A_1030, %and3A_999, %dma_start3A_1034, %dma_start3A_1035] : memref<200x4x32x8x128xf32, #tpu.memory_space<hbm>> -> memref<1x1x1x8x128xf32, #tpu.memory_space<hbm>>
      %dma_start3A_1037 = tpu.memref_squeeze %dma_start3A_1036 : memref<1x1x1x8x128xf32, #tpu.memory_space<hbm>> -> memref<8x128xf32, #tpu.memory_space<hbm>>
      %dma_start3A_1038 = arith.constant 0 : i32
      %dma_start3A_1039 = arith.constant 0 : i32
      %dma_start3A_1040 = tpu.memref_slice %arg4[%or3A_995, %dma_start3A_1030, %and3A_999, %dma_start3A_1038, %dma_start3A_1039] : memref<200x4x32x8x128xf32, #tpu.memory_space<hbm>> -> memref<1x1x1x8x128xf32, #tpu.memory_space<hbm>>
      %dma_start3A_1041 = tpu.memref_squeeze %dma_start3A_1040 : memref<1x1x1x8x128xf32, #tpu.memory_space<hbm>> -> memref<8x128xf32, #tpu.memory_space<hbm>>
      %dma_start3A_1042 = arith.constant 16 : i32
      %dma_start3A_1043 = arith.constant 0 : i32
      %dma_start3A_1044 = tpu.memref_slice %arg9[%dma_start3A_1042, %dma_start3A_1043] : memref<128x129xf32, #tpu.memory_space<vmem>> -> memref<8x128xf32, #tpu.memory_space<vmem>>
      tpu.enqueue_dma source(%dma_start3A_1044 : memref<8x128xf32, #tpu.memory_space<vmem>>) target(%dma_start3A_1041 : memref<8x128xf32, #tpu.memory_space<hbm>>) target_semaphore(%arg14 : memref<!tpu.dma_semaphore, #tpu.memory_space<semaphore_mem>>)
      %dma_start3A_1045 = arith.constant 3 : i32
      %dma_start3A_1046 = arith.constant 24 : i32
      %dma_start3A_1047 = arith.constant 0 : i32
      %dma_start3A_1048 = tpu.memref_slice %arg9[%dma_start3A_1046, %dma_start3A_1047] : memref<128x129xf32, #tpu.memory_space<vmem>> -> memref<8x128xf32, #tpu.memory_space<vmem>>
      %dma_start3A_1049 = arith.constant 0 : i32
      %dma_start3A_1050 = arith.constant 0 : i32
      %dma_start3A_1051 = tpu.memref_slice %arg4[%or3A_995, %dma_start3A_1045, %and3A_999, %dma_start3A_1049, %dma_start3A_1050] : memref<200x4x32x8x128xf32, #tpu.memory_space<hbm>> -> memref<1x1x1x8x128xf32, #tpu.memory_space<hbm>>
      %dma_start3A_1052 = tpu.memref_squeeze %dma_start3A_1051 : memref<1x1x1x8x128xf32, #tpu.memory_space<hbm>> -> memref<8x128xf32, #tpu.memory_space<hbm>>
      %dma_start3A_1053 = arith.constant 0 : i32
      %dma_start3A_1054 = arith.constant 0 : i32
      %dma_start3A_1055 = tpu.memref_slice %arg4[%or3A_995, %dma_start3A_1045, %and3A_999, %dma_start3A_1053, %dma_start3A_1054] : memref<200x4x32x8x128xf32, #tpu.memory_space<hbm>> -> memref<1x1x1x8x128xf32, #tpu.memory_space<hbm>>
      %dma_start3A_1056 = tpu.memref_squeeze %dma_start3A_1055 : memref<1x1x1x8x128xf32, #tpu.memory_space<hbm>> -> memref<8x128xf32, #tpu.memory_space<hbm>>
      %dma_start3A_1057 = arith.constant 24 : i32
      %dma_start3A_1058 = arith.constant 0 : i32
      %dma_start3A_1059 = tpu.memref_slice %arg9[%dma_start3A_1057, %dma_start3A_1058] : memref<128x129xf32, #tpu.memory_space<vmem>> -> memref<8x128xf32, #tpu.memory_space<vmem>>
      tpu.enqueue_dma source(%dma_start3A_1059 : memref<8x128xf32, #tpu.memory_space<vmem>>) target(%dma_start3A_1056 : memref<8x128xf32, #tpu.memory_space<hbm>>) target_semaphore(%arg14 : memref<!tpu.dma_semaphore, #tpu.memory_space<semaphore_mem>>)
      %mul3A_1060 = arith.constant 4 : i32
      %mul3A_1061 = arith.muli %add3A_983, %mul3A_1060 : i32
      %add3A_1062 = arith.addi %mul3A_2, %mul3A_1061 : i32
      %add3A_1063 = arith.constant 1 : i32
      %add3A_1064 = arith.addi %add3A_1062, %add3A_1063 : i32
      %shift_right_logical3A_1065 = arith.constant 8 : i32
      %shift_right_logical3A_1066 = arith.shrui %add3A_1064, %shift_right_logical3A_1065 : i32
      %shift_left3A_1067 = arith.constant 3 : i32
      %shift_left3A_1068 = arith.shli %shift_right_logical3A_1066, %shift_left3A_1067 : i32
      %and3A_1069 = arith.constant 7 : i32
      %and3A_1070 = arith.andi %add3A_1064, %and3A_1069 : i32
      %or3A_1071 = arith.ori %shift_left3A_1068, %and3A_1070 : i32
      %shift_right_logical3A_1072 = arith.constant 3 : i32
      %shift_right_logical3A_1073 = arith.shrui %add3A_1064, %shift_right_logical3A_1072 : i32
      %and3A_1074 = arith.constant 31 : i32
      %and3A_1075 = arith.andi %shift_right_logical3A_1073, %and3A_1074 : i32
      %dma_start3A_1076 = arith.constant 0 : i32
      %dma_start3A_1077 = arith.constant 32 : i32
      %dma_start3A_1078 = arith.constant 0 : i32
      %dma_start3A_1079 = tpu.memref_slice %arg9[%dma_start3A_1077, %dma_start3A_1078] : memref<128x129xf32, #tpu.memory_space<vmem>> -> memref<8x128xf32, #tpu.memory_space<vmem>>
      %dma_start3A_1080 = arith.constant 0 : i32
      %dma_start3A_1081 = arith.constant 0 : i32
      %dma_start3A_1082 = tpu.memref_slice %arg4[%or3A_1071, %dma_start3A_1076, %and3A_1075, %dma_start3A_1080, %dma_start3A_1081] : memref<200x4x32x8x128xf32, #tpu.memory_space<hbm>> -> memref<1x1x1x8x128xf32, #tpu.memory_space<hbm>>
      %dma_start3A_1083 = tpu.memref_squeeze %dma_start3A_1082 : memref<1x1x1x8x128xf32, #tpu.memory_space<hbm>> -> memref<8x128xf32, #tpu.memory_space<hbm>>
      %dma_start3A_1084 = arith.constant 0 : i32
      %dma_start3A_1085 = arith.constant 0 : i32
      %dma_start3A_1086 = tpu.memref_slice %arg4[%or3A_1071, %dma_start3A_1076, %and3A_1075, %dma_start3A_1084, %dma_start3A_1085] : memref<200x4x32x8x128xf32, #tpu.memory_space<hbm>> -> memref<1x1x1x8x128xf32, #tpu.memory_space<hbm>>
      %dma_start3A_1087 = tpu.memref_squeeze %dma_start3A_1086 : memref<1x1x1x8x128xf32, #tpu.memory_space<hbm>> -> memref<8x128xf32, #tpu.memory_space<hbm>>
      %dma_start3A_1088 = arith.constant 32 : i32
      %dma_start3A_1089 = arith.constant 0 : i32
      %dma_start3A_1090 = tpu.memref_slice %arg9[%dma_start3A_1088, %dma_start3A_1089] : memref<128x129xf32, #tpu.memory_space<vmem>> -> memref<8x128xf32, #tpu.memory_space<vmem>>
      tpu.enqueue_dma source(%dma_start3A_1090 : memref<8x128xf32, #tpu.memory_space<vmem>>) target(%dma_start3A_1087 : memref<8x128xf32, #tpu.memory_space<hbm>>) target_semaphore(%arg14 : memref<!tpu.dma_semaphore, #tpu.memory_space<semaphore_mem>>)
      %dma_start3A_1091 = arith.constant 1 : i32
      %dma_start3A_1092 = arith.constant 40 : i32
      %dma_start3A_1093 = arith.constant 0 : i32
      %dma_start3A_1094 = tpu.memref_slice %arg9[%dma_start3A_1092, %dma_start3A_1093] : memref<128x129xf32, #tpu.memory_space<vmem>> -> memref<8x128xf32, #tpu.memory_space<vmem>>
      %dma_start3A_1095 = arith.constant 0 : i32
      %dma_start3A_1096 = arith.constant 0 : i32
      %dma_start3A_1097 = tpu.memref_slice %arg4[%or3A_1071, %dma_start3A_1091, %and3A_1075, %dma_start3A_1095, %dma_start3A_1096] : memref<200x4x32x8x128xf32, #tpu.memory_space<hbm>> -> memref<1x1x1x8x128xf32, #tpu.memory_space<hbm>>
      %dma_start3A_1098 = tpu.memref_squeeze %dma_start3A_1097 : memref<1x1x1x8x128xf32, #tpu.memory_space<hbm>> -> memref<8x128xf32, #tpu.memory_space<hbm>>
      %dma_start3A_1099 = arith.constant 0 : i32
      %dma_start3A_1100 = arith.constant 0 : i32
      %dma_start3A_1101 = tpu.memref_slice %arg4[%or3A_1071, %dma_start3A_1091, %and3A_1075, %dma_start3A_1099, %dma_start3A_1100] : memref<200x4x32x8x128xf32, #tpu.memory_space<hbm>> -> memref<1x1x1x8x128xf32, #tpu.memory_space<hbm>>
      %dma_start3A_1102 = tpu.memref_squeeze %dma_start3A_1101 : memref<1x1x1x8x128xf32, #tpu.memory_space<hbm>> -> memref<8x128xf32, #tpu.memory_space<hbm>>
      %dma_start3A_1103 = arith.constant 40 : i32
      %dma_start3A_1104 = arith.constant 0 : i32
      %dma_start3A_1105 = tpu.memref_slice %arg9[%dma_start3A_1103, %dma_start3A_1104] : memref<128x129xf32, #tpu.memory_space<vmem>> -> memref<8x128xf32, #tpu.memory_space<vmem>>
      tpu.enqueue_dma source(%dma_start3A_1105 : memref<8x128xf32, #tpu.memory_space<vmem>>) target(%dma_start3A_1102 : memref<8x128xf32, #tpu.memory_space<hbm>>) target_semaphore(%arg14 : memref<!tpu.dma_semaphore, #tpu.memory_space<semaphore_mem>>)
      %dma_start3A_1106 = arith.constant 2 : i32
      %dma_start3A_1107 = arith.constant 48 : i32
      %dma_start3A_1108 = arith.constant 0 : i32
      %dma_start3A_1109 = tpu.memref_slice %arg9[%dma_start3A_1107, %dma_start3A_1108] : memref<128x129xf32, #tpu.memory_space<vmem>> -> memref<8x128xf32, #tpu.memory_space<vmem>>
      %dma_start3A_1110 = arith.constant 0 : i32
      %dma_start3A_1111 = arith.constant 0 : i32
      %dma_start3A_1112 = tpu.memref_slice %arg4[%or3A_1071, %dma_start3A_1106, %and3A_1075, %dma_start3A_1110, %dma_start3A_1111] : memref<200x4x32x8x128xf32, #tpu.memory_space<hbm>> -> memref<1x1x1x8x128xf32, #tpu.memory_space<hbm>>
      %dma_start3A_1113 = tpu.memref_squeeze %dma_start3A_1112 : memref<1x1x1x8x128xf32, #tpu.memory_space<hbm>> -> memref<8x128xf32, #tpu.memory_space<hbm>>
      %dma_start3A_1114 = arith.constant 0 : i32
      %dma_start3A_1115 = arith.constant 0 : i32
      %dma_start3A_1116 = tpu.memref_slice %arg4[%or3A_1071, %dma_start3A_1106, %and3A_1075, %dma_start3A_1114, %dma_start3A_1115] : memref<200x4x32x8x128xf32, #tpu.memory_space<hbm>> -> memref<1x1x1x8x128xf32, #tpu.memory_space<hbm>>
      %dma_start3A_1117 = tpu.memref_squeeze %dma_start3A_1116 : memref<1x1x1x8x128xf32, #tpu.memory_space<hbm>> -> memref<8x128xf32, #tpu.memory_space<hbm>>
      %dma_start3A_1118 = arith.constant 48 : i32
      %dma_start3A_1119 = arith.constant 0 : i32
      %dma_start3A_1120 = tpu.memref_slice %arg9[%dma_start3A_1118, %dma_start3A_1119] : memref<128x129xf32, #tpu.memory_space<vmem>> -> memref<8x128xf32, #tpu.memory_space<vmem>>
      tpu.enqueue_dma source(%dma_start3A_1120 : memref<8x128xf32, #tpu.memory_space<vmem>>) target(%dma_start3A_1117 : memref<8x128xf32, #tpu.memory_space<hbm>>) target_semaphore(%arg14 : memref<!tpu.dma_semaphore, #tpu.memory_space<semaphore_mem>>)
      %dma_start3A_1121 = arith.constant 3 : i32
      %dma_start3A_1122 = arith.constant 56 : i32
      %dma_start3A_1123 = arith.constant 0 : i32
      %dma_start3A_1124 = tpu.memref_slice %arg9[%dma_start3A_1122, %dma_start3A_1123] : memref<128x129xf32, #tpu.memory_space<vmem>> -> memref<8x128xf32, #tpu.memory_space<vmem>>
      %dma_start3A_1125 = arith.constant 0 : i32
      %dma_start3A_1126 = arith.constant 0 : i32
      %dma_start3A_1127 = tpu.memref_slice %arg4[%or3A_1071, %dma_start3A_1121, %and3A_1075, %dma_start3A_1125, %dma_start3A_1126] : memref<200x4x32x8x128xf32, #tpu.memory_space<hbm>> -> memref<1x1x1x8x128xf32, #tpu.memory_space<hbm>>
      %dma_start3A_1128 = tpu.memref_squeeze %dma_start3A_1127 : memref<1x1x1x8x128xf32, #tpu.memory_space<hbm>> -> memref<8x128xf32, #tpu.memory_space<hbm>>
      %dma_start3A_1129 = arith.constant 0 : i32
      %dma_start3A_1130 = arith.constant 0 : i32
      %dma_start3A_1131 = tpu.memref_slice %arg4[%or3A_1071, %dma_start3A_1121, %and3A_1075, %dma_start3A_1129, %dma_start3A_1130] : memref<200x4x32x8x128xf32, #tpu.memory_space<hbm>> -> memref<1x1x1x8x128xf32, #tpu.memory_space<hbm>>
      %dma_start3A_1132 = tpu.memref_squeeze %dma_start3A_1131 : memref<1x1x1x8x128xf32, #tpu.memory_space<hbm>> -> memref<8x128xf32, #tpu.memory_space<hbm>>
      %dma_start3A_1133 = arith.constant 56 : i32
      %dma_start3A_1134 = arith.constant 0 : i32
      %dma_start3A_1135 = tpu.memref_slice %arg9[%dma_start3A_1133, %dma_start3A_1134] : memref<128x129xf32, #tpu.memory_space<vmem>> -> memref<8x128xf32, #tpu.memory_space<vmem>>
      tpu.enqueue_dma source(%dma_start3A_1135 : memref<8x128xf32, #tpu.memory_space<vmem>>) target(%dma_start3A_1132 : memref<8x128xf32, #tpu.memory_space<hbm>>) target_semaphore(%arg14 : memref<!tpu.dma_semaphore, #tpu.memory_space<semaphore_mem>>)
      %mul3A_1136 = arith.constant 4 : i32
      %mul3A_1137 = arith.muli %add3A_983, %mul3A_1136 : i32
      %add3A_1138 = arith.addi %mul3A_2, %mul3A_1137 : i32
      %add3A_1139 = arith.constant 2 : i32
      %add3A_1140 = arith.addi %add3A_1138, %add3A_1139 : i32
      %shift_right_logical3A_1141 = arith.constant 8 : i32
      %shift_right_logical3A_1142 = arith.shrui %add3A_1140, %shift_right_logical3A_1141 : i32
      %shift_left3A_1143 = arith.constant 3 : i32
      %shift_left3A_1144 = arith.shli %shift_right_logical3A_1142, %shift_left3A_1143 : i32
      %and3A_1145 = arith.constant 7 : i32
      %and3A_1146 = arith.andi %add3A_1140, %and3A_1145 : i32
      %or3A_1147 = arith.ori %shift_left3A_1144, %and3A_1146 : i32
      %shift_right_logical3A_1148 = arith.constant 3 : i32
      %shift_right_logical3A_1149 = arith.shrui %add3A_1140, %shift_right_logical3A_1148 : i32
      %and3A_1150 = arith.constant 31 : i32
      %and3A_1151 = arith.andi %shift_right_logical3A_1149, %and3A_1150 : i32
      %dma_start3A_1152 = arith.constant 0 : i32
      %dma_start3A_1153 = arith.constant 64 : i32
      %dma_start3A_1154 = arith.constant 0 : i32
      %dma_start3A_1155 = tpu.memref_slice %arg9[%dma_start3A_1153, %dma_start3A_1154] : memref<128x129xf32, #tpu.memory_space<vmem>> -> memref<8x128xf32, #tpu.memory_space<vmem>>
      %dma_start3A_1156 = arith.constant 0 : i32
      %dma_start3A_1157 = arith.constant 0 : i32
      %dma_start3A_1158 = tpu.memref_slice %arg4[%or3A_1147, %dma_start3A_1152, %and3A_1151, %dma_start3A_1156, %dma_start3A_1157] : memref<200x4x32x8x128xf32, #tpu.memory_space<hbm>> -> memref<1x1x1x8x128xf32, #tpu.memory_space<hbm>>
      %dma_start3A_1159 = tpu.memref_squeeze %dma_start3A_1158 : memref<1x1x1x8x128xf32, #tpu.memory_space<hbm>> -> memref<8x128xf32, #tpu.memory_space<hbm>>
      %dma_start3A_1160 = arith.constant 0 : i32
      %dma_start3A_1161 = arith.constant 0 : i32
      %dma_start3A_1162 = tpu.memref_slice %arg4[%or3A_1147, %dma_start3A_1152, %and3A_1151, %dma_start3A_1160, %dma_start3A_1161] : memref<200x4x32x8x128xf32, #tpu.memory_space<hbm>> -> memref<1x1x1x8x128xf32, #tpu.memory_space<hbm>>
      %dma_start3A_1163 = tpu.memref_squeeze %dma_start3A_1162 : memref<1x1x1x8x128xf32, #tpu.memory_space<hbm>> -> memref<8x128xf32, #tpu.memory_space<hbm>>
      %dma_start3A_1164 = arith.constant 64 : i32
      %dma_start3A_1165 = arith.constant 0 : i32
      %dma_start3A_1166 = tpu.memref_slice %arg9[%dma_start3A_1164, %dma_start3A_1165] : memref<128x129xf32, #tpu.memory_space<vmem>> -> memref<8x128xf32, #tpu.memory_space<vmem>>
      tpu.enqueue_dma source(%dma_start3A_1166 : memref<8x128xf32, #tpu.memory_space<vmem>>) target(%dma_start3A_1163 : memref<8x128xf32, #tpu.memory_space<hbm>>) target_semaphore(%arg14 : memref<!tpu.dma_semaphore, #tpu.memory_space<semaphore_mem>>)
      %dma_start3A_1167 = arith.constant 1 : i32
      %dma_start3A_1168 = arith.constant 72 : i32
      %dma_start3A_1169 = arith.constant 0 : i32
      %dma_start3A_1170 = tpu.memref_slice %arg9[%dma_start3A_1168, %dma_start3A_1169] : memref<128x129xf32, #tpu.memory_space<vmem>> -> memref<8x128xf32, #tpu.memory_space<vmem>>
      %dma_start3A_1171 = arith.constant 0 : i32
      %dma_start3A_1172 = arith.constant 0 : i32
      %dma_start3A_1173 = tpu.memref_slice %arg4[%or3A_1147, %dma_start3A_1167, %and3A_1151, %dma_start3A_1171, %dma_start3A_1172] : memref<200x4x32x8x128xf32, #tpu.memory_space<hbm>> -> memref<1x1x1x8x128xf32, #tpu.memory_space<hbm>>
      %dma_start3A_1174 = tpu.memref_squeeze %dma_start3A_1173 : memref<1x1x1x8x128xf32, #tpu.memory_space<hbm>> -> memref<8x128xf32, #tpu.memory_space<hbm>>
      %dma_start3A_1175 = arith.constant 0 : i32
      %dma_start3A_1176 = arith.constant 0 : i32
      %dma_start3A_1177 = tpu.memref_slice %arg4[%or3A_1147, %dma_start3A_1167, %and3A_1151, %dma_start3A_1175, %dma_start3A_1176] : memref<200x4x32x8x128xf32, #tpu.memory_space<hbm>> -> memref<1x1x1x8x128xf32, #tpu.memory_space<hbm>>
      %dma_start3A_1178 = tpu.memref_squeeze %dma_start3A_1177 : memref<1x1x1x8x128xf32, #tpu.memory_space<hbm>> -> memref<8x128xf32, #tpu.memory_space<hbm>>
      %dma_start3A_1179 = arith.constant 72 : i32
      %dma_start3A_1180 = arith.constant 0 : i32
      %dma_start3A_1181 = tpu.memref_slice %arg9[%dma_start3A_1179, %dma_start3A_1180] : memref<128x129xf32, #tpu.memory_space<vmem>> -> memref<8x128xf32, #tpu.memory_space<vmem>>
      tpu.enqueue_dma source(%dma_start3A_1181 : memref<8x128xf32, #tpu.memory_space<vmem>>) target(%dma_start3A_1178 : memref<8x128xf32, #tpu.memory_space<hbm>>) target_semaphore(%arg14 : memref<!tpu.dma_semaphore, #tpu.memory_space<semaphore_mem>>)
      %dma_start3A_1182 = arith.constant 2 : i32
      %dma_start3A_1183 = arith.constant 80 : i32
      %dma_start3A_1184 = arith.constant 0 : i32
      %dma_start3A_1185 = tpu.memref_slice %arg9[%dma_start3A_1183, %dma_start3A_1184] : memref<128x129xf32, #tpu.memory_space<vmem>> -> memref<8x128xf32, #tpu.memory_space<vmem>>
      %dma_start3A_1186 = arith.constant 0 : i32
      %dma_start3A_1187 = arith.constant 0 : i32
      %dma_start3A_1188 = tpu.memref_slice %arg4[%or3A_1147, %dma_start3A_1182, %and3A_1151, %dma_start3A_1186, %dma_start3A_1187] : memref<200x4x32x8x128xf32, #tpu.memory_space<hbm>> -> memref<1x1x1x8x128xf32, #tpu.memory_space<hbm>>
      %dma_start3A_1189 = tpu.memref_squeeze %dma_start3A_1188 : memref<1x1x1x8x128xf32, #tpu.memory_space<hbm>> -> memref<8x128xf32, #tpu.memory_space<hbm>>
      %dma_start3A_1190 = arith.constant 0 : i32
      %dma_start3A_1191 = arith.constant 0 : i32
      %dma_start3A_1192 = tpu.memref_slice %arg4[%or3A_1147, %dma_start3A_1182, %and3A_1151, %dma_start3A_1190, %dma_start3A_1191] : memref<200x4x32x8x128xf32, #tpu.memory_space<hbm>> -> memref<1x1x1x8x128xf32, #tpu.memory_space<hbm>>
      %dma_start3A_1193 = tpu.memref_squeeze %dma_start3A_1192 : memref<1x1x1x8x128xf32, #tpu.memory_space<hbm>> -> memref<8x128xf32, #tpu.memory_space<hbm>>
      %dma_start3A_1194 = arith.constant 80 : i32
      %dma_start3A_1195 = arith.constant 0 : i32
      %dma_start3A_1196 = tpu.memref_slice %arg9[%dma_start3A_1194, %dma_start3A_1195] : memref<128x129xf32, #tpu.memory_space<vmem>> -> memref<8x128xf32, #tpu.memory_space<vmem>>
      tpu.enqueue_dma source(%dma_start3A_1196 : memref<8x128xf32, #tpu.memory_space<vmem>>) target(%dma_start3A_1193 : memref<8x128xf32, #tpu.memory_space<hbm>>) target_semaphore(%arg14 : memref<!tpu.dma_semaphore, #tpu.memory_space<semaphore_mem>>)
      %dma_start3A_1197 = arith.constant 3 : i32
      %dma_start3A_1198 = arith.constant 88 : i32
      %dma_start3A_1199 = arith.constant 0 : i32
      %dma_start3A_1200 = tpu.memref_slice %arg9[%dma_start3A_1198, %dma_start3A_1199] : memref<128x129xf32, #tpu.memory_space<vmem>> -> memref<8x128xf32, #tpu.memory_space<vmem>>
      %dma_start3A_1201 = arith.constant 0 : i32
      %dma_start3A_1202 = arith.constant 0 : i32
      %dma_start3A_1203 = tpu.memref_slice %arg4[%or3A_1147, %dma_start3A_1197, %and3A_1151, %dma_start3A_1201, %dma_start3A_1202] : memref<200x4x32x8x128xf32, #tpu.memory_space<hbm>> -> memref<1x1x1x8x128xf32, #tpu.memory_space<hbm>>
      %dma_start3A_1204 = tpu.memref_squeeze %dma_start3A_1203 : memref<1x1x1x8x128xf32, #tpu.memory_space<hbm>> -> memref<8x128xf32, #tpu.memory_space<hbm>>
      %dma_start3A_1205 = arith.constant 0 : i32
      %dma_start3A_1206 = arith.constant 0 : i32
      %dma_start3A_1207 = tpu.memref_slice %arg4[%or3A_1147, %dma_start3A_1197, %and3A_1151, %dma_start3A_1205, %dma_start3A_1206] : memref<200x4x32x8x128xf32, #tpu.memory_space<hbm>> -> memref<1x1x1x8x128xf32, #tpu.memory_space<hbm>>
      %dma_start3A_1208 = tpu.memref_squeeze %dma_start3A_1207 : memref<1x1x1x8x128xf32, #tpu.memory_space<hbm>> -> memref<8x128xf32, #tpu.memory_space<hbm>>
      %dma_start3A_1209 = arith.constant 88 : i32
      %dma_start3A_1210 = arith.constant 0 : i32
      %dma_start3A_1211 = tpu.memref_slice %arg9[%dma_start3A_1209, %dma_start3A_1210] : memref<128x129xf32, #tpu.memory_space<vmem>> -> memref<8x128xf32, #tpu.memory_space<vmem>>
      tpu.enqueue_dma source(%dma_start3A_1211 : memref<8x128xf32, #tpu.memory_space<vmem>>) target(%dma_start3A_1208 : memref<8x128xf32, #tpu.memory_space<hbm>>) target_semaphore(%arg14 : memref<!tpu.dma_semaphore, #tpu.memory_space<semaphore_mem>>)
      %mul3A_1212 = arith.constant 4 : i32
      %mul3A_1213 = arith.muli %add3A_983, %mul3A_1212 : i32
      %add3A_1214 = arith.addi %mul3A_2, %mul3A_1213 : i32
      %add3A_1215 = arith.constant 3 : i32
      %add3A_1216 = arith.addi %add3A_1214, %add3A_1215 : i32
      %shift_right_logical3A_1217 = arith.constant 8 : i32
      %shift_right_logical3A_1218 = arith.shrui %add3A_1216, %shift_right_logical3A_1217 : i32
      %shift_left3A_1219 = arith.constant 3 : i32
      %shift_left3A_1220 = arith.shli %shift_right_logical3A_1218, %shift_left3A_1219 : i32
      %and3A_1221 = arith.constant 7 : i32
      %and3A_1222 = arith.andi %add3A_1216, %and3A_1221 : i32
      %or3A_1223 = arith.ori %shift_left3A_1220, %and3A_1222 : i32
      %shift_right_logical3A_1224 = arith.constant 3 : i32
      %shift_right_logical3A_1225 = arith.shrui %add3A_1216, %shift_right_logical3A_1224 : i32
      %and3A_1226 = arith.constant 31 : i32
      %and3A_1227 = arith.andi %shift_right_logical3A_1225, %and3A_1226 : i32
      %dma_start3A_1228 = arith.constant 0 : i32
      %dma_start3A_1229 = arith.constant 96 : i32
      %dma_start3A_1230 = arith.constant 0 : i32
      %dma_start3A_1231 = tpu.memref_slice %arg9[%dma_start3A_1229, %dma_start3A_1230] : memref<128x129xf32, #tpu.memory_space<vmem>> -> memref<8x128xf32, #tpu.memory_space<vmem>>
      %dma_start3A_1232 = arith.constant 0 : i32
      %dma_start3A_1233 = arith.constant 0 : i32
      %dma_start3A_1234 = tpu.memref_slice %arg4[%or3A_1223, %dma_start3A_1228, %and3A_1227, %dma_start3A_1232, %dma_start3A_1233] : memref<200x4x32x8x128xf32, #tpu.memory_space<hbm>> -> memref<1x1x1x8x128xf32, #tpu.memory_space<hbm>>
      %dma_start3A_1235 = tpu.memref_squeeze %dma_start3A_1234 : memref<1x1x1x8x128xf32, #tpu.memory_space<hbm>> -> memref<8x128xf32, #tpu.memory_space<hbm>>
      %dma_start3A_1236 = arith.constant 0 : i32
      %dma_start3A_1237 = arith.constant 0 : i32
      %dma_start3A_1238 = tpu.memref_slice %arg4[%or3A_1223, %dma_start3A_1228, %and3A_1227, %dma_start3A_1236, %dma_start3A_1237] : memref<200x4x32x8x128xf32, #tpu.memory_space<hbm>> -> memref<1x1x1x8x128xf32, #tpu.memory_space<hbm>>
      %dma_start3A_1239 = tpu.memref_squeeze %dma_start3A_1238 : memref<1x1x1x8x128xf32, #tpu.memory_space<hbm>> -> memref<8x128xf32, #tpu.memory_space<hbm>>
      %dma_start3A_1240 = arith.constant 96 : i32
      %dma_start3A_1241 = arith.constant 0 : i32
      %dma_start3A_1242 = tpu.memref_slice %arg9[%dma_start3A_1240, %dma_start3A_1241] : memref<128x129xf32, #tpu.memory_space<vmem>> -> memref<8x128xf32, #tpu.memory_space<vmem>>
      tpu.enqueue_dma source(%dma_start3A_1242 : memref<8x128xf32, #tpu.memory_space<vmem>>) target(%dma_start3A_1239 : memref<8x128xf32, #tpu.memory_space<hbm>>) target_semaphore(%arg14 : memref<!tpu.dma_semaphore, #tpu.memory_space<semaphore_mem>>)
      %dma_start3A_1243 = arith.constant 1 : i32
      %dma_start3A_1244 = arith.constant 104 : i32
      %dma_start3A_1245 = arith.constant 0 : i32
      %dma_start3A_1246 = tpu.memref_slice %arg9[%dma_start3A_1244, %dma_start3A_1245] : memref<128x129xf32, #tpu.memory_space<vmem>> -> memref<8x128xf32, #tpu.memory_space<vmem>>
      %dma_start3A_1247 = arith.constant 0 : i32
      %dma_start3A_1248 = arith.constant 0 : i32
      %dma_start3A_1249 = tpu.memref_slice %arg4[%or3A_1223, %dma_start3A_1243, %and3A_1227, %dma_start3A_1247, %dma_start3A_1248] : memref<200x4x32x8x128xf32, #tpu.memory_space<hbm>> -> memref<1x1x1x8x128xf32, #tpu.memory_space<hbm>>
      %dma_start3A_1250 = tpu.memref_squeeze %dma_start3A_1249 : memref<1x1x1x8x128xf32, #tpu.memory_space<hbm>> -> memref<8x128xf32, #tpu.memory_space<hbm>>
      %dma_start3A_1251 = arith.constant 0 : i32
      %dma_start3A_1252 = arith.constant 0 : i32
      %dma_start3A_1253 = tpu.memref_slice %arg4[%or3A_1223, %dma_start3A_1243, %and3A_1227, %dma_start3A_1251, %dma_start3A_1252] : memref<200x4x32x8x128xf32, #tpu.memory_space<hbm>> -> memref<1x1x1x8x128xf32, #tpu.memory_space<hbm>>
      %dma_start3A_1254 = tpu.memref_squeeze %dma_start3A_1253 : memref<1x1x1x8x128xf32, #tpu.memory_space<hbm>> -> memref<8x128xf32, #tpu.memory_space<hbm>>
      %dma_start3A_1255 = arith.constant 104 : i32
      %dma_start3A_1256 = arith.constant 0 : i32
      %dma_start3A_1257 = tpu.memref_slice %arg9[%dma_start3A_1255, %dma_start3A_1256] : memref<128x129xf32, #tpu.memory_space<vmem>> -> memref<8x128xf32, #tpu.memory_space<vmem>>
      tpu.enqueue_dma source(%dma_start3A_1257 : memref<8x128xf32, #tpu.memory_space<vmem>>) target(%dma_start3A_1254 : memref<8x128xf32, #tpu.memory_space<hbm>>) target_semaphore(%arg14 : memref<!tpu.dma_semaphore, #tpu.memory_space<semaphore_mem>>)
      %dma_start3A_1258 = arith.constant 2 : i32
      %dma_start3A_1259 = arith.constant 112 : i32
      %dma_start3A_1260 = arith.constant 0 : i32
      %dma_start3A_1261 = tpu.memref_slice %arg9[%dma_start3A_1259, %dma_start3A_1260] : memref<128x129xf32, #tpu.memory_space<vmem>> -> memref<8x128xf32, #tpu.memory_space<vmem>>
      %dma_start3A_1262 = arith.constant 0 : i32
      %dma_start3A_1263 = arith.constant 0 : i32
      %dma_start3A_1264 = tpu.memref_slice %arg4[%or3A_1223, %dma_start3A_1258, %and3A_1227, %dma_start3A_1262, %dma_start3A_1263] : memref<200x4x32x8x128xf32, #tpu.memory_space<hbm>> -> memref<1x1x1x8x128xf32, #tpu.memory_space<hbm>>
      %dma_start3A_1265 = tpu.memref_squeeze %dma_start3A_1264 : memref<1x1x1x8x128xf32, #tpu.memory_space<hbm>> -> memref<8x128xf32, #tpu.memory_space<hbm>>
      %dma_start3A_1266 = arith.constant 0 : i32
      %dma_start3A_1267 = arith.constant 0 : i32
      %dma_start3A_1268 = tpu.memref_slice %arg4[%or3A_1223, %dma_start3A_1258, %and3A_1227, %dma_start3A_1266, %dma_start3A_1267] : memref<200x4x32x8x128xf32, #tpu.memory_space<hbm>> -> memref<1x1x1x8x128xf32, #tpu.memory_space<hbm>>
      %dma_start3A_1269 = tpu.memref_squeeze %dma_start3A_1268 : memref<1x1x1x8x128xf32, #tpu.memory_space<hbm>> -> memref<8x128xf32, #tpu.memory_space<hbm>>
      %dma_start3A_1270 = arith.constant 112 : i32
      %dma_start3A_1271 = arith.constant 0 : i32
      %dma_start3A_1272 = tpu.memref_slice %arg9[%dma_start3A_1270, %dma_start3A_1271] : memref<128x129xf32, #tpu.memory_space<vmem>> -> memref<8x128xf32, #tpu.memory_space<vmem>>
      tpu.enqueue_dma source(%dma_start3A_1272 : memref<8x128xf32, #tpu.memory_space<vmem>>) target(%dma_start3A_1269 : memref<8x128xf32, #tpu.memory_space<hbm>>) target_semaphore(%arg14 : memref<!tpu.dma_semaphore, #tpu.memory_space<semaphore_mem>>)
      %dma_start3A_1273 = arith.constant 3 : i32
      %dma_start3A_1274 = arith.constant 120 : i32
      %dma_start3A_1275 = arith.constant 0 : i32
      %dma_start3A_1276 = tpu.memref_slice %arg9[%dma_start3A_1274, %dma_start3A_1275] : memref<128x129xf32, #tpu.memory_space<vmem>> -> memref<8x128xf32, #tpu.memory_space<vmem>>
      %dma_start3A_1277 = arith.constant 0 : i32
      %dma_start3A_1278 = arith.constant 0 : i32
      %dma_start3A_1279 = tpu.memref_slice %arg4[%or3A_1223, %dma_start3A_1273, %and3A_1227, %dma_start3A_1277, %dma_start3A_1278] : memref<200x4x32x8x128xf32, #tpu.memory_space<hbm>> -> memref<1x1x1x8x128xf32, #tpu.memory_space<hbm>>
      %dma_start3A_1280 = tpu.memref_squeeze %dma_start3A_1279 : memref<1x1x1x8x128xf32, #tpu.memory_space<hbm>> -> memref<8x128xf32, #tpu.memory_space<hbm>>
      %dma_start3A_1281 = arith.constant 0 : i32
      %dma_start3A_1282 = arith.constant 0 : i32
      %dma_start3A_1283 = tpu.memref_slice %arg4[%or3A_1223, %dma_start3A_1273, %and3A_1227, %dma_start3A_1281, %dma_start3A_1282] : memref<200x4x32x8x128xf32, #tpu.memory_space<hbm>> -> memref<1x1x1x8x128xf32, #tpu.memory_space<hbm>>
      %dma_start3A_1284 = tpu.memref_squeeze %dma_start3A_1283 : memref<1x1x1x8x128xf32, #tpu.memory_space<hbm>> -> memref<8x128xf32, #tpu.memory_space<hbm>>
      %dma_start3A_1285 = arith.constant 120 : i32
      %dma_start3A_1286 = arith.constant 0 : i32
      %dma_start3A_1287 = tpu.memref_slice %arg9[%dma_start3A_1285, %dma_start3A_1286] : memref<128x129xf32, #tpu.memory_space<vmem>> -> memref<8x128xf32, #tpu.memory_space<vmem>>
      tpu.enqueue_dma source(%dma_start3A_1287 : memref<8x128xf32, #tpu.memory_space<vmem>>) target(%dma_start3A_1284 : memref<8x128xf32, #tpu.memory_space<hbm>>) target_semaphore(%arg14 : memref<!tpu.dma_semaphore, #tpu.memory_space<semaphore_mem>>)
    }
    %scan3A_118 = arith.constant 25 : i32
    %dma_wait3A = arith.constant 0 : i32
    %dma_wait3A_119 = arith.constant 0 : i32
    %dma_wait3A_120 = arith.constant 0 : i32
    %dma_wait3A_121 = arith.constant 0 : i32
    %dma_wait3A_122 = arith.constant 0 : i32
    %dma_wait3A_123 = tpu.memref_slice %arg4[%dma_wait3A, %dma_wait3A_119, %dma_wait3A_120, %dma_wait3A_121, %dma_wait3A_122] : memref<200x4x32x8x128xf32, #tpu.memory_space<hbm>> -> memref<1x1x1x8x128xf32, #tpu.memory_space<hbm>>
    %dma_wait3A_124 = tpu.memref_squeeze %dma_wait3A_123 : memref<1x1x1x8x128xf32, #tpu.memory_space<hbm>> -> memref<8x128xf32, #tpu.memory_space<hbm>>
    %dma_wait3A_125 = arith.constant 0 : i32
    %dma_wait3A_126 = arith.constant 0 : i32
    %dma_wait3A_127 = tpu.memref_slice %arg4[%dma_wait3A, %dma_wait3A_119, %dma_wait3A_120, %dma_wait3A_125, %dma_wait3A_126] : memref<200x4x32x8x128xf32, #tpu.memory_space<hbm>> -> memref<1x1x1x8x128xf32, #tpu.memory_space<hbm>>
    %dma_wait3A_128 = tpu.memref_squeeze %dma_wait3A_127 : memref<1x1x1x8x128xf32, #tpu.memory_space<hbm>> -> memref<8x128xf32, #tpu.memory_space<hbm>>
    tpu.wait_dma2 semaphore(%arg13 : memref<!tpu.dma_semaphore, #tpu.memory_space<semaphore_mem>>) src(%arg10 : memref<8x128xf32, #tpu.memory_space<vmem>>) dst(%dma_wait3A_128 : memref<8x128xf32, #tpu.memory_space<hbm>>)
    %dma_wait3A_129 = arith.constant 0 : i32
    %dma_wait3A_130 = arith.constant 1 : i32
    %dma_wait3A_131 = arith.constant 0 : i32
    %dma_wait3A_132 = arith.constant 0 : i32
    %dma_wait3A_133 = arith.constant 0 : i32
    %dma_wait3A_134 = tpu.memref_slice %arg4[%dma_wait3A_129, %dma_wait3A_130, %dma_wait3A_131, %dma_wait3A_132, %dma_wait3A_133] : memref<200x4x32x8x128xf32, #tpu.memory_space<hbm>> -> memref<1x1x1x8x128xf32, #tpu.memory_space<hbm>>
    %dma_wait3A_135 = tpu.memref_squeeze %dma_wait3A_134 : memref<1x1x1x8x128xf32, #tpu.memory_space<hbm>> -> memref<8x128xf32, #tpu.memory_space<hbm>>
    %dma_wait3A_136 = arith.constant 0 : i32
    %dma_wait3A_137 = arith.constant 0 : i32
    %dma_wait3A_138 = tpu.memref_slice %arg4[%dma_wait3A_129, %dma_wait3A_130, %dma_wait3A_131, %dma_wait3A_136, %dma_wait3A_137] : memref<200x4x32x8x128xf32, #tpu.memory_space<hbm>> -> memref<1x1x1x8x128xf32, #tpu.memory_space<hbm>>
    %dma_wait3A_139 = tpu.memref_squeeze %dma_wait3A_138 : memref<1x1x1x8x128xf32, #tpu.memory_space<hbm>> -> memref<8x128xf32, #tpu.memory_space<hbm>>
    tpu.wait_dma2 semaphore(%arg13 : memref<!tpu.dma_semaphore, #tpu.memory_space<semaphore_mem>>) src(%arg10 : memref<8x128xf32, #tpu.memory_space<vmem>>) dst(%dma_wait3A_139 : memref<8x128xf32, #tpu.memory_space<hbm>>)
    %dma_wait3A_140 = arith.constant 0 : i32
    %dma_wait3A_141 = arith.constant 2 : i32
    %dma_wait3A_142 = arith.constant 0 : i32
    %dma_wait3A_143 = arith.constant 0 : i32
    %dma_wait3A_144 = arith.constant 0 : i32
    %dma_wait3A_145 = tpu.memref_slice %arg4[%dma_wait3A_140, %dma_wait3A_141, %dma_wait3A_142, %dma_wait3A_143, %dma_wait3A_144] : memref<200x4x32x8x128xf32, #tpu.memory_space<hbm>> -> memref<1x1x1x8x128xf32, #tpu.memory_space<hbm>>
    %dma_wait3A_146 = tpu.memref_squeeze %dma_wait3A_145 : memref<1x1x1x8x128xf32, #tpu.memory_space<hbm>> -> memref<8x128xf32, #tpu.memory_space<hbm>>
    %dma_wait3A_147 = arith.constant 0 : i32
    %dma_wait3A_148 = arith.constant 0 : i32
    %dma_wait3A_149 = tpu.memref_slice %arg4[%dma_wait3A_140, %dma_wait3A_141, %dma_wait3A_142, %dma_wait3A_147, %dma_wait3A_148] : memref<200x4x32x8x128xf32, #tpu.memory_space<hbm>> -> memref<1x1x1x8x128xf32, #tpu.memory_space<hbm>>
    %dma_wait3A_150 = tpu.memref_squeeze %dma_wait3A_149 : memref<1x1x1x8x128xf32, #tpu.memory_space<hbm>> -> memref<8x128xf32, #tpu.memory_space<hbm>>
    tpu.wait_dma2 semaphore(%arg13 : memref<!tpu.dma_semaphore, #tpu.memory_space<semaphore_mem>>) src(%arg10 : memref<8x128xf32, #tpu.memory_space<vmem>>) dst(%dma_wait3A_150 : memref<8x128xf32, #tpu.memory_space<hbm>>)
    %dma_wait3A_151 = arith.constant 0 : i32
    %dma_wait3A_152 = arith.constant 3 : i32
    %dma_wait3A_153 = arith.constant 0 : i32
    %dma_wait3A_154 = arith.constant 0 : i32
    %dma_wait3A_155 = arith.constant 0 : i32
    %dma_wait3A_156 = tpu.memref_slice %arg4[%dma_wait3A_151, %dma_wait3A_152, %dma_wait3A_153, %dma_wait3A_154, %dma_wait3A_155] : memref<200x4x32x8x128xf32, #tpu.memory_space<hbm>> -> memref<1x1x1x8x128xf32, #tpu.memory_space<hbm>>
    %dma_wait3A_157 = tpu.memref_squeeze %dma_wait3A_156 : memref<1x1x1x8x128xf32, #tpu.memory_space<hbm>> -> memref<8x128xf32, #tpu.memory_space<hbm>>
    %dma_wait3A_158 = arith.constant 0 : i32
    %dma_wait3A_159 = arith.constant 0 : i32
    %dma_wait3A_160 = tpu.memref_slice %arg4[%dma_wait3A_151, %dma_wait3A_152, %dma_wait3A_153, %dma_wait3A_158, %dma_wait3A_159] : memref<200x4x32x8x128xf32, #tpu.memory_space<hbm>> -> memref<1x1x1x8x128xf32, #tpu.memory_space<hbm>>
    %dma_wait3A_161 = tpu.memref_squeeze %dma_wait3A_160 : memref<1x1x1x8x128xf32, #tpu.memory_space<hbm>> -> memref<8x128xf32, #tpu.memory_space<hbm>>
    tpu.wait_dma2 semaphore(%arg13 : memref<!tpu.dma_semaphore, #tpu.memory_space<semaphore_mem>>) src(%arg10 : memref<8x128xf32, #tpu.memory_space<vmem>>) dst(%dma_wait3A_161 : memref<8x128xf32, #tpu.memory_space<hbm>>)
    %dma_wait3A_162 = arith.constant 0 : i32
    %dma_wait3A_163 = arith.constant 0 : i32
    %dma_wait3A_164 = arith.constant 0 : i32
    %dma_wait3A_165 = arith.constant 0 : i32
    %dma_wait3A_166 = arith.constant 0 : i32
    %dma_wait3A_167 = tpu.memref_slice %arg4[%dma_wait3A_162, %dma_wait3A_163, %dma_wait3A_164, %dma_wait3A_165, %dma_wait3A_166] : memref<200x4x32x8x128xf32, #tpu.memory_space<hbm>> -> memref<1x1x1x8x128xf32, #tpu.memory_space<hbm>>
    %dma_wait3A_168 = tpu.memref_squeeze %dma_wait3A_167 : memref<1x1x1x8x128xf32, #tpu.memory_space<hbm>> -> memref<8x128xf32, #tpu.memory_space<hbm>>
    %dma_wait3A_169 = arith.constant 0 : i32
    %dma_wait3A_170 = arith.constant 0 : i32
    %dma_wait3A_171 = tpu.memref_slice %arg4[%dma_wait3A_162, %dma_wait3A_163, %dma_wait3A_164, %dma_wait3A_169, %dma_wait3A_170] : memref<200x4x32x8x128xf32, #tpu.memory_space<hbm>> -> memref<1x1x1x8x128xf32, #tpu.memory_space<hbm>>
    %dma_wait3A_172 = tpu.memref_squeeze %dma_wait3A_171 : memref<1x1x1x8x128xf32, #tpu.memory_space<hbm>> -> memref<8x128xf32, #tpu.memory_space<hbm>>
    tpu.wait_dma2 semaphore(%arg13 : memref<!tpu.dma_semaphore, #tpu.memory_space<semaphore_mem>>) src(%arg10 : memref<8x128xf32, #tpu.memory_space<vmem>>) dst(%dma_wait3A_172 : memref<8x128xf32, #tpu.memory_space<hbm>>)
    %dma_wait3A_173 = arith.constant 0 : i32
    %dma_wait3A_174 = arith.constant 1 : i32
    %dma_wait3A_175 = arith.constant 0 : i32
    %dma_wait3A_176 = arith.constant 0 : i32
    %dma_wait3A_177 = arith.constant 0 : i32
    %dma_wait3A_178 = tpu.memref_slice %arg4[%dma_wait3A_173, %dma_wait3A_174, %dma_wait3A_175, %dma_wait3A_176, %dma_wait3A_177] : memref<200x4x32x8x128xf32, #tpu.memory_space<hbm>> -> memref<1x1x1x8x128xf32, #tpu.memory_space<hbm>>
    %dma_wait3A_179 = tpu.memref_squeeze %dma_wait3A_178 : memref<1x1x1x8x128xf32, #tpu.memory_space<hbm>> -> memref<8x128xf32, #tpu.memory_space<hbm>>
    %dma_wait3A_180 = arith.constant 0 : i32
    %dma_wait3A_181 = arith.constant 0 : i32
    %dma_wait3A_182 = tpu.memref_slice %arg4[%dma_wait3A_173, %dma_wait3A_174, %dma_wait3A_175, %dma_wait3A_180, %dma_wait3A_181] : memref<200x4x32x8x128xf32, #tpu.memory_space<hbm>> -> memref<1x1x1x8x128xf32, #tpu.memory_space<hbm>>
    %dma_wait3A_183 = tpu.memref_squeeze %dma_wait3A_182 : memref<1x1x1x8x128xf32, #tpu.memory_space<hbm>> -> memref<8x128xf32, #tpu.memory_space<hbm>>
    tpu.wait_dma2 semaphore(%arg13 : memref<!tpu.dma_semaphore, #tpu.memory_space<semaphore_mem>>) src(%arg10 : memref<8x128xf32, #tpu.memory_space<vmem>>) dst(%dma_wait3A_183 : memref<8x128xf32, #tpu.memory_space<hbm>>)
    %dma_wait3A_184 = arith.constant 0 : i32
    %dma_wait3A_185 = arith.constant 2 : i32
    %dma_wait3A_186 = arith.constant 0 : i32
    %dma_wait3A_187 = arith.constant 0 : i32
    %dma_wait3A_188 = arith.constant 0 : i32
    %dma_wait3A_189 = tpu.memref_slice %arg4[%dma_wait3A_184, %dma_wait3A_185, %dma_wait3A_186, %dma_wait3A_187, %dma_wait3A_188] : memref<200x4x32x8x128xf32, #tpu.memory_space<hbm>> -> memref<1x1x1x8x128xf32, #tpu.memory_space<hbm>>
    %dma_wait3A_190 = tpu.memref_squeeze %dma_wait3A_189 : memref<1x1x1x8x128xf32, #tpu.memory_space<hbm>> -> memref<8x128xf32, #tpu.memory_space<hbm>>
    %dma_wait3A_191 = arith.constant 0 : i32
    %dma_wait3A_192 = arith.constant 0 : i32
    %dma_wait3A_193 = tpu.memref_slice %arg4[%dma_wait3A_184, %dma_wait3A_185, %dma_wait3A_186, %dma_wait3A_191, %dma_wait3A_192] : memref<200x4x32x8x128xf32, #tpu.memory_space<hbm>> -> memref<1x1x1x8x128xf32, #tpu.memory_space<hbm>>
    %dma_wait3A_194 = tpu.memref_squeeze %dma_wait3A_193 : memref<1x1x1x8x128xf32, #tpu.memory_space<hbm>> -> memref<8x128xf32, #tpu.memory_space<hbm>>
    tpu.wait_dma2 semaphore(%arg13 : memref<!tpu.dma_semaphore, #tpu.memory_space<semaphore_mem>>) src(%arg10 : memref<8x128xf32, #tpu.memory_space<vmem>>) dst(%dma_wait3A_194 : memref<8x128xf32, #tpu.memory_space<hbm>>)
    %dma_wait3A_195 = arith.constant 0 : i32
    %dma_wait3A_196 = arith.constant 3 : i32
    %dma_wait3A_197 = arith.constant 0 : i32
    %dma_wait3A_198 = arith.constant 0 : i32
    %dma_wait3A_199 = arith.constant 0 : i32
    %dma_wait3A_200 = tpu.memref_slice %arg4[%dma_wait3A_195, %dma_wait3A_196, %dma_wait3A_197, %dma_wait3A_198, %dma_wait3A_199] : memref<200x4x32x8x128xf32, #tpu.memory_space<hbm>> -> memref<1x1x1x8x128xf32, #tpu.memory_space<hbm>>
    %dma_wait3A_201 = tpu.memref_squeeze %dma_wait3A_200 : memref<1x1x1x8x128xf32, #tpu.memory_space<hbm>> -> memref<8x128xf32, #tpu.memory_space<hbm>>
    %dma_wait3A_202 = arith.constant 0 : i32
    %dma_wait3A_203 = arith.constant 0 : i32
    %dma_wait3A_204 = tpu.memref_slice %arg4[%dma_wait3A_195, %dma_wait3A_196, %dma_wait3A_197, %dma_wait3A_202, %dma_wait3A_203] : memref<200x4x32x8x128xf32, #tpu.memory_space<hbm>> -> memref<1x1x1x8x128xf32, #tpu.memory_space<hbm>>
    %dma_wait3A_205 = tpu.memref_squeeze %dma_wait3A_204 : memref<1x1x1x8x128xf32, #tpu.memory_space<hbm>> -> memref<8x128xf32, #tpu.memory_space<hbm>>
    tpu.wait_dma2 semaphore(%arg13 : memref<!tpu.dma_semaphore, #tpu.memory_space<semaphore_mem>>) src(%arg10 : memref<8x128xf32, #tpu.memory_space<vmem>>) dst(%dma_wait3A_205 : memref<8x128xf32, #tpu.memory_space<hbm>>)
    %dma_wait3A_206 = arith.constant 0 : i32
    %dma_wait3A_207 = arith.constant 0 : i32
    %dma_wait3A_208 = arith.constant 0 : i32
    %dma_wait3A_209 = arith.constant 0 : i32
    %dma_wait3A_210 = arith.constant 0 : i32
    %dma_wait3A_211 = tpu.memref_slice %arg4[%dma_wait3A_206, %dma_wait3A_207, %dma_wait3A_208, %dma_wait3A_209, %dma_wait3A_210] : memref<200x4x32x8x128xf32, #tpu.memory_space<hbm>> -> memref<1x1x1x8x128xf32, #tpu.memory_space<hbm>>
    %dma_wait3A_212 = tpu.memref_squeeze %dma_wait3A_211 : memref<1x1x1x8x128xf32, #tpu.memory_space<hbm>> -> memref<8x128xf32, #tpu.memory_space<hbm>>
    %dma_wait3A_213 = arith.constant 0 : i32
    %dma_wait3A_214 = arith.constant 0 : i32
    %dma_wait3A_215 = tpu.memref_slice %arg4[%dma_wait3A_206, %dma_wait3A_207, %dma_wait3A_208, %dma_wait3A_213, %dma_wait3A_214] : memref<200x4x32x8x128xf32, #tpu.memory_space<hbm>> -> memref<1x1x1x8x128xf32, #tpu.memory_space<hbm>>
    %dma_wait3A_216 = tpu.memref_squeeze %dma_wait3A_215 : memref<1x1x1x8x128xf32, #tpu.memory_space<hbm>> -> memref<8x128xf32, #tpu.memory_space<hbm>>
    tpu.wait_dma2 semaphore(%arg13 : memref<!tpu.dma_semaphore, #tpu.memory_space<semaphore_mem>>) src(%arg10 : memref<8x128xf32, #tpu.memory_space<vmem>>) dst(%dma_wait3A_216 : memref<8x128xf32, #tpu.memory_space<hbm>>)
    %dma_wait3A_217 = arith.constant 0 : i32
    %dma_wait3A_218 = arith.constant 1 : i32
    %dma_wait3A_219 = arith.constant 0 : i32
    %dma_wait3A_220 = arith.constant 0 : i32
    %dma_wait3A_221 = arith.constant 0 : i32
    %dma_wait3A_222 = tpu.memref_slice %arg4[%dma_wait3A_217, %dma_wait3A_218, %dma_wait3A_219, %dma_wait3A_220, %dma_wait3A_221] : memref<200x4x32x8x128xf32, #tpu.memory_space<hbm>> -> memref<1x1x1x8x128xf32, #tpu.memory_space<hbm>>
    %dma_wait3A_223 = tpu.memref_squeeze %dma_wait3A_222 : memref<1x1x1x8x128xf32, #tpu.memory_space<hbm>> -> memref<8x128xf32, #tpu.memory_space<hbm>>
    %dma_wait3A_224 = arith.constant 0 : i32
    %dma_wait3A_225 = arith.constant 0 : i32
    %dma_wait3A_226 = tpu.memref_slice %arg4[%dma_wait3A_217, %dma_wait3A_218, %dma_wait3A_219, %dma_wait3A_224, %dma_wait3A_225] : memref<200x4x32x8x128xf32, #tpu.memory_space<hbm>> -> memref<1x1x1x8x128xf32, #tpu.memory_space<hbm>>
    %dma_wait3A_227 = tpu.memref_squeeze %dma_wait3A_226 : memref<1x1x1x8x128xf32, #tpu.memory_space<hbm>> -> memref<8x128xf32, #tpu.memory_space<hbm>>
    tpu.wait_dma2 semaphore(%arg13 : memref<!tpu.dma_semaphore, #tpu.memory_space<semaphore_mem>>) src(%arg10 : memref<8x128xf32, #tpu.memory_space<vmem>>) dst(%dma_wait3A_227 : memref<8x128xf32, #tpu.memory_space<hbm>>)
    %dma_wait3A_228 = arith.constant 0 : i32
    %dma_wait3A_229 = arith.constant 2 : i32
    %dma_wait3A_230 = arith.constant 0 : i32
    %dma_wait3A_231 = arith.constant 0 : i32
    %dma_wait3A_232 = arith.constant 0 : i32
    %dma_wait3A_233 = tpu.memref_slice %arg4[%dma_wait3A_228, %dma_wait3A_229, %dma_wait3A_230, %dma_wait3A_231, %dma_wait3A_232] : memref<200x4x32x8x128xf32, #tpu.memory_space<hbm>> -> memref<1x1x1x8x128xf32, #tpu.memory_space<hbm>>
    %dma_wait3A_234 = tpu.memref_squeeze %dma_wait3A_233 : memref<1x1x1x8x128xf32, #tpu.memory_space<hbm>> -> memref<8x128xf32, #tpu.memory_space<hbm>>
    %dma_wait3A_235 = arith.constant 0 : i32
    %dma_wait3A_236 = arith.constant 0 : i32
    %dma_wait3A_237 = tpu.memref_slice %arg4[%dma_wait3A_228, %dma_wait3A_229, %dma_wait3A_230, %dma_wait3A_235, %dma_wait3A_236] : memref<200x4x32x8x128xf32, #tpu.memory_space<hbm>> -> memref<1x1x1x8x128xf32, #tpu.memory_space<hbm>>
    %dma_wait3A_238 = tpu.memref_squeeze %dma_wait3A_237 : memref<1x1x1x8x128xf32, #tpu.memory_space<hbm>> -> memref<8x128xf32, #tpu.memory_space<hbm>>
    tpu.wait_dma2 semaphore(%arg13 : memref<!tpu.dma_semaphore, #tpu.memory_space<semaphore_mem>>) src(%arg10 : memref<8x128xf32, #tpu.memory_space<vmem>>) dst(%dma_wait3A_238 : memref<8x128xf32, #tpu.memory_space<hbm>>)
    %dma_wait3A_239 = arith.constant 0 : i32
    %dma_wait3A_240 = arith.constant 3 : i32
    %dma_wait3A_241 = arith.constant 0 : i32
    %dma_wait3A_242 = arith.constant 0 : i32
    %dma_wait3A_243 = arith.constant 0 : i32
    %dma_wait3A_244 = tpu.memref_slice %arg4[%dma_wait3A_239, %dma_wait3A_240, %dma_wait3A_241, %dma_wait3A_242, %dma_wait3A_243] : memref<200x4x32x8x128xf32, #tpu.memory_space<hbm>> -> memref<1x1x1x8x128xf32, #tpu.memory_space<hbm>>
    %dma_wait3A_245 = tpu.memref_squeeze %dma_wait3A_244 : memref<1x1x1x8x128xf32, #tpu.memory_space<hbm>> -> memref<8x128xf32, #tpu.memory_space<hbm>>
    %dma_wait3A_246 = arith.constant 0 : i32
    %dma_wait3A_247 = arith.constant 0 : i32
    %dma_wait3A_248 = tpu.memref_slice %arg4[%dma_wait3A_239, %dma_wait3A_240, %dma_wait3A_241, %dma_wait3A_246, %dma_wait3A_247] : memref<200x4x32x8x128xf32, #tpu.memory_space<hbm>> -> memref<1x1x1x8x128xf32, #tpu.memory_space<hbm>>
    %dma_wait3A_249 = tpu.memref_squeeze %dma_wait3A_248 : memref<1x1x1x8x128xf32, #tpu.memory_space<hbm>> -> memref<8x128xf32, #tpu.memory_space<hbm>>
    tpu.wait_dma2 semaphore(%arg13 : memref<!tpu.dma_semaphore, #tpu.memory_space<semaphore_mem>>) src(%arg10 : memref<8x128xf32, #tpu.memory_space<vmem>>) dst(%dma_wait3A_249 : memref<8x128xf32, #tpu.memory_space<hbm>>)
    %dma_wait3A_250 = arith.constant 0 : i32
    %dma_wait3A_251 = arith.constant 0 : i32
    %dma_wait3A_252 = arith.constant 0 : i32
    %dma_wait3A_253 = arith.constant 0 : i32
    %dma_wait3A_254 = arith.constant 0 : i32
    %dma_wait3A_255 = tpu.memref_slice %arg4[%dma_wait3A_250, %dma_wait3A_251, %dma_wait3A_252, %dma_wait3A_253, %dma_wait3A_254] : memref<200x4x32x8x128xf32, #tpu.memory_space<hbm>> -> memref<1x1x1x8x128xf32, #tpu.memory_space<hbm>>
    %dma_wait3A_256 = tpu.memref_squeeze %dma_wait3A_255 : memref<1x1x1x8x128xf32, #tpu.memory_space<hbm>> -> memref<8x128xf32, #tpu.memory_space<hbm>>
    %dma_wait3A_257 = arith.constant 0 : i32
    %dma_wait3A_258 = arith.constant 0 : i32
    %dma_wait3A_259 = tpu.memref_slice %arg4[%dma_wait3A_250, %dma_wait3A_251, %dma_wait3A_252, %dma_wait3A_257, %dma_wait3A_258] : memref<200x4x32x8x128xf32, #tpu.memory_space<hbm>> -> memref<1x1x1x8x128xf32, #tpu.memory_space<hbm>>
    %dma_wait3A_260 = tpu.memref_squeeze %dma_wait3A_259 : memref<1x1x1x8x128xf32, #tpu.memory_space<hbm>> -> memref<8x128xf32, #tpu.memory_space<hbm>>
    tpu.wait_dma2 semaphore(%arg13 : memref<!tpu.dma_semaphore, #tpu.memory_space<semaphore_mem>>) src(%arg10 : memref<8x128xf32, #tpu.memory_space<vmem>>) dst(%dma_wait3A_260 : memref<8x128xf32, #tpu.memory_space<hbm>>)
    %dma_wait3A_261 = arith.constant 0 : i32
    %dma_wait3A_262 = arith.constant 1 : i32
    %dma_wait3A_263 = arith.constant 0 : i32
    %dma_wait3A_264 = arith.constant 0 : i32
    %dma_wait3A_265 = arith.constant 0 : i32
    %dma_wait3A_266 = tpu.memref_slice %arg4[%dma_wait3A_261, %dma_wait3A_262, %dma_wait3A_263, %dma_wait3A_264, %dma_wait3A_265] : memref<200x4x32x8x128xf32, #tpu.memory_space<hbm>> -> memref<1x1x1x8x128xf32, #tpu.memory_space<hbm>>
    %dma_wait3A_267 = tpu.memref_squeeze %dma_wait3A_266 : memref<1x1x1x8x128xf32, #tpu.memory_space<hbm>> -> memref<8x128xf32, #tpu.memory_space<hbm>>
    %dma_wait3A_268 = arith.constant 0 : i32
    %dma_wait3A_269 = arith.constant 0 : i32
    %dma_wait3A_270 = tpu.memref_slice %arg4[%dma_wait3A_261, %dma_wait3A_262, %dma_wait3A_263, %dma_wait3A_268, %dma_wait3A_269] : memref<200x4x32x8x128xf32, #tpu.memory_space<hbm>> -> memref<1x1x1x8x128xf32, #tpu.memory_space<hbm>>
    %dma_wait3A_271 = tpu.memref_squeeze %dma_wait3A_270 : memref<1x1x1x8x128xf32, #tpu.memory_space<hbm>> -> memref<8x128xf32, #tpu.memory_space<hbm>>
    tpu.wait_dma2 semaphore(%arg13 : memref<!tpu.dma_semaphore, #tpu.memory_space<semaphore_mem>>) src(%arg10 : memref<8x128xf32, #tpu.memory_space<vmem>>) dst(%dma_wait3A_271 : memref<8x128xf32, #tpu.memory_space<hbm>>)
    %dma_wait3A_272 = arith.constant 0 : i32
    %dma_wait3A_273 = arith.constant 2 : i32
    %dma_wait3A_274 = arith.constant 0 : i32
    %dma_wait3A_275 = arith.constant 0 : i32
    %dma_wait3A_276 = arith.constant 0 : i32
    %dma_wait3A_277 = tpu.memref_slice %arg4[%dma_wait3A_272, %dma_wait3A_273, %dma_wait3A_274, %dma_wait3A_275, %dma_wait3A_276] : memref<200x4x32x8x128xf32, #tpu.memory_space<hbm>> -> memref<1x1x1x8x128xf32, #tpu.memory_space<hbm>>
    %dma_wait3A_278 = tpu.memref_squeeze %dma_wait3A_277 : memref<1x1x1x8x128xf32, #tpu.memory_space<hbm>> -> memref<8x128xf32, #tpu.memory_space<hbm>>
    %dma_wait3A_279 = arith.constant 0 : i32
    %dma_wait3A_280 = arith.constant 0 : i32
    %dma_wait3A_281 = tpu.memref_slice %arg4[%dma_wait3A_272, %dma_wait3A_273, %dma_wait3A_274, %dma_wait3A_279, %dma_wait3A_280] : memref<200x4x32x8x128xf32, #tpu.memory_space<hbm>> -> memref<1x1x1x8x128xf32, #tpu.memory_space<hbm>>
    %dma_wait3A_282 = tpu.memref_squeeze %dma_wait3A_281 : memref<1x1x1x8x128xf32, #tpu.memory_space<hbm>> -> memref<8x128xf32, #tpu.memory_space<hbm>>
    tpu.wait_dma2 semaphore(%arg13 : memref<!tpu.dma_semaphore, #tpu.memory_space<semaphore_mem>>) src(%arg10 : memref<8x128xf32, #tpu.memory_space<vmem>>) dst(%dma_wait3A_282 : memref<8x128xf32, #tpu.memory_space<hbm>>)
    %dma_wait3A_283 = arith.constant 0 : i32
    %dma_wait3A_284 = arith.constant 3 : i32
    %dma_wait3A_285 = arith.constant 0 : i32
    %dma_wait3A_286 = arith.constant 0 : i32
    %dma_wait3A_287 = arith.constant 0 : i32
    %dma_wait3A_288 = tpu.memref_slice %arg4[%dma_wait3A_283, %dma_wait3A_284, %dma_wait3A_285, %dma_wait3A_286, %dma_wait3A_287] : memref<200x4x32x8x128xf32, #tpu.memory_space<hbm>> -> memref<1x1x1x8x128xf32, #tpu.memory_space<hbm>>
    %dma_wait3A_289 = tpu.memref_squeeze %dma_wait3A_288 : memref<1x1x1x8x128xf32, #tpu.memory_space<hbm>> -> memref<8x128xf32, #tpu.memory_space<hbm>>
    %dma_wait3A_290 = arith.constant 0 : i32
    %dma_wait3A_291 = arith.constant 0 : i32
    %dma_wait3A_292 = tpu.memref_slice %arg4[%dma_wait3A_283, %dma_wait3A_284, %dma_wait3A_285, %dma_wait3A_290, %dma_wait3A_291] : memref<200x4x32x8x128xf32, #tpu.memory_space<hbm>> -> memref<1x1x1x8x128xf32, #tpu.memory_space<hbm>>
    %dma_wait3A_293 = tpu.memref_squeeze %dma_wait3A_292 : memref<1x1x1x8x128xf32, #tpu.memory_space<hbm>> -> memref<8x128xf32, #tpu.memory_space<hbm>>
    tpu.wait_dma2 semaphore(%arg13 : memref<!tpu.dma_semaphore, #tpu.memory_space<semaphore_mem>>) src(%arg10 : memref<8x128xf32, #tpu.memory_space<vmem>>) dst(%dma_wait3A_293 : memref<8x128xf32, #tpu.memory_space<hbm>>)
    %dma_wait3A_294 = arith.constant 0 : i32
    %dma_wait3A_295 = arith.constant 0 : i32
    %dma_wait3A_296 = arith.constant 0 : i32
    %dma_wait3A_297 = arith.constant 0 : i32
    %dma_wait3A_298 = arith.constant 0 : i32
    %dma_wait3A_299 = tpu.memref_slice %arg4[%dma_wait3A_294, %dma_wait3A_295, %dma_wait3A_296, %dma_wait3A_297, %dma_wait3A_298] : memref<200x4x32x8x128xf32, #tpu.memory_space<hbm>> -> memref<1x1x1x8x128xf32, #tpu.memory_space<hbm>>
    %dma_wait3A_300 = tpu.memref_squeeze %dma_wait3A_299 : memref<1x1x1x8x128xf32, #tpu.memory_space<hbm>> -> memref<8x128xf32, #tpu.memory_space<hbm>>
    %dma_wait3A_301 = arith.constant 0 : i32
    %dma_wait3A_302 = arith.constant 0 : i32
    %dma_wait3A_303 = tpu.memref_slice %arg4[%dma_wait3A_294, %dma_wait3A_295, %dma_wait3A_296, %dma_wait3A_301, %dma_wait3A_302] : memref<200x4x32x8x128xf32, #tpu.memory_space<hbm>> -> memref<1x1x1x8x128xf32, #tpu.memory_space<hbm>>
    %dma_wait3A_304 = tpu.memref_squeeze %dma_wait3A_303 : memref<1x1x1x8x128xf32, #tpu.memory_space<hbm>> -> memref<8x128xf32, #tpu.memory_space<hbm>>
    tpu.wait_dma2 semaphore(%arg14 : memref<!tpu.dma_semaphore, #tpu.memory_space<semaphore_mem>>) src(%arg10 : memref<8x128xf32, #tpu.memory_space<vmem>>) dst(%dma_wait3A_304 : memref<8x128xf32, #tpu.memory_space<hbm>>)
    %dma_wait3A_305 = arith.constant 0 : i32
    %dma_wait3A_306 = arith.constant 1 : i32
    %dma_wait3A_307 = arith.constant 0 : i32
    %dma_wait3A_308 = arith.constant 0 : i32
    %dma_wait3A_309 = arith.constant 0 : i32
    %dma_wait3A_310 = tpu.memref_slice %arg4[%dma_wait3A_305, %dma_wait3A_306, %dma_wait3A_307, %dma_wait3A_308, %dma_wait3A_309] : memref<200x4x32x8x128xf32, #tpu.memory_space<hbm>> -> memref<1x1x1x8x128xf32, #tpu.memory_space<hbm>>
    %dma_wait3A_311 = tpu.memref_squeeze %dma_wait3A_310 : memref<1x1x1x8x128xf32, #tpu.memory_space<hbm>> -> memref<8x128xf32, #tpu.memory_space<hbm>>
    %dma_wait3A_312 = arith.constant 0 : i32
    %dma_wait3A_313 = arith.constant 0 : i32
    %dma_wait3A_314 = tpu.memref_slice %arg4[%dma_wait3A_305, %dma_wait3A_306, %dma_wait3A_307, %dma_wait3A_312, %dma_wait3A_313] : memref<200x4x32x8x128xf32, #tpu.memory_space<hbm>> -> memref<1x1x1x8x128xf32, #tpu.memory_space<hbm>>
    %dma_wait3A_315 = tpu.memref_squeeze %dma_wait3A_314 : memref<1x1x1x8x128xf32, #tpu.memory_space<hbm>> -> memref<8x128xf32, #tpu.memory_space<hbm>>
    tpu.wait_dma2 semaphore(%arg14 : memref<!tpu.dma_semaphore, #tpu.memory_space<semaphore_mem>>) src(%arg10 : memref<8x128xf32, #tpu.memory_space<vmem>>) dst(%dma_wait3A_315 : memref<8x128xf32, #tpu.memory_space<hbm>>)
    %dma_wait3A_316 = arith.constant 0 : i32
    %dma_wait3A_317 = arith.constant 2 : i32
    %dma_wait3A_318 = arith.constant 0 : i32
    %dma_wait3A_319 = arith.constant 0 : i32
    %dma_wait3A_320 = arith.constant 0 : i32
    %dma_wait3A_321 = tpu.memref_slice %arg4[%dma_wait3A_316, %dma_wait3A_317, %dma_wait3A_318, %dma_wait3A_319, %dma_wait3A_320] : memref<200x4x32x8x128xf32, #tpu.memory_space<hbm>> -> memref<1x1x1x8x128xf32, #tpu.memory_space<hbm>>
    %dma_wait3A_322 = tpu.memref_squeeze %dma_wait3A_321 : memref<1x1x1x8x128xf32, #tpu.memory_space<hbm>> -> memref<8x128xf32, #tpu.memory_space<hbm>>
    %dma_wait3A_323 = arith.constant 0 : i32
    %dma_wait3A_324 = arith.constant 0 : i32
    %dma_wait3A_325 = tpu.memref_slice %arg4[%dma_wait3A_316, %dma_wait3A_317, %dma_wait3A_318, %dma_wait3A_323, %dma_wait3A_324] : memref<200x4x32x8x128xf32, #tpu.memory_space<hbm>> -> memref<1x1x1x8x128xf32, #tpu.memory_space<hbm>>
    %dma_wait3A_326 = tpu.memref_squeeze %dma_wait3A_325 : memref<1x1x1x8x128xf32, #tpu.memory_space<hbm>> -> memref<8x128xf32, #tpu.memory_space<hbm>>
    tpu.wait_dma2 semaphore(%arg14 : memref<!tpu.dma_semaphore, #tpu.memory_space<semaphore_mem>>) src(%arg10 : memref<8x128xf32, #tpu.memory_space<vmem>>) dst(%dma_wait3A_326 : memref<8x128xf32, #tpu.memory_space<hbm>>)
    %dma_wait3A_327 = arith.constant 0 : i32
    %dma_wait3A_328 = arith.constant 3 : i32
    %dma_wait3A_329 = arith.constant 0 : i32
    %dma_wait3A_330 = arith.constant 0 : i32
    %dma_wait3A_331 = arith.constant 0 : i32
    %dma_wait3A_332 = tpu.memref_slice %arg4[%dma_wait3A_327, %dma_wait3A_328, %dma_wait3A_329, %dma_wait3A_330, %dma_wait3A_331] : memref<200x4x32x8x128xf32, #tpu.memory_space<hbm>> -> memref<1x1x1x8x128xf32, #tpu.memory_space<hbm>>
    %dma_wait3A_333 = tpu.memref_squeeze %dma_wait3A_332 : memref<1x1x1x8x128xf32, #tpu.memory_space<hbm>> -> memref<8x128xf32, #tpu.memory_space<hbm>>
    %dma_wait3A_334 = arith.constant 0 : i32
    %dma_wait3A_335 = arith.constant 0 : i32
    %dma_wait3A_336 = tpu.memref_slice %arg4[%dma_wait3A_327, %dma_wait3A_328, %dma_wait3A_329, %dma_wait3A_334, %dma_wait3A_335] : memref<200x4x32x8x128xf32, #tpu.memory_space<hbm>> -> memref<1x1x1x8x128xf32, #tpu.memory_space<hbm>>
    %dma_wait3A_337 = tpu.memref_squeeze %dma_wait3A_336 : memref<1x1x1x8x128xf32, #tpu.memory_space<hbm>> -> memref<8x128xf32, #tpu.memory_space<hbm>>
    tpu.wait_dma2 semaphore(%arg14 : memref<!tpu.dma_semaphore, #tpu.memory_space<semaphore_mem>>) src(%arg10 : memref<8x128xf32, #tpu.memory_space<vmem>>) dst(%dma_wait3A_337 : memref<8x128xf32, #tpu.memory_space<hbm>>)
    %dma_wait3A_338 = arith.constant 0 : i32
    %dma_wait3A_339 = arith.constant 0 : i32
    %dma_wait3A_340 = arith.constant 0 : i32
    %dma_wait3A_341 = arith.constant 0 : i32
    %dma_wait3A_342 = arith.constant 0 : i32
    %dma_wait3A_343 = tpu.memref_slice %arg4[%dma_wait3A_338, %dma_wait3A_339, %dma_wait3A_340, %dma_wait3A_341, %dma_wait3A_342] : memref<200x4x32x8x128xf32, #tpu.memory_space<hbm>> -> memref<1x1x1x8x128xf32, #tpu.memory_space<hbm>>
    %dma_wait3A_344 = tpu.memref_squeeze %dma_wait3A_343 : memref<1x1x1x8x128xf32, #tpu.memory_space<hbm>> -> memref<8x128xf32, #tpu.memory_space<hbm>>
    %dma_wait3A_345 = arith.constant 0 : i32
    %dma_wait3A_346 = arith.constant 0 : i32
    %dma_wait3A_347 = tpu.memref_slice %arg4[%dma_wait3A_338, %dma_wait3A_339, %dma_wait3A_340, %dma_wait3A_345, %dma_wait3A_346] : memref<200x4x32x8x128xf32, #tpu.memory_space<hbm>> -> memref<1x1x1x8x128xf32, #tpu.memory_space<hbm>>
    %dma_wait3A_348 = tpu.memref_squeeze %dma_wait3A_347 : memref<1x1x1x8x128xf32, #tpu.memory_space<hbm>> -> memref<8x128xf32, #tpu.memory_space<hbm>>
    tpu.wait_dma2 semaphore(%arg14 : memref<!tpu.dma_semaphore, #tpu.memory_space<semaphore_mem>>) src(%arg10 : memref<8x128xf32, #tpu.memory_space<vmem>>) dst(%dma_wait3A_348 : memref<8x128xf32, #tpu.memory_space<hbm>>)
    %dma_wait3A_349 = arith.constant 0 : i32
    %dma_wait3A_350 = arith.constant 1 : i32
    %dma_wait3A_351 = arith.constant 0 : i32
    %dma_wait3A_352 = arith.constant 0 : i32
    %dma_wait3A_353 = arith.constant 0 : i32
    %dma_wait3A_354 = tpu.memref_slice %arg4[%dma_wait3A_349, %dma_wait3A_350, %dma_wait3A_351, %dma_wait3A_352, %dma_wait3A_353] : memref<200x4x32x8x128xf32, #tpu.memory_space<hbm>> -> memref<1x1x1x8x128xf32, #tpu.memory_space<hbm>>
    %dma_wait3A_355 = tpu.memref_squeeze %dma_wait3A_354 : memref<1x1x1x8x128xf32, #tpu.memory_space<hbm>> -> memref<8x128xf32, #tpu.memory_space<hbm>>
    %dma_wait3A_356 = arith.constant 0 : i32
    %dma_wait3A_357 = arith.constant 0 : i32
    %dma_wait3A_358 = tpu.memref_slice %arg4[%dma_wait3A_349, %dma_wait3A_350, %dma_wait3A_351, %dma_wait3A_356, %dma_wait3A_357] : memref<200x4x32x8x128xf32, #tpu.memory_space<hbm>> -> memref<1x1x1x8x128xf32, #tpu.memory_space<hbm>>
    %dma_wait3A_359 = tpu.memref_squeeze %dma_wait3A_358 : memref<1x1x1x8x128xf32, #tpu.memory_space<hbm>> -> memref<8x128xf32, #tpu.memory_space<hbm>>
    tpu.wait_dma2 semaphore(%arg14 : memref<!tpu.dma_semaphore, #tpu.memory_space<semaphore_mem>>) src(%arg10 : memref<8x128xf32, #tpu.memory_space<vmem>>) dst(%dma_wait3A_359 : memref<8x128xf32, #tpu.memory_space<hbm>>)
    %dma_wait3A_360 = arith.constant 0 : i32
    %dma_wait3A_361 = arith.constant 2 : i32
    %dma_wait3A_362 = arith.constant 0 : i32
    %dma_wait3A_363 = arith.constant 0 : i32
    %dma_wait3A_364 = arith.constant 0 : i32
    %dma_wait3A_365 = tpu.memref_slice %arg4[%dma_wait3A_360, %dma_wait3A_361, %dma_wait3A_362, %dma_wait3A_363, %dma_wait3A_364] : memref<200x4x32x8x128xf32, #tpu.memory_space<hbm>> -> memref<1x1x1x8x128xf32, #tpu.memory_space<hbm>>
    %dma_wait3A_366 = tpu.memref_squeeze %dma_wait3A_365 : memref<1x1x1x8x128xf32, #tpu.memory_space<hbm>> -> memref<8x128xf32, #tpu.memory_space<hbm>>
    %dma_wait3A_367 = arith.constant 0 : i32
    %dma_wait3A_368 = arith.constant 0 : i32
    %dma_wait3A_369 = tpu.memref_slice %arg4[%dma_wait3A_360, %dma_wait3A_361, %dma_wait3A_362, %dma_wait3A_367, %dma_wait3A_368] : memref<200x4x32x8x128xf32, #tpu.memory_space<hbm>> -> memref<1x1x1x8x128xf32, #tpu.memory_space<hbm>>
    %dma_wait3A_370 = tpu.memref_squeeze %dma_wait3A_369 : memref<1x1x1x8x128xf32, #tpu.memory_space<hbm>> -> memref<8x128xf32, #tpu.memory_space<hbm>>
    tpu.wait_dma2 semaphore(%arg14 : memref<!tpu.dma_semaphore, #tpu.memory_space<semaphore_mem>>) src(%arg10 : memref<8x128xf32, #tpu.memory_space<vmem>>) dst(%dma_wait3A_370 : memref<8x128xf32, #tpu.memory_space<hbm>>)
    %dma_wait3A_371 = arith.constant 0 : i32
    %dma_wait3A_372 = arith.constant 3 : i32
    %dma_wait3A_373 = arith.constant 0 : i32
    %dma_wait3A_374 = arith.constant 0 : i32
    %dma_wait3A_375 = arith.constant 0 : i32
    %dma_wait3A_376 = tpu.memref_slice %arg4[%dma_wait3A_371, %dma_wait3A_372, %dma_wait3A_373, %dma_wait3A_374, %dma_wait3A_375] : memref<200x4x32x8x128xf32, #tpu.memory_space<hbm>> -> memref<1x1x1x8x128xf32, #tpu.memory_space<hbm>>
    %dma_wait3A_377 = tpu.memref_squeeze %dma_wait3A_376 : memref<1x1x1x8x128xf32, #tpu.memory_space<hbm>> -> memref<8x128xf32, #tpu.memory_space<hbm>>
    %dma_wait3A_378 = arith.constant 0 : i32
    %dma_wait3A_379 = arith.constant 0 : i32
    %dma_wait3A_380 = tpu.memref_slice %arg4[%dma_wait3A_371, %dma_wait3A_372, %dma_wait3A_373, %dma_wait3A_378, %dma_wait3A_379] : memref<200x4x32x8x128xf32, #tpu.memory_space<hbm>> -> memref<1x1x1x8x128xf32, #tpu.memory_space<hbm>>
    %dma_wait3A_381 = tpu.memref_squeeze %dma_wait3A_380 : memref<1x1x1x8x128xf32, #tpu.memory_space<hbm>> -> memref<8x128xf32, #tpu.memory_space<hbm>>
    tpu.wait_dma2 semaphore(%arg14 : memref<!tpu.dma_semaphore, #tpu.memory_space<semaphore_mem>>) src(%arg10 : memref<8x128xf32, #tpu.memory_space<vmem>>) dst(%dma_wait3A_381 : memref<8x128xf32, #tpu.memory_space<hbm>>)
    %dma_wait3A_382 = arith.constant 0 : i32
    %dma_wait3A_383 = arith.constant 0 : i32
    %dma_wait3A_384 = arith.constant 0 : i32
    %dma_wait3A_385 = arith.constant 0 : i32
    %dma_wait3A_386 = arith.constant 0 : i32
    %dma_wait3A_387 = tpu.memref_slice %arg4[%dma_wait3A_382, %dma_wait3A_383, %dma_wait3A_384, %dma_wait3A_385, %dma_wait3A_386] : memref<200x4x32x8x128xf32, #tpu.memory_space<hbm>> -> memref<1x1x1x8x128xf32, #tpu.memory_space<hbm>>
    %dma_wait3A_388 = tpu.memref_squeeze %dma_wait3A_387 : memref<1x1x1x8x128xf32, #tpu.memory_space<hbm>> -> memref<8x128xf32, #tpu.memory_space<hbm>>
    %dma_wait3A_389 = arith.constant 0 : i32
    %dma_wait3A_390 = arith.constant 0 : i32
    %dma_wait3A_391 = tpu.memref_slice %arg4[%dma_wait3A_382, %dma_wait3A_383, %dma_wait3A_384, %dma_wait3A_389, %dma_wait3A_390] : memref<200x4x32x8x128xf32, #tpu.memory_space<hbm>> -> memref<1x1x1x8x128xf32, #tpu.memory_space<hbm>>
    %dma_wait3A_392 = tpu.memref_squeeze %dma_wait3A_391 : memref<1x1x1x8x128xf32, #tpu.memory_space<hbm>> -> memref<8x128xf32, #tpu.memory_space<hbm>>
    tpu.wait_dma2 semaphore(%arg14 : memref<!tpu.dma_semaphore, #tpu.memory_space<semaphore_mem>>) src(%arg10 : memref<8x128xf32, #tpu.memory_space<vmem>>) dst(%dma_wait3A_392 : memref<8x128xf32, #tpu.memory_space<hbm>>)
    %dma_wait3A_393 = arith.constant 0 : i32
    %dma_wait3A_394 = arith.constant 1 : i32
    %dma_wait3A_395 = arith.constant 0 : i32
    %dma_wait3A_396 = arith.constant 0 : i32
    %dma_wait3A_397 = arith.constant 0 : i32
    %dma_wait3A_398 = tpu.memref_slice %arg4[%dma_wait3A_393, %dma_wait3A_394, %dma_wait3A_395, %dma_wait3A_396, %dma_wait3A_397] : memref<200x4x32x8x128xf32, #tpu.memory_space<hbm>> -> memref<1x1x1x8x128xf32, #tpu.memory_space<hbm>>
    %dma_wait3A_399 = tpu.memref_squeeze %dma_wait3A_398 : memref<1x1x1x8x128xf32, #tpu.memory_space<hbm>> -> memref<8x128xf32, #tpu.memory_space<hbm>>
    %dma_wait3A_400 = arith.constant 0 : i32
    %dma_wait3A_401 = arith.constant 0 : i32
    %dma_wait3A_402 = tpu.memref_slice %arg4[%dma_wait3A_393, %dma_wait3A_394, %dma_wait3A_395, %dma_wait3A_400, %dma_wait3A_401] : memref<200x4x32x8x128xf32, #tpu.memory_space<hbm>> -> memref<1x1x1x8x128xf32, #tpu.memory_space<hbm>>
    %dma_wait3A_403 = tpu.memref_squeeze %dma_wait3A_402 : memref<1x1x1x8x128xf32, #tpu.memory_space<hbm>> -> memref<8x128xf32, #tpu.memory_space<hbm>>
    tpu.wait_dma2 semaphore(%arg14 : memref<!tpu.dma_semaphore, #tpu.memory_space<semaphore_mem>>) src(%arg10 : memref<8x128xf32, #tpu.memory_space<vmem>>) dst(%dma_wait3A_403 : memref<8x128xf32, #tpu.memory_space<hbm>>)
    %dma_wait3A_404 = arith.constant 0 : i32
    %dma_wait3A_405 = arith.constant 2 : i32
    %dma_wait3A_406 = arith.constant 0 : i32
    %dma_wait3A_407 = arith.constant 0 : i32
    %dma_wait3A_408 = arith.constant 0 : i32
    %dma_wait3A_409 = tpu.memref_slice %arg4[%dma_wait3A_404, %dma_wait3A_405, %dma_wait3A_406, %dma_wait3A_407, %dma_wait3A_408] : memref<200x4x32x8x128xf32, #tpu.memory_space<hbm>> -> memref<1x1x1x8x128xf32, #tpu.memory_space<hbm>>
    %dma_wait3A_410 = tpu.memref_squeeze %dma_wait3A_409 : memref<1x1x1x8x128xf32, #tpu.memory_space<hbm>> -> memref<8x128xf32, #tpu.memory_space<hbm>>
    %dma_wait3A_411 = arith.constant 0 : i32
    %dma_wait3A_412 = arith.constant 0 : i32
    %dma_wait3A_413 = tpu.memref_slice %arg4[%dma_wait3A_404, %dma_wait3A_405, %dma_wait3A_406, %dma_wait3A_411, %dma_wait3A_412] : memref<200x4x32x8x128xf32, #tpu.memory_space<hbm>> -> memref<1x1x1x8x128xf32, #tpu.memory_space<hbm>>
    %dma_wait3A_414 = tpu.memref_squeeze %dma_wait3A_413 : memref<1x1x1x8x128xf32, #tpu.memory_space<hbm>> -> memref<8x128xf32, #tpu.memory_space<hbm>>
    tpu.wait_dma2 semaphore(%arg14 : memref<!tpu.dma_semaphore, #tpu.memory_space<semaphore_mem>>) src(%arg10 : memref<8x128xf32, #tpu.memory_space<vmem>>) dst(%dma_wait3A_414 : memref<8x128xf32, #tpu.memory_space<hbm>>)
    %dma_wait3A_415 = arith.constant 0 : i32
    %dma_wait3A_416 = arith.constant 3 : i32
    %dma_wait3A_417 = arith.constant 0 : i32
    %dma_wait3A_418 = arith.constant 0 : i32
    %dma_wait3A_419 = arith.constant 0 : i32
    %dma_wait3A_420 = tpu.memref_slice %arg4[%dma_wait3A_415, %dma_wait3A_416, %dma_wait3A_417, %dma_wait3A_418, %dma_wait3A_419] : memref<200x4x32x8x128xf32, #tpu.memory_space<hbm>> -> memref<1x1x1x8x128xf32, #tpu.memory_space<hbm>>
    %dma_wait3A_421 = tpu.memref_squeeze %dma_wait3A_420 : memref<1x1x1x8x128xf32, #tpu.memory_space<hbm>> -> memref<8x128xf32, #tpu.memory_space<hbm>>
    %dma_wait3A_422 = arith.constant 0 : i32
    %dma_wait3A_423 = arith.constant 0 : i32
    %dma_wait3A_424 = tpu.memref_slice %arg4[%dma_wait3A_415, %dma_wait3A_416, %dma_wait3A_417, %dma_wait3A_422, %dma_wait3A_423] : memref<200x4x32x8x128xf32, #tpu.memory_space<hbm>> -> memref<1x1x1x8x128xf32, #tpu.memory_space<hbm>>
    %dma_wait3A_425 = tpu.memref_squeeze %dma_wait3A_424 : memref<1x1x1x8x128xf32, #tpu.memory_space<hbm>> -> memref<8x128xf32, #tpu.memory_space<hbm>>
    tpu.wait_dma2 semaphore(%arg14 : memref<!tpu.dma_semaphore, #tpu.memory_space<semaphore_mem>>) src(%arg10 : memref<8x128xf32, #tpu.memory_space<vmem>>) dst(%dma_wait3A_425 : memref<8x128xf32, #tpu.memory_space<hbm>>)
    %dma_wait3A_426 = arith.constant 0 : i32
    %dma_wait3A_427 = arith.constant 0 : i32
    %dma_wait3A_428 = arith.constant 0 : i32
    %dma_wait3A_429 = arith.constant 0 : i32
    %dma_wait3A_430 = arith.constant 0 : i32
    %dma_wait3A_431 = tpu.memref_slice %arg4[%dma_wait3A_426, %dma_wait3A_427, %dma_wait3A_428, %dma_wait3A_429, %dma_wait3A_430] : memref<200x4x32x8x128xf32, #tpu.memory_space<hbm>> -> memref<1x1x1x8x128xf32, #tpu.memory_space<hbm>>
    %dma_wait3A_432 = tpu.memref_squeeze %dma_wait3A_431 : memref<1x1x1x8x128xf32, #tpu.memory_space<hbm>> -> memref<8x128xf32, #tpu.memory_space<hbm>>
    %dma_wait3A_433 = arith.constant 0 : i32
    %dma_wait3A_434 = arith.constant 0 : i32
    %dma_wait3A_435 = tpu.memref_slice %arg4[%dma_wait3A_426, %dma_wait3A_427, %dma_wait3A_428, %dma_wait3A_433, %dma_wait3A_434] : memref<200x4x32x8x128xf32, #tpu.memory_space<hbm>> -> memref<1x1x1x8x128xf32, #tpu.memory_space<hbm>>
    %dma_wait3A_436 = tpu.memref_squeeze %dma_wait3A_435 : memref<1x1x1x8x128xf32, #tpu.memory_space<hbm>> -> memref<8x128xf32, #tpu.memory_space<hbm>>
    tpu.wait_dma2 semaphore(%arg14 : memref<!tpu.dma_semaphore, #tpu.memory_space<semaphore_mem>>) src(%arg10 : memref<8x128xf32, #tpu.memory_space<vmem>>) dst(%dma_wait3A_436 : memref<8x128xf32, #tpu.memory_space<hbm>>)
    %dma_wait3A_437 = arith.constant 0 : i32
    %dma_wait3A_438 = arith.constant 1 : i32
    %dma_wait3A_439 = arith.constant 0 : i32
    %dma_wait3A_440 = arith.constant 0 : i32
    %dma_wait3A_441 = arith.constant 0 : i32
    %dma_wait3A_442 = tpu.memref_slice %arg4[%dma_wait3A_437, %dma_wait3A_438, %dma_wait3A_439, %dma_wait3A_440, %dma_wait3A_441] : memref<200x4x32x8x128xf32, #tpu.memory_space<hbm>> -> memref<1x1x1x8x128xf32, #tpu.memory_space<hbm>>
    %dma_wait3A_443 = tpu.memref_squeeze %dma_wait3A_442 : memref<1x1x1x8x128xf32, #tpu.memory_space<hbm>> -> memref<8x128xf32, #tpu.memory_space<hbm>>
    %dma_wait3A_444 = arith.constant 0 : i32
    %dma_wait3A_445 = arith.constant 0 : i32
    %dma_wait3A_446 = tpu.memref_slice %arg4[%dma_wait3A_437, %dma_wait3A_438, %dma_wait3A_439, %dma_wait3A_444, %dma_wait3A_445] : memref<200x4x32x8x128xf32, #tpu.memory_space<hbm>> -> memref<1x1x1x8x128xf32, #tpu.memory_space<hbm>>
    %dma_wait3A_447 = tpu.memref_squeeze %dma_wait3A_446 : memref<1x1x1x8x128xf32, #tpu.memory_space<hbm>> -> memref<8x128xf32, #tpu.memory_space<hbm>>
    tpu.wait_dma2 semaphore(%arg14 : memref<!tpu.dma_semaphore, #tpu.memory_space<semaphore_mem>>) src(%arg10 : memref<8x128xf32, #tpu.memory_space<vmem>>) dst(%dma_wait3A_447 : memref<8x128xf32, #tpu.memory_space<hbm>>)
    %dma_wait3A_448 = arith.constant 0 : i32
    %dma_wait3A_449 = arith.constant 2 : i32
    %dma_wait3A_450 = arith.constant 0 : i32
    %dma_wait3A_451 = arith.constant 0 : i32
    %dma_wait3A_452 = arith.constant 0 : i32
    %dma_wait3A_453 = tpu.memref_slice %arg4[%dma_wait3A_448, %dma_wait3A_449, %dma_wait3A_450, %dma_wait3A_451, %dma_wait3A_452] : memref<200x4x32x8x128xf32, #tpu.memory_space<hbm>> -> memref<1x1x1x8x128xf32, #tpu.memory_space<hbm>>
    %dma_wait3A_454 = tpu.memref_squeeze %dma_wait3A_453 : memref<1x1x1x8x128xf32, #tpu.memory_space<hbm>> -> memref<8x128xf32, #tpu.memory_space<hbm>>
    %dma_wait3A_455 = arith.constant 0 : i32
    %dma_wait3A_456 = arith.constant 0 : i32
    %dma_wait3A_457 = tpu.memref_slice %arg4[%dma_wait3A_448, %dma_wait3A_449, %dma_wait3A_450, %dma_wait3A_455, %dma_wait3A_456] : memref<200x4x32x8x128xf32, #tpu.memory_space<hbm>> -> memref<1x1x1x8x128xf32, #tpu.memory_space<hbm>>
    %dma_wait3A_458 = tpu.memref_squeeze %dma_wait3A_457 : memref<1x1x1x8x128xf32, #tpu.memory_space<hbm>> -> memref<8x128xf32, #tpu.memory_space<hbm>>
    tpu.wait_dma2 semaphore(%arg14 : memref<!tpu.dma_semaphore, #tpu.memory_space<semaphore_mem>>) src(%arg10 : memref<8x128xf32, #tpu.memory_space<vmem>>) dst(%dma_wait3A_458 : memref<8x128xf32, #tpu.memory_space<hbm>>)
    %dma_wait3A_459 = arith.constant 0 : i32
    %dma_wait3A_460 = arith.constant 3 : i32
    %dma_wait3A_461 = arith.constant 0 : i32
    %dma_wait3A_462 = arith.constant 0 : i32
    %dma_wait3A_463 = arith.constant 0 : i32
    %dma_wait3A_464 = tpu.memref_slice %arg4[%dma_wait3A_459, %dma_wait3A_460, %dma_wait3A_461, %dma_wait3A_462, %dma_wait3A_463] : memref<200x4x32x8x128xf32, #tpu.memory_space<hbm>> -> memref<1x1x1x8x128xf32, #tpu.memory_space<hbm>>
    %dma_wait3A_465 = tpu.memref_squeeze %dma_wait3A_464 : memref<1x1x1x8x128xf32, #tpu.memory_space<hbm>> -> memref<8x128xf32, #tpu.memory_space<hbm>>
    %dma_wait3A_466 = arith.constant 0 : i32
    %dma_wait3A_467 = arith.constant 0 : i32
    %dma_wait3A_468 = tpu.memref_slice %arg4[%dma_wait3A_459, %dma_wait3A_460, %dma_wait3A_461, %dma_wait3A_466, %dma_wait3A_467] : memref<200x4x32x8x128xf32, #tpu.memory_space<hbm>> -> memref<1x1x1x8x128xf32, #tpu.memory_space<hbm>>
    %dma_wait3A_469 = tpu.memref_squeeze %dma_wait3A_468 : memref<1x1x1x8x128xf32, #tpu.memory_space<hbm>> -> memref<8x128xf32, #tpu.memory_space<hbm>>
    tpu.wait_dma2 semaphore(%arg14 : memref<!tpu.dma_semaphore, #tpu.memory_space<semaphore_mem>>) src(%arg10 : memref<8x128xf32, #tpu.memory_space<vmem>>) dst(%dma_wait3A_469 : memref<8x128xf32, #tpu.memory_space<hbm>>)
    return
  }
}

</mosaic_0001>

<sc_bundles>
// kernel: _sc_embedding_gather.3.cloned.1.call-start
scs
__scs_entry_jumppad:
0x0: {  	(pc) =	sbr.rel $0x88, $3  }
0x1: {  	(tag) =	ssettag $0x0;
	lr =	simm.s32 $0x1  }
0x2: {  	[smem:$0x3F9F] =	sst lr;
	_ =	strace $0xD0000000  }
0x3: {  	_ = 	snop  }
0x4: {  	_ = 	snop  }
0x5: {  	_ = 	snop  }
0x6: {  	_ = 	snop  }
0x7: {  	_ = 	snop  }
__scs_overlays_trampoline_lowered:
0x8: {  	[smem:$0x3FAE] =	sst s0  }
0x9: {  	[smem:$0x3FAF] =	sst s1  }
0xa: {  	[smem:$0x3FB0] =	sst s2  }
0xb: {  	[smem:$0x3FB1] =	sst s3  }
0xc: {  	[smem:$0x3FB2] =	sst s4  }
0xd: {  	[smem:$0x3FB3] =	sst s5  }
0xe: {  	[smem:$0x3FB4] =	sst s6  }
0xf: {  	[smem:$0x3FB5] =	sst s7  }
0x10: {  	[smem:$0x3FB6] =	sst s8  }
0x11: {  	[smem:$0x3FB7] =	sst s9;
	s0 =	simm.s32 @!p0 $0x0  }
0x12: {  	s1 =	sld [smem:$0x3F9D];
	s0 =	simm.s32 @p0 $0x1  }
0x13: {  	[smem:$0x3FB8] =	sst s0;
	s0 =	simm.s32 @!p1 $0x0  }
0x14: {  	s2 =	sld [smem:$0x3F9C];
	s0 =	simm.s32 @p1 $0x1  }
0x15: {  	[smem:$0x3FB9] =	sst s0;
	s0 =	simm.s32 @!p2 $0x0  }
0x16: {  	s3 =	sld [smem:$0x3FDB];
	s0 =	simm.s32 @p2 $0x1  }
0x17: {  	s4 =	simm.s32 $0x1BF5;
	[smem:$0x3FBB] =	sst s0  }
0x18: {  	s0 =	sld [smem:$0x3F9E];
	_ =	swait.ge [sflag:s4], $0x0  }
0x19: {  	s7 =	sld [smem:$0x3F9F]  }
0x1a: {  	s8 =	sadd.s32 $0xFFFFE003, lr  }
0x1b: {  	s9 =	sadd.s32 $0xFFFFFEF7, lr;
	s5 =	simm.s32 $0xFFFFFFFF;
	p2 =	slt.u32 s8, $0xFFFFF086  }
0x1c: {  	p1 =	slt.u32 s9, $0xF7A;
	s5 =	simm.s32 @!p2 $0x0  }
0x1d: {  	s5 =	simm.s32 @p1 $0x1;
	p0 =	seq.s32 s7, s2  }
0x1e: {  	s7 =	smul.u32 @!p0 $0xF7A, s2;
	p2 =	seq.s32 @!p0 s5, $0x0  }
0x1f: {  	s9 =	smul.u32 $0xF7A, s1;
	s8 =	simm.s32 @!p0 $0x1BF5;
	p2 =	por !p2, p0  }
0x20: {  	[sflag:s8] =	ssyncset.s32 @!p0 $0xFFFFF086;
	s6 =	sadd.s32 @!p0 s3, s7;
	s7 =	simm.s32 @!p0 $0x108  }
0x21: {  	s3 =	sadd.s32 s3, s9;
	s6 =	sadd.s32 @!p0 $0x88, s6;
	s7 =	simm.s32 @p2 $0x1082  }
0x22: {  	[simem:s7], [sflag:s8] =	dma.local @!p0 [hbm:s6], $0xF7A  }
0x23: {  	s9 =	sor.u32 $0xD0000000, s2;
	s6 =	simm.s32 $0x108;
	_ =	swait.ge @!p0 [sflag:s8], $0x0  }
0x24: {  	s3 =	sadd.s32 $0x88, s3;
	s6 =	simm.s32 @!p1 $0x1082;
	[sflag:s4] =	ssyncset.s32 $0xFFFFF086  }
0x25: {  	[simem:s6], [sflag:s4] =	dma.local [hbm:s3], $0xF7A  }
0x26: {  	[smem:$0x3F9F] =	sst s1;
	(tag) =	ssettag s2;
	_ =	strace s9  }
0x27: {  	s1 =	sld [smem:$0x3FAF]  }
0x28: {  	s2 =	sld [smem:$0x3FB0]  }
0x29: {  	s4 =	sld [smem:$0x3FB2]  }
0x2a: {  	p0 =	seq.s32 s5, $0x0;
	s5 =	sld [smem:$0x3FB3]  }
0x2b: {  	s6 =	sld [smem:$0x3FB4]  }
0x2c: {  	s7 =	sld [smem:$0x3FB5]  }
0x2d: {  	s3 =	simm.s32 $0x108;
	s8 =	sld [smem:$0x3FB6]  }
0x2e: {  	s3 =	simm.s32 @!p0 $0x1082;
	s9 =	sld [smem:$0x3FB7]  }
0x2f: {  	lr =	sadd.s32 s0, s3;
	s0 =	sld [smem:$0x3FAE]  }
0x30: {  	s3 =	sld [smem:$0x3FB1]  }
0x31: {  	[smem:$0x3FBA] =	sst s10  }
0x32: {  	s10 =	sld [smem:$0x3FB8];
	_ =	sdelay $0x3  }
0x33: {  	p0 =	seq.s32 s10, $0x1;
	s10 =	sld [smem:$0x3FBA];
	_ =	sdelay $0x3  }
0x34: {  	[smem:$0x3FBA] =	sst s10  }
0x35: {  	s10 =	sld [smem:$0x3FB9];
	_ =	sdelay $0x3  }
0x36: {  	p1 =	seq.s32 s10, $0x1;
	s10 =	sld [smem:$0x3FBA];
	_ =	sdelay $0x3  }
0x37: {  	[smem:$0x3FBA] =	sst s10  }
0x38: {  	s10 =	sld [smem:$0x3FBB]  }
0x39: {  	_ = 	snop;
	(pc) =	sbr.ind lr, $3  }
0x3a: {  	_ = 	snop  }
0x3b: {  	_ = 	snop  }
0x3c: {  	p2 =	seq.s32 s10, $0x1;
	s10 =	sld [smem:$0x3FBA]  }
0x3d: {  	_ =	shalt  }
0x3e: {  	_ =	shalt  }
0x3f: {  	_ =	shalt  }
0x40: {  	_ =	shalt  }
0x41: {  	_ =	shalt  }
0x42: {  	_ =	shalt  }
0x43: {  	_ =	shalt  }
0x44: {  	_ =	shalt  }
0x45: {  	_ =	shalt  }
0x46: {  	_ =	shalt  }
0x47: {  	_ =	shalt  }
0x48: {  	_ =	shalt  }
0x49: {  	_ =	shalt  }
0x4a: {  	_ =	shalt  }
0x4b: {  	_ =	shalt  }
0x4c: {  	_ =	shalt  }
0x4d: {  	_ =	shalt  }
0x4e: {  	_ =	shalt  }
0x4f: {  	_ =	shalt  }
0x50: {  	_ =	shalt  }
0x51: {  	_ =	shalt  }
0x52: {  	_ =	shalt  }
0x53: {  	_ =	shalt  }
0x54: {  	_ =	shalt  }
0x55: {  	_ =	shalt  }
0x56: {  	_ =	shalt  }
0x57: {  	_ =	shalt  }
0x58: {  	_ =	shalt  }
0x59: {  	_ =	shalt  }
0x5a: {  	_ =	shalt  }
0x5b: {  	_ =	shalt  }
0x5c: {  	_ =	shalt  }
0x5d: {  	_ =	shalt  }
0x5e: {  	_ =	shalt  }
0x5f: {  	_ =	shalt  }
0x60: {  	_ =	shalt  }
0x61: {  	_ =	shalt  }
0x62: {  	_ =	shalt  }
0x63: {  	_ =	shalt  }
0x64: {  	_ =	shalt  }
0x65: {  	_ =	shalt  }
0x66: {  	_ =	shalt  }
0x67: {  	_ =	shalt  }
0x68: {  	_ =	shalt  }
0x69: {  	_ =	shalt  }
0x6a: {  	_ =	shalt  }
0x6b: {  	_ =	shalt  }
0x6c: {  	_ =	shalt  }
0x6d: {  	_ =	shalt  }
0x6e: {  	_ =	shalt  }
0x6f: {  	_ =	shalt  }
0x70: {  	_ =	shalt  }
0x71: {  	_ =	shalt  }
0x72: {  	_ =	shalt  }
0x73: {  	_ =	shalt  }
0x74: {  	_ =	shalt  }
0x75: {  	_ =	shalt  }
0x76: {  	_ =	shalt  }
0x77: {  	_ =	shalt  }
0x78: {  	_ =	shalt  }
0x79: {  	_ =	shalt  }
0x7a: {  	_ =	shalt  }
0x7b: {  	_ =	shalt  }
0x7c: {  	_ =	shalt  }
0x7d: {  	_ =	shalt  }
0x7e: {  	_ =	shalt  }
0x7f: {  	_ =	shalt  }
0x80: {  	_ =	shalt  }
0x81: {  	_ =	shalt  }
0x82: {  	_ =	shalt  }
0x83: {  	_ =	shalt  }
0x84: {  	_ =	shalt  }
0x85: {  	_ =	shalt  }
0x86: {  	_ =	shalt  }
0x87: {  	_ =	shalt  }
.Lfunc_end0:
.L_simem_size_0:
called_computation_lowered:
.L_overlay_start_0:
0x88: {  	s2 =	sld [smem:$0x3FD9]  }
0x89: {  	s3 =	sld [smem:$0x3FFE];
	_ =	sdelay $0x1  }
0x8a: {  	s1 =	srdreg.scid  }
0x8b: {  	s0 =	sand.u32 $0x1, s1  }
0x8c: {  	s17 =	sshll.u32 s0, $0xA;
	s2 =	sadd.s32 s3, s2  }
0x8d: {  	s2 =	sadd.s32 s2, s17  }
0x8e: {  	[smem:$0x3FC6] =	sst s2  }
0x8f: {  	_ = 	snop  }
0x90: {  	s2 =	sld [smem:$0x3FC9]  }
0x91: {  	s18 =	sld [smem:$0x3FD0];
	(tm) =	ssettm $0x1  }
0x92: {  	s4 =	sld [smem:$0x3FFB];
	_ =	sdelay $0x3  }
0x93: {  	_ =	strace s4  }
0x94: {  	s4 =	sld [smem:$0x3FFC];
	_ =	sdelay $0x3  }
0x95: {  	_ =	strace s4  }
0x96: {  	s4 =	sld [smem:$0x3FFD];
	_ =	sdelay $0x3  }
0x97: {  	_ =	strace s4  }
0x98: {  	_ =	strace $0x8FFFFFFF  }
0x99: {  	s19 =	sld [smem:$0x3FDB];
	_ =	sdelay $0x1  }
0x9a: {  	s5 =	simm.s32 $_scs_section_size  }
0x9b: {  	s6 =	simm.s32 $_size__tile_overlayer_lowered;
	s7 =	simm.s32 $_tile_overlayer_lowered  }
0x9c: {  	s22 =	simm.s32 $0x1BFF;
	s21 =	sshll.u32 s7, $0x1;
	s4 =	sadd.s32 s5, s19  }
0x9d: {  	s8 =	simm.s32 $0x0;
	s20 =	sshll.u32 s6, $0x1;
	s6 =	sadd.s32 s21, s4  }
0x9e: {  	[timem:s8], [sflag:s22] =	dma.local [hbm:s6], s20  }
0x9f: {  	_ =	swait.ge [sflag:s22], s20  }
0xa0: {  	s5 =	ssub.s32 $0x0, s20;
	[sflag:s22] =	ssyncset.done $0x0  }
0xa1: {  	[sflag:s22] =	ssyncadd.s32 s5;
	_ =	sdelay $0x1  }
0xa2: {  	s23 =	simm.s32 $0x1B8B  }
0xa3: {  	_ =	swait.ge [sflag:s23], $0x1  }
0xa4: {  	[sflag:s23] =	ssyncset.done $0x0  }
0xa5: {  	s25 =	simm.s32 $0x1B8E;
	s24 =	sld [smem:$0x3FFE];
	[sflag:s23] =	ssyncadd.s32 $0xFFFFFFFF  }
0xa6: {  	s26 =	simm.s32 $execute0_lowered;
	[smem:$0x3FD2] =	sst s25  }
0xa7: {  	s6 =	sshll.u32 s26, $0x1;
	_ =	strace $0x80000046;
	[dreg:$0x1] =	wrdreg $0xFFFFFFFF  }
0xa8: {  	s28 =	simm.s32 $_size_execute0_lowered;
	s4 =	sadd.s32 s4, s6;
	[dreg:$0x0] =	wrdreg $0x0  }
0xa9: {  	s6 =	sshll.u32 s28, $0x1;
	[dreg:$0x2] =	wrdreg s4  }
0xaa: {  	[dreg:$0x3] =	wrdreg s6  }
0xab: {  	[dreg:$0x4] =	wrdreg $0xC0  }
0xac: {  	_ =	task [dreg:s8], $0x5FFFF  }
0xad: {  	[dreg:$0x1] =	wrdreg $0xFFFFFFFF  }
0xae: {  	[dreg:$0x0] =	wrdreg $0x60  }
0xaf: {  	[dreg:$0x2] =	wrdreg s2  }
0xb0: {  	[dreg:$0x3] =	wrdreg s24  }
0xb1: {  	[dreg:$0x4] =	wrdreg s18  }
0xb2: {  	[dreg:$0x5] =	wrdreg $0x9  }
0xb3: {  	_ =	task.clear_ibuf [dreg:s8], $0x6FFFF;
	_ =	strace $0x90000046  }
0xb4: {  	s29 =	simm.s32 $0x9;
	_ =	strace $0x80000048  }
0xb5: {  	_ =	swait.ge [sflag:s29], $0x1  }
0xb6: {  	[sflag:s29] =	ssyncadd.s32 $0xFFFFFFFF  }
0xb7: {  	_ =	strace $0x90000048  }
0xb8: {  	_ =	sfence  }
0xb9: {  	s30 =	sld [smem:$0x0];
	_ =	sdelay $0x2  }
0xba: {  	s31 =	sshll.u32 s1, $0xD;
	s1 =	sshrl.u32 s1, $0x2  }
0xbb: {  	s3 =	sand.u32 $0x4000, s31;
	s1 =	sadd.s32 s1, s30  }
0xbc: {  	s0 =	sor.u32 s3, s0;
	s1 =	sshll.u32 s1, $0x11  }
0xbd: {  	s0 =	sor.u32 s1, s0  }
0xbe: {  	s0 =	sadd.s32 $0x8F2B, s0  }
0xbf: {  	[sflag:s0] =	ssyncadd.remote.s32 $0x1  }
0xc0: {  	_ =	sfence.sel $0xFFFF  }
0xc1: {  	[dreg:$0x0] =	wrdreg $0xFFFFFFFF;
	(pc) =	sbr.abs _section_cstart, $3  }
0xc2: {  	[dreg:$0x1] =	wrdreg $0xFFFFFFFF  }
0xc3: {  	_ =	task.clear_ibuf [dreg:s8], $0x2FFFF;
	_ =	strace $0x9FFFFFFF  }
0xc4: {  	(tm) =	ssettm $0x7FFFFFFF  }
0xc5: {  	_ =	shalt  }
tec
execute0_lowered:
.L_overlay_start_1:
0x0: {  	(tag) =	ssettag $0x1  }
0x1: {  	s0 =	rddreg [dreg:$0x0]  }
0x2: {  	s1 =	rddreg [dreg:$0x1]  }
0x3: {  	s9 =	rddreg [dreg:$0x2];
	s3 =	simm.s32 $0x0;
	v0 =	vlaneseq.u32  }
0x4: {  	[smem:$0x7FF] =	sst s3;
	s10 =	sadd.s32 $0x1000, s9;
	v0 =	vmul.u32 $0x88, v0  }
0x5: {  	s11 =	sadd.s32 $0x2000, s9;
	_ =	strace $0x80000047;
	[dreg:$0x5] =	wrdreg s10  }
0x6: {  	s12 =	sadd.s32 $0x3000, s9;
	[dreg:$0x6] =	wrdreg s11;
	v2 =	vadd.s32 $0x880, v0  }
0x7: {  	s2 =	srdreg.scid;
	s13 =	sadd.s32 $0x4000, s9;
	[dreg:$0x7] =	wrdreg s12;
	v3 =	vor.u32 $0x1, v0;
	v5 =	vadd.s32 $0x881, v0;
	v6 =	vor.u32 $0x2, v0  }
0x8: {  	s4 =	stileid.u32;
	s14 =	sadd.s32 $0x5000, s9;
	[dreg:$0x8] =	wrdreg s13;
	v7 =	vadd.s32 $0x882, v0;
	v8 =	vor.u32 $0x3, v0;
	v1 =	vadd.s32 $0x1981, v0;
	[tilespmem:$0x1FED0] =	vst v0  }
0x9: {  	s2 =	sand.u32 $0x1, s2;
	s15 =	sadd.s32 $0x6000, s9;
	[dreg:$0x9] =	wrdreg s14;
	v9 =	vadd.s32 $0x883, v0;
	v10 =	vor.u32 $0x4, v0;
	v11 =	vadd.s32 $0x884, v0;
	[tilespmem:$0x1FEC0] =	vst v1  }
0xa: {  	s4 =	sshll.u32 s4, $0x1;
	s16 =	sadd.s32 $0x7000, s9;
	[dreg:$0xa] =	wrdreg s15;
	v12 =	vor.u32 $0x5, v0;
	v13 =	vadd.s32 $0x885, v0;
	v14 =	vor.u32 $0x6, v0;
	[tilespmem:$0x1FEE0] =	vst v2  }
0xb: {  	s17 =	sadd.s32 $0x8000, s9;
	s18 =	sadd.s32 $0x9000, s9;
	[dreg:$0xb] =	wrdreg s16;
	v15 =	vadd.s32 $0x886, v0;
	v16 =	vor.u32 $0x7, v0;
	v17 =	vadd.s32 $0x887, v0;
	[tilespmem:$0x1FEF0] =	vst v3  }
0xc: {  	s19 =	sadd.s32 $0xA000, s9;
	s20 =	sadd.s32 $0xB000, s9;
	[dreg:$0xc] =	wrdreg s17;
	v4 =	vadd.s32 $0x1100, v0;
	v18 =	vadd.s32 $0x1980, v0;
	v19 =	vadd.s32 $0x1101, v0;
	[tilespmem:$0x1FF00] =	vst v5  }
0xd: {  	s21 =	sadd.s32 $0xC000, s9;
	s22 =	sadd.s32 $0xD000, s9;
	[dreg:$0xd] =	wrdreg s18;
	v20 =	vadd.s32 $0x1102, v0;
	v21 =	vadd.s32 $0x1982, v0;
	v22 =	vadd.s32 $0x1103, v0;
	[tilespmem:$0x1FF10] =	vst v6  }
0xe: {  	s23 =	sadd.s32 $0xE000, s9;
	s24 =	sadd.s32 $0xF000, s9;
	[dreg:$0xe] =	wrdreg s19;
	v23 =	vadd.s32 $0x1983, v0;
	v24 =	vadd.s32 $0x1104, v0;
	v25 =	vadd.s32 $0x1984, v0;
	[tilespmem:$0x1FF20] =	vst v7  }
0xf: {  	s25 =	sadd.s32 $0x10000, s9;
	s28 =	sadd.s32 $0x14000, s9;
	[dreg:$0xf] =	wrdreg s20;
	v26 =	vadd.s32 $0x1105, v0;
	v27 =	vadd.s32 $0x1985, v0;
	v28 =	vadd.s32 $0x1106, v0;
	[tilespmem:$0x1FF30] =	vst v8  }
0x10: {  	s29 =	sadd.s32 $0x15000, s9;
	s30 =	sadd.s32 $0x16000, s9;
	[dreg:$0x10] =	wrdreg s21;
	v29 =	vadd.s32 $0x1986, v0;
	v30 =	vadd.s32 $0x1107, v0;
	v31 =	vadd.s32 $0x1987, v0;
	[tilespmem:$0x1FF40] =	vst v9  }
0x11: {  	s31 =	sadd.s32 $0x17000, s9;
	s5 =	ssub.s32 $0x2, s2;
	[dreg:$0x11] =	wrdreg s22;
	v32 =	vadd.s32 $0x2200, v0;
	v33 =	vadd.s32 $0x2A80, v0;
	v34 =	vadd.s32 $0x2201, v0;
	[tilespmem:$0x1FF50] =	vst v10  }
0x12: {  	s2 =	sor.u32 s2, s4;
	s4 =	sadd.s32 $0xF42800, s1;
	[dreg:$0x12] =	wrdreg s23;
	v35 =	vadd.s32 $0x2A81, v0;
	v36 =	vadd.s32 $0x2202, v0;
	v37 =	vadd.s32 $0x2A82, v0;
	[tilespmem:$0x1FF60] =	vst v11  }
0x13: {  	[dreg:$0x13] =	wrdreg s24;
	s23 =	sadd.s32 $0x11000, s9;
	s24 =	sadd.s32 $0x12000, s9;
	v38 =	vadd.s32 $0x2203, v0;
	v39 =	vadd.s32 $0x2A83, v0;
	v40 =	vadd.s32 $0x2204, v0;
	[tilespmem:$0x1FF70] =	vst v12  }
0x14: {  	[dreg:$0x14] =	wrdreg s25;
	s1 =	sadd.s32 $0x19000, s9;
	s25 =	sadd.s32 $0x1B000, s9;
	v41 =	vadd.s32 $0x2A84, v0;
	v42 =	vadd.s32 $0x2205, v0;
	v43 =	vadd.s32 $0x2A85, v0;
	[tilespmem:$0x1FF80] =	vst v13  }
0x15: {  	s10 =	simm.s32 $0x80;
	s11 =	simm.s32 $0x1;
	s12 =	simm.s32 $0xE400;
	v44 =	vadd.s32 $0x2206, v0;
	v45 =	vadd.s32 $0x2A86, v0;
	v46 =	vadd.s32 $0x2207, v0;
	[tilespmem:$0x1FF90] =	vst v14  }
0x16: {  	s13 =	simm.s32 $0x2;
	s6 =	sshrl.u32 s5, $0x1;
	s7 =	smul.u32 $0xC80, s2;
	v47 =	vadd.s32 $0x2A87, v0;
	v48 =	vadd.s32 $0x3300, v0;
	v49 =	vadd.s32 $0x3B80, v0;
	[tilespmem:$0x1FFA0] =	vst v15  }
0x17: {  	s14 =	simm.s32 $0x12800;
	s17 =	simm.s32 $0x0;
	v50 =	vadd.s32 $0x3301, v0;
	v51 =	vadd.s32 $0x3B81, v0;
	v52 =	vadd.s32 $0x3302, v0;
	s8 =	ssub.s32 s5, s6;
	[tilespmem:$0x1FFB0] =	vst v16  }
0x18: {  	v53 =	vadd.s32 $0x3B82, v0;
	v54 =	vadd.s32 $0x3303, v0;
	v55 =	vadd.s32 $0x3B83, v0;
	s5 =	smul.u32 $0xC8, s2;
	s6 =	sadd.s32 $0x1A000, s9;
	[tilespmem:$0x1FFC0] =	vst v17;
	s0 =	sadd.s32 s0, s7  }
0x19: {  	v56 =	vadd.s32 $0x3304, v0;
	v57 =	vadd.s32 $0x3B84, v0;
	v58 =	vadd.s32 $0x3305, v0;
	s2 =	sadd.s32 $0x1C000, s9;
	[tilespmem:$0x1FFD0] =	vst v4;
	s26 =	smax.u32 s8, $0x1;
	[dreg:$0x4] =	wrdreg s0  }
0x1a: {  	v59 =	vadd.s32 $0x3B85, v0;
	v60 =	vadd.s32 $0x3306, v0;
	v61 =	vadd.s32 $0x3B86, v0;
	[tilespmem:$0x1FFE0] =	vst v18;
	s7 =	sadd.s32 $0x1D000, s9;
	s8 =	sadd.s32 $0x1E000, s9;
	[dreg:$0x15] =	wrdreg s26  }
0x1b: {  	v62 =	vadd.s32 $0x3307, v0;
	v63 =	vadd.s32 $0x3B87, v0;
	[tilespmem:$0x1FFF0] =	vst v19;
	s26 =	sadd.s32 $0x13000, s9;
	s0 =	sadd.s32 $0x18000, s9;
	s9 =	sadd.s32 $0x1F000, s9  }
.LBB2_1:
0x1c: {  	[dreg:$0x16] =	wrdreg s17  }
0x1d: {  	s15 =	rddreg [dreg:$0x4];
	s17 =	simm.s32 $0x5  }
0x1e: {  	[tilespmem:s3], [sflag:$0x5] =	stream.linear.gather [hbm4b:s15+s3], $0x6400, $0x38;
	[tilespmem:$0x16C00] =	vst v63  }
0x1f: {  	_ =	swait.ge [sflag:s17], $0x6400  }
0x20: {  	[sflag:s17] =	ssyncset.done $0x0  }
0x21: {  	s18 =	simm.s32 $0x6400;
	[sflag:s17] =	ssyncadd.s32 $0xFFFF9C00  }
0x22: {  	[tilespmem:s18], [sflag:$0x1] =	stream.indirect.gather [hbm4b:s4+s10], $0x20, s3, s10, $0xb8;
	[tilespmem:$0x16C00] =	vst v63  }
0x23: {  	s19 =	simm.s32 $0x7400  }
0x24: {  	[tilespmem:s19], [sflag:$0x1] =	stream.indirect.gather [hbm4b:s4+s10], $0x20, s10, s10, $0xb8;
	[tilespmem:$0x16C00] =	vst v63  }
0x25: {  	s20 =	simm.s32 $0x100;
	s16 =	simm.s32 $0x8400  }
0x26: {  	[tilespmem:s16], [sflag:$0x1] =	stream.indirect.gather [hbm4b:s4+s10], $0x20, s20, s10, $0xb8;
	[tilespmem:$0x16C00] =	vst v63  }
0x27: {  	s21 =	simm.s32 $0x180;
	s22 =	simm.s32 $0x9400;
	s15 =	simm.s32 $0x0  }
0x28: {  	[tilespmem:s22], [sflag:$0x1] =	stream.indirect.gather [hbm4b:s4+s10], $0x20, s21, s10, $0xb8;
	[tilespmem:$0x16C00] =	vst v63  }
.LBB2_2:
0x29: {  	s18 =	sshll.u32 s15, $0x3  }
0x2a: {  	s16 =	sor.u32 $0x4, s18  }
0x2b: {  	s17 =	sshll.u32 s16, $0x7  }
0x2c: {  	s19 =	simm.s32 $0xA400;
	s21 =	sshll.u32 s15, $0xA;
	s17 =	sand.u32 $0x3FFFFE00, s17  }
0x2d: {  	[tilespmem:s19], [sflag:$0x2] =	stream.indirect.gather [hbm4b:s4+s10], $0x20, s17, s10, $0xb8;
	[tilespmem:$0x16C00] =	vst v63  }
0x2e: {  	s17 =	sand.u32 $0x3FFFFC00, s21  }
0x2f: {  	s20 =	simm.s32 $0xB400;
	s22 =	sor.u32 $0x280, s17  }
0x30: {  	[tilespmem:s20], [sflag:$0x2] =	stream.indirect.gather [hbm4b:s4+s10], $0x20, s22, s10, $0xb8;
	[tilespmem:$0x16C00] =	vst v63  }
0x31: {  	s21 =	sor.u32 $0x300, s17;
	s22 =	simm.s32 $0xC400  }
0x32: {  	[tilespmem:s22], [sflag:$0x2] =	stream.indirect.gather [hbm4b:s4+s10], $0x20, s21, s10, $0xb8;
	[tilespmem:$0x16C00] =	vst v63  }
0x33: {  	s21 =	sor.u32 $0x380, s17;
	s22 =	simm.s32 $0xD400  }
0x34: {  	[tilespmem:s22], [sflag:$0x2] =	stream.indirect.gather [hbm4b:s4+s10], $0x20, s21, s10, $0xb8;
	[tilespmem:$0x16C00] =	vst v63  }
0x35: {  	_ =	swait.ge [sflag:s11], $0x1000  }
0x36: {  	[sflag:s11] =	ssyncset.done $0x0  }
0x37: {  	[sflag:s11] =	ssyncadd.s32 $0xFFFFF000  }
0x38: {  	_ =	swait.ge [sflag:s11], $0x1000  }
0x39: {  	[sflag:s11] =	ssyncset.done $0x0  }
0x3a: {  	[sflag:s11] =	ssyncadd.s32 $0xFFFFF000  }
0x3b: {  	_ =	swait.ge [sflag:s11], $0x1000  }
0x3c: {  	[sflag:s11] =	ssyncset.done $0x0  }
0x3d: {  	[sflag:s11] =	ssyncadd.s32 $0xFFFFF000  }
0x3e: {  	_ =	swait.ge [sflag:s11], $0x1000  }
0x3f: {  	p0 =	seq.s32 s15, $0x0;
	[sflag:s11] =	ssyncset.done $0x0  }
0x40: {  	s19 =	simm.s32 @!p0 $0x3;
	[sflag:s11] =	ssyncadd.s32 $0xFFFFF000  }
0x41: {  	_ =	swait.ge @!p0 [sflag:s19], $0x400  }
0x42: {  	[sflag:s19] =	ssyncset.done @!p0 $0x0  }
0x43: {  	[sflag:s19] =	ssyncadd.s32 @!p0 $0xFFFFFC00  }
0x44: {  	_ =	swait.ge @!p0 [sflag:s19], $0x400  }
0x45: {  	[sflag:s19] =	ssyncset.done @!p0 $0x0  }
0x46: {  	[sflag:s19] =	ssyncadd.s32 @!p0 $0xFFFFFC00  }
0x47: {  	_ =	swait.ge @!p0 [sflag:s19], $0x400  }
0x48: {  	[sflag:s19] =	ssyncset.done @!p0 $0x0  }
0x49: {  	[sflag:s19] =	ssyncadd.s32 @!p0 $0xFFFFFC00  }
0x4a: {  	_ =	swait.ge @!p0 [sflag:s19], $0x400  }
0x4b: {  	[sflag:s19] =	ssyncset.done @!p0 $0x0  }
0x4c: {  	[sflag:s19] =	ssyncadd.s32 @!p0 $0xFFFFFC00  }
0x4d: {  	_ =	swait.ge @!p0 [sflag:s19], $0x400  }
0x4e: {  	[sflag:s19] =	ssyncset.done @!p0 $0x0  }
0x4f: {  	[sflag:s19] =	ssyncadd.s32 @!p0 $0xFFFFFC00  }
0x50: {  	_ =	swait.ge @!p0 [sflag:s19], $0x400  }
0x51: {  	[sflag:s19] =	ssyncset.done @!p0 $0x0  }
0x52: {  	[sflag:s19] =	ssyncadd.s32 @!p0 $0xFFFFFC00  }
0x53: {  	_ =	swait.ge @!p0 [sflag:s19], $0x400  }
0x54: {  	[sflag:s19] =	ssyncset.done @!p0 $0x0  }
0x55: {  	[sflag:s19] =	ssyncadd.s32 @!p0 $0xFFFFFC00  }
0x56: {  	_ =	swait.ge @!p0 [sflag:s19], $0x400  }
0x57: {  	[sflag:s19] =	ssyncset.done @!p0 $0x0  }
0x58: {  	[sflag:s19] =	ssyncadd.s32 @!p0 $0xFFFFFC00  }
0x59: {  	_ =	swait.ge @!p0 [sflag:s19], $0x400  }
0x5a: {  	[sflag:s19] =	ssyncset.done @!p0 $0x0  }
0x5b: {  	[sflag:s19] =	ssyncadd.s32 @!p0 $0xFFFFFC00  }
0x5c: {  	_ =	swait.ge @!p0 [sflag:s19], $0x400  }
0x5d: {  	[sflag:s19] =	ssyncset.done @!p0 $0x0  }
0x5e: {  	[sflag:s19] =	ssyncadd.s32 @!p0 $0xFFFFFC00  }
0x5f: {  	_ =	swait.ge @!p0 [sflag:s19], $0x400  }
0x60: {  	[sflag:s19] =	ssyncset.done @!p0 $0x0  }
0x61: {  	[sflag:s19] =	ssyncadd.s32 @!p0 $0xFFFFFC00  }
0x62: {  	_ =	swait.ge @!p0 [sflag:s19], $0x400  }
0x63: {  	[sflag:s19] =	ssyncset.done @!p0 $0x0  }
0x64: {  	[sflag:s19] =	ssyncadd.s32 @!p0 $0xFFFFFC00  }
0x65: {  	_ =	swait.ge @!p0 [sflag:s19], $0x400  }
0x66: {  	[sflag:s19] =	ssyncset.done @!p0 $0x0  }
0x67: {  	[sflag:s19] =	ssyncadd.s32 @!p0 $0xFFFFFC00  }
0x68: {  	_ =	swait.ge @!p0 [sflag:s19], $0x400  }
0x69: {  	[sflag:s19] =	ssyncset.done @!p0 $0x0  }
0x6a: {  	[sflag:s19] =	ssyncadd.s32 @!p0 $0xFFFFFC00  }
0x6b: {  	_ =	swait.ge @!p0 [sflag:s19], $0x400  }
0x6c: {  	[sflag:s19] =	ssyncset.done @!p0 $0x0  }
0x6d: {  	[sflag:s19] =	ssyncadd.s32 @!p0 $0xFFFFFC00  }
0x6e: {  	_ =	swait.ge @!p0 [sflag:s19], $0x400  }
0x6f: {  	[sflag:s19] =	ssyncset.done @!p0 $0x0  }
0x70: {  	s20 =	simm.s32 $0x6480;
	[sflag:s19] =	ssyncadd.s32 @!p0 $0xFFFFFC00;
	s19 =	simm.s32 $0x0  }
0x71: {  	v18 =	vld [tilespmem:s20+$0xFFFFFF80];
	v1 =	vadd.s32 s19, v0  }
0x72: {  	v4 =	vmov v0;
	v19 =	vld [tilespmem:s20+$0xFFFFFF90];
	v0 =	vadd.s32 s19, v2;
	_ =	sdelay $0x3  }
0x73: {  	[tilespmem:v1+s12+$0x0] =	vst.idx.msk $0xffff, v18  }
0x74: {  	[tilespmem:v0+s12+$0x0] =	vst.idx.msk $0xffff, v19  }
0x75: {  	v1 =	vadd.s32 s19, v3;
	v18 =	vld [tilespmem:s20+$0xFFFFFFA0]  }
0x76: {  	v0 =	vadd.s32 s19, v5;
	v19 =	vld [tilespmem:s20+$0xFFFFFFB0];
	_ =	sdelay $0x3  }
0x77: {  	[tilespmem:v1+s12+$0x0] =	vst.idx.msk $0xffff, v18  }
0x78: {  	[tilespmem:v0+s12+$0x0] =	vst.idx.msk $0xffff, v19  }
0x79: {  	v1 =	vadd.s32 s19, v6;
	v18 =	vld [tilespmem:s20+$0xFFFFFFC0]  }
0x7a: {  	v0 =	vadd.s32 s19, v7;
	v19 =	vld [tilespmem:s20+$0xFFFFFFD0];
	_ =	sdelay $0x3  }
0x7b: {  	[tilespmem:v1+s12+$0x0] =	vst.idx.msk $0xffff, v18  }
0x7c: {  	[tilespmem:v0+s12+$0x0] =	vst.idx.msk $0xffff, v19  }
0x7d: {  	v1 =	vadd.s32 s19, v8;
	v18 =	vld [tilespmem:s20+$0xFFFFFFE0]  }
0x7e: {  	v0 =	vadd.s32 s19, v9;
	v19 =	vld [tilespmem:s20+$0xFFFFFFF0];
	_ =	sdelay $0x3  }
0x7f: {  	[tilespmem:v1+s12+$0x0] =	vst.idx.msk $0xffff, v18  }
0x80: {  	[tilespmem:v0+s12+$0x0] =	vst.idx.msk $0xffff, v19  }
0x81: {  	v1 =	vadd.s32 s19, v10;
	v18 =	vld [tilespmem:s20+$0x0]  }
0x82: {  	v0 =	vadd.s32 s19, v11;
	v19 =	vld [tilespmem:s20+$0x10];
	_ =	sdelay $0x3  }
0x83: {  	[tilespmem:v1+s12+$0x0] =	vst.idx.msk $0xffff, v18  }
0x84: {  	[tilespmem:v0+s12+$0x0] =	vst.idx.msk $0xffff, v19  }
0x85: {  	v1 =	vadd.s32 s19, v12;
	v18 =	vld [tilespmem:s20+$0x20]  }
0x86: {  	v0 =	vadd.s32 s19, v13;
	v19 =	vld [tilespmem:s20+$0x30];
	_ =	sdelay $0x3  }
0x87: {  	[tilespmem:v1+s12+$0x0] =	vst.idx.msk $0xffff, v18  }
0x88: {  	[tilespmem:v0+s12+$0x0] =	vst.idx.msk $0xffff, v19  }
0x89: {  	v1 =	vadd.s32 s19, v14;
	v18 =	vld [tilespmem:s20+$0x40]  }
0x8a: {  	v0 =	vadd.s32 s19, v15;
	v19 =	vld [tilespmem:s20+$0x50];
	_ =	sdelay $0x3  }
0x8b: {  	[tilespmem:v1+s12+$0x0] =	vst.idx.msk $0xffff, v18  }
0x8c: {  	[tilespmem:v0+s12+$0x0] =	vst.idx.msk $0xffff, v19  }
0x8d: {  	v19 =	vadd.s32 s19, v16;
	v18 =	vld [tilespmem:s20+$0x60];
	_ =	sdelay $0x3  }
0x8e: {  	v1 =	vadd.s32 s19, v17;
	v0 =	vld [tilespmem:s20+$0x70]  }
0x8f: {  	[tilespmem:v19+s12+$0x0] =	vst.idx.msk $0xffff, v18;
	v19 =	vmovc v17;
	v17 =	vmovc v15;
	v15 =	vmov v13;
	v13 =	vmov v11;
	v11 =	vmov v9  }
0x90: {  	v9 =	vmovc v7;
	v7 =	vmovc v5;
	v5 =	vmov v2;
	v18 =	vmov v16;
	v16 =	vmov v14  }
0x91: {  	s21 =	simm.s32 $0x8;
	v14 =	vmovc v12;
	v12 =	vmovc v10;
	v10 =	vmov v8;
	v8 =	vmov v6;
	v6 =	vmov v3  }
.LBB2_3:
0x92: {  	p1 =	sne.s32 s21, $0x78  }
0x93: {  	[tilespmem:v1+s12+$0x0] =	vst.idx.msk $0xffff, v0;
	s20 =	sadd.s32 $0x100, s20;
	s22 =	smov.u32 s21;
	s21 =	sadd.s32 $0x8, s21  }
0x94: {  	v0 =	vld [tilespmem:s20+$0xFFFFFF80];
	v1 =	vadd.s32 s22, v4  }
0x95: {  	v3 =	vadd.s32 s22, v5;
	v2 =	vld [tilespmem:s20+$0xFFFFFF90];
	_ =	sdelay $0x3  }
0x96: {  	[tilespmem:v1+s12+$0x0] =	vst.idx.msk $0xffff, v0  }
0x97: {  	[tilespmem:v3+s12+$0x0] =	vst.idx.msk $0xffff, v2  }
0x98: {  	v1 =	vadd.s32 s22, v6;
	v0 =	vld [tilespmem:s20+$0xFFFFFFA0]  }
0x99: {  	v3 =	vadd.s32 s22, v7;
	v2 =	vld [tilespmem:s20+$0xFFFFFFB0];
	_ =	sdelay $0x3  }
0x9a: {  	[tilespmem:v1+s12+$0x0] =	vst.idx.msk $0xffff, v0  }
0x9b: {  	[tilespmem:v3+s12+$0x0] =	vst.idx.msk $0xffff, v2  }
0x9c: {  	v1 =	vadd.s32 s22, v8;
	v0 =	vld [tilespmem:s20+$0xFFFFFFC0]  }
0x9d: {  	v3 =	vadd.s32 s22, v9;
	v2 =	vld [tilespmem:s20+$0xFFFFFFD0];
	_ =	sdelay $0x3  }
0x9e: {  	[tilespmem:v1+s12+$0x0] =	vst.idx.msk $0xffff, v0  }
0x9f: {  	[tilespmem:v3+s12+$0x0] =	vst.idx.msk $0xffff, v2  }
0xa0: {  	v1 =	vadd.s32 s22, v10;
	v0 =	vld [tilespmem:s20+$0xFFFFFFE0]  }
0xa1: {  	v3 =	vadd.s32 s22, v11;
	v2 =	vld [tilespmem:s20+$0xFFFFFFF0];
	_ =	sdelay $0x3  }
0xa2: {  	[tilespmem:v1+s12+$0x0] =	vst.idx.msk $0xffff, v0  }
0xa3: {  	[tilespmem:v3+s12+$0x0] =	vst.idx.msk $0xffff, v2  }
0xa4: {  	v1 =	vadd.s32 s22, v12;
	v0 =	vld [tilespmem:s20+$0x0]  }
0xa5: {  	v3 =	vadd.s32 s22, v13;
	v2 =	vld [tilespmem:s20+$0x10];
	_ =	sdelay $0x3  }
0xa6: {  	[tilespmem:v1+s12+$0x0] =	vst.idx.msk $0xffff, v0  }
0xa7: {  	[tilespmem:v3+s12+$0x0] =	vst.idx.msk $0xffff, v2  }
0xa8: {  	v1 =	vadd.s32 s22, v14;
	v0 =	vld [tilespmem:s20+$0x20]  }
0xa9: {  	v3 =	vadd.s32 s22, v15;
	v2 =	vld [tilespmem:s20+$0x30];
	_ =	sdelay $0x3  }
0xaa: {  	[tilespmem:v1+s12+$0x0] =	vst.idx.msk $0xffff, v0  }
0xab: {  	[tilespmem:v3+s12+$0x0] =	vst.idx.msk $0xffff, v2  }
0xac: {  	v1 =	vadd.s32 s22, v16;
	v0 =	vld [tilespmem:s20+$0x40]  }
0xad: {  	v3 =	vadd.s32 s22, v17;
	v2 =	vld [tilespmem:s20+$0x50];
	_ =	sdelay $0x3  }
0xae: {  	[tilespmem:v1+s12+$0x0] =	vst.idx.msk $0xffff, v0  }
0xaf: {  	[tilespmem:v3+s12+$0x0] =	vst.idx.msk $0xffff, v2  }
0xb0: {  	v3 =	vadd.s32 s22, v18;
	v2 =	vld [tilespmem:s20+$0x60]  }
.Ltmp0:
0xb1: {  	v1 =	vadd.s32 s22, v19;
	v0 =	vld [tilespmem:s20+$0x70];
	(pc) =	sbr.rel @p1 .LBB2_3-.Ltmp0, $2  }
0xb2: {  	_ =	sdelay $0x2  }
0xb3: {  	[tilespmem:v3+s12+$0x0] =	vst.idx.msk $0xffff, v2  }
0xb4: {  	v4 =	vld [tilespmem:$0x1FFD0]  }
0xb5: {  	v5 =	vld [tilespmem:$0x1FFE0];
	_ =	sdelay $0x2  }
0xb6: {  	[tilespmem:v1+s12+$0x0] =	vst.idx.msk $0xffff, v0;
	s20 =	simm.s32 $0x74F0  }
0xb7: {  	v0 =	vld [tilespmem:s20+$0xFFFFFF10];
	v1 =	vadd.s32 s19, v4  }
0xb8: {  	v2 =	vld [tilespmem:s20+$0xFFFFFF20];
	v3 =	vadd.s32 s19, v5  }
0xb9: {  	v6 =	vld [tilespmem:$0x1FFF0]  }
0xba: {  	v7 =	vld [tilespmem:$0x1FEC0];
	_ =	sdelay $0x1  }
0xbb: {  	[tilespmem:v1+s12+$0x0] =	vst.idx.msk $0xffff, v0  }
0xbc: {  	[tilespmem:v3+s12+$0x0] =	vst.idx.msk $0xffff, v2  }
0xbd: {  	v1 =	vadd.s32 s19, v6;
	v0 =	vld [tilespmem:s20+$0xFFFFFF30]  }
0xbe: {  	v3 =	vadd.s32 s19, v7;
	v2 =	vld [tilespmem:s20+$0xFFFFFF40];
	_ =	sdelay $0x3  }
0xbf: {  	[tilespmem:v1+s12+$0x0] =	vst.idx.msk $0xffff, v0  }
0xc0: {  	[tilespmem:v3+s12+$0x0] =	vst.idx.msk $0xffff, v2  }
0xc1: {  	v1 =	vadd.s32 s19, v20;
	v0 =	vld [tilespmem:s20+$0xFFFFFF50]  }
0xc2: {  	v3 =	vadd.s32 s19, v21;
	v2 =	vld [tilespmem:s20+$0xFFFFFF60];
	_ =	sdelay $0x3  }
0xc3: {  	[tilespmem:v1+s12+$0x0] =	vst.idx.msk $0xffff, v0  }
0xc4: {  	[tilespmem:v3+s12+$0x0] =	vst.idx.msk $0xffff, v2  }
0xc5: {  	v1 =	vadd.s32 s19, v22;
	v0 =	vld [tilespmem:s20+$0xFFFFFF70]  }
0xc6: {  	v3 =	vadd.s32 s19, v23;
	v2 =	vld [tilespmem:s20+$0xFFFFFF80];
	_ =	sdelay $0x3  }
0xc7: {  	[tilespmem:v1+s12+$0x0] =	vst.idx.msk $0xffff, v0  }
0xc8: {  	[tilespmem:v3+s12+$0x0] =	vst.idx.msk $0xffff, v2  }
0xc9: {  	v1 =	vadd.s32 s19, v24;
	v0 =	vld [tilespmem:s20+$0xFFFFFF90]  }
0xca: {  	v3 =	vadd.s32 s19, v25;
	v2 =	vld [tilespmem:s20+$0xFFFFFFA0];
	_ =	sdelay $0x3  }
0xcb: {  	[tilespmem:v1+s12+$0x0] =	vst.idx.msk $0xffff, v0  }
0xcc: {  	[tilespmem:v3+s12+$0x0] =	vst.idx.msk $0xffff, v2  }
0xcd: {  	v1 =	vadd.s32 s19, v26;
	v0 =	vld [tilespmem:s20+$0xFFFFFFB0]  }
0xce: {  	v3 =	vadd.s32 s19, v27;
	v2 =	vld [tilespmem:s20+$0xFFFFFFC0];
	_ =	sdelay $0x3  }
0xcf: {  	[tilespmem:v1+s12+$0x0] =	vst.idx.msk $0xffff, v0  }
0xd0: {  	[tilespmem:v3+s12+$0x0] =	vst.idx.msk $0xffff, v2  }
0xd1: {  	v1 =	vadd.s32 s19, v28;
	v0 =	vld [tilespmem:s20+$0xFFFFFFD0]  }
0xd2: {  	v3 =	vadd.s32 s19, v29;
	v2 =	vld [tilespmem:s20+$0xFFFFFFE0];
	_ =	sdelay $0x3  }
0xd3: {  	[tilespmem:v1+s12+$0x0] =	vst.idx.msk $0xffff, v0  }
0xd4: {  	[tilespmem:v3+s12+$0x0] =	vst.idx.msk $0xffff, v2  }
0xd5: {  	v3 =	vadd.s32 s19, v30;
	v2 =	vld [tilespmem:s20+$0xFFFFFFF0];
	_ =	sdelay $0x1  }
0xd6: {  	v1 =	vadd.s32 s19, v31;
	v0 =	vld [tilespmem:s20+$0x0];
	_ =	sdelay $0x2  }
0xd7: {  	s21 =	simm.s32 $0x8;
	[tilespmem:v3+s12+$0x0] =	vst.idx.msk $0xffff, v2  }
.LBB2_5:
0xd8: {  	p1 =	sne.s32 s21, $0x78  }
0xd9: {  	[tilespmem:v1+s12+$0x0] =	vst.idx.msk $0xffff, v0;
	s20 =	sadd.s32 $0x100, s20;
	s19 =	smov.u32 s21;
	s21 =	sadd.s32 $0x8, s21  }
0xda: {  	v0 =	vld [tilespmem:s20+$0xFFFFFF10];
	v1 =	vadd.s32 s19, v4  }
0xdb: {  	v3 =	vadd.s32 s19, v5;
	v2 =	vld [tilespmem:s20+$0xFFFFFF20];
	_ =	sdelay $0x3  }
0xdc: {  	[tilespmem:v1+s12+$0x0] =	vst.idx.msk $0xffff, v0  }
0xdd: {  	[tilespmem:v3+s12+$0x0] =	vst.idx.msk $0xffff, v2  }
0xde: {  	v1 =	vadd.s32 s19, v6;
	v0 =	vld [tilespmem:s20+$0xFFFFFF30]  }
0xdf: {  	v3 =	vadd.s32 s19, v7;
	v2 =	vld [tilespmem:s20+$0xFFFFFF40];
	_ =	sdelay $0x3  }
0xe0: {  	[tilespmem:v1+s12+$0x0] =	vst.idx.msk $0xffff, v0  }
0xe1: {  	[tilespmem:v3+s12+$0x0] =	vst.idx.msk $0xffff, v2  }
0xe2: {  	v1 =	vadd.s32 s19, v20;
	v0 =	vld [tilespmem:s20+$0xFFFFFF50]  }
0xe3: {  	v3 =	vadd.s32 s19, v21;
	v2 =	vld [tilespmem:s20+$0xFFFFFF60];
	_ =	sdelay $0x3  }
0xe4: {  	[tilespmem:v1+s12+$0x0] =	vst.idx.msk $0xffff, v0  }
0xe5: {  	[tilespmem:v3+s12+$0x0] =	vst.idx.msk $0xffff, v2  }
0xe6: {  	v1 =	vadd.s32 s19, v22;
	v0 =	vld [tilespmem:s20+$0xFFFFFF70]  }
0xe7: {  	v3 =	vadd.s32 s19, v23;
	v2 =	vld [tilespmem:s20+$0xFFFFFF80];
	_ =	sdelay $0x3  }
0xe8: {  	[tilespmem:v1+s12+$0x0] =	vst.idx.msk $0xffff, v0  }
0xe9: {  	[tilespmem:v3+s12+$0x0] =	vst.idx.msk $0xffff, v2  }
0xea: {  	v1 =	vadd.s32 s19, v24;
	v0 =	vld [tilespmem:s20+$0xFFFFFF90]  }
0xeb: {  	v3 =	vadd.s32 s19, v25;
	v2 =	vld [tilespmem:s20+$0xFFFFFFA0];
	_ =	sdelay $0x3  }
0xec: {  	[tilespmem:v1+s12+$0x0] =	vst.idx.msk $0xffff, v0  }
0xed: {  	[tilespmem:v3+s12+$0x0] =	vst.idx.msk $0xffff, v2  }
0xee: {  	v1 =	vadd.s32 s19, v26;
	v0 =	vld [tilespmem:s20+$0xFFFFFFB0]  }
0xef: {  	v3 =	vadd.s32 s19, v27;
	v2 =	vld [tilespmem:s20+$0xFFFFFFC0];
	_ =	sdelay $0x3  }
0xf0: {  	[tilespmem:v1+s12+$0x0] =	vst.idx.msk $0xffff, v0  }
0xf1: {  	[tilespmem:v3+s12+$0x0] =	vst.idx.msk $0xffff, v2  }
0xf2: {  	v1 =	vadd.s32 s19, v28;
	v0 =	vld [tilespmem:s20+$0xFFFFFFD0]  }
0xf3: {  	v3 =	vadd.s32 s19, v29;
	v2 =	vld [tilespmem:s20+$0xFFFFFFE0];
	_ =	sdelay $0x3  }
0xf4: {  	[tilespmem:v1+s12+$0x0] =	vst.idx.msk $0xffff, v0  }
0xf5: {  	[tilespmem:v3+s12+$0x0] =	vst.idx.msk $0xffff, v2  }
0xf6: {  	v3 =	vadd.s32 s19, v30;
	v2 =	vld [tilespmem:s20+$0xFFFFFFF0]  }
.Ltmp1:
0xf7: {  	v1 =	vadd.s32 s19, v31;
	v0 =	vld [tilespmem:s20+$0x0];
	(pc) =	sbr.rel @p1 .LBB2_5-.Ltmp1, $2  }
0xf8: {  	_ =	sdelay $0x2  }
0xf9: {  	[tilespmem:v3+s12+$0x0] =	vst.idx.msk $0xffff, v2  }
0xfa: {  	_ =	sdelay $0x3  }
0xfb: {  	[tilespmem:v1+s12+$0x0] =	vst.idx.msk $0xffff, v0;
	s19 =	simm.s32 $0x0;
	s20 =	simm.s32 $0x84F0  }
0xfc: {  	v0 =	vld [tilespmem:s20+$0xFFFFFF10];
	v1 =	vadd.s32 s19, v32  }
0xfd: {  	v2 =	vld [tilespmem:s20+$0xFFFFFF20];
	v3 =	vadd.s32 s19, v33;
	_ =	sdelay $0x3  }
0xfe: {  	[tilespmem:v1+s12+$0x0] =	vst.idx.msk $0xffff, v0  }
0xff: {  	[tilespmem:v3+s12+$0x0] =	vst.idx.msk $0xffff, v2  }
0x100: {  	v1 =	vadd.s32 s19, v34;
	v0 =	vld [tilespmem:s20+$0xFFFFFF30]  }
0x101: {  	v3 =	vadd.s32 s19, v35;
	v2 =	vld [tilespmem:s20+$0xFFFFFF40];
	_ =	sdelay $0x3  }
0x102: {  	[tilespmem:v1+s12+$0x0] =	vst.idx.msk $0xffff, v0  }
0x103: {  	[tilespmem:v3+s12+$0x0] =	vst.idx.msk $0xffff, v2  }
0x104: {  	v1 =	vadd.s32 s19, v36;
	v0 =	vld [tilespmem:s20+$0xFFFFFF50]  }
0x105: {  	v3 =	vadd.s32 s19, v37;
	v2 =	vld [tilespmem:s20+$0xFFFFFF60];
	_ =	sdelay $0x3  }
0x106: {  	[tilespmem:v1+s12+$0x0] =	vst.idx.msk $0xffff, v0  }
0x107: {  	[tilespmem:v3+s12+$0x0] =	vst.idx.msk $0xffff, v2  }
0x108: {  	v1 =	vadd.s32 s19, v38;
	v0 =	vld [tilespmem:s20+$0xFFFFFF70]  }
0x109: {  	v3 =	vadd.s32 s19, v39;
	v2 =	vld [tilespmem:s20+$0xFFFFFF80];
	_ =	sdelay $0x3  }
0x10a: {  	[tilespmem:v1+s12+$0x0] =	vst.idx.msk $0xffff, v0  }
0x10b: {  	[tilespmem:v3+s12+$0x0] =	vst.idx.msk $0xffff, v2  }
0x10c: {  	v1 =	vadd.s32 s19, v40;
	v0 =	vld [tilespmem:s20+$0xFFFFFF90]  }
0x10d: {  	v3 =	vadd.s32 s19, v41;
	v2 =	vld [tilespmem:s20+$0xFFFFFFA0];
	_ =	sdelay $0x3  }
0x10e: {  	[tilespmem:v1+s12+$0x0] =	vst.idx.msk $0xffff, v0  }
0x10f: {  	[tilespmem:v3+s12+$0x0] =	vst.idx.msk $0xffff, v2  }
0x110: {  	v1 =	vadd.s32 s19, v42;
	v0 =	vld [tilespmem:s20+$0xFFFFFFB0]  }
0x111: {  	v3 =	vadd.s32 s19, v43;
	v2 =	vld [tilespmem:s20+$0xFFFFFFC0];
	_ =	sdelay $0x3  }
0x112: {  	[tilespmem:v1+s12+$0x0] =	vst.idx.msk $0xffff, v0  }
0x113: {  	[tilespmem:v3+s12+$0x0] =	vst.idx.msk $0xffff, v2  }
0x114: {  	v1 =	vadd.s32 s19, v44;
	v0 =	vld [tilespmem:s20+$0xFFFFFFD0]  }
0x115: {  	v3 =	vadd.s32 s19, v45;
	v2 =	vld [tilespmem:s20+$0xFFFFFFE0];
	_ =	sdelay $0x3  }
0x116: {  	[tilespmem:v1+s12+$0x0] =	vst.idx.msk $0xffff, v0  }
0x117: {  	[tilespmem:v3+s12+$0x0] =	vst.idx.msk $0xffff, v2  }
0x118: {  	v3 =	vadd.s32 s19, v46;
	v2 =	vld [tilespmem:s20+$0xFFFFFFF0];
	_ =	sdelay $0x1  }
0x119: {  	v1 =	vadd.s32 s19, v47;
	v0 =	vld [tilespmem:s20+$0x0];
	_ =	sdelay $0x2  }
0x11a: {  	s21 =	simm.s32 $0x8;
	[tilespmem:v3+s12+$0x0] =	vst.idx.msk $0xffff, v2  }
.LBB2_7:
0x11b: {  	p1 =	sne.s32 s21, $0x78  }
0x11c: {  	[tilespmem:v1+s12+$0x0] =	vst.idx.msk $0xffff, v0;
	s20 =	sadd.s32 $0x100, s20;
	s22 =	smov.u32 s21;
	s21 =	sadd.s32 $0x8, s21  }
0x11d: {  	v0 =	vld [tilespmem:s20+$0xFFFFFF10];
	v1 =	vadd.s32 s22, v32  }
0x11e: {  	v3 =	vadd.s32 s22, v33;
	v2 =	vld [tilespmem:s20+$0xFFFFFF20];
	_ =	sdelay $0x3  }
0x11f: {  	[tilespmem:v1+s12+$0x0] =	vst.idx.msk $0xffff, v0  }
0x120: {  	[tilespmem:v3+s12+$0x0] =	vst.idx.msk $0xffff, v2  }
0x121: {  	v1 =	vadd.s32 s22, v34;
	v0 =	vld [tilespmem:s20+$0xFFFFFF30]  }
0x122: {  	v3 =	vadd.s32 s22, v35;
	v2 =	vld [tilespmem:s20+$0xFFFFFF40];
	_ =	sdelay $0x3  }
0x123: {  	[tilespmem:v1+s12+$0x0] =	vst.idx.msk $0xffff, v0  }
0x124: {  	[tilespmem:v3+s12+$0x0] =	vst.idx.msk $0xffff, v2  }
0x125: {  	v1 =	vadd.s32 s22, v36;
	v0 =	vld [tilespmem:s20+$0xFFFFFF50]  }
0x126: {  	v3 =	vadd.s32 s22, v37;
	v2 =	vld [tilespmem:s20+$0xFFFFFF60];
	_ =	sdelay $0x3  }
0x127: {  	[tilespmem:v1+s12+$0x0] =	vst.idx.msk $0xffff, v0  }
0x128: {  	[tilespmem:v3+s12+$0x0] =	vst.idx.msk $0xffff, v2  }
0x129: {  	v1 =	vadd.s32 s22, v38;
	v0 =	vld [tilespmem:s20+$0xFFFFFF70]  }
0x12a: {  	v3 =	vadd.s32 s22, v39;
	v2 =	vld [tilespmem:s20+$0xFFFFFF80];
	_ =	sdelay $0x3  }
0x12b: {  	[tilespmem:v1+s12+$0x0] =	vst.idx.msk $0xffff, v0  }
0x12c: {  	[tilespmem:v3+s12+$0x0] =	vst.idx.msk $0xffff, v2  }
0x12d: {  	v1 =	vadd.s32 s22, v40;
	v0 =	vld [tilespmem:s20+$0xFFFFFF90]  }
0x12e: {  	v3 =	vadd.s32 s22, v41;
	v2 =	vld [tilespmem:s20+$0xFFFFFFA0];
	_ =	sdelay $0x3  }
0x12f: {  	[tilespmem:v1+s12+$0x0] =	vst.idx.msk $0xffff, v0  }
0x130: {  	[tilespmem:v3+s12+$0x0] =	vst.idx.msk $0xffff, v2  }
0x131: {  	v1 =	vadd.s32 s22, v42;
	v0 =	vld [tilespmem:s20+$0xFFFFFFB0]  }
0x132: {  	v3 =	vadd.s32 s22, v43;
	v2 =	vld [tilespmem:s20+$0xFFFFFFC0];
	_ =	sdelay $0x3  }
0x133: {  	[tilespmem:v1+s12+$0x0] =	vst.idx.msk $0xffff, v0  }
0x134: {  	[tilespmem:v3+s12+$0x0] =	vst.idx.msk $0xffff, v2  }
0x135: {  	v1 =	vadd.s32 s22, v44;
	v0 =	vld [tilespmem:s20+$0xFFFFFFD0]  }
0x136: {  	v3 =	vadd.s32 s22, v45;
	v2 =	vld [tilespmem:s20+$0xFFFFFFE0];
	_ =	sdelay $0x3  }
0x137: {  	[tilespmem:v1+s12+$0x0] =	vst.idx.msk $0xffff, v0  }
0x138: {  	[tilespmem:v3+s12+$0x0] =	vst.idx.msk $0xffff, v2  }
0x139: {  	v3 =	vadd.s32 s22, v46;
	v2 =	vld [tilespmem:s20+$0xFFFFFFF0]  }
.Ltmp2:
0x13a: {  	v1 =	vadd.s32 s22, v47;
	v0 =	vld [tilespmem:s20+$0x0];
	(pc) =	sbr.rel @p1 .LBB2_7-.Ltmp2, $2  }
0x13b: {  	_ =	sdelay $0x2  }
0x13c: {  	[tilespmem:v3+s12+$0x0] =	vst.idx.msk $0xffff, v2  }
0x13d: {  	_ =	sdelay $0x3  }
0x13e: {  	[tilespmem:v1+s12+$0x0] =	vst.idx.msk $0xffff, v0;
	s20 =	simm.s32 $0x94F0  }
0x13f: {  	v1 =	vadd.s32 s19, v48;
	v0 =	vld [tilespmem:s20+$0xFFFFFF10]  }
0x140: {  	v3 =	vadd.s32 s19, v49;
	v2 =	vld [tilespmem:s20+$0xFFFFFF20];
	_ =	sdelay $0x3  }
0x141: {  	[tilespmem:v1+s12+$0x0] =	vst.idx.msk $0xffff, v0  }
0x142: {  	[tilespmem:v3+s12+$0x0] =	vst.idx.msk $0xffff, v2  }
0x143: {  	v1 =	vadd.s32 s19, v50;
	v0 =	vld [tilespmem:s20+$0xFFFFFF30]  }
0x144: {  	v3 =	vadd.s32 s19, v51;
	v2 =	vld [tilespmem:s20+$0xFFFFFF40];
	_ =	sdelay $0x3  }
0x145: {  	[tilespmem:v1+s12+$0x0] =	vst.idx.msk $0xffff, v0  }
0x146: {  	[tilespmem:v3+s12+$0x0] =	vst.idx.msk $0xffff, v2  }
0x147: {  	v1 =	vadd.s32 s19, v52;
	v0 =	vld [tilespmem:s20+$0xFFFFFF50]  }
0x148: {  	v3 =	vadd.s32 s19, v53;
	v2 =	vld [tilespmem:s20+$0xFFFFFF60];
	_ =	sdelay $0x3  }
0x149: {  	[tilespmem:v1+s12+$0x0] =	vst.idx.msk $0xffff, v0  }
0x14a: {  	[tilespmem:v3+s12+$0x0] =	vst.idx.msk $0xffff, v2  }
0x14b: {  	v1 =	vadd.s32 s19, v54;
	v0 =	vld [tilespmem:s20+$0xFFFFFF70]  }
0x14c: {  	v3 =	vadd.s32 s19, v55;
	v2 =	vld [tilespmem:s20+$0xFFFFFF80];
	_ =	sdelay $0x3  }
0x14d: {  	[tilespmem:v1+s12+$0x0] =	vst.idx.msk $0xffff, v0  }
0x14e: {  	[tilespmem:v3+s12+$0x0] =	vst.idx.msk $0xffff, v2  }
0x14f: {  	v1 =	vadd.s32 s19, v56;
	v0 =	vld [tilespmem:s20+$0xFFFFFF90]  }
0x150: {  	v3 =	vadd.s32 s19, v57;
	v2 =	vld [tilespmem:s20+$0xFFFFFFA0];
	_ =	sdelay $0x3  }
0x151: {  	[tilespmem:v1+s12+$0x0] =	vst.idx.msk $0xffff, v0  }
0x152: {  	[tilespmem:v3+s12+$0x0] =	vst.idx.msk $0xffff, v2  }
0x153: {  	v1 =	vadd.s32 s19, v58;
	v0 =	vld [tilespmem:s20+$0xFFFFFFB0]  }
0x154: {  	v3 =	vadd.s32 s19, v59;
	v2 =	vld [tilespmem:s20+$0xFFFFFFC0];
	_ =	sdelay $0x3  }
0x155: {  	[tilespmem:v1+s12+$0x0] =	vst.idx.msk $0xffff, v0  }
0x156: {  	[tilespmem:v3+s12+$0x0] =	vst.idx.msk $0xffff, v2  }
0x157: {  	v1 =	vadd.s32 s19, v60;
	v0 =	vld [tilespmem:s20+$0xFFFFFFD0]  }
0x158: {  	v3 =	vadd.s32 s19, v61;
	v2 =	vld [tilespmem:s20+$0xFFFFFFE0];
	_ =	sdelay $0x3  }
0x159: {  	[tilespmem:v1+s12+$0x0] =	vst.idx.msk $0xffff, v0  }
0x15a: {  	[tilespmem:v3+s12+$0x0] =	vst.idx.msk $0xffff, v2  }
0x15b: {  	v3 =	vadd.s32 s19, v62;
	v2 =	vld [tilespmem:s20+$0xFFFFFFF0];
	_ =	sdelay $0x1  }
0x15c: {  	v1 =	vadd.s32 s19, v63;
	v0 =	vld [tilespmem:s20+$0x0];
	_ =	sdelay $0x2  }
0x15d: {  	s21 =	simm.s32 $0x8;
	[tilespmem:v3+s12+$0x0] =	vst.idx.msk $0xffff, v2  }
.LBB2_9:
0x15e: {  	p1 =	sne.s32 s21, $0x78  }
0x15f: {  	[tilespmem:v1+s12+$0x0] =	vst.idx.msk $0xffff, v0;
	s20 =	sadd.s32 $0x100, s20;
	s19 =	smov.u32 s21;
	s21 =	sadd.s32 $0x8, s21  }
0x160: {  	v0 =	vld [tilespmem:s20+$0xFFFFFF10];
	v1 =	vadd.s32 s19, v48  }
0x161: {  	v3 =	vadd.s32 s19, v49;
	v2 =	vld [tilespmem:s20+$0xFFFFFF20];
	_ =	sdelay $0x3  }
0x162: {  	[tilespmem:v1+s12+$0x0] =	vst.idx.msk $0xffff, v0  }
0x163: {  	[tilespmem:v3+s12+$0x0] =	vst.idx.msk $0xffff, v2  }
0x164: {  	v1 =	vadd.s32 s19, v50;
	v0 =	vld [tilespmem:s20+$0xFFFFFF30]  }
0x165: {  	v3 =	vadd.s32 s19, v51;
	v2 =	vld [tilespmem:s20+$0xFFFFFF40];
	_ =	sdelay $0x3  }
0x166: {  	[tilespmem:v1+s12+$0x0] =	vst.idx.msk $0xffff, v0  }
0x167: {  	[tilespmem:v3+s12+$0x0] =	vst.idx.msk $0xffff, v2  }
0x168: {  	v1 =	vadd.s32 s19, v52;
	v0 =	vld [tilespmem:s20+$0xFFFFFF50]  }
0x169: {  	v3 =	vadd.s32 s19, v53;
	v2 =	vld [tilespmem:s20+$0xFFFFFF60];
	_ =	sdelay $0x3  }
0x16a: {  	[tilespmem:v1+s12+$0x0] =	vst.idx.msk $0xffff, v0  }
0x16b: {  	[tilespmem:v3+s12+$0x0] =	vst.idx.msk $0xffff, v2  }
0x16c: {  	v1 =	vadd.s32 s19, v54;
	v0 =	vld [tilespmem:s20+$0xFFFFFF70]  }
0x16d: {  	v3 =	vadd.s32 s19, v55;
	v2 =	vld [tilespmem:s20+$0xFFFFFF80];
	_ =	sdelay $0x3  }
0x16e: {  	[tilespmem:v1+s12+$0x0] =	vst.idx.msk $0xffff, v0  }
0x16f: {  	[tilespmem:v3+s12+$0x0] =	vst.idx.msk $0xffff, v2  }
0x170: {  	v1 =	vadd.s32 s19, v56;
	v0 =	vld [tilespmem:s20+$0xFFFFFF90]  }
0x171: {  	v3 =	vadd.s32 s19, v57;
	v2 =	vld [tilespmem:s20+$0xFFFFFFA0];
	_ =	sdelay $0x3  }
0x172: {  	[tilespmem:v1+s12+$0x0] =	vst.idx.msk $0xffff, v0  }
0x173: {  	[tilespmem:v3+s12+$0x0] =	vst.idx.msk $0xffff, v2  }
0x174: {  	v1 =	vadd.s32 s19, v58;
	v0 =	vld [tilespmem:s20+$0xFFFFFFB0]  }
0x175: {  	v3 =	vadd.s32 s19, v59;
	v2 =	vld [tilespmem:s20+$0xFFFFFFC0];
	_ =	sdelay $0x3  }
0x176: {  	[tilespmem:v1+s12+$0x0] =	vst.idx.msk $0xffff, v0  }
0x177: {  	[tilespmem:v3+s12+$0x0] =	vst.idx.msk $0xffff, v2  }
0x178: {  	v1 =	vadd.s32 s19, v60;
	v0 =	vld [tilespmem:s20+$0xFFFFFFD0]  }
0x179: {  	v3 =	vadd.s32 s19, v61;
	v2 =	vld [tilespmem:s20+$0xFFFFFFE0];
	_ =	sdelay $0x3  }
0x17a: {  	[tilespmem:v1+s12+$0x0] =	vst.idx.msk $0xffff, v0  }
0x17b: {  	[tilespmem:v3+s12+$0x0] =	vst.idx.msk $0xffff, v2  }
0x17c: {  	v3 =	vadd.s32 s19, v62;
	v2 =	vld [tilespmem:s20+$0xFFFFFFF0]  }
.Ltmp3:
0x17d: {  	v1 =	vadd.s32 s19, v63;
	v0 =	vld [tilespmem:s20+$0x0];
	(pc) =	sbr.rel @p1 .LBB2_9-.Ltmp3, $2  }
0x17e: {  	_ =	sdelay $0x2  }
0x17f: {  	[tilespmem:v3+s12+$0x0] =	vst.idx.msk $0xffff, v2  }
0x180: {  	s18 =	sadd.s32 s5, s18  }
0x181: {  	s19 =	sshll.u32 s18, $0x9;
	s18 =	sshll.u32 s18, $0x4  }
0x182: {  	s19 =	sand.u32 $0xFFE0000, s19;
	s18 =	sand.u32 $0xF80, s18  }
0x183: {  	s20 =	rddreg [dreg:$0x2];
	s18 =	sor.u32 s18, s19  }
0x184: {  	[tilespmem:v1+s12+$0x0] =	vst.idx.msk $0xffff, v0;
	s19 =	sadd.s32 s20, s18  }
0x185: {  	[hbm4b:s19+s3] =	stream.linear.scatter [tilespmem:s12], [sflag:$0x3], $0x80, $0x38;
	[tilespmem:$0x16C00] =	vst v63  }
0x186: {  	s21 =	simm.s32 $0xE488;
	s20 =	sadd.s32 $0x10, s19  }
0x187: {  	[hbm4b:s20+s3] =	stream.linear.scatter [tilespmem:s21], [sflag:$0x3], $0x80, $0x38;
	[tilespmem:$0x16C00] =	vst v63  }
0x188: {  	s22 =	simm.s32 $0xE510;
	s21 =	sadd.s32 $0x20, s19  }
0x189: {  	[hbm4b:s21+s3] =	stream.linear.scatter [tilespmem:s22], [sflag:$0x3], $0x80, $0x38;
	[tilespmem:$0x16C00] =	vst v63  }
0x18a: {  	s21 =	sadd.s32 $0x30, s19;
	s22 =	simm.s32 $0xE598  }
0x18b: {  	[hbm4b:s21+s3] =	stream.linear.scatter [tilespmem:s22], [sflag:$0x3], $0x80, $0x38;
	[tilespmem:$0x16C00] =	vst v63  }
0x18c: {  	s21 =	sadd.s32 $0x40, s19;
	s22 =	simm.s32 $0xE620  }
0x18d: {  	[hbm4b:s21+s3] =	stream.linear.scatter [tilespmem:s22], [sflag:$0x3], $0x80, $0x38;
	[tilespmem:$0x16C00] =	vst v63  }
0x18e: {  	s21 =	sadd.s32 $0x50, s19;
	s22 =	simm.s32 $0xE6A8  }
0x18f: {  	[hbm4b:s21+s3] =	stream.linear.scatter [tilespmem:s22], [sflag:$0x3], $0x80, $0x38;
	[tilespmem:$0x16C00] =	vst v63  }
0x190: {  	s21 =	sadd.s32 $0x60, s19;
	s22 =	simm.s32 $0xE730  }
0x191: {  	[hbm4b:s21+s3] =	stream.linear.scatter [tilespmem:s22], [sflag:$0x3], $0x80, $0x38;
	[tilespmem:$0x16C00] =	vst v63  }
0x192: {  	s19 =	sadd.s32 $0x70, s19;
	s22 =	simm.s32 $0xE7B8;
	s21 =	rddreg [dreg:$0x5]  }
0x193: {  	[hbm4b:s19+s3] =	stream.linear.scatter [tilespmem:s22], [sflag:$0x3], $0x80, $0x38;
	[tilespmem:$0x16C00] =	vst v63  }
0x194: {  	s19 =	sadd.s32 s18, s21;
	s22 =	simm.s32 $0xE840  }
0x195: {  	[hbm4b:s19+s3] =	stream.linear.scatter [tilespmem:s22], [sflag:$0x3], $0x80, $0x38;
	[tilespmem:$0x16C00] =	vst v63  }
0x196: {  	s21 =	sadd.s32 $0x10, s19;
	s22 =	simm.s32 $0xE8C8  }
0x197: {  	[hbm4b:s21+s3] =	stream.linear.scatter [tilespmem:s22], [sflag:$0x3], $0x80, $0x38;
	[tilespmem:$0x16C00] =	vst v63  }
0x198: {  	s21 =	sadd.s32 $0x20, s19;
	s22 =	simm.s32 $0xE950  }
0x199: {  	[hbm4b:s21+s3] =	stream.linear.scatter [tilespmem:s22], [sflag:$0x3], $0x80, $0x38;
	[tilespmem:$0x16C00] =	vst v63  }
0x19a: {  	s21 =	sadd.s32 $0x30, s19;
	s22 =	simm.s32 $0xE9D8  }
0x19b: {  	[hbm4b:s21+s3] =	stream.linear.scatter [tilespmem:s22], [sflag:$0x3], $0x80, $0x38;
	[tilespmem:$0x16C00] =	vst v63  }
0x19c: {  	s21 =	sadd.s32 $0x40, s19;
	s22 =	simm.s32 $0xEA60  }
0x19d: {  	[hbm4b:s21+s3] =	stream.linear.scatter [tilespmem:s22], [sflag:$0x3], $0x80, $0x38;
	[tilespmem:$0x16C00] =	vst v63  }
0x19e: {  	s21 =	sadd.s32 $0x50, s19;
	s22 =	simm.s32 $0xEAE8  }
0x19f: {  	[hbm4b:s21+s3] =	stream.linear.scatter [tilespmem:s22], [sflag:$0x3], $0x80, $0x38;
	[tilespmem:$0x16C00] =	vst v63  }
0x1a0: {  	s21 =	sadd.s32 $0x60, s19;
	s22 =	simm.s32 $0xEB70  }
0x1a1: {  	[hbm4b:s21+s3] =	stream.linear.scatter [tilespmem:s22], [sflag:$0x3], $0x80, $0x38;
	[tilespmem:$0x16C00] =	vst v63  }
0x1a2: {  	s19 =	sadd.s32 $0x70, s19;
	s22 =	simm.s32 $0xEBF8;
	s21 =	rddreg [dreg:$0x6]  }
0x1a3: {  	[hbm4b:s19+s3] =	stream.linear.scatter [tilespmem:s22], [sflag:$0x3], $0x80, $0x38;
	[tilespmem:$0x16C00] =	vst v63  }
0x1a4: {  	s19 =	sadd.s32 s18, s21;
	s22 =	simm.s32 $0xEC80  }
0x1a5: {  	[hbm4b:s19+s3] =	stream.linear.scatter [tilespmem:s22], [sflag:$0x3], $0x80, $0x38;
	[tilespmem:$0x16C00] =	vst v63  }
0x1a6: {  	s21 =	sadd.s32 $0x10, s19;
	s22 =	simm.s32 $0xED08  }
0x1a7: {  	[hbm4b:s21+s3] =	stream.linear.scatter [tilespmem:s22], [sflag:$0x3], $0x80, $0x38;
	[tilespmem:$0x16C00] =	vst v63  }
0x1a8: {  	s21 =	sadd.s32 $0x20, s19;
	s22 =	simm.s32 $0xED90  }
0x1a9: {  	[hbm4b:s21+s3] =	stream.linear.scatter [tilespmem:s22], [sflag:$0x3], $0x80, $0x38;
	[tilespmem:$0x16C00] =	vst v63  }
0x1aa: {  	s21 =	sadd.s32 $0x30, s19;
	s22 =	simm.s32 $0xEE18  }
0x1ab: {  	[hbm4b:s21+s3] =	stream.linear.scatter [tilespmem:s22], [sflag:$0x3], $0x80, $0x38;
	[tilespmem:$0x16C00] =	vst v63  }
0x1ac: {  	s21 =	sadd.s32 $0x40, s19;
	s22 =	simm.s32 $0xEEA0  }
0x1ad: {  	[hbm4b:s21+s3] =	stream.linear.scatter [tilespmem:s22], [sflag:$0x3], $0x80, $0x38;
	[tilespmem:$0x16C00] =	vst v63  }
0x1ae: {  	s21 =	sadd.s32 $0x50, s19;
	s22 =	simm.s32 $0xEF28  }
0x1af: {  	[hbm4b:s21+s3] =	stream.linear.scatter [tilespmem:s22], [sflag:$0x3], $0x80, $0x38;
	[tilespmem:$0x16C00] =	vst v63  }
0x1b0: {  	s21 =	sadd.s32 $0x60, s19;
	s22 =	simm.s32 $0xEFB0  }
0x1b1: {  	[hbm4b:s21+s3] =	stream.linear.scatter [tilespmem:s22], [sflag:$0x3], $0x80, $0x38;
	[tilespmem:$0x16C00] =	vst v63  }
0x1b2: {  	s19 =	sadd.s32 $0x70, s19;
	s22 =	simm.s32 $0xF038;
	s21 =	rddreg [dreg:$0x7]  }
0x1b3: {  	[hbm4b:s19+s3] =	stream.linear.scatter [tilespmem:s22], [sflag:$0x3], $0x80, $0x38;
	[tilespmem:$0x16C00] =	vst v63  }
0x1b4: {  	s19 =	sadd.s32 s18, s21;
	s22 =	simm.s32 $0xF0C0  }
0x1b5: {  	[hbm4b:s19+s3] =	stream.linear.scatter [tilespmem:s22], [sflag:$0x3], $0x80, $0x38;
	[tilespmem:$0x16C00] =	vst v63  }
0x1b6: {  	s21 =	sadd.s32 $0x10, s19;
	s22 =	simm.s32 $0xF148  }
0x1b7: {  	[hbm4b:s21+s3] =	stream.linear.scatter [tilespmem:s22], [sflag:$0x3], $0x80, $0x38;
	[tilespmem:$0x16C00] =	vst v63  }
0x1b8: {  	s21 =	sadd.s32 $0x20, s19;
	s22 =	simm.s32 $0xF1D0  }
0x1b9: {  	[hbm4b:s21+s3] =	stream.linear.scatter [tilespmem:s22], [sflag:$0x3], $0x80, $0x38;
	[tilespmem:$0x16C00] =	vst v63  }
0x1ba: {  	s21 =	sadd.s32 $0x30, s19;
	s22 =	simm.s32 $0xF258  }
0x1bb: {  	[hbm4b:s21+s3] =	stream.linear.scatter [tilespmem:s22], [sflag:$0x3], $0x80, $0x38;
	[tilespmem:$0x16C00] =	vst v63  }
0x1bc: {  	s21 =	sadd.s32 $0x40, s19;
	s22 =	simm.s32 $0xF2E0  }
0x1bd: {  	[hbm4b:s21+s3] =	stream.linear.scatter [tilespmem:s22], [sflag:$0x3], $0x80, $0x38;
	[tilespmem:$0x16C00] =	vst v63  }
0x1be: {  	s21 =	sadd.s32 $0x50, s19;
	s22 =	simm.s32 $0xF368  }
0x1bf: {  	[hbm4b:s21+s3] =	stream.linear.scatter [tilespmem:s22], [sflag:$0x3], $0x80, $0x38;
	[tilespmem:$0x16C00] =	vst v63  }
0x1c0: {  	s21 =	sadd.s32 $0x60, s19;
	s22 =	simm.s32 $0xF3F0  }
0x1c1: {  	[hbm4b:s21+s3] =	stream.linear.scatter [tilespmem:s22], [sflag:$0x3], $0x80, $0x38;
	[tilespmem:$0x16C00] =	vst v63  }
0x1c2: {  	s19 =	sadd.s32 $0x70, s19;
	s22 =	simm.s32 $0xF478;
	s21 =	rddreg [dreg:$0x8]  }
0x1c3: {  	[hbm4b:s19+s3] =	stream.linear.scatter [tilespmem:s22], [sflag:$0x3], $0x80, $0x38;
	[tilespmem:$0x16C00] =	vst v63  }
0x1c4: {  	s19 =	sadd.s32 s18, s21;
	s22 =	simm.s32 $0xF500  }
0x1c5: {  	[hbm4b:s19+s3] =	stream.linear.scatter [tilespmem:s22], [sflag:$0x3], $0x80, $0x38;
	[tilespmem:$0x16C00] =	vst v63  }
0x1c6: {  	s21 =	sadd.s32 $0x10, s19;
	s22 =	simm.s32 $0xF588  }
0x1c7: {  	[hbm4b:s21+s3] =	stream.linear.scatter [tilespmem:s22], [sflag:$0x3], $0x80, $0x38;
	[tilespmem:$0x16C00] =	vst v63  }
0x1c8: {  	s21 =	sadd.s32 $0x20, s19;
	s22 =	simm.s32 $0xF610  }
0x1c9: {  	[hbm4b:s21+s3] =	stream.linear.scatter [tilespmem:s22], [sflag:$0x3], $0x80, $0x38;
	[tilespmem:$0x16C00] =	vst v63  }
0x1ca: {  	s21 =	sadd.s32 $0x30, s19;
	s22 =	simm.s32 $0xF698  }
0x1cb: {  	[hbm4b:s21+s3] =	stream.linear.scatter [tilespmem:s22], [sflag:$0x3], $0x80, $0x38;
	[tilespmem:$0x16C00] =	vst v63  }
0x1cc: {  	s21 =	sadd.s32 $0x40, s19;
	s22 =	simm.s32 $0xF720  }
0x1cd: {  	[hbm4b:s21+s3] =	stream.linear.scatter [tilespmem:s22], [sflag:$0x3], $0x80, $0x38;
	[tilespmem:$0x16C00] =	vst v63  }
0x1ce: {  	s21 =	sadd.s32 $0x50, s19;
	s22 =	simm.s32 $0xF7A8  }
0x1cf: {  	[hbm4b:s21+s3] =	stream.linear.scatter [tilespmem:s22], [sflag:$0x3], $0x80, $0x38;
	[tilespmem:$0x16C00] =	vst v63  }
0x1d0: {  	s21 =	sadd.s32 $0x60, s19;
	s22 =	simm.s32 $0xF830  }
0x1d1: {  	[hbm4b:s21+s3] =	stream.linear.scatter [tilespmem:s22], [sflag:$0x3], $0x80, $0x38;
	[tilespmem:$0x16C00] =	vst v63  }
0x1d2: {  	s19 =	sadd.s32 $0x70, s19;
	s22 =	simm.s32 $0xF8B8;
	s21 =	rddreg [dreg:$0x9]  }
0x1d3: {  	[hbm4b:s19+s3] =	stream.linear.scatter [tilespmem:s22], [sflag:$0x3], $0x80, $0x38;
	[tilespmem:$0x16C00] =	vst v63  }
0x1d4: {  	s19 =	sadd.s32 s18, s21;
	s22 =	simm.s32 $0xF940  }
0x1d5: {  	[hbm4b:s19+s3] =	stream.linear.scatter [tilespmem:s22], [sflag:$0x3], $0x80, $0x38;
	[tilespmem:$0x16C00] =	vst v63  }
0x1d6: {  	s21 =	sadd.s32 $0x10, s19;
	s22 =	simm.s32 $0xF9C8  }
0x1d7: {  	[hbm4b:s21+s3] =	stream.linear.scatter [tilespmem:s22], [sflag:$0x3], $0x80, $0x38;
	[tilespmem:$0x16C00] =	vst v63  }
0x1d8: {  	s21 =	sadd.s32 $0x20, s19;
	s22 =	simm.s32 $0xFA50  }
0x1d9: {  	[hbm4b:s21+s3] =	stream.linear.scatter [tilespmem:s22], [sflag:$0x3], $0x80, $0x38;
	[tilespmem:$0x16C00] =	vst v63  }
0x1da: {  	s21 =	sadd.s32 $0x30, s19;
	s22 =	simm.s32 $0xFAD8  }
0x1db: {  	[hbm4b:s21+s3] =	stream.linear.scatter [tilespmem:s22], [sflag:$0x3], $0x80, $0x38;
	[tilespmem:$0x16C00] =	vst v63  }
0x1dc: {  	s21 =	sadd.s32 $0x40, s19;
	s22 =	simm.s32 $0xFB60  }
0x1dd: {  	[hbm4b:s21+s3] =	stream.linear.scatter [tilespmem:s22], [sflag:$0x3], $0x80, $0x38;
	[tilespmem:$0x16C00] =	vst v63  }
0x1de: {  	s21 =	sadd.s32 $0x50, s19;
	s22 =	simm.s32 $0xFBE8  }
0x1df: {  	[hbm4b:s21+s3] =	stream.linear.scatter [tilespmem:s22], [sflag:$0x3], $0x80, $0x38;
	[tilespmem:$0x16C00] =	vst v63  }
0x1e0: {  	s21 =	sadd.s32 $0x60, s19;
	s22 =	simm.s32 $0xFC70  }
0x1e1: {  	[hbm4b:s21+s3] =	stream.linear.scatter [tilespmem:s22], [sflag:$0x3], $0x80, $0x38;
	[tilespmem:$0x16C00] =	vst v63  }
0x1e2: {  	s19 =	sadd.s32 $0x70, s19;
	s22 =	simm.s32 $0xFCF8;
	s21 =	rddreg [dreg:$0xa]  }
0x1e3: {  	[hbm4b:s19+s3] =	stream.linear.scatter [tilespmem:s22], [sflag:$0x3], $0x80, $0x38;
	[tilespmem:$0x16C00] =	vst v63  }
0x1e4: {  	s19 =	sadd.s32 s18, s21;
	s22 =	simm.s32 $0xFD80  }
0x1e5: {  	[hbm4b:s19+s3] =	stream.linear.scatter [tilespmem:s22], [sflag:$0x3], $0x80, $0x38;
	[tilespmem:$0x16C00] =	vst v63  }
0x1e6: {  	s21 =	sadd.s32 $0x10, s19;
	s22 =	simm.s32 $0xFE08  }
0x1e7: {  	[hbm4b:s21+s3] =	stream.linear.scatter [tilespmem:s22], [sflag:$0x3], $0x80, $0x38;
	[tilespmem:$0x16C00] =	vst v63  }
0x1e8: {  	s21 =	sadd.s32 $0x20, s19;
	s22 =	simm.s32 $0xFE90  }
0x1e9: {  	[hbm4b:s21+s3] =	stream.linear.scatter [tilespmem:s22], [sflag:$0x3], $0x80, $0x38;
	[tilespmem:$0x16C00] =	vst v63  }
0x1ea: {  	s21 =	sadd.s32 $0x30, s19;
	s22 =	simm.s32 $0xFF18  }
0x1eb: {  	[hbm4b:s21+s3] =	stream.linear.scatter [tilespmem:s22], [sflag:$0x3], $0x80, $0x38;
	[tilespmem:$0x16C00] =	vst v63  }
0x1ec: {  	s21 =	sadd.s32 $0x40, s19;
	s22 =	simm.s32 $0xFFA0  }
0x1ed: {  	[hbm4b:s21+s3] =	stream.linear.scatter [tilespmem:s22], [sflag:$0x3], $0x80, $0x38;
	[tilespmem:$0x16C00] =	vst v63  }
0x1ee: {  	s21 =	sadd.s32 $0x50, s19;
	s22 =	simm.s32 $0x10028  }
0x1ef: {  	[hbm4b:s21+s3] =	stream.linear.scatter [tilespmem:s22], [sflag:$0x3], $0x80, $0x38;
	[tilespmem:$0x16C00] =	vst v63  }
0x1f0: {  	s21 =	sadd.s32 $0x60, s19;
	s22 =	simm.s32 $0x100B0  }
0x1f1: {  	[hbm4b:s21+s3] =	stream.linear.scatter [tilespmem:s22], [sflag:$0x3], $0x80, $0x38;
	[tilespmem:$0x16C00] =	vst v63  }
0x1f2: {  	s19 =	sadd.s32 $0x70, s19;
	s22 =	simm.s32 $0x10138;
	s21 =	rddreg [dreg:$0xb]  }
0x1f3: {  	[hbm4b:s19+s3] =	stream.linear.scatter [tilespmem:s22], [sflag:$0x3], $0x80, $0x38;
	[tilespmem:$0x16C00] =	vst v63  }
0x1f4: {  	s19 =	sadd.s32 s18, s21;
	s22 =	simm.s32 $0x101C0  }
0x1f5: {  	[hbm4b:s19+s3] =	stream.linear.scatter [tilespmem:s22], [sflag:$0x3], $0x80, $0x38;
	[tilespmem:$0x16C00] =	vst v63  }
0x1f6: {  	s21 =	sadd.s32 $0x10, s19;
	s22 =	simm.s32 $0x10248  }
0x1f7: {  	[hbm4b:s21+s3] =	stream.linear.scatter [tilespmem:s22], [sflag:$0x3], $0x80, $0x38;
	[tilespmem:$0x16C00] =	vst v63  }
0x1f8: {  	s21 =	sadd.s32 $0x20, s19;
	s22 =	simm.s32 $0x102D0  }
0x1f9: {  	[hbm4b:s21+s3] =	stream.linear.scatter [tilespmem:s22], [sflag:$0x3], $0x80, $0x38;
	[tilespmem:$0x16C00] =	vst v63  }
0x1fa: {  	s21 =	sadd.s32 $0x30, s19;
	s22 =	simm.s32 $0x10358  }
0x1fb: {  	[hbm4b:s21+s3] =	stream.linear.scatter [tilespmem:s22], [sflag:$0x3], $0x80, $0x38;
	[tilespmem:$0x16C00] =	vst v63  }
0x1fc: {  	s21 =	sadd.s32 $0x40, s19;
	s22 =	simm.s32 $0x103E0  }
0x1fd: {  	[hbm4b:s21+s3] =	stream.linear.scatter [tilespmem:s22], [sflag:$0x3], $0x80, $0x38;
	[tilespmem:$0x16C00] =	vst v63  }
0x1fe: {  	s21 =	sadd.s32 $0x50, s19;
	s22 =	simm.s32 $0x10468  }
0x1ff: {  	[hbm4b:s21+s3] =	stream.linear.scatter [tilespmem:s22], [sflag:$0x3], $0x80, $0x38;
	[tilespmem:$0x16C00] =	vst v63  }
0x200: {  	s21 =	sadd.s32 $0x60, s19;
	s22 =	simm.s32 $0x104F0  }
0x201: {  	[hbm4b:s21+s3] =	stream.linear.scatter [tilespmem:s22], [sflag:$0x3], $0x80, $0x38;
	[tilespmem:$0x16C00] =	vst v63  }
0x202: {  	s19 =	sadd.s32 $0x70, s19;
	s22 =	simm.s32 $0x10578;
	s21 =	rddreg [dreg:$0xc]  }
0x203: {  	[hbm4b:s19+s3] =	stream.linear.scatter [tilespmem:s22], [sflag:$0x3], $0x80, $0x38;
	[tilespmem:$0x16C00] =	vst v63  }
0x204: {  	s19 =	sadd.s32 s18, s21;
	s22 =	simm.s32 $0x10600  }
0x205: {  	[hbm4b:s19+s3] =	stream.linear.scatter [tilespmem:s22], [sflag:$0x3], $0x80, $0x38;
	[tilespmem:$0x16C00] =	vst v63  }
0x206: {  	s21 =	sadd.s32 $0x10, s19;
	s22 =	simm.s32 $0x10688  }
0x207: {  	[hbm4b:s21+s3] =	stream.linear.scatter [tilespmem:s22], [sflag:$0x3], $0x80, $0x38;
	[tilespmem:$0x16C00] =	vst v63  }
0x208: {  	s21 =	sadd.s32 $0x20, s19;
	s22 =	simm.s32 $0x10710  }
0x209: {  	[hbm4b:s21+s3] =	stream.linear.scatter [tilespmem:s22], [sflag:$0x3], $0x80, $0x38;
	[tilespmem:$0x16C00] =	vst v63  }
0x20a: {  	s21 =	sadd.s32 $0x30, s19;
	s22 =	simm.s32 $0x10798  }
0x20b: {  	[hbm4b:s21+s3] =	stream.linear.scatter [tilespmem:s22], [sflag:$0x3], $0x80, $0x38;
	[tilespmem:$0x16C00] =	vst v63  }
0x20c: {  	s21 =	sadd.s32 $0x40, s19;
	s22 =	simm.s32 $0x10820  }
0x20d: {  	[hbm4b:s21+s3] =	stream.linear.scatter [tilespmem:s22], [sflag:$0x3], $0x80, $0x38;
	[tilespmem:$0x16C00] =	vst v63  }
0x20e: {  	s21 =	sadd.s32 $0x50, s19;
	s22 =	simm.s32 $0x108A8  }
0x20f: {  	[hbm4b:s21+s3] =	stream.linear.scatter [tilespmem:s22], [sflag:$0x3], $0x80, $0x38;
	[tilespmem:$0x16C00] =	vst v63  }
0x210: {  	s21 =	sadd.s32 $0x60, s19;
	s22 =	simm.s32 $0x10930  }
0x211: {  	[hbm4b:s21+s3] =	stream.linear.scatter [tilespmem:s22], [sflag:$0x3], $0x80, $0x38;
	[tilespmem:$0x16C00] =	vst v63  }
0x212: {  	s19 =	sadd.s32 $0x70, s19;
	s22 =	simm.s32 $0x109B8;
	s21 =	rddreg [dreg:$0xd]  }
0x213: {  	[hbm4b:s19+s3] =	stream.linear.scatter [tilespmem:s22], [sflag:$0x3], $0x80, $0x38;
	[tilespmem:$0x16C00] =	vst v63  }
0x214: {  	s19 =	sadd.s32 s18, s21;
	s22 =	simm.s32 $0x10A40  }
0x215: {  	[hbm4b:s19+s3] =	stream.linear.scatter [tilespmem:s22], [sflag:$0x3], $0x80, $0x38;
	[tilespmem:$0x16C00] =	vst v63  }
0x216: {  	s21 =	sadd.s32 $0x10, s19;
	s22 =	simm.s32 $0x10AC8  }
0x217: {  	[hbm4b:s21+s3] =	stream.linear.scatter [tilespmem:s22], [sflag:$0x3], $0x80, $0x38;
	[tilespmem:$0x16C00] =	vst v63  }
0x218: {  	s21 =	sadd.s32 $0x20, s19;
	s22 =	simm.s32 $0x10B50  }
0x219: {  	[hbm4b:s21+s3] =	stream.linear.scatter [tilespmem:s22], [sflag:$0x3], $0x80, $0x38;
	[tilespmem:$0x16C00] =	vst v63  }
0x21a: {  	s21 =	sadd.s32 $0x30, s19;
	s22 =	simm.s32 $0x10BD8  }
0x21b: {  	[hbm4b:s21+s3] =	stream.linear.scatter [tilespmem:s22], [sflag:$0x3], $0x80, $0x38;
	[tilespmem:$0x16C00] =	vst v63  }
0x21c: {  	s21 =	sadd.s32 $0x40, s19;
	s22 =	simm.s32 $0x10C60  }
0x21d: {  	[hbm4b:s21+s3] =	stream.linear.scatter [tilespmem:s22], [sflag:$0x3], $0x80, $0x38;
	[tilespmem:$0x16C00] =	vst v63  }
0x21e: {  	s21 =	sadd.s32 $0x50, s19;
	s22 =	simm.s32 $0x10CE8  }
0x21f: {  	[hbm4b:s21+s3] =	stream.linear.scatter [tilespmem:s22], [sflag:$0x3], $0x80, $0x38;
	[tilespmem:$0x16C00] =	vst v63  }
0x220: {  	s21 =	sadd.s32 $0x60, s19;
	s22 =	simm.s32 $0x10D70  }
0x221: {  	[hbm4b:s21+s3] =	stream.linear.scatter [tilespmem:s22], [sflag:$0x3], $0x80, $0x38;
	[tilespmem:$0x16C00] =	vst v63  }
0x222: {  	s19 =	sadd.s32 $0x70, s19;
	s22 =	simm.s32 $0x10DF8;
	s21 =	rddreg [dreg:$0xe]  }
0x223: {  	[hbm4b:s19+s3] =	stream.linear.scatter [tilespmem:s22], [sflag:$0x3], $0x80, $0x38;
	[tilespmem:$0x16C00] =	vst v63  }
0x224: {  	s19 =	sadd.s32 s18, s21;
	s22 =	simm.s32 $0x10E80  }
0x225: {  	[hbm4b:s19+s3] =	stream.linear.scatter [tilespmem:s22], [sflag:$0x3], $0x80, $0x38;
	[tilespmem:$0x16C00] =	vst v63  }
0x226: {  	s21 =	sadd.s32 $0x10, s19;
	s22 =	simm.s32 $0x10F08  }
0x227: {  	[hbm4b:s21+s3] =	stream.linear.scatter [tilespmem:s22], [sflag:$0x3], $0x80, $0x38;
	[tilespmem:$0x16C00] =	vst v63  }
0x228: {  	s21 =	sadd.s32 $0x20, s19;
	s22 =	simm.s32 $0x10F90  }
0x229: {  	[hbm4b:s21+s3] =	stream.linear.scatter [tilespmem:s22], [sflag:$0x3], $0x80, $0x38;
	[tilespmem:$0x16C00] =	vst v63  }
0x22a: {  	s21 =	sadd.s32 $0x30, s19;
	s22 =	simm.s32 $0x11018  }
0x22b: {  	[hbm4b:s21+s3] =	stream.linear.scatter [tilespmem:s22], [sflag:$0x3], $0x80, $0x38;
	[tilespmem:$0x16C00] =	vst v63  }
0x22c: {  	s21 =	sadd.s32 $0x40, s19;
	s22 =	simm.s32 $0x110A0  }
0x22d: {  	[hbm4b:s21+s3] =	stream.linear.scatter [tilespmem:s22], [sflag:$0x3], $0x80, $0x38;
	[tilespmem:$0x16C00] =	vst v63  }
0x22e: {  	s21 =	sadd.s32 $0x50, s19;
	s22 =	simm.s32 $0x11128  }
0x22f: {  	[hbm4b:s21+s3] =	stream.linear.scatter [tilespmem:s22], [sflag:$0x3], $0x80, $0x38;
	[tilespmem:$0x16C00] =	vst v63  }
0x230: {  	s21 =	sadd.s32 $0x60, s19;
	s22 =	simm.s32 $0x111B0  }
0x231: {  	[hbm4b:s21+s3] =	stream.linear.scatter [tilespmem:s22], [sflag:$0x3], $0x80, $0x38;
	[tilespmem:$0x16C00] =	vst v63  }
0x232: {  	s19 =	sadd.s32 $0x70, s19;
	s22 =	simm.s32 $0x11238;
	s21 =	rddreg [dreg:$0xf]  }
0x233: {  	[hbm4b:s19+s3] =	stream.linear.scatter [tilespmem:s22], [sflag:$0x3], $0x80, $0x38;
	[tilespmem:$0x16C00] =	vst v63  }
0x234: {  	s19 =	sadd.s32 s18, s21;
	s22 =	simm.s32 $0x112C0  }
0x235: {  	[hbm4b:s19+s3] =	stream.linear.scatter [tilespmem:s22], [sflag:$0x3], $0x80, $0x38;
	[tilespmem:$0x16C00] =	vst v63  }
0x236: {  	s21 =	sadd.s32 $0x10, s19;
	s22 =	simm.s32 $0x11348  }
0x237: {  	[hbm4b:s21+s3] =	stream.linear.scatter [tilespmem:s22], [sflag:$0x3], $0x80, $0x38;
	[tilespmem:$0x16C00] =	vst v63  }
0x238: {  	s21 =	sadd.s32 $0x20, s19;
	s22 =	simm.s32 $0x113D0  }
0x239: {  	[hbm4b:s21+s3] =	stream.linear.scatter [tilespmem:s22], [sflag:$0x3], $0x80, $0x38;
	[tilespmem:$0x16C00] =	vst v63  }
0x23a: {  	s21 =	sadd.s32 $0x30, s19;
	s22 =	simm.s32 $0x11458  }
0x23b: {  	[hbm4b:s21+s3] =	stream.linear.scatter [tilespmem:s22], [sflag:$0x3], $0x80, $0x38;
	[tilespmem:$0x16C00] =	vst v63  }
0x23c: {  	s21 =	sadd.s32 $0x40, s19;
	s22 =	simm.s32 $0x114E0  }
0x23d: {  	[hbm4b:s21+s3] =	stream.linear.scatter [tilespmem:s22], [sflag:$0x3], $0x80, $0x38;
	[tilespmem:$0x16C00] =	vst v63  }
0x23e: {  	s21 =	sadd.s32 $0x50, s19;
	s22 =	simm.s32 $0x11568  }
0x23f: {  	[hbm4b:s21+s3] =	stream.linear.scatter [tilespmem:s22], [sflag:$0x3], $0x80, $0x38;
	[tilespmem:$0x16C00] =	vst v63  }
0x240: {  	s21 =	sadd.s32 $0x60, s19;
	s22 =	simm.s32 $0x115F0  }
0x241: {  	[hbm4b:s21+s3] =	stream.linear.scatter [tilespmem:s22], [sflag:$0x3], $0x80, $0x38;
	[tilespmem:$0x16C00] =	vst v63  }
0x242: {  	s19 =	sadd.s32 $0x70, s19;
	s22 =	simm.s32 $0x11678;
	s21 =	rddreg [dreg:$0x10]  }
0x243: {  	[hbm4b:s19+s3] =	stream.linear.scatter [tilespmem:s22], [sflag:$0x3], $0x80, $0x38;
	[tilespmem:$0x16C00] =	vst v63  }
0x244: {  	s19 =	sadd.s32 s18, s21;
	s22 =	simm.s32 $0x11700  }
0x245: {  	[hbm4b:s19+s3] =	stream.linear.scatter [tilespmem:s22], [sflag:$0x3], $0x80, $0x38;
	[tilespmem:$0x16C00] =	vst v63  }
0x246: {  	s21 =	sadd.s32 $0x10, s19;
	s22 =	simm.s32 $0x11788  }
0x247: {  	[hbm4b:s21+s3] =	stream.linear.scatter [tilespmem:s22], [sflag:$0x3], $0x80, $0x38;
	[tilespmem:$0x16C00] =	vst v63  }
0x248: {  	s21 =	sadd.s32 $0x20, s19;
	s22 =	simm.s32 $0x11810  }
0x249: {  	[hbm4b:s21+s3] =	stream.linear.scatter [tilespmem:s22], [sflag:$0x3], $0x80, $0x38;
	[tilespmem:$0x16C00] =	vst v63  }
0x24a: {  	s21 =	sadd.s32 $0x30, s19;
	s22 =	simm.s32 $0x11898  }
0x24b: {  	[hbm4b:s21+s3] =	stream.linear.scatter [tilespmem:s22], [sflag:$0x3], $0x80, $0x38;
	[tilespmem:$0x16C00] =	vst v63  }
0x24c: {  	s21 =	sadd.s32 $0x40, s19;
	s22 =	simm.s32 $0x11920  }
0x24d: {  	[hbm4b:s21+s3] =	stream.linear.scatter [tilespmem:s22], [sflag:$0x3], $0x80, $0x38;
	[tilespmem:$0x16C00] =	vst v63  }
0x24e: {  	s21 =	sadd.s32 $0x50, s19;
	s22 =	simm.s32 $0x119A8  }
0x24f: {  	[hbm4b:s21+s3] =	stream.linear.scatter [tilespmem:s22], [sflag:$0x3], $0x80, $0x38;
	[tilespmem:$0x16C00] =	vst v63  }
0x250: {  	s21 =	sadd.s32 $0x60, s19;
	s22 =	simm.s32 $0x11A30  }
0x251: {  	[hbm4b:s21+s3] =	stream.linear.scatter [tilespmem:s22], [sflag:$0x3], $0x80, $0x38;
	[tilespmem:$0x16C00] =	vst v63  }
0x252: {  	s19 =	sadd.s32 $0x70, s19;
	s22 =	simm.s32 $0x11AB8;
	s21 =	rddreg [dreg:$0x11]  }
0x253: {  	[hbm4b:s19+s3] =	stream.linear.scatter [tilespmem:s22], [sflag:$0x3], $0x80, $0x38;
	[tilespmem:$0x16C00] =	vst v63  }
0x254: {  	s19 =	sadd.s32 s18, s21;
	s22 =	simm.s32 $0x11B40  }
0x255: {  	[hbm4b:s19+s3] =	stream.linear.scatter [tilespmem:s22], [sflag:$0x3], $0x80, $0x38;
	[tilespmem:$0x16C00] =	vst v63  }
0x256: {  	s21 =	sadd.s32 $0x10, s19;
	s22 =	simm.s32 $0x11BC8  }
0x257: {  	[hbm4b:s21+s3] =	stream.linear.scatter [tilespmem:s22], [sflag:$0x3], $0x80, $0x38;
	[tilespmem:$0x16C00] =	vst v63  }
0x258: {  	s21 =	sadd.s32 $0x20, s19;
	s22 =	simm.s32 $0x11C50  }
0x259: {  	[hbm4b:s21+s3] =	stream.linear.scatter [tilespmem:s22], [sflag:$0x3], $0x80, $0x38;
	[tilespmem:$0x16C00] =	vst v63  }
0x25a: {  	s21 =	sadd.s32 $0x30, s19;
	s22 =	simm.s32 $0x11CD8  }
0x25b: {  	[hbm4b:s21+s3] =	stream.linear.scatter [tilespmem:s22], [sflag:$0x3], $0x80, $0x38;
	[tilespmem:$0x16C00] =	vst v63  }
0x25c: {  	s21 =	sadd.s32 $0x40, s19;
	s22 =	simm.s32 $0x11D60  }
0x25d: {  	[hbm4b:s21+s3] =	stream.linear.scatter [tilespmem:s22], [sflag:$0x3], $0x80, $0x38;
	[tilespmem:$0x16C00] =	vst v63  }
0x25e: {  	s21 =	sadd.s32 $0x50, s19;
	s22 =	simm.s32 $0x11DE8  }
0x25f: {  	[hbm4b:s21+s3] =	stream.linear.scatter [tilespmem:s22], [sflag:$0x3], $0x80, $0x38;
	[tilespmem:$0x16C00] =	vst v63  }
0x260: {  	s21 =	sadd.s32 $0x60, s19;
	s22 =	simm.s32 $0x11E70  }
0x261: {  	[hbm4b:s21+s3] =	stream.linear.scatter [tilespmem:s22], [sflag:$0x3], $0x80, $0x38;
	[tilespmem:$0x16C00] =	vst v63  }
0x262: {  	s19 =	sadd.s32 $0x70, s19;
	s22 =	simm.s32 $0x11EF8;
	s21 =	rddreg [dreg:$0x12]  }
0x263: {  	[hbm4b:s19+s3] =	stream.linear.scatter [tilespmem:s22], [sflag:$0x3], $0x80, $0x38;
	[tilespmem:$0x16C00] =	vst v63  }
0x264: {  	s19 =	sadd.s32 s18, s21;
	s22 =	simm.s32 $0x11F80  }
0x265: {  	[hbm4b:s19+s3] =	stream.linear.scatter [tilespmem:s22], [sflag:$0x3], $0x80, $0x38;
	[tilespmem:$0x16C00] =	vst v63  }
0x266: {  	s21 =	sadd.s32 $0x10, s19;
	s22 =	simm.s32 $0x12008  }
0x267: {  	[hbm4b:s21+s3] =	stream.linear.scatter [tilespmem:s22], [sflag:$0x3], $0x80, $0x38;
	[tilespmem:$0x16C00] =	vst v63  }
0x268: {  	s21 =	sadd.s32 $0x20, s19;
	s22 =	simm.s32 $0x12090  }
0x269: {  	[hbm4b:s21+s3] =	stream.linear.scatter [tilespmem:s22], [sflag:$0x3], $0x80, $0x38;
	[tilespmem:$0x16C00] =	vst v63  }
0x26a: {  	s21 =	sadd.s32 $0x30, s19;
	s22 =	simm.s32 $0x12118  }
0x26b: {  	[hbm4b:s21+s3] =	stream.linear.scatter [tilespmem:s22], [sflag:$0x3], $0x80, $0x38;
	[tilespmem:$0x16C00] =	vst v63  }
0x26c: {  	s21 =	sadd.s32 $0x40, s19;
	s22 =	simm.s32 $0x121A0  }
0x26d: {  	[hbm4b:s21+s3] =	stream.linear.scatter [tilespmem:s22], [sflag:$0x3], $0x80, $0x38;
	[tilespmem:$0x16C00] =	vst v63  }
0x26e: {  	s21 =	sadd.s32 $0x50, s19;
	s22 =	simm.s32 $0x12228  }
0x26f: {  	[hbm4b:s21+s3] =	stream.linear.scatter [tilespmem:s22], [sflag:$0x3], $0x80, $0x38;
	[tilespmem:$0x16C00] =	vst v63  }
0x270: {  	s21 =	sadd.s32 $0x60, s19;
	s22 =	simm.s32 $0x122B0  }
0x271: {  	[hbm4b:s21+s3] =	stream.linear.scatter [tilespmem:s22], [sflag:$0x3], $0x80, $0x38;
	[tilespmem:$0x16C00] =	vst v63  }
0x272: {  	s19 =	sadd.s32 $0x70, s19;
	s21 =	simm.s32 $0x12338;
	s22 =	rddreg [dreg:$0x13]  }
0x273: {  	[hbm4b:s19+s3] =	stream.linear.scatter [tilespmem:s21], [sflag:$0x3], $0x80, $0x38;
	[tilespmem:$0x16C00] =	vst v63  }
0x274: {  	s20 =	simm.s32 $0x123C0;
	s18 =	sadd.s32 s18, s22  }
0x275: {  	[hbm4b:s18+s3] =	stream.linear.scatter [tilespmem:s20], [sflag:$0x3], $0x80, $0x38;
	[tilespmem:$0x16C00] =	vst v63  }
0x276: {  	s22 =	simm.s32 $0x12448;
	s21 =	sadd.s32 $0x10, s18  }
0x277: {  	[hbm4b:s21+s3] =	stream.linear.scatter [tilespmem:s22], [sflag:$0x3], $0x80, $0x38;
	[tilespmem:$0x16C00] =	vst v63  }
0x278: {  	s21 =	sadd.s32 $0x20, s18;
	s22 =	simm.s32 $0x124D0  }
0x279: {  	[hbm4b:s21+s3] =	stream.linear.scatter [tilespmem:s22], [sflag:$0x3], $0x80, $0x38;
	[tilespmem:$0x16C00] =	vst v63  }
0x27a: {  	s21 =	sadd.s32 $0x30, s18;
	s22 =	simm.s32 $0x12558  }
0x27b: {  	[hbm4b:s21+s3] =	stream.linear.scatter [tilespmem:s22], [sflag:$0x3], $0x80, $0x38;
	[tilespmem:$0x16C00] =	vst v63  }
0x27c: {  	s21 =	sadd.s32 $0x40, s18;
	s22 =	simm.s32 $0x125E0  }
0x27d: {  	[hbm4b:s21+s3] =	stream.linear.scatter [tilespmem:s22], [sflag:$0x3], $0x80, $0x38;
	[tilespmem:$0x16C00] =	vst v63  }
0x27e: {  	s21 =	sadd.s32 $0x50, s18;
	s22 =	simm.s32 $0x12668  }
0x27f: {  	[hbm4b:s21+s3] =	stream.linear.scatter [tilespmem:s22], [sflag:$0x3], $0x80, $0x38;
	[tilespmem:$0x16C00] =	vst v63  }
0x280: {  	s20 =	sadd.s32 $0x60, s18;
	s21 =	simm.s32 $0x126F0  }
0x281: {  	[hbm4b:s20+s3] =	stream.linear.scatter [tilespmem:s21], [sflag:$0x3], $0x80, $0x38;
	[tilespmem:$0x16C00] =	vst v63  }
0x282: {  	p1 =	seq.s32 s15, $0x18;
	s18 =	sadd.s32 $0x70, s18;
	s22 =	simm.s32 $0x12778  }
0x283: {  	[hbm4b:s18+s3] =	stream.linear.scatter [tilespmem:s22], [sflag:$0x3], $0x80, $0x38;
	[tilespmem:$0x16C00] =	vst v63  }
0x284: {  	s19 =	simm.s32 @!p1 $0x80;
	s20 =	simm.s32 @!p1 $0x6400;
	s18 =	sadd.s32 @!p1 $0x400, s17  }
0x285: {  	[tilespmem:s20], [sflag:$0x1] =	stream.indirect.gather @!p1 [hbm4b:s4+s19], $0x20, s18, s19, $0xb8;
	[tilespmem:$0x16C00] =	vst v63  }
0x286: {  	s18 =	sadd.s32 @!p1 $0x480, s17;
	s20 =	simm.s32 @!p1 $0x7400  }
0x287: {  	[tilespmem:s20], [sflag:$0x1] =	stream.indirect.gather @!p1 [hbm4b:s4+s19], $0x20, s18, s19, $0xb8;
	[tilespmem:$0x16C00] =	vst v63  }
0x288: {  	s18 =	sadd.s32 @!p1 $0x500, s17;
	s20 =	simm.s32 @!p1 $0x8400  }
0x289: {  	[tilespmem:s20], [sflag:$0x1] =	stream.indirect.gather @!p1 [hbm4b:s4+s19], $0x20, s18, s19, $0xb8;
	[tilespmem:$0x16C00] =	vst v63  }
0x28a: {  	s17 =	sadd.s32 @!p1 $0x580, s17;
	s18 =	simm.s32 @!p1 $0x9400  }
0x28b: {  	[tilespmem:s18], [sflag:$0x1] =	stream.indirect.gather @!p1 [hbm4b:s4+s19], $0x20, s17, s19, $0xb8;
	[tilespmem:$0x16C00] =	vst v63  }
0x28c: {  	_ =	swait.ge [sflag:s13], $0x1000  }
0x28d: {  	[sflag:s13] =	ssyncset.done $0x0  }
0x28e: {  	[sflag:s13] =	ssyncadd.s32 $0xFFFFF000  }
0x28f: {  	_ =	swait.ge [sflag:s13], $0x1000  }
0x290: {  	[sflag:s13] =	ssyncset.done $0x0  }
0x291: {  	[sflag:s13] =	ssyncadd.s32 $0xFFFFF000  }
0x292: {  	_ =	swait.ge [sflag:s13], $0x1000  }
0x293: {  	[sflag:s13] =	ssyncset.done $0x0  }
0x294: {  	[sflag:s13] =	ssyncadd.s32 $0xFFFFF000  }
0x295: {  	_ =	swait.ge [sflag:s13], $0x1000  }
0x296: {  	[sflag:s13] =	ssyncset.done $0x0  }
0x297: {  	s17 =	simm.s32 @!p0 $0x4;
	[sflag:s13] =	ssyncadd.s32 $0xFFFFF000  }
0x298: {  	_ =	swait.ge @!p0 [sflag:s17], $0x400  }
0x299: {  	[sflag:s17] =	ssyncset.done @!p0 $0x0  }
0x29a: {  	[sflag:s17] =	ssyncadd.s32 @!p0 $0xFFFFFC00  }
0x29b: {  	_ =	swait.ge @!p0 [sflag:s17], $0x400  }
0x29c: {  	[sflag:s17] =	ssyncset.done @!p0 $0x0  }
0x29d: {  	[sflag:s17] =	ssyncadd.s32 @!p0 $0xFFFFFC00  }
0x29e: {  	_ =	swait.ge @!p0 [sflag:s17], $0x400  }
0x29f: {  	[sflag:s17] =	ssyncset.done @!p0 $0x0  }
0x2a0: {  	[sflag:s17] =	ssyncadd.s32 @!p0 $0xFFFFFC00  }
0x2a1: {  	_ =	swait.ge @!p0 [sflag:s17], $0x400  }
0x2a2: {  	[sflag:s17] =	ssyncset.done @!p0 $0x0  }
0x2a3: {  	[sflag:s17] =	ssyncadd.s32 @!p0 $0xFFFFFC00  }
0x2a4: {  	_ =	swait.ge @!p0 [sflag:s17], $0x400  }
0x2a5: {  	[sflag:s17] =	ssyncset.done @!p0 $0x0  }
0x2a6: {  	[sflag:s17] =	ssyncadd.s32 @!p0 $0xFFFFFC00  }
0x2a7: {  	_ =	swait.ge @!p0 [sflag:s17], $0x400  }
0x2a8: {  	[sflag:s17] =	ssyncset.done @!p0 $0x0  }
0x2a9: {  	[sflag:s17] =	ssyncadd.s32 @!p0 $0xFFFFFC00  }
0x2aa: {  	_ =	swait.ge @!p0 [sflag:s17], $0x400  }
0x2ab: {  	[sflag:s17] =	ssyncset.done @!p0 $0x0  }
0x2ac: {  	[sflag:s17] =	ssyncadd.s32 @!p0 $0xFFFFFC00  }
0x2ad: {  	_ =	swait.ge @!p0 [sflag:s17], $0x400  }
0x2ae: {  	[sflag:s17] =	ssyncset.done @!p0 $0x0  }
0x2af: {  	[sflag:s17] =	ssyncadd.s32 @!p0 $0xFFFFFC00  }
0x2b0: {  	_ =	swait.ge @!p0 [sflag:s17], $0x400  }
0x2b1: {  	[sflag:s17] =	ssyncset.done @!p0 $0x0  }
0x2b2: {  	[sflag:s17] =	ssyncadd.s32 @!p0 $0xFFFFFC00  }
0x2b3: {  	_ =	swait.ge @!p0 [sflag:s17], $0x400  }
0x2b4: {  	[sflag:s17] =	ssyncset.done @!p0 $0x0  }
0x2b5: {  	[sflag:s17] =	ssyncadd.s32 @!p0 $0xFFFFFC00  }
0x2b6: {  	_ =	swait.ge @!p0 [sflag:s17], $0x400  }
0x2b7: {  	[sflag:s17] =	ssyncset.done @!p0 $0x0  }
0x2b8: {  	[sflag:s17] =	ssyncadd.s32 @!p0 $0xFFFFFC00  }
0x2b9: {  	_ =	swait.ge @!p0 [sflag:s17], $0x400  }
0x2ba: {  	[sflag:s17] =	ssyncset.done @!p0 $0x0  }
0x2bb: {  	[sflag:s17] =	ssyncadd.s32 @!p0 $0xFFFFFC00  }
0x2bc: {  	_ =	swait.ge @!p0 [sflag:s17], $0x400  }
0x2bd: {  	[sflag:s17] =	ssyncset.done @!p0 $0x0  }
0x2be: {  	[sflag:s17] =	ssyncadd.s32 @!p0 $0xFFFFFC00  }
0x2bf: {  	_ =	swait.ge @!p0 [sflag:s17], $0x400  }
0x2c0: {  	[sflag:s17] =	ssyncset.done @!p0 $0x0  }
0x2c1: {  	[sflag:s17] =	ssyncadd.s32 @!p0 $0xFFFFFC00  }
0x2c2: {  	_ =	swait.ge @!p0 [sflag:s17], $0x400  }
0x2c3: {  	[sflag:s17] =	ssyncset.done @!p0 $0x0  }
0x2c4: {  	[sflag:s17] =	ssyncadd.s32 @!p0 $0xFFFFFC00  }
0x2c5: {  	_ =	swait.ge @!p0 [sflag:s17], $0x400  }
0x2c6: {  	v4 =	vld [tilespmem:$0x1FED0]  }
0x2c7: {  	v5 =	vld [tilespmem:$0x1FEE0];
	_ =	sdelay $0x1  }
0x2c8: {  	[sflag:s17] =	ssyncset.done @!p0 $0x0  }
0x2c9: {  	s18 =	simm.s32 $0xA480;
	[sflag:s17] =	ssyncadd.s32 @!p0 $0xFFFFFC00;
	s17 =	simm.s32 $0x0  }
0x2ca: {  	v0 =	vld [tilespmem:s18+$0xFFFFFF80];
	v1 =	vadd.s32 s17, v4  }
0x2cb: {  	v2 =	vld [tilespmem:s18+$0xFFFFFF90];
	v3 =	vadd.s32 s17, v5  }
0x2cc: {  	v6 =	vld [tilespmem:$0x1FEF0]  }
0x2cd: {  	v7 =	vld [tilespmem:$0x1FF00];
	_ =	sdelay $0x1  }
0x2ce: {  	[tilespmem:v1+s14+$0x0] =	vst.idx.msk $0xffff, v0  }
0x2cf: {  	[tilespmem:v3+s14+$0x0] =	vst.idx.msk $0xffff, v2  }
0x2d0: {  	v1 =	vadd.s32 s17, v6;
	v0 =	vld [tilespmem:s18+$0xFFFFFFA0]  }
0x2d1: {  	v3 =	vadd.s32 s17, v7;
	v2 =	vld [tilespmem:s18+$0xFFFFFFB0]  }
0x2d2: {  	v8 =	vld [tilespmem:$0x1FF10]  }
0x2d3: {  	v9 =	vld [tilespmem:$0x1FF20];
	_ =	sdelay $0x1  }
0x2d4: {  	[tilespmem:v1+s14+$0x0] =	vst.idx.msk $0xffff, v0  }
0x2d5: {  	[tilespmem:v3+s14+$0x0] =	vst.idx.msk $0xffff, v2  }
0x2d6: {  	v1 =	vadd.s32 s17, v8;
	v0 =	vld [tilespmem:s18+$0xFFFFFFC0]  }
0x2d7: {  	v3 =	vadd.s32 s17, v9;
	v2 =	vld [tilespmem:s18+$0xFFFFFFD0]  }
0x2d8: {  	v10 =	vld [tilespmem:$0x1FF30]  }
0x2d9: {  	v11 =	vld [tilespmem:$0x1FF40];
	_ =	sdelay $0x1  }
0x2da: {  	[tilespmem:v1+s14+$0x0] =	vst.idx.msk $0xffff, v0  }
0x2db: {  	[tilespmem:v3+s14+$0x0] =	vst.idx.msk $0xffff, v2  }
0x2dc: {  	v1 =	vadd.s32 s17, v10;
	v0 =	vld [tilespmem:s18+$0xFFFFFFE0]  }
0x2dd: {  	v3 =	vadd.s32 s17, v11;
	v2 =	vld [tilespmem:s18+$0xFFFFFFF0]  }
0x2de: {  	v12 =	vld [tilespmem:$0x1FF50]  }
0x2df: {  	v13 =	vld [tilespmem:$0x1FF60];
	_ =	sdelay $0x1  }
0x2e0: {  	[tilespmem:v1+s14+$0x0] =	vst.idx.msk $0xffff, v0  }
0x2e1: {  	[tilespmem:v3+s14+$0x0] =	vst.idx.msk $0xffff, v2  }
0x2e2: {  	v1 =	vadd.s32 s17, v12;
	v0 =	vld [tilespmem:s18+$0x0]  }
0x2e3: {  	v3 =	vadd.s32 s17, v13;
	v2 =	vld [tilespmem:s18+$0x10]  }
0x2e4: {  	v14 =	vld [tilespmem:$0x1FF70]  }
0x2e5: {  	v15 =	vld [tilespmem:$0x1FF80];
	_ =	sdelay $0x1  }
0x2e6: {  	[tilespmem:v1+s14+$0x0] =	vst.idx.msk $0xffff, v0  }
0x2e7: {  	[tilespmem:v3+s14+$0x0] =	vst.idx.msk $0xffff, v2  }
0x2e8: {  	v1 =	vadd.s32 s17, v14;
	v0 =	vld [tilespmem:s18+$0x20]  }
0x2e9: {  	v3 =	vadd.s32 s17, v15;
	v2 =	vld [tilespmem:s18+$0x30]  }
0x2ea: {  	v16 =	vld [tilespmem:$0x1FF90]  }
0x2eb: {  	v17 =	vld [tilespmem:$0x1FFA0];
	_ =	sdelay $0x1  }
0x2ec: {  	[tilespmem:v1+s14+$0x0] =	vst.idx.msk $0xffff, v0  }
0x2ed: {  	[tilespmem:v3+s14+$0x0] =	vst.idx.msk $0xffff, v2  }
0x2ee: {  	v1 =	vadd.s32 s17, v16;
	v0 =	vld [tilespmem:s18+$0x40]  }
0x2ef: {  	v3 =	vadd.s32 s17, v17;
	v2 =	vld [tilespmem:s18+$0x50]  }
0x2f0: {  	v18 =	vld [tilespmem:$0x1FFB0];
	_ =	sdelay $0x1  }
0x2f1: {  	v19 =	vld [tilespmem:$0x1FFC0]  }
0x2f2: {  	[tilespmem:v1+s14+$0x0] =	vst.idx.msk $0xffff, v0  }
0x2f3: {  	[tilespmem:v3+s14+$0x0] =	vst.idx.msk $0xffff, v2  }
0x2f4: {  	v3 =	vadd.s32 s17, v18;
	v2 =	vld [tilespmem:s18+$0x60];
	_ =	sdelay $0x1  }
0x2f5: {  	v1 =	vadd.s32 s17, v19;
	v0 =	vld [tilespmem:s18+$0x70];
	_ =	sdelay $0x2  }
0x2f6: {  	s19 =	simm.s32 $0x8;
	[tilespmem:v3+s14+$0x0] =	vst.idx.msk $0xffff, v2  }
.LBB2_11:
0x2f7: {  	p0 =	sne.s32 s19, $0x78  }
0x2f8: {  	[tilespmem:v1+s14+$0x0] =	vst.idx.msk $0xffff, v0;
	s18 =	sadd.s32 $0x100, s18;
	s20 =	smov.u32 s19;
	s19 =	sadd.s32 $0x8, s19  }
0x2f9: {  	v0 =	vld [tilespmem:s18+$0xFFFFFF80];
	v1 =	vadd.s32 s20, v4  }
0x2fa: {  	v3 =	vadd.s32 s20, v5;
	v2 =	vld [tilespmem:s18+$0xFFFFFF90];
	_ =	sdelay $0x3  }
0x2fb: {  	[tilespmem:v1+s14+$0x0] =	vst.idx.msk $0xffff, v0  }
0x2fc: {  	[tilespmem:v3+s14+$0x0] =	vst.idx.msk $0xffff, v2  }
0x2fd: {  	v1 =	vadd.s32 s20, v6;
	v0 =	vld [tilespmem:s18+$0xFFFFFFA0]  }
0x2fe: {  	v3 =	vadd.s32 s20, v7;
	v2 =	vld [tilespmem:s18+$0xFFFFFFB0];
	_ =	sdelay $0x3  }
0x2ff: {  	[tilespmem:v1+s14+$0x0] =	vst.idx.msk $0xffff, v0  }
0x300: {  	[tilespmem:v3+s14+$0x0] =	vst.idx.msk $0xffff, v2  }
0x301: {  	v1 =	vadd.s32 s20, v8;
	v0 =	vld [tilespmem:s18+$0xFFFFFFC0]  }
0x302: {  	v3 =	vadd.s32 s20, v9;
	v2 =	vld [tilespmem:s18+$0xFFFFFFD0];
	_ =	sdelay $0x3  }
0x303: {  	[tilespmem:v1+s14+$0x0] =	vst.idx.msk $0xffff, v0  }
0x304: {  	[tilespmem:v3+s14+$0x0] =	vst.idx.msk $0xffff, v2  }
0x305: {  	v1 =	vadd.s32 s20, v10;
	v0 =	vld [tilespmem:s18+$0xFFFFFFE0]  }
0x306: {  	v3 =	vadd.s32 s20, v11;
	v2 =	vld [tilespmem:s18+$0xFFFFFFF0];
	_ =	sdelay $0x3  }
0x307: {  	[tilespmem:v1+s14+$0x0] =	vst.idx.msk $0xffff, v0  }
0x308: {  	[tilespmem:v3+s14+$0x0] =	vst.idx.msk $0xffff, v2  }
0x309: {  	v1 =	vadd.s32 s20, v12;
	v0 =	vld [tilespmem:s18+$0x0]  }
0x30a: {  	v3 =	vadd.s32 s20, v13;
	v2 =	vld [tilespmem:s18+$0x10];
	_ =	sdelay $0x3  }
0x30b: {  	[tilespmem:v1+s14+$0x0] =	vst.idx.msk $0xffff, v0  }
0x30c: {  	[tilespmem:v3+s14+$0x0] =	vst.idx.msk $0xffff, v2  }
0x30d: {  	v1 =	vadd.s32 s20, v14;
	v0 =	vld [tilespmem:s18+$0x20]  }
0x30e: {  	v3 =	vadd.s32 s20, v15;
	v2 =	vld [tilespmem:s18+$0x30];
	_ =	sdelay $0x3  }
0x30f: {  	[tilespmem:v1+s14+$0x0] =	vst.idx.msk $0xffff, v0  }
0x310: {  	[tilespmem:v3+s14+$0x0] =	vst.idx.msk $0xffff, v2  }
0x311: {  	v1 =	vadd.s32 s20, v16;
	v0 =	vld [tilespmem:s18+$0x40]  }
0x312: {  	v3 =	vadd.s32 s20, v17;
	v2 =	vld [tilespmem:s18+$0x50];
	_ =	sdelay $0x3  }
0x313: {  	[tilespmem:v1+s14+$0x0] =	vst.idx.msk $0xffff, v0  }
0x314: {  	[tilespmem:v3+s14+$0x0] =	vst.idx.msk $0xffff, v2  }
0x315: {  	v3 =	vadd.s32 s20, v18;
	v2 =	vld [tilespmem:s18+$0x60]  }
.Ltmp4:
0x316: {  	v1 =	vadd.s32 s20, v19;
	v0 =	vld [tilespmem:s18+$0x70];
	(pc) =	sbr.rel @p0 .LBB2_11-.Ltmp4, $2  }
0x317: {  	_ =	sdelay $0x2  }
0x318: {  	[tilespmem:v3+s14+$0x0] =	vst.idx.msk $0xffff, v2  }
0x319: {  	v4 =	vld [tilespmem:$0x1FFD0]  }
0x31a: {  	v18 =	vld [tilespmem:$0x1FFE0];
	_ =	sdelay $0x2  }
0x31b: {  	[tilespmem:v1+s14+$0x0] =	vst.idx.msk $0xffff, v0;
	s18 =	simm.s32 $0xB4F0  }
0x31c: {  	v0 =	vld [tilespmem:s18+$0xFFFFFF10];
	v1 =	vadd.s32 s17, v4  }
0x31d: {  	v2 =	vld [tilespmem:s18+$0xFFFFFF20];
	v3 =	vadd.s32 s17, v18  }
0x31e: {  	v19 =	vld [tilespmem:$0x1FFF0]  }
0x31f: {  	v5 =	vld [tilespmem:$0x1FEC0];
	_ =	sdelay $0x1  }
0x320: {  	[tilespmem:v1+s14+$0x0] =	vst.idx.msk $0xffff, v0  }
0x321: {  	[tilespmem:v3+s14+$0x0] =	vst.idx.msk $0xffff, v2  }
0x322: {  	v1 =	vadd.s32 s17, v19;
	v0 =	vld [tilespmem:s18+$0xFFFFFF30]  }
0x323: {  	v3 =	vadd.s32 s17, v5;
	v2 =	vld [tilespmem:s18+$0xFFFFFF40];
	_ =	sdelay $0x3  }
0x324: {  	[tilespmem:v1+s14+$0x0] =	vst.idx.msk $0xffff, v0  }
0x325: {  	[tilespmem:v3+s14+$0x0] =	vst.idx.msk $0xffff, v2  }
0x326: {  	v1 =	vadd.s32 s17, v20;
	v0 =	vld [tilespmem:s18+$0xFFFFFF50]  }
0x327: {  	v3 =	vadd.s32 s17, v21;
	v2 =	vld [tilespmem:s18+$0xFFFFFF60];
	_ =	sdelay $0x3  }
0x328: {  	[tilespmem:v1+s14+$0x0] =	vst.idx.msk $0xffff, v0  }
0x329: {  	[tilespmem:v3+s14+$0x0] =	vst.idx.msk $0xffff, v2  }
0x32a: {  	v1 =	vadd.s32 s17, v22;
	v0 =	vld [tilespmem:s18+$0xFFFFFF70]  }
0x32b: {  	v3 =	vadd.s32 s17, v23;
	v2 =	vld [tilespmem:s18+$0xFFFFFF80];
	_ =	sdelay $0x3  }
0x32c: {  	[tilespmem:v1+s14+$0x0] =	vst.idx.msk $0xffff, v0  }
0x32d: {  	[tilespmem:v3+s14+$0x0] =	vst.idx.msk $0xffff, v2  }
0x32e: {  	v1 =	vadd.s32 s17, v24;
	v0 =	vld [tilespmem:s18+$0xFFFFFF90]  }
0x32f: {  	v3 =	vadd.s32 s17, v25;
	v2 =	vld [tilespmem:s18+$0xFFFFFFA0];
	_ =	sdelay $0x3  }
0x330: {  	[tilespmem:v1+s14+$0x0] =	vst.idx.msk $0xffff, v0  }
0x331: {  	[tilespmem:v3+s14+$0x0] =	vst.idx.msk $0xffff, v2  }
0x332: {  	v1 =	vadd.s32 s17, v26;
	v0 =	vld [tilespmem:s18+$0xFFFFFFB0]  }
0x333: {  	v3 =	vadd.s32 s17, v27;
	v2 =	vld [tilespmem:s18+$0xFFFFFFC0];
	_ =	sdelay $0x3  }
0x334: {  	[tilespmem:v1+s14+$0x0] =	vst.idx.msk $0xffff, v0  }
0x335: {  	[tilespmem:v3+s14+$0x0] =	vst.idx.msk $0xffff, v2  }
0x336: {  	v1 =	vadd.s32 s17, v28;
	v0 =	vld [tilespmem:s18+$0xFFFFFFD0]  }
0x337: {  	v3 =	vadd.s32 s17, v29;
	v2 =	vld [tilespmem:s18+$0xFFFFFFE0];
	_ =	sdelay $0x3  }
0x338: {  	[tilespmem:v1+s14+$0x0] =	vst.idx.msk $0xffff, v0  }
0x339: {  	[tilespmem:v3+s14+$0x0] =	vst.idx.msk $0xffff, v2  }
0x33a: {  	v3 =	vadd.s32 s17, v30;
	v2 =	vld [tilespmem:s18+$0xFFFFFFF0];
	_ =	sdelay $0x1  }
0x33b: {  	v1 =	vadd.s32 s17, v31;
	v0 =	vld [tilespmem:s18+$0x0];
	_ =	sdelay $0x2  }
0x33c: {  	s19 =	simm.s32 $0x8;
	[tilespmem:v3+s14+$0x0] =	vst.idx.msk $0xffff, v2  }
.LBB2_13:
0x33d: {  	p0 =	sne.s32 s19, $0x78  }
0x33e: {  	[tilespmem:v1+s14+$0x0] =	vst.idx.msk $0xffff, v0;
	s18 =	sadd.s32 $0x100, s18;
	s17 =	smov.u32 s19;
	s19 =	sadd.s32 $0x8, s19  }
0x33f: {  	v0 =	vld [tilespmem:s18+$0xFFFFFF10];
	v1 =	vadd.s32 s17, v4  }
0x340: {  	v3 =	vadd.s32 s17, v18;
	v2 =	vld [tilespmem:s18+$0xFFFFFF20];
	_ =	sdelay $0x3  }
0x341: {  	[tilespmem:v1+s14+$0x0] =	vst.idx.msk $0xffff, v0  }
0x342: {  	[tilespmem:v3+s14+$0x0] =	vst.idx.msk $0xffff, v2  }
0x343: {  	v1 =	vadd.s32 s17, v19;
	v0 =	vld [tilespmem:s18+$0xFFFFFF30]  }
0x344: {  	v3 =	vadd.s32 s17, v5;
	v2 =	vld [tilespmem:s18+$0xFFFFFF40];
	_ =	sdelay $0x3  }
0x345: {  	[tilespmem:v1+s14+$0x0] =	vst.idx.msk $0xffff, v0  }
0x346: {  	[tilespmem:v3+s14+$0x0] =	vst.idx.msk $0xffff, v2  }
0x347: {  	v1 =	vadd.s32 s17, v20;
	v0 =	vld [tilespmem:s18+$0xFFFFFF50]  }
0x348: {  	v3 =	vadd.s32 s17, v21;
	v2 =	vld [tilespmem:s18+$0xFFFFFF60];
	_ =	sdelay $0x3  }
0x349: {  	[tilespmem:v1+s14+$0x0] =	vst.idx.msk $0xffff, v0  }
0x34a: {  	[tilespmem:v3+s14+$0x0] =	vst.idx.msk $0xffff, v2  }
0x34b: {  	v1 =	vadd.s32 s17, v22;
	v0 =	vld [tilespmem:s18+$0xFFFFFF70]  }
0x34c: {  	v3 =	vadd.s32 s17, v23;
	v2 =	vld [tilespmem:s18+$0xFFFFFF80];
	_ =	sdelay $0x3  }
0x34d: {  	[tilespmem:v1+s14+$0x0] =	vst.idx.msk $0xffff, v0  }
0x34e: {  	[tilespmem:v3+s14+$0x0] =	vst.idx.msk $0xffff, v2  }
0x34f: {  	v1 =	vadd.s32 s17, v24;
	v0 =	vld [tilespmem:s18+$0xFFFFFF90]  }
0x350: {  	v3 =	vadd.s32 s17, v25;
	v2 =	vld [tilespmem:s18+$0xFFFFFFA0];
	_ =	sdelay $0x3  }
0x351: {  	[tilespmem:v1+s14+$0x0] =	vst.idx.msk $0xffff, v0  }
0x352: {  	[tilespmem:v3+s14+$0x0] =	vst.idx.msk $0xffff, v2  }
0x353: {  	v1 =	vadd.s32 s17, v26;
	v0 =	vld [tilespmem:s18+$0xFFFFFFB0]  }
0x354: {  	v3 =	vadd.s32 s17, v27;
	v2 =	vld [tilespmem:s18+$0xFFFFFFC0];
	_ =	sdelay $0x3  }
0x355: {  	[tilespmem:v1+s14+$0x0] =	vst.idx.msk $0xffff, v0  }
0x356: {  	[tilespmem:v3+s14+$0x0] =	vst.idx.msk $0xffff, v2  }
0x357: {  	v1 =	vadd.s32 s17, v28;
	v0 =	vld [tilespmem:s18+$0xFFFFFFD0]  }
0x358: {  	v3 =	vadd.s32 s17, v29;
	v2 =	vld [tilespmem:s18+$0xFFFFFFE0];
	_ =	sdelay $0x3  }
0x359: {  	[tilespmem:v1+s14+$0x0] =	vst.idx.msk $0xffff, v0  }
0x35a: {  	[tilespmem:v3+s14+$0x0] =	vst.idx.msk $0xffff, v2  }
0x35b: {  	v3 =	vadd.s32 s17, v30;
	v2 =	vld [tilespmem:s18+$0xFFFFFFF0]  }
.Ltmp5:
0x35c: {  	v1 =	vadd.s32 s17, v31;
	v0 =	vld [tilespmem:s18+$0x0];
	(pc) =	sbr.rel @p0 .LBB2_13-.Ltmp5, $2  }
0x35d: {  	_ =	sdelay $0x2  }
0x35e: {  	[tilespmem:v3+s14+$0x0] =	vst.idx.msk $0xffff, v2  }
0x35f: {  	_ =	sdelay $0x3  }
0x360: {  	[tilespmem:v1+s14+$0x0] =	vst.idx.msk $0xffff, v0;
	s17 =	simm.s32 $0x0;
	s18 =	simm.s32 $0xC4F0  }
0x361: {  	v0 =	vld [tilespmem:s18+$0xFFFFFF10];
	v1 =	vadd.s32 s17, v32  }
0x362: {  	v2 =	vld [tilespmem:s18+$0xFFFFFF20];
	v3 =	vadd.s32 s17, v33;
	_ =	sdelay $0x3  }
0x363: {  	[tilespmem:v1+s14+$0x0] =	vst.idx.msk $0xffff, v0  }
0x364: {  	[tilespmem:v3+s14+$0x0] =	vst.idx.msk $0xffff, v2  }
0x365: {  	v1 =	vadd.s32 s17, v34;
	v0 =	vld [tilespmem:s18+$0xFFFFFF30]  }
0x366: {  	v3 =	vadd.s32 s17, v35;
	v2 =	vld [tilespmem:s18+$0xFFFFFF40];
	_ =	sdelay $0x3  }
0x367: {  	[tilespmem:v1+s14+$0x0] =	vst.idx.msk $0xffff, v0  }
0x368: {  	[tilespmem:v3+s14+$0x0] =	vst.idx.msk $0xffff, v2  }
0x369: {  	v1 =	vadd.s32 s17, v36;
	v0 =	vld [tilespmem:s18+$0xFFFFFF50]  }
0x36a: {  	v3 =	vadd.s32 s17, v37;
	v2 =	vld [tilespmem:s18+$0xFFFFFF60];
	_ =	sdelay $0x3  }
0x36b: {  	[tilespmem:v1+s14+$0x0] =	vst.idx.msk $0xffff, v0  }
0x36c: {  	[tilespmem:v3+s14+$0x0] =	vst.idx.msk $0xffff, v2  }
0x36d: {  	v1 =	vadd.s32 s17, v38;
	v0 =	vld [tilespmem:s18+$0xFFFFFF70]  }
0x36e: {  	v3 =	vadd.s32 s17, v39;
	v2 =	vld [tilespmem:s18+$0xFFFFFF80];
	_ =	sdelay $0x3  }
0x36f: {  	[tilespmem:v1+s14+$0x0] =	vst.idx.msk $0xffff, v0  }
0x370: {  	[tilespmem:v3+s14+$0x0] =	vst.idx.msk $0xffff, v2  }
0x371: {  	v1 =	vadd.s32 s17, v40;
	v0 =	vld [tilespmem:s18+$0xFFFFFF90]  }
0x372: {  	v3 =	vadd.s32 s17, v41;
	v2 =	vld [tilespmem:s18+$0xFFFFFFA0];
	_ =	sdelay $0x3  }
0x373: {  	[tilespmem:v1+s14+$0x0] =	vst.idx.msk $0xffff, v0  }
0x374: {  	[tilespmem:v3+s14+$0x0] =	vst.idx.msk $0xffff, v2  }
0x375: {  	v1 =	vadd.s32 s17, v42;
	v0 =	vld [tilespmem:s18+$0xFFFFFFB0]  }
0x376: {  	v3 =	vadd.s32 s17, v43;
	v2 =	vld [tilespmem:s18+$0xFFFFFFC0];
	_ =	sdelay $0x1  }
0x377: {  	v5 =	vld [tilespmem:$0x1FF00]  }
0x378: {  	v6 =	vld [tilespmem:$0x1FF10]  }
0x379: {  	v7 =	vld [tilespmem:$0x1FF20];
	[tilespmem:v1+s14+$0x0] =	vst.idx.msk $0xffff, v0  }
0x37a: {  	v8 =	vld [tilespmem:$0x1FF30];
	[tilespmem:v3+s14+$0x0] =	vst.idx.msk $0xffff, v2  }
0x37b: {  	v1 =	vadd.s32 s17, v44;
	v0 =	vld [tilespmem:s18+$0xFFFFFFD0]  }
0x37c: {  	v3 =	vadd.s32 s17, v45;
	v2 =	vld [tilespmem:s18+$0xFFFFFFE0]  }
0x37d: {  	v9 =	vld [tilespmem:$0x1FF40]  }
0x37e: {  	v10 =	vld [tilespmem:$0x1FF50]  }
0x37f: {  	v11 =	vld [tilespmem:$0x1FF60]  }
0x380: {  	v12 =	vld [tilespmem:$0x1FF70];
	[tilespmem:v1+s14+$0x0] =	vst.idx.msk $0xffff, v0  }
0x381: {  	v13 =	vld [tilespmem:$0x1FF80];
	[tilespmem:v3+s14+$0x0] =	vst.idx.msk $0xffff, v2  }
0x382: {  	v3 =	vadd.s32 s17, v46;
	v2 =	vld [tilespmem:s18+$0xFFFFFFF0]  }
0x383: {  	v14 =	vld [tilespmem:$0x1FF90]  }
0x384: {  	v1 =	vadd.s32 s17, v47;
	v0 =	vld [tilespmem:s18+$0x0]  }
0x385: {  	v15 =	vld [tilespmem:$0x1FFA0]  }
0x386: {  	v16 =	vld [tilespmem:$0x1FFB0]  }
0x387: {  	s19 =	simm.s32 $0x8;
	v17 =	vld [tilespmem:$0x1FFC0];
	[tilespmem:v3+s14+$0x0] =	vst.idx.msk $0xffff, v2  }
.LBB2_15:
0x388: {  	p0 =	sne.s32 s19, $0x78  }
0x389: {  	[tilespmem:v1+s14+$0x0] =	vst.idx.msk $0xffff, v0;
	s18 =	sadd.s32 $0x100, s18;
	s20 =	smov.u32 s19;
	s19 =	sadd.s32 $0x8, s19  }
0x38a: {  	v0 =	vld [tilespmem:s18+$0xFFFFFF10];
	v1 =	vadd.s32 s20, v32  }
0x38b: {  	v3 =	vadd.s32 s20, v33;
	v2 =	vld [tilespmem:s18+$0xFFFFFF20];
	_ =	sdelay $0x3  }
0x38c: {  	[tilespmem:v1+s14+$0x0] =	vst.idx.msk $0xffff, v0  }
0x38d: {  	[tilespmem:v3+s14+$0x0] =	vst.idx.msk $0xffff, v2  }
0x38e: {  	v1 =	vadd.s32 s20, v34;
	v0 =	vld [tilespmem:s18+$0xFFFFFF30]  }
0x38f: {  	v3 =	vadd.s32 s20, v35;
	v2 =	vld [tilespmem:s18+$0xFFFFFF40];
	_ =	sdelay $0x3  }
0x390: {  	[tilespmem:v1+s14+$0x0] =	vst.idx.msk $0xffff, v0  }
0x391: {  	[tilespmem:v3+s14+$0x0] =	vst.idx.msk $0xffff, v2  }
0x392: {  	v1 =	vadd.s32 s20, v36;
	v0 =	vld [tilespmem:s18+$0xFFFFFF50]  }
0x393: {  	v3 =	vadd.s32 s20, v37;
	v2 =	vld [tilespmem:s18+$0xFFFFFF60];
	_ =	sdelay $0x3  }
0x394: {  	[tilespmem:v1+s14+$0x0] =	vst.idx.msk $0xffff, v0  }
0x395: {  	[tilespmem:v3+s14+$0x0] =	vst.idx.msk $0xffff, v2  }
0x396: {  	v1 =	vadd.s32 s20, v38;
	v0 =	vld [tilespmem:s18+$0xFFFFFF70]  }
0x397: {  	v3 =	vadd.s32 s20, v39;
	v2 =	vld [tilespmem:s18+$0xFFFFFF80];
	_ =	sdelay $0x3  }
0x398: {  	[tilespmem:v1+s14+$0x0] =	vst.idx.msk $0xffff, v0  }
0x399: {  	[tilespmem:v3+s14+$0x0] =	vst.idx.msk $0xffff, v2  }
0x39a: {  	v1 =	vadd.s32 s20, v40;
	v0 =	vld [tilespmem:s18+$0xFFFFFF90]  }
0x39b: {  	v3 =	vadd.s32 s20, v41;
	v2 =	vld [tilespmem:s18+$0xFFFFFFA0];
	_ =	sdelay $0x3  }
0x39c: {  	[tilespmem:v1+s14+$0x0] =	vst.idx.msk $0xffff, v0  }
0x39d: {  	[tilespmem:v3+s14+$0x0] =	vst.idx.msk $0xffff, v2  }
0x39e: {  	v1 =	vadd.s32 s20, v42;
	v0 =	vld [tilespmem:s18+$0xFFFFFFB0]  }
0x39f: {  	v3 =	vadd.s32 s20, v43;
	v2 =	vld [tilespmem:s18+$0xFFFFFFC0];
	_ =	sdelay $0x3  }
0x3a0: {  	[tilespmem:v1+s14+$0x0] =	vst.idx.msk $0xffff, v0  }
0x3a1: {  	[tilespmem:v3+s14+$0x0] =	vst.idx.msk $0xffff, v2  }
0x3a2: {  	v1 =	vadd.s32 s20, v44;
	v0 =	vld [tilespmem:s18+$0xFFFFFFD0]  }
0x3a3: {  	v3 =	vadd.s32 s20, v45;
	v2 =	vld [tilespmem:s18+$0xFFFFFFE0];
	_ =	sdelay $0x3  }
0x3a4: {  	[tilespmem:v1+s14+$0x0] =	vst.idx.msk $0xffff, v0  }
0x3a5: {  	[tilespmem:v3+s14+$0x0] =	vst.idx.msk $0xffff, v2  }
0x3a6: {  	v3 =	vadd.s32 s20, v46;
	v2 =	vld [tilespmem:s18+$0xFFFFFFF0]  }
.Ltmp6:
0x3a7: {  	v1 =	vadd.s32 s20, v47;
	v0 =	vld [tilespmem:s18+$0x0];
	(pc) =	sbr.rel @p0 .LBB2_15-.Ltmp6, $2  }
0x3a8: {  	_ =	sdelay $0x2  }
0x3a9: {  	[tilespmem:v3+s14+$0x0] =	vst.idx.msk $0xffff, v2  }
0x3aa: {  	_ =	sdelay $0x3  }
0x3ab: {  	[tilespmem:v1+s14+$0x0] =	vst.idx.msk $0xffff, v0;
	s18 =	simm.s32 $0xD4F0  }
0x3ac: {  	v1 =	vadd.s32 s17, v48;
	v0 =	vld [tilespmem:s18+$0xFFFFFF10]  }
0x3ad: {  	v3 =	vadd.s32 s17, v49;
	v2 =	vld [tilespmem:s18+$0xFFFFFF20];
	_ =	sdelay $0x3  }
0x3ae: {  	[tilespmem:v1+s14+$0x0] =	vst.idx.msk $0xffff, v0  }
0x3af: {  	[tilespmem:v3+s14+$0x0] =	vst.idx.msk $0xffff, v2  }
0x3b0: {  	v1 =	vadd.s32 s17, v50;
	v0 =	vld [tilespmem:s18+$0xFFFFFF30]  }
0x3b1: {  	v3 =	vadd.s32 s17, v51;
	v2 =	vld [tilespmem:s18+$0xFFFFFF40];
	_ =	sdelay $0x3  }
0x3b2: {  	[tilespmem:v1+s14+$0x0] =	vst.idx.msk $0xffff, v0  }
0x3b3: {  	[tilespmem:v3+s14+$0x0] =	vst.idx.msk $0xffff, v2  }
0x3b4: {  	v1 =	vadd.s32 s17, v52;
	v0 =	vld [tilespmem:s18+$0xFFFFFF50]  }
0x3b5: {  	v3 =	vadd.s32 s17, v53;
	v2 =	vld [tilespmem:s18+$0xFFFFFF60];
	_ =	sdelay $0x3  }
0x3b6: {  	[tilespmem:v1+s14+$0x0] =	vst.idx.msk $0xffff, v0  }
0x3b7: {  	[tilespmem:v3+s14+$0x0] =	vst.idx.msk $0xffff, v2  }
0x3b8: {  	v1 =	vadd.s32 s17, v54;
	v0 =	vld [tilespmem:s18+$0xFFFFFF70]  }
0x3b9: {  	v3 =	vadd.s32 s17, v55;
	v2 =	vld [tilespmem:s18+$0xFFFFFF80];
	_ =	sdelay $0x3  }
0x3ba: {  	[tilespmem:v1+s14+$0x0] =	vst.idx.msk $0xffff, v0  }
0x3bb: {  	[tilespmem:v3+s14+$0x0] =	vst.idx.msk $0xffff, v2  }
0x3bc: {  	v1 =	vadd.s32 s17, v56;
	v0 =	vld [tilespmem:s18+$0xFFFFFF90]  }
0x3bd: {  	v3 =	vadd.s32 s17, v57;
	v2 =	vld [tilespmem:s18+$0xFFFFFFA0];
	_ =	sdelay $0x3  }
0x3be: {  	[tilespmem:v1+s14+$0x0] =	vst.idx.msk $0xffff, v0  }
0x3bf: {  	[tilespmem:v3+s14+$0x0] =	vst.idx.msk $0xffff, v2  }
0x3c0: {  	v1 =	vadd.s32 s17, v58;
	v0 =	vld [tilespmem:s18+$0xFFFFFFB0]  }
0x3c1: {  	v3 =	vadd.s32 s17, v59;
	v2 =	vld [tilespmem:s18+$0xFFFFFFC0];
	_ =	sdelay $0x3  }
0x3c2: {  	[tilespmem:v1+s14+$0x0] =	vst.idx.msk $0xffff, v0  }
0x3c3: {  	[tilespmem:v3+s14+$0x0] =	vst.idx.msk $0xffff, v2  }
0x3c4: {  	v1 =	vadd.s32 s17, v60;
	v0 =	vld [tilespmem:s18+$0xFFFFFFD0]  }
0x3c5: {  	v3 =	vadd.s32 s17, v61;
	v2 =	vld [tilespmem:s18+$0xFFFFFFE0];
	_ =	sdelay $0x3  }
0x3c6: {  	[tilespmem:v1+s14+$0x0] =	vst.idx.msk $0xffff, v0  }
0x3c7: {  	[tilespmem:v3+s14+$0x0] =	vst.idx.msk $0xffff, v2  }
0x3c8: {  	v3 =	vadd.s32 s17, v62;
	v2 =	vld [tilespmem:s18+$0xFFFFFFF0];
	_ =	sdelay $0x1  }
0x3c9: {  	v1 =	vadd.s32 s17, v63;
	v0 =	vld [tilespmem:s18+$0x0];
	_ =	sdelay $0x2  }
0x3ca: {  	s19 =	simm.s32 $0x8;
	[tilespmem:v3+s14+$0x0] =	vst.idx.msk $0xffff, v2  }
.LBB2_17:
0x3cb: {  	p0 =	sne.s32 s19, $0x78  }
0x3cc: {  	[tilespmem:v1+s14+$0x0] =	vst.idx.msk $0xffff, v0;
	s18 =	sadd.s32 $0x100, s18;
	s17 =	smov.u32 s19;
	s19 =	sadd.s32 $0x8, s19  }
0x3cd: {  	v0 =	vld [tilespmem:s18+$0xFFFFFF10];
	v1 =	vadd.s32 s17, v48  }
0x3ce: {  	v3 =	vadd.s32 s17, v49;
	v2 =	vld [tilespmem:s18+$0xFFFFFF20];
	_ =	sdelay $0x3  }
0x3cf: {  	[tilespmem:v1+s14+$0x0] =	vst.idx.msk $0xffff, v0  }
0x3d0: {  	[tilespmem:v3+s14+$0x0] =	vst.idx.msk $0xffff, v2  }
0x3d1: {  	v1 =	vadd.s32 s17, v50;
	v0 =	vld [tilespmem:s18+$0xFFFFFF30]  }
0x3d2: {  	v3 =	vadd.s32 s17, v51;
	v2 =	vld [tilespmem:s18+$0xFFFFFF40];
	_ =	sdelay $0x3  }
0x3d3: {  	[tilespmem:v1+s14+$0x0] =	vst.idx.msk $0xffff, v0  }
0x3d4: {  	[tilespmem:v3+s14+$0x0] =	vst.idx.msk $0xffff, v2  }
0x3d5: {  	v1 =	vadd.s32 s17, v52;
	v0 =	vld [tilespmem:s18+$0xFFFFFF50]  }
0x3d6: {  	v3 =	vadd.s32 s17, v53;
	v2 =	vld [tilespmem:s18+$0xFFFFFF60];
	_ =	sdelay $0x3  }
0x3d7: {  	[tilespmem:v1+s14+$0x0] =	vst.idx.msk $0xffff, v0  }
0x3d8: {  	[tilespmem:v3+s14+$0x0] =	vst.idx.msk $0xffff, v2  }
0x3d9: {  	v1 =	vadd.s32 s17, v54;
	v0 =	vld [tilespmem:s18+$0xFFFFFF70]  }
0x3da: {  	v3 =	vadd.s32 s17, v55;
	v2 =	vld [tilespmem:s18+$0xFFFFFF80];
	_ =	sdelay $0x3  }
0x3db: {  	[tilespmem:v1+s14+$0x0] =	vst.idx.msk $0xffff, v0  }
0x3dc: {  	[tilespmem:v3+s14+$0x0] =	vst.idx.msk $0xffff, v2  }
0x3dd: {  	v1 =	vadd.s32 s17, v56;
	v0 =	vld [tilespmem:s18+$0xFFFFFF90]  }
0x3de: {  	v3 =	vadd.s32 s17, v57;
	v2 =	vld [tilespmem:s18+$0xFFFFFFA0];
	_ =	sdelay $0x3  }
0x3df: {  	[tilespmem:v1+s14+$0x0] =	vst.idx.msk $0xffff, v0  }
0x3e0: {  	[tilespmem:v3+s14+$0x0] =	vst.idx.msk $0xffff, v2  }
0x3e1: {  	v1 =	vadd.s32 s17, v58;
	v0 =	vld [tilespmem:s18+$0xFFFFFFB0]  }
0x3e2: {  	v3 =	vadd.s32 s17, v59;
	v2 =	vld [tilespmem:s18+$0xFFFFFFC0];
	_ =	sdelay $0x3  }
0x3e3: {  	[tilespmem:v1+s14+$0x0] =	vst.idx.msk $0xffff, v0  }
0x3e4: {  	[tilespmem:v3+s14+$0x0] =	vst.idx.msk $0xffff, v2  }
0x3e5: {  	v1 =	vadd.s32 s17, v60;
	v0 =	vld [tilespmem:s18+$0xFFFFFFD0]  }
0x3e6: {  	v3 =	vadd.s32 s17, v61;
	v2 =	vld [tilespmem:s18+$0xFFFFFFE0];
	_ =	sdelay $0x3  }
0x3e7: {  	[tilespmem:v1+s14+$0x0] =	vst.idx.msk $0xffff, v0  }
0x3e8: {  	[tilespmem:v3+s14+$0x0] =	vst.idx.msk $0xffff, v2  }
0x3e9: {  	v3 =	vadd.s32 s17, v62;
	v2 =	vld [tilespmem:s18+$0xFFFFFFF0]  }
.Ltmp7:
0x3ea: {  	v1 =	vadd.s32 s17, v63;
	v0 =	vld [tilespmem:s18+$0x0];
	(pc) =	sbr.rel @p0 .LBB2_17-.Ltmp7, $2  }
0x3eb: {  	_ =	sdelay $0x2  }
0x3ec: {  	[tilespmem:v3+s14+$0x0] =	vst.idx.msk $0xffff, v2  }
0x3ed: {  	s16 =	sadd.s32 s5, s16  }
0x3ee: {  	s17 =	sshll.u32 s16, $0x9;
	s16 =	sshll.u32 s16, $0x4  }
0x3ef: {  	s17 =	sand.u32 $0xFFE0000, s17;
	s16 =	sand.u32 $0xF80, s16  }
0x3f0: {  	s18 =	rddreg [dreg:$0x14];
	s16 =	sor.u32 s16, s17  }
0x3f1: {  	[tilespmem:v1+s14+$0x0] =	vst.idx.msk $0xffff, v0;
	s17 =	sadd.s32 s16, s18  }
0x3f2: {  	[hbm4b:s17+s3] =	stream.linear.scatter [tilespmem:s14], [sflag:$0x4], $0x80, $0x38;
	[tilespmem:$0x16C00] =	vst v63  }
0x3f3: {  	s19 =	simm.s32 $0x12888;
	s18 =	sadd.s32 $0x10, s17  }
0x3f4: {  	[hbm4b:s18+s3] =	stream.linear.scatter [tilespmem:s19], [sflag:$0x4], $0x80, $0x38;
	[tilespmem:$0x16C00] =	vst v63  }
0x3f5: {  	s20 =	simm.s32 $0x12910;
	s19 =	sadd.s32 $0x20, s17  }
0x3f6: {  	[hbm4b:s19+s3] =	stream.linear.scatter [tilespmem:s20], [sflag:$0x4], $0x80, $0x38;
	[tilespmem:$0x16C00] =	vst v63  }
0x3f7: {  	s22 =	simm.s32 $0x12998;
	s21 =	sadd.s32 $0x30, s17  }
0x3f8: {  	[hbm4b:s21+s3] =	stream.linear.scatter [tilespmem:s22], [sflag:$0x4], $0x80, $0x38;
	[tilespmem:$0x16C00] =	vst v63  }
0x3f9: {  	s19 =	sadd.s32 $0x40, s17;
	s20 =	simm.s32 $0x12A20  }
0x3fa: {  	[hbm4b:s19+s3] =	stream.linear.scatter [tilespmem:s20], [sflag:$0x4], $0x80, $0x38;
	[tilespmem:$0x16C00] =	vst v63  }
0x3fb: {  	s21 =	sadd.s32 $0x50, s17;
	s22 =	simm.s32 $0x12AA8  }
0x3fc: {  	[hbm4b:s21+s3] =	stream.linear.scatter [tilespmem:s22], [sflag:$0x4], $0x80, $0x38;
	[tilespmem:$0x16C00] =	vst v63  }
0x3fd: {  	s19 =	sadd.s32 $0x60, s17;
	s20 =	simm.s32 $0x12B30  }
0x3fe: {  	[hbm4b:s19+s3] =	stream.linear.scatter [tilespmem:s20], [sflag:$0x4], $0x80, $0x38;
	[tilespmem:$0x16C00] =	vst v63  }
0x3ff: {  	s17 =	sadd.s32 $0x70, s17;
	s21 =	simm.s32 $0x12BB8  }
0x400: {  	[hbm4b:s17+s3] =	stream.linear.scatter [tilespmem:s21], [sflag:$0x4], $0x80, $0x38;
	[tilespmem:$0x16C00] =	vst v63  }
0x401: {  	s22 =	simm.s32 $0x12C40;
	s17 =	sadd.s32 s16, s23  }
0x402: {  	[hbm4b:s17+s3] =	stream.linear.scatter [tilespmem:s22], [sflag:$0x4], $0x80, $0x38;
	[tilespmem:$0x16C00] =	vst v63  }
0x403: {  	s20 =	simm.s32 $0x12CC8;
	s19 =	sadd.s32 $0x10, s17  }
0x404: {  	[hbm4b:s19+s3] =	stream.linear.scatter [tilespmem:s20], [sflag:$0x4], $0x80, $0x38;
	[tilespmem:$0x16C00] =	vst v63  }
0x405: {  	s21 =	sadd.s32 $0x20, s17;
	s22 =	simm.s32 $0x12D50  }
0x406: {  	[hbm4b:s21+s3] =	stream.linear.scatter [tilespmem:s22], [sflag:$0x4], $0x80, $0x38;
	[tilespmem:$0x16C00] =	vst v63  }
0x407: {  	s19 =	sadd.s32 $0x30, s17;
	s20 =	simm.s32 $0x12DD8  }
0x408: {  	[hbm4b:s19+s3] =	stream.linear.scatter [tilespmem:s20], [sflag:$0x4], $0x80, $0x38;
	[tilespmem:$0x16C00] =	vst v63  }
0x409: {  	s21 =	sadd.s32 $0x40, s17;
	s22 =	simm.s32 $0x12E60  }
0x40a: {  	[hbm4b:s21+s3] =	stream.linear.scatter [tilespmem:s22], [sflag:$0x4], $0x80, $0x38;
	[tilespmem:$0x16C00] =	vst v63  }
0x40b: {  	s19 =	sadd.s32 $0x50, s17;
	s20 =	simm.s32 $0x12EE8  }
0x40c: {  	[hbm4b:s19+s3] =	stream.linear.scatter [tilespmem:s20], [sflag:$0x4], $0x80, $0x38;
	[tilespmem:$0x16C00] =	vst v63  }
0x40d: {  	s21 =	sadd.s32 $0x60, s17;
	s22 =	simm.s32 $0x12F70  }
0x40e: {  	[hbm4b:s21+s3] =	stream.linear.scatter [tilespmem:s22], [sflag:$0x4], $0x80, $0x38;
	[tilespmem:$0x16C00] =	vst v63  }
0x40f: {  	s17 =	sadd.s32 $0x70, s17;
	s19 =	simm.s32 $0x12FF8  }
0x410: {  	[hbm4b:s17+s3] =	stream.linear.scatter [tilespmem:s19], [sflag:$0x4], $0x80, $0x38;
	[tilespmem:$0x16C00] =	vst v63  }
0x411: {  	s20 =	simm.s32 $0x13080;
	s17 =	sadd.s32 s16, s24  }
0x412: {  	[hbm4b:s17+s3] =	stream.linear.scatter [tilespmem:s20], [sflag:$0x4], $0x80, $0x38;
	[tilespmem:$0x16C00] =	vst v63  }
0x413: {  	s22 =	simm.s32 $0x13108;
	s21 =	sadd.s32 $0x10, s17  }
0x414: {  	[hbm4b:s21+s3] =	stream.linear.scatter [tilespmem:s22], [sflag:$0x4], $0x80, $0x38;
	[tilespmem:$0x16C00] =	vst v63  }
0x415: {  	s19 =	sadd.s32 $0x20, s17;
	s20 =	simm.s32 $0x13190  }
0x416: {  	[hbm4b:s19+s3] =	stream.linear.scatter [tilespmem:s20], [sflag:$0x4], $0x80, $0x38;
	[tilespmem:$0x16C00] =	vst v63  }
0x417: {  	s21 =	sadd.s32 $0x30, s17;
	s22 =	simm.s32 $0x13218  }
0x418: {  	[hbm4b:s21+s3] =	stream.linear.scatter [tilespmem:s22], [sflag:$0x4], $0x80, $0x38;
	[tilespmem:$0x16C00] =	vst v63  }
0x419: {  	s19 =	sadd.s32 $0x40, s17;
	s20 =	simm.s32 $0x132A0  }
0x41a: {  	[hbm4b:s19+s3] =	stream.linear.scatter [tilespmem:s20], [sflag:$0x4], $0x80, $0x38;
	[tilespmem:$0x16C00] =	vst v63  }
0x41b: {  	s21 =	sadd.s32 $0x50, s17;
	s22 =	simm.s32 $0x13328  }
0x41c: {  	[hbm4b:s21+s3] =	stream.linear.scatter [tilespmem:s22], [sflag:$0x4], $0x80, $0x38;
	[tilespmem:$0x16C00] =	vst v63  }
0x41d: {  	s19 =	sadd.s32 $0x60, s17;
	s20 =	simm.s32 $0x133B0  }
0x41e: {  	[hbm4b:s19+s3] =	stream.linear.scatter [tilespmem:s20], [sflag:$0x4], $0x80, $0x38;
	[tilespmem:$0x16C00] =	vst v63  }
0x41f: {  	s17 =	sadd.s32 $0x70, s17;
	s21 =	simm.s32 $0x13438  }
0x420: {  	[hbm4b:s17+s3] =	stream.linear.scatter [tilespmem:s21], [sflag:$0x4], $0x80, $0x38;
	[tilespmem:$0x16C00] =	vst v63  }
0x421: {  	s22 =	simm.s32 $0x134C0;
	s17 =	sadd.s32 s16, s26  }
0x422: {  	[hbm4b:s17+s3] =	stream.linear.scatter [tilespmem:s22], [sflag:$0x4], $0x80, $0x38;
	[tilespmem:$0x16C00] =	vst v63  }
0x423: {  	s20 =	simm.s32 $0x13548;
	s19 =	sadd.s32 $0x10, s17  }
0x424: {  	[hbm4b:s19+s3] =	stream.linear.scatter [tilespmem:s20], [sflag:$0x4], $0x80, $0x38;
	[tilespmem:$0x16C00] =	vst v63  }
0x425: {  	s21 =	sadd.s32 $0x20, s17;
	s22 =	simm.s32 $0x135D0  }
0x426: {  	[hbm4b:s21+s3] =	stream.linear.scatter [tilespmem:s22], [sflag:$0x4], $0x80, $0x38;
	[tilespmem:$0x16C00] =	vst v63  }
0x427: {  	s19 =	sadd.s32 $0x30, s17;
	s20 =	simm.s32 $0x13658  }
0x428: {  	[hbm4b:s19+s3] =	stream.linear.scatter [tilespmem:s20], [sflag:$0x4], $0x80, $0x38;
	[tilespmem:$0x16C00] =	vst v63  }
0x429: {  	s21 =	sadd.s32 $0x40, s17;
	s22 =	simm.s32 $0x136E0  }
0x42a: {  	[hbm4b:s21+s3] =	stream.linear.scatter [tilespmem:s22], [sflag:$0x4], $0x80, $0x38;
	[tilespmem:$0x16C00] =	vst v63  }
0x42b: {  	s19 =	sadd.s32 $0x50, s17;
	s20 =	simm.s32 $0x13768  }
0x42c: {  	[hbm4b:s19+s3] =	stream.linear.scatter [tilespmem:s20], [sflag:$0x4], $0x80, $0x38;
	[tilespmem:$0x16C00] =	vst v63  }
0x42d: {  	s21 =	sadd.s32 $0x60, s17;
	s22 =	simm.s32 $0x137F0  }
0x42e: {  	[hbm4b:s21+s3] =	stream.linear.scatter [tilespmem:s22], [sflag:$0x4], $0x80, $0x38;
	[tilespmem:$0x16C00] =	vst v63  }
0x42f: {  	s17 =	sadd.s32 $0x70, s17;
	s19 =	simm.s32 $0x13878  }
0x430: {  	[hbm4b:s17+s3] =	stream.linear.scatter [tilespmem:s19], [sflag:$0x4], $0x80, $0x38;
	[tilespmem:$0x16C00] =	vst v63  }
0x431: {  	s20 =	simm.s32 $0x13900;
	s17 =	sadd.s32 s16, s28  }
0x432: {  	[hbm4b:s17+s3] =	stream.linear.scatter [tilespmem:s20], [sflag:$0x4], $0x80, $0x38;
	[tilespmem:$0x16C00] =	vst v63  }
0x433: {  	s22 =	simm.s32 $0x13988;
	s21 =	sadd.s32 $0x10, s17  }
0x434: {  	[hbm4b:s21+s3] =	stream.linear.scatter [tilespmem:s22], [sflag:$0x4], $0x80, $0x38;
	[tilespmem:$0x16C00] =	vst v63  }
0x435: {  	s19 =	sadd.s32 $0x20, s17;
	s20 =	simm.s32 $0x13A10  }
0x436: {  	[hbm4b:s19+s3] =	stream.linear.scatter [tilespmem:s20], [sflag:$0x4], $0x80, $0x38;
	[tilespmem:$0x16C00] =	vst v63  }
0x437: {  	s21 =	sadd.s32 $0x30, s17;
	s22 =	simm.s32 $0x13A98  }
0x438: {  	[hbm4b:s21+s3] =	stream.linear.scatter [tilespmem:s22], [sflag:$0x4], $0x80, $0x38;
	[tilespmem:$0x16C00] =	vst v63  }
0x439: {  	s19 =	sadd.s32 $0x40, s17;
	s20 =	simm.s32 $0x13B20  }
0x43a: {  	[hbm4b:s19+s3] =	stream.linear.scatter [tilespmem:s20], [sflag:$0x4], $0x80, $0x38;
	[tilespmem:$0x16C00] =	vst v63  }
0x43b: {  	s21 =	sadd.s32 $0x50, s17;
	s22 =	simm.s32 $0x13BA8  }
0x43c: {  	[hbm4b:s21+s3] =	stream.linear.scatter [tilespmem:s22], [sflag:$0x4], $0x80, $0x38;
	[tilespmem:$0x16C00] =	vst v63  }
0x43d: {  	s19 =	sadd.s32 $0x60, s17;
	s20 =	simm.s32 $0x13C30  }
0x43e: {  	[hbm4b:s19+s3] =	stream.linear.scatter [tilespmem:s20], [sflag:$0x4], $0x80, $0x38;
	[tilespmem:$0x16C00] =	vst v63  }
0x43f: {  	s17 =	sadd.s32 $0x70, s17;
	s21 =	simm.s32 $0x13CB8  }
0x440: {  	[hbm4b:s17+s3] =	stream.linear.scatter [tilespmem:s21], [sflag:$0x4], $0x80, $0x38;
	[tilespmem:$0x16C00] =	vst v63  }
0x441: {  	s22 =	simm.s32 $0x13D40;
	s17 =	sadd.s32 s16, s29  }
0x442: {  	[hbm4b:s17+s3] =	stream.linear.scatter [tilespmem:s22], [sflag:$0x4], $0x80, $0x38;
	[tilespmem:$0x16C00] =	vst v63  }
0x443: {  	s20 =	simm.s32 $0x13DC8;
	s19 =	sadd.s32 $0x10, s17  }
0x444: {  	[hbm4b:s19+s3] =	stream.linear.scatter [tilespmem:s20], [sflag:$0x4], $0x80, $0x38;
	[tilespmem:$0x16C00] =	vst v63  }
0x445: {  	s21 =	sadd.s32 $0x20, s17;
	s22 =	simm.s32 $0x13E50  }
0x446: {  	[hbm4b:s21+s3] =	stream.linear.scatter [tilespmem:s22], [sflag:$0x4], $0x80, $0x38;
	[tilespmem:$0x16C00] =	vst v63  }
0x447: {  	s19 =	sadd.s32 $0x30, s17;
	s20 =	simm.s32 $0x13ED8  }
0x448: {  	[hbm4b:s19+s3] =	stream.linear.scatter [tilespmem:s20], [sflag:$0x4], $0x80, $0x38;
	[tilespmem:$0x16C00] =	vst v63  }
0x449: {  	s21 =	sadd.s32 $0x40, s17;
	s22 =	simm.s32 $0x13F60  }
0x44a: {  	[hbm4b:s21+s3] =	stream.linear.scatter [tilespmem:s22], [sflag:$0x4], $0x80, $0x38;
	[tilespmem:$0x16C00] =	vst v63  }
0x44b: {  	s19 =	sadd.s32 $0x50, s17;
	s20 =	simm.s32 $0x13FE8  }
0x44c: {  	[hbm4b:s19+s3] =	stream.linear.scatter [tilespmem:s20], [sflag:$0x4], $0x80, $0x38;
	[tilespmem:$0x16C00] =	vst v63  }
0x44d: {  	s21 =	sadd.s32 $0x60, s17;
	s22 =	simm.s32 $0x14070  }
0x44e: {  	[hbm4b:s21+s3] =	stream.linear.scatter [tilespmem:s22], [sflag:$0x4], $0x80, $0x38;
	[tilespmem:$0x16C00] =	vst v63  }
0x44f: {  	s17 =	sadd.s32 $0x70, s17;
	s19 =	simm.s32 $0x140F8  }
0x450: {  	[hbm4b:s17+s3] =	stream.linear.scatter [tilespmem:s19], [sflag:$0x4], $0x80, $0x38;
	[tilespmem:$0x16C00] =	vst v63  }
0x451: {  	s20 =	simm.s32 $0x14180;
	s17 =	sadd.s32 s16, s30  }
0x452: {  	[hbm4b:s17+s3] =	stream.linear.scatter [tilespmem:s20], [sflag:$0x4], $0x80, $0x38;
	[tilespmem:$0x16C00] =	vst v63  }
0x453: {  	s22 =	simm.s32 $0x14208;
	s21 =	sadd.s32 $0x10, s17  }
0x454: {  	[hbm4b:s21+s3] =	stream.linear.scatter [tilespmem:s22], [sflag:$0x4], $0x80, $0x38;
	[tilespmem:$0x16C00] =	vst v63  }
0x455: {  	s19 =	sadd.s32 $0x20, s17;
	s20 =	simm.s32 $0x14290  }
0x456: {  	[hbm4b:s19+s3] =	stream.linear.scatter [tilespmem:s20], [sflag:$0x4], $0x80, $0x38;
	[tilespmem:$0x16C00] =	vst v63  }
0x457: {  	s21 =	sadd.s32 $0x30, s17;
	s22 =	simm.s32 $0x14318  }
0x458: {  	[hbm4b:s21+s3] =	stream.linear.scatter [tilespmem:s22], [sflag:$0x4], $0x80, $0x38;
	[tilespmem:$0x16C00] =	vst v63  }
0x459: {  	s19 =	sadd.s32 $0x40, s17;
	s20 =	simm.s32 $0x143A0  }
0x45a: {  	[hbm4b:s19+s3] =	stream.linear.scatter [tilespmem:s20], [sflag:$0x4], $0x80, $0x38;
	[tilespmem:$0x16C00] =	vst v63  }
0x45b: {  	s21 =	sadd.s32 $0x50, s17;
	s22 =	simm.s32 $0x14428  }
0x45c: {  	[hbm4b:s21+s3] =	stream.linear.scatter [tilespmem:s22], [sflag:$0x4], $0x80, $0x38;
	[tilespmem:$0x16C00] =	vst v63  }
0x45d: {  	s19 =	sadd.s32 $0x60, s17;
	s20 =	simm.s32 $0x144B0  }
0x45e: {  	[hbm4b:s19+s3] =	stream.linear.scatter [tilespmem:s20], [sflag:$0x4], $0x80, $0x38;
	[tilespmem:$0x16C00] =	vst v63  }
0x45f: {  	s17 =	sadd.s32 $0x70, s17;
	s21 =	simm.s32 $0x14538  }
0x460: {  	[hbm4b:s17+s3] =	stream.linear.scatter [tilespmem:s21], [sflag:$0x4], $0x80, $0x38;
	[tilespmem:$0x16C00] =	vst v63  }
0x461: {  	s22 =	simm.s32 $0x145C0;
	s17 =	sadd.s32 s16, s31  }
0x462: {  	[hbm4b:s17+s3] =	stream.linear.scatter [tilespmem:s22], [sflag:$0x4], $0x80, $0x38;
	[tilespmem:$0x16C00] =	vst v63  }
0x463: {  	s20 =	simm.s32 $0x14648;
	s19 =	sadd.s32 $0x10, s17  }
0x464: {  	[hbm4b:s19+s3] =	stream.linear.scatter [tilespmem:s20], [sflag:$0x4], $0x80, $0x38;
	[tilespmem:$0x16C00] =	vst v63  }
0x465: {  	s21 =	sadd.s32 $0x20, s17;
	s22 =	simm.s32 $0x146D0  }
0x466: {  	[hbm4b:s21+s3] =	stream.linear.scatter [tilespmem:s22], [sflag:$0x4], $0x80, $0x38;
	[tilespmem:$0x16C00] =	vst v63  }
0x467: {  	s19 =	sadd.s32 $0x30, s17;
	s20 =	simm.s32 $0x14758  }
0x468: {  	[hbm4b:s19+s3] =	stream.linear.scatter [tilespmem:s20], [sflag:$0x4], $0x80, $0x38;
	[tilespmem:$0x16C00] =	vst v63  }
0x469: {  	s21 =	sadd.s32 $0x40, s17;
	s22 =	simm.s32 $0x147E0  }
0x46a: {  	[hbm4b:s21+s3] =	stream.linear.scatter [tilespmem:s22], [sflag:$0x4], $0x80, $0x38;
	[tilespmem:$0x16C00] =	vst v63  }
0x46b: {  	s19 =	sadd.s32 $0x50, s17;
	s20 =	simm.s32 $0x14868  }
0x46c: {  	[hbm4b:s19+s3] =	stream.linear.scatter [tilespmem:s20], [sflag:$0x4], $0x80, $0x38;
	[tilespmem:$0x16C00] =	vst v63  }
0x46d: {  	s21 =	sadd.s32 $0x60, s17;
	s22 =	simm.s32 $0x148F0  }
0x46e: {  	[hbm4b:s21+s3] =	stream.linear.scatter [tilespmem:s22], [sflag:$0x4], $0x80, $0x38;
	[tilespmem:$0x16C00] =	vst v63  }
0x46f: {  	s17 =	sadd.s32 $0x70, s17;
	s19 =	simm.s32 $0x14978  }
0x470: {  	[hbm4b:s17+s3] =	stream.linear.scatter [tilespmem:s19], [sflag:$0x4], $0x80, $0x38;
	[tilespmem:$0x16C00] =	vst v63  }
0x471: {  	s20 =	simm.s32 $0x14A00;
	s17 =	sadd.s32 s16, s0  }
0x472: {  	[hbm4b:s17+s3] =	stream.linear.scatter [tilespmem:s20], [sflag:$0x4], $0x80, $0x38;
	[tilespmem:$0x16C00] =	vst v63  }
0x473: {  	s22 =	simm.s32 $0x14A88;
	s21 =	sadd.s32 $0x10, s17  }
0x474: {  	[hbm4b:s21+s3] =	stream.linear.scatter [tilespmem:s22], [sflag:$0x4], $0x80, $0x38;
	[tilespmem:$0x16C00] =	vst v63  }
0x475: {  	s19 =	sadd.s32 $0x20, s17;
	s20 =	simm.s32 $0x14B10  }
0x476: {  	[hbm4b:s19+s3] =	stream.linear.scatter [tilespmem:s20], [sflag:$0x4], $0x80, $0x38;
	[tilespmem:$0x16C00] =	vst v63  }
0x477: {  	s21 =	sadd.s32 $0x30, s17;
	s22 =	simm.s32 $0x14B98  }
0x478: {  	[hbm4b:s21+s3] =	stream.linear.scatter [tilespmem:s22], [sflag:$0x4], $0x80, $0x38;
	[tilespmem:$0x16C00] =	vst v63  }
0x479: {  	s19 =	sadd.s32 $0x40, s17;
	s20 =	simm.s32 $0x14C20  }
0x47a: {  	[hbm4b:s19+s3] =	stream.linear.scatter [tilespmem:s20], [sflag:$0x4], $0x80, $0x38;
	[tilespmem:$0x16C00] =	vst v63  }
0x47b: {  	s21 =	sadd.s32 $0x50, s17;
	s22 =	simm.s32 $0x14CA8  }
0x47c: {  	[hbm4b:s21+s3] =	stream.linear.scatter [tilespmem:s22], [sflag:$0x4], $0x80, $0x38;
	[tilespmem:$0x16C00] =	vst v63  }
0x47d: {  	s19 =	sadd.s32 $0x60, s17;
	s20 =	simm.s32 $0x14D30  }
0x47e: {  	[hbm4b:s19+s3] =	stream.linear.scatter [tilespmem:s20], [sflag:$0x4], $0x80, $0x38;
	[tilespmem:$0x16C00] =	vst v63  }
0x47f: {  	s17 =	sadd.s32 $0x70, s17;
	s21 =	simm.s32 $0x14DB8  }
0x480: {  	[hbm4b:s17+s3] =	stream.linear.scatter [tilespmem:s21], [sflag:$0x4], $0x80, $0x38;
	[tilespmem:$0x16C00] =	vst v63  }
0x481: {  	s22 =	simm.s32 $0x14E40;
	s17 =	sadd.s32 s16, s1  }
0x482: {  	[hbm4b:s17+s3] =	stream.linear.scatter [tilespmem:s22], [sflag:$0x4], $0x80, $0x38;
	[tilespmem:$0x16C00] =	vst v63  }
0x483: {  	s20 =	simm.s32 $0x14EC8;
	s19 =	sadd.s32 $0x10, s17  }
0x484: {  	[hbm4b:s19+s3] =	stream.linear.scatter [tilespmem:s20], [sflag:$0x4], $0x80, $0x38;
	[tilespmem:$0x16C00] =	vst v63  }
0x485: {  	s21 =	sadd.s32 $0x20, s17;
	s22 =	simm.s32 $0x14F50  }
0x486: {  	[hbm4b:s21+s3] =	stream.linear.scatter [tilespmem:s22], [sflag:$0x4], $0x80, $0x38;
	[tilespmem:$0x16C00] =	vst v63  }
0x487: {  	s19 =	sadd.s32 $0x30, s17;
	s20 =	simm.s32 $0x14FD8  }
0x488: {  	[hbm4b:s19+s3] =	stream.linear.scatter [tilespmem:s20], [sflag:$0x4], $0x80, $0x38;
	[tilespmem:$0x16C00] =	vst v63  }
0x489: {  	s21 =	sadd.s32 $0x40, s17;
	s22 =	simm.s32 $0x15060  }
0x48a: {  	[hbm4b:s21+s3] =	stream.linear.scatter [tilespmem:s22], [sflag:$0x4], $0x80, $0x38;
	[tilespmem:$0x16C00] =	vst v63  }
0x48b: {  	s19 =	sadd.s32 $0x50, s17;
	s20 =	simm.s32 $0x150E8  }
0x48c: {  	[hbm4b:s19+s3] =	stream.linear.scatter [tilespmem:s20], [sflag:$0x4], $0x80, $0x38;
	[tilespmem:$0x16C00] =	vst v63  }
0x48d: {  	s21 =	sadd.s32 $0x60, s17;
	s22 =	simm.s32 $0x15170  }
0x48e: {  	[hbm4b:s21+s3] =	stream.linear.scatter [tilespmem:s22], [sflag:$0x4], $0x80, $0x38;
	[tilespmem:$0x16C00] =	vst v63  }
0x48f: {  	s17 =	sadd.s32 $0x70, s17;
	s19 =	simm.s32 $0x151F8  }
0x490: {  	[hbm4b:s17+s3] =	stream.linear.scatter [tilespmem:s19], [sflag:$0x4], $0x80, $0x38;
	[tilespmem:$0x16C00] =	vst v63  }
0x491: {  	s20 =	simm.s32 $0x15280;
	s17 =	sadd.s32 s16, s6  }
0x492: {  	[hbm4b:s17+s3] =	stream.linear.scatter [tilespmem:s20], [sflag:$0x4], $0x80, $0x38;
	[tilespmem:$0x16C00] =	vst v63  }
0x493: {  	s22 =	simm.s32 $0x15308;
	s21 =	sadd.s32 $0x10, s17  }
0x494: {  	[hbm4b:s21+s3] =	stream.linear.scatter [tilespmem:s22], [sflag:$0x4], $0x80, $0x38;
	[tilespmem:$0x16C00] =	vst v63  }
0x495: {  	s19 =	sadd.s32 $0x20, s17;
	s20 =	simm.s32 $0x15390  }
0x496: {  	[hbm4b:s19+s3] =	stream.linear.scatter [tilespmem:s20], [sflag:$0x4], $0x80, $0x38;
	[tilespmem:$0x16C00] =	vst v63  }
0x497: {  	s21 =	sadd.s32 $0x30, s17;
	s22 =	simm.s32 $0x15418  }
0x498: {  	[hbm4b:s21+s3] =	stream.linear.scatter [tilespmem:s22], [sflag:$0x4], $0x80, $0x38;
	[tilespmem:$0x16C00] =	vst v63  }
0x499: {  	s19 =	sadd.s32 $0x40, s17;
	s20 =	simm.s32 $0x154A0  }
0x49a: {  	[hbm4b:s19+s3] =	stream.linear.scatter [tilespmem:s20], [sflag:$0x4], $0x80, $0x38;
	[tilespmem:$0x16C00] =	vst v63  }
0x49b: {  	s21 =	sadd.s32 $0x50, s17;
	s22 =	simm.s32 $0x15528  }
0x49c: {  	[hbm4b:s21+s3] =	stream.linear.scatter [tilespmem:s22], [sflag:$0x4], $0x80, $0x38;
	[tilespmem:$0x16C00] =	vst v63  }
0x49d: {  	s19 =	sadd.s32 $0x60, s17;
	s20 =	simm.s32 $0x155B0  }
0x49e: {  	[hbm4b:s19+s3] =	stream.linear.scatter [tilespmem:s20], [sflag:$0x4], $0x80, $0x38;
	[tilespmem:$0x16C00] =	vst v63  }
0x49f: {  	s17 =	sadd.s32 $0x70, s17;
	s21 =	simm.s32 $0x15638  }
0x4a0: {  	[hbm4b:s17+s3] =	stream.linear.scatter [tilespmem:s21], [sflag:$0x4], $0x80, $0x38;
	[tilespmem:$0x16C00] =	vst v63  }
0x4a1: {  	s22 =	simm.s32 $0x156C0;
	s17 =	sadd.s32 s16, s25  }
0x4a2: {  	[hbm4b:s17+s3] =	stream.linear.scatter [tilespmem:s22], [sflag:$0x4], $0x80, $0x38;
	[tilespmem:$0x16C00] =	vst v63  }
0x4a3: {  	s20 =	simm.s32 $0x15748;
	s19 =	sadd.s32 $0x10, s17  }
0x4a4: {  	[hbm4b:s19+s3] =	stream.linear.scatter [tilespmem:s20], [sflag:$0x4], $0x80, $0x38;
	[tilespmem:$0x16C00] =	vst v63  }
0x4a5: {  	s21 =	sadd.s32 $0x20, s17;
	s22 =	simm.s32 $0x157D0  }
0x4a6: {  	[hbm4b:s21+s3] =	stream.linear.scatter [tilespmem:s22], [sflag:$0x4], $0x80, $0x38;
	[tilespmem:$0x16C00] =	vst v63  }
0x4a7: {  	s19 =	sadd.s32 $0x30, s17;
	s20 =	simm.s32 $0x15858  }
0x4a8: {  	[hbm4b:s19+s3] =	stream.linear.scatter [tilespmem:s20], [sflag:$0x4], $0x80, $0x38;
	[tilespmem:$0x16C00] =	vst v63  }
0x4a9: {  	s21 =	sadd.s32 $0x40, s17;
	s22 =	simm.s32 $0x158E0  }
0x4aa: {  	[hbm4b:s21+s3] =	stream.linear.scatter [tilespmem:s22], [sflag:$0x4], $0x80, $0x38;
	[tilespmem:$0x16C00] =	vst v63  }
0x4ab: {  	s19 =	sadd.s32 $0x50, s17;
	s20 =	simm.s32 $0x15968  }
0x4ac: {  	[hbm4b:s19+s3] =	stream.linear.scatter [tilespmem:s20], [sflag:$0x4], $0x80, $0x38;
	[tilespmem:$0x16C00] =	vst v63  }
0x4ad: {  	s21 =	sadd.s32 $0x60, s17;
	s22 =	simm.s32 $0x159F0  }
0x4ae: {  	[hbm4b:s21+s3] =	stream.linear.scatter [tilespmem:s22], [sflag:$0x4], $0x80, $0x38;
	[tilespmem:$0x16C00] =	vst v63  }
0x4af: {  	s17 =	sadd.s32 $0x70, s17;
	s19 =	simm.s32 $0x15A78  }
0x4b0: {  	[hbm4b:s17+s3] =	stream.linear.scatter [tilespmem:s19], [sflag:$0x4], $0x80, $0x38;
	[tilespmem:$0x16C00] =	vst v63  }
0x4b1: {  	s20 =	simm.s32 $0x15B00;
	s17 =	sadd.s32 s16, s2  }
0x4b2: {  	[hbm4b:s17+s3] =	stream.linear.scatter [tilespmem:s20], [sflag:$0x4], $0x80, $0x38;
	[tilespmem:$0x16C00] =	vst v63  }
0x4b3: {  	s22 =	simm.s32 $0x15B88;
	s21 =	sadd.s32 $0x10, s17  }
0x4b4: {  	[hbm4b:s21+s3] =	stream.linear.scatter [tilespmem:s22], [sflag:$0x4], $0x80, $0x38;
	[tilespmem:$0x16C00] =	vst v63  }
0x4b5: {  	s19 =	sadd.s32 $0x20, s17;
	s20 =	simm.s32 $0x15C10  }
0x4b6: {  	[hbm4b:s19+s3] =	stream.linear.scatter [tilespmem:s20], [sflag:$0x4], $0x80, $0x38;
	[tilespmem:$0x16C00] =	vst v63  }
0x4b7: {  	s21 =	sadd.s32 $0x30, s17;
	s22 =	simm.s32 $0x15C98  }
0x4b8: {  	[hbm4b:s21+s3] =	stream.linear.scatter [tilespmem:s22], [sflag:$0x4], $0x80, $0x38;
	[tilespmem:$0x16C00] =	vst v63  }
0x4b9: {  	s19 =	sadd.s32 $0x40, s17;
	s20 =	simm.s32 $0x15D20  }
0x4ba: {  	[hbm4b:s19+s3] =	stream.linear.scatter [tilespmem:s20], [sflag:$0x4], $0x80, $0x38;
	[tilespmem:$0x16C00] =	vst v63  }
0x4bb: {  	s21 =	sadd.s32 $0x50, s17;
	s22 =	simm.s32 $0x15DA8  }
0x4bc: {  	[hbm4b:s21+s3] =	stream.linear.scatter [tilespmem:s22], [sflag:$0x4], $0x80, $0x38;
	[tilespmem:$0x16C00] =	vst v63  }
0x4bd: {  	s19 =	sadd.s32 $0x60, s17;
	s20 =	simm.s32 $0x15E30  }
0x4be: {  	[hbm4b:s19+s3] =	stream.linear.scatter [tilespmem:s20], [sflag:$0x4], $0x80, $0x38;
	[tilespmem:$0x16C00] =	vst v63  }
0x4bf: {  	s17 =	sadd.s32 $0x70, s17;
	s21 =	simm.s32 $0x15EB8  }
0x4c0: {  	[hbm4b:s17+s3] =	stream.linear.scatter [tilespmem:s21], [sflag:$0x4], $0x80, $0x38;
	[tilespmem:$0x16C00] =	vst v63  }
0x4c1: {  	s22 =	simm.s32 $0x15F40;
	s17 =	sadd.s32 s16, s7  }
0x4c2: {  	[hbm4b:s17+s3] =	stream.linear.scatter [tilespmem:s22], [sflag:$0x4], $0x80, $0x38;
	[tilespmem:$0x16C00] =	vst v63  }
0x4c3: {  	s20 =	simm.s32 $0x15FC8;
	s19 =	sadd.s32 $0x10, s17  }
0x4c4: {  	[hbm4b:s19+s3] =	stream.linear.scatter [tilespmem:s20], [sflag:$0x4], $0x80, $0x38;
	[tilespmem:$0x16C00] =	vst v63  }
0x4c5: {  	s21 =	sadd.s32 $0x20, s17;
	s22 =	simm.s32 $0x16050  }
0x4c6: {  	[hbm4b:s21+s3] =	stream.linear.scatter [tilespmem:s22], [sflag:$0x4], $0x80, $0x38;
	[tilespmem:$0x16C00] =	vst v63  }
0x4c7: {  	s19 =	sadd.s32 $0x30, s17;
	s20 =	simm.s32 $0x160D8  }
0x4c8: {  	[hbm4b:s19+s3] =	stream.linear.scatter [tilespmem:s20], [sflag:$0x4], $0x80, $0x38;
	[tilespmem:$0x16C00] =	vst v63  }
0x4c9: {  	s21 =	sadd.s32 $0x40, s17;
	s22 =	simm.s32 $0x16160  }
0x4ca: {  	[hbm4b:s21+s3] =	stream.linear.scatter [tilespmem:s22], [sflag:$0x4], $0x80, $0x38;
	[tilespmem:$0x16C00] =	vst v63  }
0x4cb: {  	s19 =	sadd.s32 $0x50, s17;
	s20 =	simm.s32 $0x161E8  }
0x4cc: {  	[hbm4b:s19+s3] =	stream.linear.scatter [tilespmem:s20], [sflag:$0x4], $0x80, $0x38;
	[tilespmem:$0x16C00] =	vst v63  }
0x4cd: {  	s21 =	sadd.s32 $0x60, s17;
	s22 =	simm.s32 $0x16270  }
0x4ce: {  	[hbm4b:s21+s3] =	stream.linear.scatter [tilespmem:s22], [sflag:$0x4], $0x80, $0x38;
	[tilespmem:$0x16C00] =	vst v63  }
0x4cf: {  	s17 =	sadd.s32 $0x70, s17;
	s19 =	simm.s32 $0x162F8  }
0x4d0: {  	[hbm4b:s17+s3] =	stream.linear.scatter [tilespmem:s19], [sflag:$0x4], $0x80, $0x38;
	[tilespmem:$0x16C00] =	vst v63  }
0x4d1: {  	s20 =	simm.s32 $0x16380;
	s17 =	sadd.s32 s16, s8  }
0x4d2: {  	[hbm4b:s17+s3] =	stream.linear.scatter [tilespmem:s20], [sflag:$0x4], $0x80, $0x38;
	[tilespmem:$0x16C00] =	vst v63  }
0x4d3: {  	s22 =	simm.s32 $0x16408;
	s21 =	sadd.s32 $0x10, s17  }
0x4d4: {  	[hbm4b:s21+s3] =	stream.linear.scatter [tilespmem:s22], [sflag:$0x4], $0x80, $0x38;
	[tilespmem:$0x16C00] =	vst v63  }
0x4d5: {  	s19 =	sadd.s32 $0x20, s17;
	s20 =	simm.s32 $0x16490  }
0x4d6: {  	[hbm4b:s19+s3] =	stream.linear.scatter [tilespmem:s20], [sflag:$0x4], $0x80, $0x38;
	[tilespmem:$0x16C00] =	vst v63  }
0x4d7: {  	s21 =	sadd.s32 $0x30, s17;
	s22 =	simm.s32 $0x16518  }
0x4d8: {  	[hbm4b:s21+s3] =	stream.linear.scatter [tilespmem:s22], [sflag:$0x4], $0x80, $0x38;
	[tilespmem:$0x16C00] =	vst v63  }
0x4d9: {  	s19 =	sadd.s32 $0x40, s17;
	s20 =	simm.s32 $0x165A0  }
0x4da: {  	[hbm4b:s19+s3] =	stream.linear.scatter [tilespmem:s20], [sflag:$0x4], $0x80, $0x38;
	[tilespmem:$0x16C00] =	vst v63  }
0x4db: {  	s21 =	sadd.s32 $0x50, s17;
	s22 =	simm.s32 $0x16628  }
0x4dc: {  	[hbm4b:s21+s3] =	stream.linear.scatter [tilespmem:s22], [sflag:$0x4], $0x80, $0x38;
	[tilespmem:$0x16C00] =	vst v63  }
0x4dd: {  	s20 =	sadd.s32 $0x60, s17;
	s21 =	simm.s32 $0x166B0  }
0x4de: {  	[hbm4b:s20+s3] =	stream.linear.scatter [tilespmem:s21], [sflag:$0x4], $0x80, $0x38;
	[tilespmem:$0x16C00] =	vst v63  }
0x4df: {  	s17 =	sadd.s32 $0x70, s17;
	s22 =	simm.s32 $0x16738  }
0x4e0: {  	[hbm4b:s17+s3] =	stream.linear.scatter [tilespmem:s22], [sflag:$0x4], $0x80, $0x38;
	[tilespmem:$0x16C00] =	vst v63  }
0x4e1: {  	s18 =	simm.s32 $0x167C0;
	s16 =	sadd.s32 s16, s9  }
0x4e2: {  	[hbm4b:s16+s3] =	stream.linear.scatter [tilespmem:s18], [sflag:$0x4], $0x80, $0x38;
	[tilespmem:$0x16C00] =	vst v63  }
0x4e3: {  	s19 =	sadd.s32 $0x10, s16;
	s20 =	simm.s32 $0x16848  }
0x4e4: {  	[hbm4b:s19+s3] =	stream.linear.scatter [tilespmem:s20], [sflag:$0x4], $0x80, $0x38;
	[tilespmem:$0x16C00] =	vst v63  }
0x4e5: {  	s21 =	sadd.s32 $0x20, s16;
	s22 =	simm.s32 $0x168D0  }
0x4e6: {  	[hbm4b:s21+s3] =	stream.linear.scatter [tilespmem:s22], [sflag:$0x4], $0x80, $0x38;
	[tilespmem:$0x16C00] =	vst v63  }
0x4e7: {  	s19 =	sadd.s32 $0x30, s16;
	s20 =	simm.s32 $0x16958  }
0x4e8: {  	[hbm4b:s19+s3] =	stream.linear.scatter [tilespmem:s20], [sflag:$0x4], $0x80, $0x38;
	[tilespmem:$0x16C00] =	vst v63  }
0x4e9: {  	s15 =	sadd.s32 $0x1, s15;
	s21 =	sadd.s32 $0x40, s16;
	s22 =	simm.s32 $0x169E0  }
0x4ea: {  	[hbm4b:s21+s3] =	stream.linear.scatter [tilespmem:s22], [sflag:$0x4], $0x80, $0x38;
	[tilespmem:$0x16C00] =	vst v63  }
0x4eb: {  	p0 =	sne.s32 s15, $0x19;
	s18 =	sadd.s32 $0x50, s16;
	s19 =	simm.s32 $0x16A68  }
0x4ec: {  	[hbm4b:s18+s3] =	stream.linear.scatter [tilespmem:s19], [sflag:$0x4], $0x80, $0x38;
	[tilespmem:$0x16C00] =	vst v63  }
.Ltmp8:
0x4ed: {  	_ = 	snop;
	(pc) =	sbr.rel @p0 .LBB2_2-.Ltmp8, $4  }
0x4ee: {  	s20 =	sadd.s32 $0x60, s16;
	s21 =	simm.s32 $0x16AF0  }
0x4ef: {  	v0 =	vld [tilespmem:$0x1FED0];
	[hbm4b:s20+s3] =	stream.linear.scatter [tilespmem:s21], [sflag:$0x4], $0x80, $0x38  }
0x4f0: {  	v2 =	vld [tilespmem:$0x1FEE0];
	s16 =	sadd.s32 $0x70, s16;
	s22 =	simm.s32 $0x16B78  }
0x4f1: {  	v3 =	vld [tilespmem:$0x1FEF0];
	[hbm4b:s16+s3] =	stream.linear.scatter [tilespmem:s22], [sflag:$0x4], $0x80, $0x38  }
0x4f2: {  	s15 =	simm.s32 $0x3  }
0x4f3: {  	_ =	swait.ge [sflag:s15], $0x400  }
0x4f4: {  	[sflag:s15] =	ssyncset.done $0x0  }
0x4f5: {  	[sflag:s15] =	ssyncadd.s32 $0xFFFFFC00  }
0x4f6: {  	_ =	swait.ge [sflag:s15], $0x400  }
0x4f7: {  	[sflag:s15] =	ssyncset.done $0x0  }
0x4f8: {  	[sflag:s15] =	ssyncadd.s32 $0xFFFFFC00  }
0x4f9: {  	_ =	swait.ge [sflag:s15], $0x400  }
0x4fa: {  	[sflag:s15] =	ssyncset.done $0x0  }
0x4fb: {  	[sflag:s15] =	ssyncadd.s32 $0xFFFFFC00  }
0x4fc: {  	_ =	swait.ge [sflag:s15], $0x400  }
0x4fd: {  	[sflag:s15] =	ssyncset.done $0x0  }
0x4fe: {  	[sflag:s15] =	ssyncadd.s32 $0xFFFFFC00  }
0x4ff: {  	_ =	swait.ge [sflag:s15], $0x400  }
0x500: {  	[sflag:s15] =	ssyncset.done $0x0  }
0x501: {  	[sflag:s15] =	ssyncadd.s32 $0xFFFFFC00  }
0x502: {  	_ =	swait.ge [sflag:s15], $0x400  }
0x503: {  	[sflag:s15] =	ssyncset.done $0x0  }
0x504: {  	[sflag:s15] =	ssyncadd.s32 $0xFFFFFC00  }
0x505: {  	_ =	swait.ge [sflag:s15], $0x400  }
0x506: {  	[sflag:s15] =	ssyncset.done $0x0  }
0x507: {  	[sflag:s15] =	ssyncadd.s32 $0xFFFFFC00  }
0x508: {  	_ =	swait.ge [sflag:s15], $0x400  }
0x509: {  	[sflag:s15] =	ssyncset.done $0x0  }
0x50a: {  	[sflag:s15] =	ssyncadd.s32 $0xFFFFFC00  }
0x50b: {  	_ =	swait.ge [sflag:s15], $0x400  }
0x50c: {  	[sflag:s15] =	ssyncset.done $0x0  }
0x50d: {  	[sflag:s15] =	ssyncadd.s32 $0xFFFFFC00  }
0x50e: {  	_ =	swait.ge [sflag:s15], $0x400  }
0x50f: {  	[sflag:s15] =	ssyncset.done $0x0  }
0x510: {  	[sflag:s15] =	ssyncadd.s32 $0xFFFFFC00  }
0x511: {  	_ =	swait.ge [sflag:s15], $0x400  }
0x512: {  	[sflag:s15] =	ssyncset.done $0x0  }
0x513: {  	[sflag:s15] =	ssyncadd.s32 $0xFFFFFC00  }
0x514: {  	_ =	swait.ge [sflag:s15], $0x400  }
0x515: {  	[sflag:s15] =	ssyncset.done $0x0  }
0x516: {  	[sflag:s15] =	ssyncadd.s32 $0xFFFFFC00  }
0x517: {  	_ =	swait.ge [sflag:s15], $0x400  }
0x518: {  	[sflag:s15] =	ssyncset.done $0x0  }
0x519: {  	[sflag:s15] =	ssyncadd.s32 $0xFFFFFC00  }
0x51a: {  	_ =	swait.ge [sflag:s15], $0x400  }
0x51b: {  	[sflag:s15] =	ssyncset.done $0x0  }
0x51c: {  	[sflag:s15] =	ssyncadd.s32 $0xFFFFFC00  }
0x51d: {  	_ =	swait.ge [sflag:s15], $0x400  }
0x51e: {  	[sflag:s15] =	ssyncset.done $0x0  }
0x51f: {  	[sflag:s15] =	ssyncadd.s32 $0xFFFFFC00  }
0x520: {  	_ =	swait.ge [sflag:s15], $0x400  }
0x521: {  	[sflag:s15] =	ssyncset.done $0x0  }
0x522: {  	s16 =	simm.s32 $0x4;
	[sflag:s15] =	ssyncadd.s32 $0xFFFFFC00  }
0x523: {  	_ =	swait.ge [sflag:s16], $0x400  }
0x524: {  	[sflag:s16] =	ssyncset.done $0x0  }
0x525: {  	[sflag:s16] =	ssyncadd.s32 $0xFFFFFC00  }
0x526: {  	_ =	swait.ge [sflag:s16], $0x400  }
0x527: {  	[sflag:s16] =	ssyncset.done $0x0  }
0x528: {  	[sflag:s16] =	ssyncadd.s32 $0xFFFFFC00  }
0x529: {  	_ =	swait.ge [sflag:s16], $0x400  }
0x52a: {  	[sflag:s16] =	ssyncset.done $0x0  }
0x52b: {  	[sflag:s16] =	ssyncadd.s32 $0xFFFFFC00  }
0x52c: {  	_ =	swait.ge [sflag:s16], $0x400  }
0x52d: {  	[sflag:s16] =	ssyncset.done $0x0  }
0x52e: {  	[sflag:s16] =	ssyncadd.s32 $0xFFFFFC00  }
0x52f: {  	_ =	swait.ge [sflag:s16], $0x400  }
0x530: {  	[sflag:s16] =	ssyncset.done $0x0  }
0x531: {  	[sflag:s16] =	ssyncadd.s32 $0xFFFFFC00  }
0x532: {  	_ =	swait.ge [sflag:s16], $0x400  }
0x533: {  	[sflag:s16] =	ssyncset.done $0x0  }
0x534: {  	[sflag:s16] =	ssyncadd.s32 $0xFFFFFC00  }
0x535: {  	_ =	swait.ge [sflag:s16], $0x400  }
0x536: {  	[sflag:s16] =	ssyncset.done $0x0  }
0x537: {  	[sflag:s16] =	ssyncadd.s32 $0xFFFFFC00  }
0x538: {  	_ =	swait.ge [sflag:s16], $0x400  }
0x539: {  	[sflag:s16] =	ssyncset.done $0x0  }
0x53a: {  	[sflag:s16] =	ssyncadd.s32 $0xFFFFFC00  }
0x53b: {  	_ =	swait.ge [sflag:s16], $0x400  }
0x53c: {  	[sflag:s16] =	ssyncset.done $0x0  }
0x53d: {  	[sflag:s16] =	ssyncadd.s32 $0xFFFFFC00  }
0x53e: {  	_ =	swait.ge [sflag:s16], $0x400  }
0x53f: {  	[sflag:s16] =	ssyncset.done $0x0  }
0x540: {  	[sflag:s16] =	ssyncadd.s32 $0xFFFFFC00  }
0x541: {  	_ =	swait.ge [sflag:s16], $0x400  }
0x542: {  	[sflag:s16] =	ssyncset.done $0x0  }
0x543: {  	[sflag:s16] =	ssyncadd.s32 $0xFFFFFC00  }
0x544: {  	_ =	swait.ge [sflag:s16], $0x400  }
0x545: {  	[sflag:s16] =	ssyncset.done $0x0  }
0x546: {  	[sflag:s16] =	ssyncadd.s32 $0xFFFFFC00  }
0x547: {  	_ =	swait.ge [sflag:s16], $0x400  }
0x548: {  	[sflag:s16] =	ssyncset.done $0x0  }
0x549: {  	[sflag:s16] =	ssyncadd.s32 $0xFFFFFC00  }
0x54a: {  	_ =	swait.ge [sflag:s16], $0x400  }
0x54b: {  	[sflag:s16] =	ssyncset.done $0x0  }
0x54c: {  	[sflag:s16] =	ssyncadd.s32 $0xFFFFFC00  }
0x54d: {  	_ =	swait.ge [sflag:s16], $0x400  }
0x54e: {  	[sflag:s16] =	ssyncset.done $0x0  }
0x54f: {  	[sflag:s16] =	ssyncadd.s32 $0xFFFFFC00  }
0x550: {  	_ =	swait.ge [sflag:s16], $0x400  }
0x551: {  	s17 =	rddreg [dreg:$0x16]  }
0x552: {  	s22 =	rddreg [dreg:$0x15];
	s17 =	sadd.s32 $0x1, s17  }
0x553: {  	p0 =	sne.s32 s17, s22  }
.Ltmp9:
0x554: {  	_ = 	snop;
	(pc) =	sbr.rel @p0 .LBB2_1-.Ltmp9, $3  }
0x555: {  	_ =	sdelay $0x1  }
0x556: {  	[sflag:s16] =	ssyncset.done $0x0  }
0x557: {  	[sflag:s16] =	ssyncadd.s32 $0xFFFFFC00  }
0x558: {  	_ =	sfence.sel $0x180000  }
0x559: {  	[bflag:$0x0] =	sbarrier.arrive $0xFFFF  }
0x55a: {  	_ =	strace $0x90000047  }
0x55b: {  	s0 =	stileid.u32;
	[bflag:$0x2] =	sbarrier.arrive $0xFFFF  }
0x55c: {  	p0 =	sne.s32 s0, $0x0;
	s0 =	rddreg [dreg:$0x3]  }
0x55d: {  	s0 =	sadd.s32 @!p0 $0x100000, s0  }
0x55e: {  	[sflag:s0] =	ssyncadd.tile.s32 @!p0 $0x1;
	_ =	shalt  }
.Lfunc_end2:
_tile_overlayer_lowered:
.L_overlay_start_2:
0x55f: {  	(tag) =	ssettag $0x2  }
0x560: {  	s0 =	rddreg [dreg:$0x0];
	s2 =	stileid.u32  }
0x561: {  	s1 =	rddreg [dreg:$0x1];
	p0 =	sne.s32 s2, $0x0  }
0x562: {  	s3 =	rddreg [dreg:$0x2];
	[bflag:$0x3] =	sbarrier.arrive $0xFFFF;
	s2 =	simm.s32 @!p0 $0x1C05  }
0x563: {  	[timem:s3], [sflag:s2] =	dma.local @!p0 [hbm:s0], s1  }
0x564: {  	s0 =	simm.s32 @!p0 $0x5  }
0x565: {  	_ =	swait.ge @!p0 [sflag:s0], s1  }
0x566: {  	s1 =	ssub.s32 @!p0 $0x0, s1;
	[sflag:s0] =	ssyncset.done @!p0 $0x0  }
0x567: {  	[sflag:s0] =	ssyncadd.s32 @!p0 s1  }
0x568: {  	[bflag:$0x3] =	sbarrier.arrive $0xFFFF  }
0x569: {  	_ =	shalt  }

</sc_bundles>
